<compile_context>
chip_gen: v7x
topology: tpu7x:2x2x1
jax: 0.10.2.dev20260603
libtpu: 0.0.44.dev20260713+nightly
codegen_flags: <defaults>
</compile_context>

<pallas_src>
import functools

import jax
import jax.numpy as jnp
from jax import lax
from jax.experimental import pallas as pl
from jax.experimental.pallas import tpu as pltpu
from jax.experimental.pallas import tpu_sc as plsc

B, C, N, R, NE = 16, 2048, 4096, 5, 4
C_TC = 1536
C_SC = C - C_TC
C_BLK = 768
NW = 32
ROWS_PER_W = C_SC // NW
NQ = 4
RB = ROWS_PER_W // NQ
LANES = 16
JU = 4


def _sc_partial_body(x_hbm, w_hbm, out_hbm, w_v, buf_v, acc_v,
                     sem0, sem1, sem2, sem3, sem_out):
    wid = lax.axis_index("s") * 2 + lax.axis_index("c")
    row0 = C_TC + wid * ROWS_PER_W
    pltpu.sync_copy(w_hbm, w_v.at[pl.ds(0, C)])
    wvec = w_v[pl.ds(row0, LANES)]
    sems = [sem0, sem1, sem2, sem3]

    def issue(g, slot):
        b = g // NQ
        q = g % NQ

        @pl.when(b < B)
        def _():
            pltpu.async_copy(
                x_hbm.at[b, pl.ds(row0 + q * RB, RB), pl.ds(0, N)],
                buf_v.at[slot], sems[slot])

    def wait(slot):
        pltpu.make_async_copy(
            x_hbm.at[0, pl.ds(0, RB), pl.ds(0, N)],
            buf_v.at[slot], sems[slot]).wait()

    def wait_out():
        pltpu.make_async_copy(
            acc_v.at[0], out_hbm.at[0, 0], sem_out).wait()

    def consume(slot, grp, aslot, first):
        def jbody(j2, _):
            for u in range(JU):
                j = (j2 * JU + u) * LANES
                a0 = wvec[grp * RB] * buf_v[slot, 0, pl.ds(j, LANES)]
                a1 = wvec[grp * RB + 1] * buf_v[slot, 1, pl.ds(j, LANES)]
                for k in range(2, RB, 2):
                    a0 = a0 + wvec[grp * RB + k] * buf_v[slot, k, pl.ds(j, LANES)]
                    a1 = a1 + wvec[grp * RB + k + 1] * buf_v[slot, k + 1, pl.ds(j, LANES)]
                s = a0 + a1
                if not first:
                    s = s + acc_v[aslot, pl.ds(j, LANES)]
                acc_v[aslot, pl.ds(j, LANES)] = s
            return 0

        lax.fori_loop(0, N // LANES // JU, jbody, 0)

    for g in range(NQ):
        issue(g, g)

    def b2_body(b2, _):
        for sub in range(2):
            b = b2 * 2 + sub
            aslot = sub

            @pl.when(b2 > 0)
            def _():
                wait_out()

            for q in range(NQ):
                wait(q)
                consume(q, q, aslot, q == 0)
                issue((b + 1) * NQ + q, q)
            pltpu.async_copy(acc_v.at[aslot], out_hbm.at[wid, b], sem_out)
        return 0

    lax.fori_loop(0, B // 2, b2_body, 0)
    wait_out()
    wait_out()


_sc_partial = functools.partial(
    pl.kernel,
    _sc_partial_body,
    out_type=jax.ShapeDtypeStruct((NW, B, N), jnp.float32),
    mesh=plsc.VectorSubcoreMesh(core_axis_name="c", subcore_axis_name="s",
                                num_cores=2, num_subcores=16),
    scratch_types=[
        pltpu.VMEM((C + LANES,), jnp.float32),
        pltpu.VMEM((NQ, RB, N), jnp.float32),
        pltpu.VMEM((2, N), jnp.float32),
        pltpu.SemaphoreType.DMA,
        pltpu.SemaphoreType.DMA,
        pltpu.SemaphoreType.DMA,
        pltpu.SemaphoreType.DMA,
        pltpu.SemaphoreType.DMA,
    ],
)()


def _tc_partial_kernel(x_ref, w_ref, out_ref):
    c = pl.program_id(1)
    part = jnp.sum(x_ref[0] * w_ref[...], axis=0, keepdims=True)

    @pl.when(c == 0)
    def _init():
        out_ref[0] = part

    @pl.when(c > 0)
    def _acc():
        out_ref[0] += part


def _combine_kernel(tc_ref, sc_ref, add_ref, cb_ref, W1_ref, b1_ref, W2_ref,
                    b2_ref, Wo_ref, bo_ref, Wl1_ref, bl1_ref, Wl2_ref,
                    bl2_ref, out_ref):
    agg = tc_ref[:, 0, :] + jnp.sum(sc_ref[...], axis=0) + cb_ref[0, 0]
    iota = lax.broadcasted_iota(jnp.int32, (B, N), 1)

    def extract(vals, largest, k):
        out = []
        cur = vals
        fill = -jnp.inf if largest else jnp.inf
        for _ in range(k):
            m = (jnp.max(cur, axis=1, keepdims=True) if largest
                 else jnp.min(cur, axis=1, keepdims=True))
            out.append(m)
            idx = jnp.min(jnp.where(cur == m, iota, N), axis=1, keepdims=True)
            cur = jnp.where(iota == idx, fill, cur)
        return jnp.concatenate(out, axis=1)

    top5 = extract(agg, True, R)
    bot5 = extract(agg, False, R)

    af = add_ref[...]
    feats = jnp.dot(af, Wl1_ref[...], preferred_element_type=jnp.float32)
    prob = jax.nn.sigmoid(feats + bl1_ref[...])
    fl = jnp.dot(prob, Wl2_ref[...],
                 preferred_element_type=jnp.float32) + bl2_ref[...]

    mil = jnp.concatenate([top5, bot5, fl], axis=1)
    h1 = jax.nn.sigmoid(
        jnp.dot(mil, W1_ref[...], preferred_element_type=jnp.float32)
        + b1_ref[...])
    h2 = jax.nn.sigmoid(
        jnp.dot(h1, W2_ref[...], preferred_element_type=jnp.float32)
        + b2_ref[...])
    o = jax.nn.sigmoid(
        jnp.dot(h2, Wo_ref[...], preferred_element_type=jnp.float32)
        + bo_ref[...])
    out_ref[...] = o.reshape(B, 1, 1)


@jax.jit
def _run(in_features, add_features, conv_w, conv_b, W1, b1, W2, b2, Wo, bo,
         Wl1, bl1, Wl2, bl2):
    agg_sc = _sc_partial(in_features, conv_w)

    agg_tc = pl.pallas_call(
        _tc_partial_kernel,
        grid=(B, C_TC // C_BLK),
        in_specs=[
            pl.BlockSpec((1, C_BLK, N), lambda b, c: (b, c, 0)),
            pl.BlockSpec((C_BLK, 1), lambda b, c: (c, 0)),
        ],
        out_specs=pl.BlockSpec((1, 1, N), lambda b, c: (b, 0, 0)),
        out_shape=jax.ShapeDtypeStruct((B, 1, N), jnp.float32),
    )(in_features, conv_w.reshape(C, 1))

    const = lambda *shape: pl.BlockSpec(shape, lambda: (0,) * len(shape))
    return pl.pallas_call(
        _combine_kernel,
        in_specs=[
            const(B, 1, N),
            const(NW, B, N),
            const(B, 3),
            const(1, 1),
            const(2 * R + NE, 200),
            const(1, 200),
            const(200, 100),
            const(1, 100),
            const(100, 1),
            const(1, 1),
            const(3, 4),
            const(1, 4),
            const(4, NE),
            const(1, NE),
        ],
        out_specs=const(B, 1, 1),
        out_shape=jax.ShapeDtypeStruct((B, 1, 1), jnp.float32),
    )(agg_tc, agg_sc, add_features, conv_b.reshape(1, 1), W1,
      b1.reshape(1, 200), W2, b2.reshape(1, 100), Wo, bo.reshape(1, 1),
      Wl1, bl1.reshape(1, 4), Wl2, bl2.reshape(1, NE))


def kernel(in_features, add_features, conv_w, conv_b, W1, b1, W2, b2, Wo, bo,
           Wl1, bl1, Wl2, bl2):
    return _run(in_features, add_features, conv_w, conv_b, W1, b1, W2, b2,
                Wo, bo, Wl1, bl1, Wl2, bl2)

# --- scband reference (transcript-rebuilt; emitter-appended) ---
"""Pipeline reference for scband-chowder-1571958031034 (READ-ONLY COPY).

The authoritative reference and input builder live on the scoring server;
editing this copy changes nothing except your own understanding.
"""

import jax, jax.numpy as jnp
import numpy as np

B, C, N, R, NE = 16, 2048, 4096, 5, 4

def setup_inputs(seed: int = 0) -> dict:
    key = jax.random.key(seed)
    ks = jax.random.split(key, 16)
    inp = {}
    inp['in_features'] = jax.random.normal(ks[0], (B, C, N), dtype=jnp.float32)
    inp['add_features'] = jax.random.uniform(ks[1], (B, 3), dtype=jnp.float32)
    inp['conv_w'] = jax.random.normal(ks[2], (C,), dtype=jnp.float32) * 0.02
    inp['conv_b'] = jnp.zeros((1,), dtype=jnp.float32)
    inp['W1'] = jax.random.normal(ks[3], (2 * R + NE, 200), dtype=jnp.float32) * 0.1
    inp['b1'] = jnp.zeros((200,), dtype=jnp.float32)
    inp['W2'] = jax.random.normal(ks[4], (200, 100), dtype=jnp.float32) * 0.07
    inp['b2'] = jnp.zeros((100,), dtype=jnp.float32)
    inp['Wo'] = jax.random.normal(ks[5], (100, 1), dtype=jnp.float32) * 0.1
    inp['bo'] = jnp.zeros((1,), dtype=jnp.float32)
    inp['Wl1'] = jax.random.normal(ks[6], (3, 4), dtype=jnp.float32) * 0.5
    inp['bl1'] = jnp.zeros((4,), dtype=jnp.float32)
    inp['Wl2'] = jax.random.normal(ks[7], (4, NE), dtype=jnp.float32) * 0.5
    inp['bl2'] = jnp.zeros((NE,), dtype=jnp.float32)
    return inp

def reference(in_features, add_features, conv_w, conv_b, W1, b1, W2, b2, Wo, bo, Wl1, bl1, Wl2, bl2):
    # conv1d(input_size, 1, 1): per-tile linear scoring -> [B, N]
    agg = jnp.einsum('bcn,c->bn', in_features, conv_w) + conv_b[0]
    # top-R (descending, matches torch.topk largest=True)
    top_features = jax.lax.top_k(agg, R)[0]
    # bottom-R ascending (matches torch.topk largest=False)
    neg_evidence = -jax.lax.top_k(-agg, R)[0]
    mil = jnp.concatenate([top_features, neg_evidence], axis=-1)[:, None, :]  # [B,1,2R]
    # lymph branch
    feats = add_features @ Wl1 + bl1
    prob = jax.nn.sigmoid(feats)
    feats_lymp = (prob @ Wl2 + bl2).reshape(-1, 1, NE)
    mil = jnp.concatenate([mil, feats_lymp], axis=2)  # [B,1,2R+NE]
    x = jax.nn.sigmoid(mil @ W1 + b1)
    x = jax.nn.sigmoid(x @ W2 + b2)
    out = jax.nn.sigmoid(x @ Wo + bo)
    return out

if __name__ == "__main__":
    import jax
    _d = setup_inputs()
    print(jax.jit(kernel)(*tuple(_d.values())))

</pallas_src>

<mosaic_0001>
#map = affine_map<(d0, d1) -> (0, 0, 0)>
#map1 = affine_map<(d0, d1) -> (0)>
module attributes {stable_mosaic.version = 14 : i64} {
  func.func @_sc_partial_body(%arg0: i32, %arg1: i32, %arg2: memref<16x2048x4096xf32, #tpu.memory_space<hbm>>, %arg3: memref<2048xf32, #tpu.memory_space<hbm>>, %arg4: memref<32x16x4096xf32, #tpu.memory_space<hbm>>, %arg5: memref<2064xf32, #tpu.memory_space<vmem>>, %arg6: memref<4x4x4096xf32, #tpu.memory_space<vmem>>, %arg7: memref<2x4096xf32, #tpu.memory_space<vmem>>, %arg8: memref<!tpu.dma_semaphore, #tpu.memory_space<semaphore_mem>>, %arg9: memref<!tpu.dma_semaphore, #tpu.memory_space<semaphore_mem>>, %arg10: memref<!tpu.dma_semaphore, #tpu.memory_space<semaphore_mem>>, %arg11: memref<!tpu.dma_semaphore, #tpu.memory_space<semaphore_mem>>, %arg12: memref<!tpu.dma_semaphore, #tpu.memory_space<semaphore_mem>>) attributes {dimension_semantics = [#tpu.dimension_semantics<core_parallel>, #tpu.dimension_semantics<subcore_parallel>], iteration_bounds = array<i64: 2, 16>, scalar_prefetch = 0 : i64, scratch_operands = 8 : i64, tpu.core_type = #tpu.core_type<sc_vector_subcore>, window_params = [{transform_indices = #map}, {transform_indices = #map1}, {transform_indices = #map}]} {
    %mul3A = arith.constant 2 : i32
    %mul3A_0 = arith.muli %arg1, %mul3A : i32
    %add3A = arith.addi %mul3A_0, %arg0 : i32
    %mul3A_1 = arith.constant 16 : i32
    %mul3A_2 = arith.muli %add3A, %mul3A_1 : i32
    %add3A_3 = arith.constant 1536 : i32
    %add3A_4 = arith.addi %add3A_3, %mul3A_2 : i32
    "tpu.region"() ({
      %run_scoped3A = tpu.sem_alloc : memref<!tpu.dma_semaphore, #tpu.memory_space<semaphore_mem>>
      %dma_start3A_113 = arith.constant 0 : i32
      %dma_start3A_114 = tpu.memref_slice %arg5[%dma_start3A_113] : memref<2064xf32, #tpu.memory_space<vmem>> -> memref<2048xf32, #tpu.memory_space<vmem>>
      %dma_start3A_115 = arith.constant 0 : i32
      %dma_start3A_116 = tpu.memref_slice %arg5[%dma_start3A_115] : memref<2064xf32, #tpu.memory_space<vmem>> -> memref<2048xf32, #tpu.memory_space<vmem>>
      tpu.enqueue_dma source(%arg3 : memref<2048xf32, #tpu.memory_space<hbm>>) target(%dma_start3A_116 : memref<2048xf32, #tpu.memory_space<vmem>>) target_semaphore(%run_scoped3A : memref<!tpu.dma_semaphore, #tpu.memory_space<semaphore_mem>>)
      %dma_wait3A_117 = arith.constant 0 : i32
      %dma_wait3A_118 = tpu.memref_slice %arg5[%dma_wait3A_117] : memref<2064xf32, #tpu.memory_space<vmem>> -> memref<2048xf32, #tpu.memory_space<vmem>>
      %dma_wait3A_119 = arith.constant 0 : i32
      %dma_wait3A_120 = tpu.memref_slice %arg5[%dma_wait3A_119] : memref<2064xf32, #tpu.memory_space<vmem>> -> memref<2048xf32, #tpu.memory_space<vmem>>
      tpu.wait_dma2 semaphore(%run_scoped3A : memref<!tpu.dma_semaphore, #tpu.memory_space<semaphore_mem>>) src(%arg3 : memref<2048xf32, #tpu.memory_space<hbm>>) dst(%dma_wait3A_120 : memref<2048xf32, #tpu.memory_space<vmem>>)
      tpu.yield
    }) : () -> ()
    %get3A = arith.index_cast %add3A_4 : i32 to index
    %get3A_5 = tpu.vector_load %arg5[%get3A] {strides = array<i32>} : memref<2064xf32, #tpu.memory_space<vmem>>, vector<16xf32>,
    %get3A_6 = vector.shape_cast %get3A_5 : vector<16xf32> to vector<16xf32>
    %add3A_7 = arith.constant 0 : i32
    %add3A_8 = arith.addi %add3A_4, %add3A_7 : i32
    %dma_start3A = arith.constant 0 : i32
    %dma_start3A_9 = arith.constant 0 : i32
    %dma_start3A_10 = arith.constant 0 : i32
    %dma_start3A_11 = arith.constant 0 : i32
    %dma_start3A_12 = tpu.memref_slice %arg6[%dma_start3A_9, %dma_start3A_10, %dma_start3A_11] : memref<4x4x4096xf32, #tpu.memory_space<vmem>> -> memref<1x4x4096xf32, #tpu.memory_space<vmem>>
    %dma_start3A_13 = tpu.memref_squeeze %dma_start3A_12 : memref<1x4x4096xf32, #tpu.memory_space<vmem>> -> memref<4x4096xf32, #tpu.memory_space<vmem>>
    %dma_start3A_14 = arith.constant 0 : i32
    %dma_start3A_15 = tpu.memref_slice %arg2[%dma_start3A, %add3A_8, %dma_start3A_14] : memref<16x2048x4096xf32, #tpu.memory_space<hbm>> -> memref<1x4x4096xf32, #tpu.memory_space<hbm>>
    %dma_start3A_16 = tpu.memref_squeeze %dma_start3A_15 : memref<1x4x4096xf32, #tpu.memory_space<hbm>> -> memref<4x4096xf32, #tpu.memory_space<hbm>>
    %dma_start3A_17 = arith.constant 0 : i32
    %dma_start3A_18 = arith.constant 0 : i32
    %dma_start3A_19 = tpu.memref_slice %arg6[%dma_start3A_9, %dma_start3A_17, %dma_start3A_18] : memref<4x4x4096xf32, #tpu.memory_space<vmem>> -> memref<1x4x4096xf32, #tpu.memory_space<vmem>>
    %dma_start3A_20 = tpu.memref_squeeze %dma_start3A_19 : memref<1x4x4096xf32, #tpu.memory_space<vmem>> -> memref<4x4096xf32, #tpu.memory_space<vmem>>
    %dma_start3A_21 = arith.constant 0 : i32
    %dma_start3A_22 = tpu.memref_slice %arg2[%dma_start3A, %add3A_8, %dma_start3A_21] : memref<16x2048x4096xf32, #tpu.memory_space<hbm>> -> memref<1x4x4096xf32, #tpu.memory_space<hbm>>
    %dma_start3A_23 = tpu.memref_squeeze %dma_start3A_22 : memref<1x4x4096xf32, #tpu.memory_space<hbm>> -> memref<4x4096xf32, #tpu.memory_space<hbm>>
    tpu.enqueue_dma source(%dma_start3A_23 : memref<4x4096xf32, #tpu.memory_space<hbm>>) target(%dma_start3A_20 : memref<4x4096xf32, #tpu.memory_space<vmem>>) target_semaphore(%arg8 : memref<!tpu.dma_semaphore, #tpu.memory_space<semaphore_mem>>)
    %add3A_24 = arith.constant 4 : i32
    %add3A_25 = arith.addi %add3A_4, %add3A_24 : i32
    %dma_start3A_26 = arith.constant 0 : i32
    %dma_start3A_27 = arith.constant 1 : i32
    %dma_start3A_28 = arith.constant 0 : i32
    %dma_start3A_29 = arith.constant 0 : i32
    %dma_start3A_30 = tpu.memref_slice %arg6[%dma_start3A_27, %dma_start3A_28, %dma_start3A_29] : memref<4x4x4096xf32, #tpu.memory_space<vmem>> -> memref<1x4x4096xf32, #tpu.memory_space<vmem>>
    %dma_start3A_31 = tpu.memref_squeeze %dma_start3A_30 : memref<1x4x4096xf32, #tpu.memory_space<vmem>> -> memref<4x4096xf32, #tpu.memory_space<vmem>>
    %dma_start3A_32 = arith.constant 0 : i32
    %dma_start3A_33 = tpu.memref_slice %arg2[%dma_start3A_26, %add3A_25, %dma_start3A_32] : memref<16x2048x4096xf32, #tpu.memory_space<hbm>> -> memref<1x4x4096xf32, #tpu.memory_space<hbm>>
    %dma_start3A_34 = tpu.memref_squeeze %dma_start3A_33 : memref<1x4x4096xf32, #tpu.memory_space<hbm>> -> memref<4x4096xf32, #tpu.memory_space<hbm>>
    %dma_start3A_35 = arith.constant 0 : i32
    %dma_start3A_36 = arith.constant 0 : i32
    %dma_start3A_37 = tpu.memref_slice %arg6[%dma_start3A_27, %dma_start3A_35, %dma_start3A_36] : memref<4x4x4096xf32, #tpu.memory_space<vmem>> -> memref<1x4x4096xf32, #tpu.memory_space<vmem>>
    %dma_start3A_38 = tpu.memref_squeeze %dma_start3A_37 : memref<1x4x4096xf32, #tpu.memory_space<vmem>> -> memref<4x4096xf32, #tpu.memory_space<vmem>>
    %dma_start3A_39 = arith.constant 0 : i32
    %dma_start3A_40 = tpu.memref_slice %arg2[%dma_start3A_26, %add3A_25, %dma_start3A_39] : memref<16x2048x4096xf32, #tpu.memory_space<hbm>> -> memref<1x4x4096xf32, #tpu.memory_space<hbm>>
    %dma_start3A_41 = tpu.memref_squeeze %dma_start3A_40 : memref<1x4x4096xf32, #tpu.memory_space<hbm>> -> memref<4x4096xf32, #tpu.memory_space<hbm>>
    tpu.enqueue_dma source(%dma_start3A_41 : memref<4x4096xf32, #tpu.memory_space<hbm>>) target(%dma_start3A_38 : memref<4x4096xf32, #tpu.memory_space<vmem>>) target_semaphore(%arg9 : memref<!tpu.dma_semaphore, #tpu.memory_space<semaphore_mem>>)
    %add3A_42 = arith.constant 8 : i32
    %add3A_43 = arith.addi %add3A_4, %add3A_42 : i32
    %dma_start3A_44 = arith.constant 0 : i32
    %dma_start3A_45 = arith.constant 2 : i32
    %dma_start3A_46 = arith.constant 0 : i32
    %dma_start3A_47 = arith.constant 0 : i32
    %dma_start3A_48 = tpu.memref_slice %arg6[%dma_start3A_45, %dma_start3A_46, %dma_start3A_47] : memref<4x4x4096xf32, #tpu.memory_space<vmem>> -> memref<1x4x4096xf32, #tpu.memory_space<vmem>>
    %dma_start3A_49 = tpu.memref_squeeze %dma_start3A_48 : memref<1x4x4096xf32, #tpu.memory_space<vmem>> -> memref<4x4096xf32, #tpu.memory_space<vmem>>
    %dma_start3A_50 = arith.constant 0 : i32
    %dma_start3A_51 = tpu.memref_slice %arg2[%dma_start3A_44, %add3A_43, %dma_start3A_50] : memref<16x2048x4096xf32, #tpu.memory_space<hbm>> -> memref<1x4x4096xf32, #tpu.memory_space<hbm>>
    %dma_start3A_52 = tpu.memref_squeeze %dma_start3A_51 : memref<1x4x4096xf32, #tpu.memory_space<hbm>> -> memref<4x4096xf32, #tpu.memory_space<hbm>>
    %dma_start3A_53 = arith.constant 0 : i32
    %dma_start3A_54 = arith.constant 0 : i32
    %dma_start3A_55 = tpu.memref_slice %arg6[%dma_start3A_45, %dma_start3A_53, %dma_start3A_54] : memref<4x4x4096xf32, #tpu.memory_space<vmem>> -> memref<1x4x4096xf32, #tpu.memory_space<vmem>>
    %dma_start3A_56 = tpu.memref_squeeze %dma_start3A_55 : memref<1x4x4096xf32, #tpu.memory_space<vmem>> -> memref<4x4096xf32, #tpu.memory_space<vmem>>
    %dma_start3A_57 = arith.constant 0 : i32
    %dma_start3A_58 = tpu.memref_slice %arg2[%dma_start3A_44, %add3A_43, %dma_start3A_57] : memref<16x2048x4096xf32, #tpu.memory_space<hbm>> -> memref<1x4x4096xf32, #tpu.memory_space<hbm>>
    %dma_start3A_59 = tpu.memref_squeeze %dma_start3A_58 : memref<1x4x4096xf32, #tpu.memory_space<hbm>> -> memref<4x4096xf32, #tpu.memory_space<hbm>>
    tpu.enqueue_dma source(%dma_start3A_59 : memref<4x4096xf32, #tpu.memory_space<hbm>>) target(%dma_start3A_56 : memref<4x4096xf32, #tpu.memory_space<vmem>>) target_semaphore(%arg10 : memref<!tpu.dma_semaphore, #tpu.memory_space<semaphore_mem>>)
    %add3A_60 = arith.constant 12 : i32
    %add3A_61 = arith.addi %add3A_4, %add3A_60 : i32
    %dma_start3A_62 = arith.constant 0 : i32
    %dma_start3A_63 = arith.constant 3 : i32
    %dma_start3A_64 = arith.constant 0 : i32
    %dma_start3A_65 = arith.constant 0 : i32
    %dma_start3A_66 = tpu.memref_slice %arg6[%dma_start3A_63, %dma_start3A_64, %dma_start3A_65] : memref<4x4x4096xf32, #tpu.memory_space<vmem>> -> memref<1x4x4096xf32, #tpu.memory_space<vmem>>
    %dma_start3A_67 = tpu.memref_squeeze %dma_start3A_66 : memref<1x4x4096xf32, #tpu.memory_space<vmem>> -> memref<4x4096xf32, #tpu.memory_space<vmem>>
    %dma_start3A_68 = arith.constant 0 : i32
    %dma_start3A_69 = tpu.memref_slice %arg2[%dma_start3A_62, %add3A_61, %dma_start3A_68] : memref<16x2048x4096xf32, #tpu.memory_space<hbm>> -> memref<1x4x4096xf32, #tpu.memory_space<hbm>>
    %dma_start3A_70 = tpu.memref_squeeze %dma_start3A_69 : memref<1x4x4096xf32, #tpu.memory_space<hbm>> -> memref<4x4096xf32, #tpu.memory_space<hbm>>
    %dma_start3A_71 = arith.constant 0 : i32
    %dma_start3A_72 = arith.constant 0 : i32
    %dma_start3A_73 = tpu.memref_slice %arg6[%dma_start3A_63, %dma_start3A_71, %dma_start3A_72] : memref<4x4x4096xf32, #tpu.memory_space<vmem>> -> memref<1x4x4096xf32, #tpu.memory_space<vmem>>
    %dma_start3A_74 = tpu.memref_squeeze %dma_start3A_73 : memref<1x4x4096xf32, #tpu.memory_space<vmem>> -> memref<4x4096xf32, #tpu.memory_space<vmem>>
    %dma_start3A_75 = arith.constant 0 : i32
    %dma_start3A_76 = tpu.memref_slice %arg2[%dma_start3A_62, %add3A_61, %dma_start3A_75] : memref<16x2048x4096xf32, #tpu.memory_space<hbm>> -> memref<1x4x4096xf32, #tpu.memory_space<hbm>>
    %dma_start3A_77 = tpu.memref_squeeze %dma_start3A_76 : memref<1x4x4096xf32, #tpu.memory_space<hbm>> -> memref<4x4096xf32, #tpu.memory_space<hbm>>
    tpu.enqueue_dma source(%dma_start3A_77 : memref<4x4096xf32, #tpu.memory_space<hbm>>) target(%dma_start3A_74 : memref<4x4096xf32, #tpu.memory_space<vmem>>) target_semaphore(%arg11 : memref<!tpu.dma_semaphore, #tpu.memory_space<semaphore_mem>>)
    %scan3A = arith.constant 0 : i32
    %scan3A_78 = arith.constant 0 : i32
    %scan3A_79 = arith.constant 8 : i32
    %scan3A_80 = arith.addi %scan3A_78, %scan3A_79 : i32
    %scan3A_81 = arith.constant 1 : i32
    %scan3A_82 = scf.for %scan3A_113 = %scan3A_78 to %scan3A_80 step %scan3A_81 iter_args(%scan3A_114 = %scan3A) -> (i32)  : i32 {
      %mul3A_115 = arith.constant 2 : i32
      %mul3A_116 = arith.muli %scan3A_113, %mul3A_115 : i32
      %add3A_117 = arith.constant 0 : i32
      %add3A_118 = arith.addi %mul3A_116, %add3A_117 : i32
      %gt3A = arith.constant 0 : i32
      %gt3A_119 = arith.cmpi sgt, %scan3A_113, %gt3A : i32
      %convert_element_type3A = arith.extui %gt3A_119 : i1 to i32
      %cond3A = arith.constant 0 : i32
      %cond3A_120 = arith.cmpi ne, %convert_element_type3A, %cond3A : i32
      scf.if %cond3A_120 {
        %dma_wait3A_755 = arith.constant 0 : i32
        %dma_wait3A_756 = arith.constant 0 : i32
        %dma_wait3A_757 = arith.constant 0 : i32
        %dma_wait3A_758 = arith.constant 0 : i32
        %dma_wait3A_759 = tpu.memref_slice %arg7[%dma_wait3A_755, %dma_wait3A_758] : memref<2x4096xf32, #tpu.memory_space<vmem>> -> memref<1x4096xf32, #tpu.memory_space<vmem>>
        %dma_wait3A_760 = tpu.memref_squeeze %dma_wait3A_759 : memref<1x4096xf32, #tpu.memory_space<vmem>> -> memref<4096xf32, #tpu.memory_space<vmem>>
        %dma_wait3A_761 = arith.constant 0 : i32
        %dma_wait3A_762 = tpu.memref_slice %arg4[%dma_wait3A_756, %dma_wait3A_757, %dma_wait3A_761] : memref<32x16x4096xf32, #tpu.memory_space<hbm>> -> memref<1x1x4096xf32, #tpu.memory_space<hbm>>
        %dma_wait3A_763 = tpu.memref_squeeze %dma_wait3A_762 : memref<1x1x4096xf32, #tpu.memory_space<hbm>> -> memref<4096xf32, #tpu.memory_space<hbm>>
        %dma_wait3A_764 = arith.constant 0 : i32
        %dma_wait3A_765 = tpu.memref_slice %arg4[%dma_wait3A_756, %dma_wait3A_757, %dma_wait3A_764] : memref<32x16x4096xf32, #tpu.memory_space<hbm>> -> memref<1x1x4096xf32, #tpu.memory_space<hbm>>
        %dma_wait3A_766 = tpu.memref_squeeze %dma_wait3A_765 : memref<1x1x4096xf32, #tpu.memory_space<hbm>> -> memref<4096xf32, #tpu.memory_space<hbm>>
        %dma_wait3A_767 = arith.constant 0 : i32
        %dma_wait3A_768 = tpu.memref_slice %arg7[%dma_wait3A_755, %dma_wait3A_767] : memref<2x4096xf32, #tpu.memory_space<vmem>> -> memref<1x4096xf32, #tpu.memory_space<vmem>>
        %dma_wait3A_769 = tpu.memref_squeeze %dma_wait3A_768 : memref<1x4096xf32, #tpu.memory_space<vmem>> -> memref<4096xf32, #tpu.memory_space<vmem>>
        tpu.wait_dma2 semaphore(%arg12 : memref<!tpu.dma_semaphore, #tpu.memory_space<semaphore_mem>>) src(%dma_wait3A_769 : memref<4096xf32, #tpu.memory_space<vmem>>) dst(%dma_wait3A_766 : memref<4096xf32, #tpu.memory_space<hbm>>)
      } else {
      }
      %dma_wait3A_121 = arith.constant 0 : i32
      %dma_wait3A_122 = arith.constant 0 : i32
      %dma_wait3A_123 = arith.constant 0 : i32
      %dma_wait3A_124 = arith.constant 0 : i32
      %dma_wait3A_125 = tpu.memref_slice %arg6[%dma_wait3A_122, %dma_wait3A_123, %dma_wait3A_124] : memref<4x4x4096xf32, #tpu.memory_space<vmem>> -> memref<1x4x4096xf32, #tpu.memory_space<vmem>>
      %dma_wait3A_126 = tpu.memref_squeeze %dma_wait3A_125 : memref<1x4x4096xf32, #tpu.memory_space<vmem>> -> memref<4x4096xf32, #tpu.memory_space<vmem>>
      %dma_wait3A_127 = arith.constant 0 : i32
      %dma_wait3A_128 = arith.constant 0 : i32
      %dma_wait3A_129 = tpu.memref_slice %arg2[%dma_wait3A_121, %dma_wait3A_127, %dma_wait3A_128] : memref<16x2048x4096xf32, #tpu.memory_space<hbm>> -> memref<1x4x4096xf32, #tpu.memory_space<hbm>>
      %dma_wait3A_130 = tpu.memref_squeeze %dma_wait3A_129 : memref<1x4x4096xf32, #tpu.memory_space<hbm>> -> memref<4x4096xf32, #tpu.memory_space<hbm>>
      %dma_wait3A_131 = arith.constant 0 : i32
      %dma_wait3A_132 = arith.constant 0 : i32
      %dma_wait3A_133 = tpu.memref_slice %arg6[%dma_wait3A_122, %dma_wait3A_131, %dma_wait3A_132] : memref<4x4x4096xf32, #tpu.memory_space<vmem>> -> memref<1x4x4096xf32, #tpu.memory_space<vmem>>
      %dma_wait3A_134 = tpu.memref_squeeze %dma_wait3A_133 : memref<1x4x4096xf32, #tpu.memory_space<vmem>> -> memref<4x4096xf32, #tpu.memory_space<vmem>>
      %dma_wait3A_135 = arith.constant 0 : i32
      %dma_wait3A_136 = arith.constant 0 : i32
      %dma_wait3A_137 = tpu.memref_slice %arg2[%dma_wait3A_121, %dma_wait3A_135, %dma_wait3A_136] : memref<16x2048x4096xf32, #tpu.memory_space<hbm>> -> memref<1x4x4096xf32, #tpu.memory_space<hbm>>
      %dma_wait3A_138 = tpu.memref_squeeze %dma_wait3A_137 : memref<1x4x4096xf32, #tpu.memory_space<hbm>> -> memref<4x4096xf32, #tpu.memory_space<hbm>>
      tpu.wait_dma2 semaphore(%arg8 : memref<!tpu.dma_semaphore, #tpu.memory_space<semaphore_mem>>) src(%dma_wait3A_138 : memref<4x4096xf32, #tpu.memory_space<hbm>>) dst(%dma_wait3A_134 : memref<4x4096xf32, #tpu.memory_space<vmem>>)
      %scan3A_139 = arith.constant 0 : i32
      %scan3A_140 = arith.constant 0 : i32
      %scan3A_141 = arith.constant 64 : i32
      %scan3A_142 = arith.addi %scan3A_140, %scan3A_141 : i32
      %scan3A_143 = arith.constant 1 : i32
      %scan3A_144 = scf.for %scan3A_755 = %scan3A_140 to %scan3A_142 step %scan3A_143 iter_args(%scan3A_756 = %scan3A_139) -> (i32)  : i32 {
        %mul3A_757 = arith.constant 4 : i32
        %mul3A_758 = arith.muli %scan3A_755, %mul3A_757 : i32
        %add3A_759 = arith.constant 0 : i32
        %add3A_760 = arith.addi %mul3A_758, %add3A_759 : i32
        %mul3A_761 = arith.constant 16 : i32
        %mul3A_762 = arith.muli %add3A_760, %mul3A_761 : i32
        %slice3A = vector.extract_strided_slice %get3A_6 {offsets = [0], sizes = [1], strides = [1]} : vector<16xf32> to vector<1xf32>
        %squeeze3A = vector.extract %slice3A[0] : f32 from vector<1xf32>
        %get3A_763 = arith.constant 0 : i32
        %get3A_764 = arith.constant 0 : i32
        %get3A_765 = arith.index_cast %get3A_763 : i32 to index
        %get3A_766 = arith.index_cast %get3A_764 : i32 to index
        %get3A_767 = arith.index_cast %mul3A_762 : i32 to index
        %get3A_768 = tpu.vector_load %arg6[%get3A_765, %get3A_766, %get3A_767] {strides = array<i32>} : memref<4x4x4096xf32, #tpu.memory_space<vmem>>, vector<1x1x16xf32>,
        %get3A_769 = vector.shape_cast %get3A_768 : vector<1x1x16xf32> to vector<16xf32>
        %mul3A_770 = vector.broadcast %squeeze3A : f32 to vector<16xf32>
        %mul3A_771 = arith.mulf %mul3A_770, %get3A_769 : vector<16xf32>
        %slice3A_772 = vector.extract_strided_slice %get3A_6 {offsets = [1], sizes = [1], strides = [1]} : vector<16xf32> to vector<1xf32>
        %squeeze3A_773 = vector.extract %slice3A_772[0] : f32 from vector<1xf32>
        %get3A_774 = arith.constant 0 : i32
        %get3A_775 = arith.constant 1 : i32
        %get3A_776 = arith.index_cast %get3A_774 : i32 to index
        %get3A_777 = arith.index_cast %get3A_775 : i32 to index
        %get3A_778 = arith.index_cast %mul3A_762 : i32 to index
        %get3A_779 = tpu.vector_load %arg6[%get3A_776, %get3A_777, %get3A_778] {strides = array<i32>} : memref<4x4x4096xf32, #tpu.memory_space<vmem>>, vector<1x1x16xf32>,
        %get3A_780 = vector.shape_cast %get3A_779 : vector<1x1x16xf32> to vector<16xf32>
        %mul3A_781 = vector.broadcast %squeeze3A_773 : f32 to vector<16xf32>
        %mul3A_782 = arith.mulf %mul3A_781, %get3A_780 : vector<16xf32>
        %slice3A_783 = vector.extract_strided_slice %get3A_6 {offsets = [2], sizes = [1], strides = [1]} : vector<16xf32> to vector<1xf32>
        %squeeze3A_784 = vector.extract %slice3A_783[0] : f32 from vector<1xf32>
        %get3A_785 = arith.constant 0 : i32
        %get3A_786 = arith.constant 2 : i32
        %get3A_787 = arith.index_cast %get3A_785 : i32 to index
        %get3A_788 = arith.index_cast %get3A_786 : i32 to index
        %get3A_789 = arith.index_cast %mul3A_762 : i32 to index
        %get3A_790 = tpu.vector_load %arg6[%get3A_787, %get3A_788, %get3A_789] {strides = array<i32>} : memref<4x4x4096xf32, #tpu.memory_space<vmem>>, vector<1x1x16xf32>,
        %get3A_791 = vector.shape_cast %get3A_790 : vector<1x1x16xf32> to vector<16xf32>
        %mul3A_792 = vector.broadcast %squeeze3A_784 : f32 to vector<16xf32>
        %mul3A_793 = arith.mulf %mul3A_792, %get3A_791 : vector<16xf32>
        %add3A_794 = arith.addf %mul3A_771, %mul3A_793 : vector<16xf32>
        %slice3A_795 = vector.extract_strided_slice %get3A_6 {offsets = [3], sizes = [1], strides = [1]} : vector<16xf32> to vector<1xf32>
        %squeeze3A_796 = vector.extract %slice3A_795[0] : f32 from vector<1xf32>
        %get3A_797 = arith.constant 0 : i32
        %get3A_798 = arith.constant 3 : i32
        %get3A_799 = arith.index_cast %get3A_797 : i32 to index
        %get3A_800 = arith.index_cast %get3A_798 : i32 to index
        %get3A_801 = arith.index_cast %mul3A_762 : i32 to index
        %get3A_802 = tpu.vector_load %arg6[%get3A_799, %get3A_800, %get3A_801] {strides = array<i32>} : memref<4x4x4096xf32, #tpu.memory_space<vmem>>, vector<1x1x16xf32>,
        %get3A_803 = vector.shape_cast %get3A_802 : vector<1x1x16xf32> to vector<16xf32>
        %mul3A_804 = vector.broadcast %squeeze3A_796 : f32 to vector<16xf32>
        %mul3A_805 = arith.mulf %mul3A_804, %get3A_803 : vector<16xf32>
        %add3A_806 = arith.addf %mul3A_782, %mul3A_805 : vector<16xf32>
        %add3A_807 = arith.addf %add3A_794, %add3A_806 : vector<16xf32>
        %swap3A = arith.constant 0 : i32
        %swap3A_808 = arith.index_cast %swap3A : i32 to index
        %swap3A_809 = arith.index_cast %mul3A_762 : i32 to index
        %swap3A_810 = tpu.vector_load %arg7[%swap3A_808, %swap3A_809] {strides = array<i32>} : memref<2x4096xf32, #tpu.memory_space<vmem>>, vector<1x16xf32>,
        %swap3A_811 = vector.shape_cast %swap3A_810 : vector<1x16xf32> to vector<16xf32>
        %swap3A_812 = vector.shape_cast %add3A_807 : vector<16xf32> to vector<1x16xf32>
        tpu.vector_store %arg7[%swap3A_808, %swap3A_809], %swap3A_812 {strides = array<i32>} : memref<2x4096xf32, #tpu.memory_space<vmem>>, vector<1x16xf32>,
        %mul3A_813 = arith.constant 4 : i32
        %mul3A_814 = arith.muli %scan3A_755, %mul3A_813 : i32
        %add3A_815 = arith.constant 1 : i32
        %add3A_816 = arith.addi %mul3A_814, %add3A_815 : i32
        %mul3A_817 = arith.constant 16 : i32
        %mul3A_818 = arith.muli %add3A_816, %mul3A_817 : i32
        %slice3A_819 = vector.extract_strided_slice %get3A_6 {offsets = [0], sizes = [1], strides = [1]} : vector<16xf32> to vector<1xf32>
        %squeeze3A_820 = vector.extract %slice3A_819[0] : f32 from vector<1xf32>
        %get3A_821 = arith.constant 0 : i32
        %get3A_822 = arith.constant 0 : i32
        %get3A_823 = arith.index_cast %get3A_821 : i32 to index
        %get3A_824 = arith.index_cast %get3A_822 : i32 to index
        %get3A_825 = arith.index_cast %mul3A_818 : i32 to index
        %get3A_826 = tpu.vector_load %arg6[%get3A_823, %get3A_824, %get3A_825] {strides = array<i32>} : memref<4x4x4096xf32, #tpu.memory_space<vmem>>, vector<1x1x16xf32>,
        %get3A_827 = vector.shape_cast %get3A_826 : vector<1x1x16xf32> to vector<16xf32>
        %mul3A_828 = vector.broadcast %squeeze3A_820 : f32 to vector<16xf32>
        %mul3A_829 = arith.mulf %mul3A_828, %get3A_827 : vector<16xf32>
        %slice3A_830 = vector.extract_strided_slice %get3A_6 {offsets = [1], sizes = [1], strides = [1]} : vector<16xf32> to vector<1xf32>
        %squeeze3A_831 = vector.extract %slice3A_830[0] : f32 from vector<1xf32>
        %get3A_832 = arith.constant 0 : i32
        %get3A_833 = arith.constant 1 : i32
        %get3A_834 = arith.index_cast %get3A_832 : i32 to index
        %get3A_835 = arith.index_cast %get3A_833 : i32 to index
        %get3A_836 = arith.index_cast %mul3A_818 : i32 to index
        %get3A_837 = tpu.vector_load %arg6[%get3A_834, %get3A_835, %get3A_836] {strides = array<i32>} : memref<4x4x4096xf32, #tpu.memory_space<vmem>>, vector<1x1x16xf32>,
        %get3A_838 = vector.shape_cast %get3A_837 : vector<1x1x16xf32> to vector<16xf32>
        %mul3A_839 = vector.broadcast %squeeze3A_831 : f32 to vector<16xf32>
        %mul3A_840 = arith.mulf %mul3A_839, %get3A_838 : vector<16xf32>
        %slice3A_841 = vector.extract_strided_slice %get3A_6 {offsets = [2], sizes = [1], strides = [1]} : vector<16xf32> to vector<1xf32>
        %squeeze3A_842 = vector.extract %slice3A_841[0] : f32 from vector<1xf32>
        %get3A_843 = arith.constant 0 : i32
        %get3A_844 = arith.constant 2 : i32
        %get3A_845 = arith.index_cast %get3A_843 : i32 to index
        %get3A_846 = arith.index_cast %get3A_844 : i32 to index
        %get3A_847 = arith.index_cast %mul3A_818 : i32 to index
        %get3A_848 = tpu.vector_load %arg6[%get3A_845, %get3A_846, %get3A_847] {strides = array<i32>} : memref<4x4x4096xf32, #tpu.memory_space<vmem>>, vector<1x1x16xf32>,
        %get3A_849 = vector.shape_cast %get3A_848 : vector<1x1x16xf32> to vector<16xf32>
        %mul3A_850 = vector.broadcast %squeeze3A_842 : f32 to vector<16xf32>
        %mul3A_851 = arith.mulf %mul3A_850, %get3A_849 : vector<16xf32>
        %add3A_852 = arith.addf %mul3A_829, %mul3A_851 : vector<16xf32>
        %slice3A_853 = vector.extract_strided_slice %get3A_6 {offsets = [3], sizes = [1], strides = [1]} : vector<16xf32> to vector<1xf32>
        %squeeze3A_854 = vector.extract %slice3A_853[0] : f32 from vector<1xf32>
        %get3A_855 = arith.constant 0 : i32
        %get3A_856 = arith.constant 3 : i32
        %get3A_857 = arith.index_cast %get3A_855 : i32 to index
        %get3A_858 = arith.index_cast %get3A_856 : i32 to index
        %get3A_859 = arith.index_cast %mul3A_818 : i32 to index
        %get3A_860 = tpu.vector_load %arg6[%get3A_857, %get3A_858, %get3A_859] {strides = array<i32>} : memref<4x4x4096xf32, #tpu.memory_space<vmem>>, vector<1x1x16xf32>,
        %get3A_861 = vector.shape_cast %get3A_860 : vector<1x1x16xf32> to vector<16xf32>
        %mul3A_862 = vector.broadcast %squeeze3A_854 : f32 to vector<16xf32>
        %mul3A_863 = arith.mulf %mul3A_862, %get3A_861 : vector<16xf32>
        %add3A_864 = arith.addf %mul3A_840, %mul3A_863 : vector<16xf32>
        %add3A_865 = arith.addf %add3A_852, %add3A_864 : vector<16xf32>
        %swap3A_866 = arith.constant 0 : i32
        %swap3A_867 = arith.index_cast %swap3A_866 : i32 to index
        %swap3A_868 = arith.index_cast %mul3A_818 : i32 to index
        %swap3A_869 = tpu.vector_load %arg7[%swap3A_867, %swap3A_868] {strides = array<i32>} : memref<2x4096xf32, #tpu.memory_space<vmem>>, vector<1x16xf32>,
        %swap3A_870 = vector.shape_cast %swap3A_869 : vector<1x16xf32> to vector<16xf32>
        %swap3A_871 = vector.shape_cast %add3A_865 : vector<16xf32> to vector<1x16xf32>
        tpu.vector_store %arg7[%swap3A_867, %swap3A_868], %swap3A_871 {strides = array<i32>} : memref<2x4096xf32, #tpu.memory_space<vmem>>, vector<1x16xf32>,
        %mul3A_872 = arith.constant 4 : i32
        %mul3A_873 = arith.muli %scan3A_755, %mul3A_872 : i32
        %add3A_874 = arith.constant 2 : i32
        %add3A_875 = arith.addi %mul3A_873, %add3A_874 : i32
        %mul3A_876 = arith.constant 16 : i32
        %mul3A_877 = arith.muli %add3A_875, %mul3A_876 : i32
        %slice3A_878 = vector.extract_strided_slice %get3A_6 {offsets = [0], sizes = [1], strides = [1]} : vector<16xf32> to vector<1xf32>
        %squeeze3A_879 = vector.extract %slice3A_878[0] : f32 from vector<1xf32>
        %get3A_880 = arith.constant 0 : i32
        %get3A_881 = arith.constant 0 : i32
        %get3A_882 = arith.index_cast %get3A_880 : i32 to index
        %get3A_883 = arith.index_cast %get3A_881 : i32 to index
        %get3A_884 = arith.index_cast %mul3A_877 : i32 to index
        %get3A_885 = tpu.vector_load %arg6[%get3A_882, %get3A_883, %get3A_884] {strides = array<i32>} : memref<4x4x4096xf32, #tpu.memory_space<vmem>>, vector<1x1x16xf32>,
        %get3A_886 = vector.shape_cast %get3A_885 : vector<1x1x16xf32> to vector<16xf32>
        %mul3A_887 = vector.broadcast %squeeze3A_879 : f32 to vector<16xf32>
        %mul3A_888 = arith.mulf %mul3A_887, %get3A_886 : vector<16xf32>
        %slice3A_889 = vector.extract_strided_slice %get3A_6 {offsets = [1], sizes = [1], strides = [1]} : vector<16xf32> to vector<1xf32>
        %squeeze3A_890 = vector.extract %slice3A_889[0] : f32 from vector<1xf32>
        %get3A_891 = arith.constant 0 : i32
        %get3A_892 = arith.constant 1 : i32
        %get3A_893 = arith.index_cast %get3A_891 : i32 to index
        %get3A_894 = arith.index_cast %get3A_892 : i32 to index
        %get3A_895 = arith.index_cast %mul3A_877 : i32 to index
        %get3A_896 = tpu.vector_load %arg6[%get3A_893, %get3A_894, %get3A_895] {strides = array<i32>} : memref<4x4x4096xf32, #tpu.memory_space<vmem>>, vector<1x1x16xf32>,
        %get3A_897 = vector.shape_cast %get3A_896 : vector<1x1x16xf32> to vector<16xf32>
        %mul3A_898 = vector.broadcast %squeeze3A_890 : f32 to vector<16xf32>
        %mul3A_899 = arith.mulf %mul3A_898, %get3A_897 : vector<16xf32>
        %slice3A_900 = vector.extract_strided_slice %get3A_6 {offsets = [2], sizes = [1], strides = [1]} : vector<16xf32> to vector<1xf32>
        %squeeze3A_901 = vector.extract %slice3A_900[0] : f32 from vector<1xf32>
        %get3A_902 = arith.constant 0 : i32
        %get3A_903 = arith.constant 2 : i32
        %get3A_904 = arith.index_cast %get3A_902 : i32 to index
        %get3A_905 = arith.index_cast %get3A_903 : i32 to index
        %get3A_906 = arith.index_cast %mul3A_877 : i32 to index
        %get3A_907 = tpu.vector_load %arg6[%get3A_904, %get3A_905, %get3A_906] {strides = array<i32>} : memref<4x4x4096xf32, #tpu.memory_space<vmem>>, vector<1x1x16xf32>,
        %get3A_908 = vector.shape_cast %get3A_907 : vector<1x1x16xf32> to vector<16xf32>
        %mul3A_909 = vector.broadcast %squeeze3A_901 : f32 to vector<16xf32>
        %mul3A_910 = arith.mulf %mul3A_909, %get3A_908 : vector<16xf32>
        %add3A_911 = arith.addf %mul3A_888, %mul3A_910 : vector<16xf32>
        %slice3A_912 = vector.extract_strided_slice %get3A_6 {offsets = [3], sizes = [1], strides = [1]} : vector<16xf32> to vector<1xf32>
        %squeeze3A_913 = vector.extract %slice3A_912[0] : f32 from vector<1xf32>
        %get3A_914 = arith.constant 0 : i32
        %get3A_915 = arith.constant 3 : i32
        %get3A_916 = arith.index_cast %get3A_914 : i32 to index
        %get3A_917 = arith.index_cast %get3A_915 : i32 to index
        %get3A_918 = arith.index_cast %mul3A_877 : i32 to index
        %get3A_919 = tpu.vector_load %arg6[%get3A_916, %get3A_917, %get3A_918] {strides = array<i32>} : memref<4x4x4096xf32, #tpu.memory_space<vmem>>, vector<1x1x16xf32>,
        %get3A_920 = vector.shape_cast %get3A_919 : vector<1x1x16xf32> to vector<16xf32>
        %mul3A_921 = vector.broadcast %squeeze3A_913 : f32 to vector<16xf32>
        %mul3A_922 = arith.mulf %mul3A_921, %get3A_920 : vector<16xf32>
        %add3A_923 = arith.addf %mul3A_899, %mul3A_922 : vector<16xf32>
        %add3A_924 = arith.addf %add3A_911, %add3A_923 : vector<16xf32>
        %swap3A_925 = arith.constant 0 : i32
        %swap3A_926 = arith.index_cast %swap3A_925 : i32 to index
        %swap3A_927 = arith.index_cast %mul3A_877 : i32 to index
        %swap3A_928 = tpu.vector_load %arg7[%swap3A_926, %swap3A_927] {strides = array<i32>} : memref<2x4096xf32, #tpu.memory_space<vmem>>, vector<1x16xf32>,
        %swap3A_929 = vector.shape_cast %swap3A_928 : vector<1x16xf32> to vector<16xf32>
        %swap3A_930 = vector.shape_cast %add3A_924 : vector<16xf32> to vector<1x16xf32>
        tpu.vector_store %arg7[%swap3A_926, %swap3A_927], %swap3A_930 {strides = array<i32>} : memref<2x4096xf32, #tpu.memory_space<vmem>>, vector<1x16xf32>,
        %mul3A_931 = arith.constant 4 : i32
        %mul3A_932 = arith.muli %scan3A_755, %mul3A_931 : i32
        %add3A_933 = arith.constant 3 : i32
        %add3A_934 = arith.addi %mul3A_932, %add3A_933 : i32
        %mul3A_935 = arith.constant 16 : i32
        %mul3A_936 = arith.muli %add3A_934, %mul3A_935 : i32
        %slice3A_937 = vector.extract_strided_slice %get3A_6 {offsets = [0], sizes = [1], strides = [1]} : vector<16xf32> to vector<1xf32>
        %squeeze3A_938 = vector.extract %slice3A_937[0] : f32 from vector<1xf32>
        %get3A_939 = arith.constant 0 : i32
        %get3A_940 = arith.constant 0 : i32
        %get3A_941 = arith.index_cast %get3A_939 : i32 to index
        %get3A_942 = arith.index_cast %get3A_940 : i32 to index
        %get3A_943 = arith.index_cast %mul3A_936 : i32 to index
        %get3A_944 = tpu.vector_load %arg6[%get3A_941, %get3A_942, %get3A_943] {strides = array<i32>} : memref<4x4x4096xf32, #tpu.memory_space<vmem>>, vector<1x1x16xf32>,
        %get3A_945 = vector.shape_cast %get3A_944 : vector<1x1x16xf32> to vector<16xf32>
        %mul3A_946 = vector.broadcast %squeeze3A_938 : f32 to vector<16xf32>
        %mul3A_947 = arith.mulf %mul3A_946, %get3A_945 : vector<16xf32>
        %slice3A_948 = vector.extract_strided_slice %get3A_6 {offsets = [1], sizes = [1], strides = [1]} : vector<16xf32> to vector<1xf32>
        %squeeze3A_949 = vector.extract %slice3A_948[0] : f32 from vector<1xf32>
        %get3A_950 = arith.constant 0 : i32
        %get3A_951 = arith.constant 1 : i32
        %get3A_952 = arith.index_cast %get3A_950 : i32 to index
        %get3A_953 = arith.index_cast %get3A_951 : i32 to index
        %get3A_954 = arith.index_cast %mul3A_936 : i32 to index
        %get3A_955 = tpu.vector_load %arg6[%get3A_952, %get3A_953, %get3A_954] {strides = array<i32>} : memref<4x4x4096xf32, #tpu.memory_space<vmem>>, vector<1x1x16xf32>,
        %get3A_956 = vector.shape_cast %get3A_955 : vector<1x1x16xf32> to vector<16xf32>
        %mul3A_957 = vector.broadcast %squeeze3A_949 : f32 to vector<16xf32>
        %mul3A_958 = arith.mulf %mul3A_957, %get3A_956 : vector<16xf32>
        %slice3A_959 = vector.extract_strided_slice %get3A_6 {offsets = [2], sizes = [1], strides = [1]} : vector<16xf32> to vector<1xf32>
        %squeeze3A_960 = vector.extract %slice3A_959[0] : f32 from vector<1xf32>
        %get3A_961 = arith.constant 0 : i32
        %get3A_962 = arith.constant 2 : i32
        %get3A_963 = arith.index_cast %get3A_961 : i32 to index
        %get3A_964 = arith.index_cast %get3A_962 : i32 to index
        %get3A_965 = arith.index_cast %mul3A_936 : i32 to index
        %get3A_966 = tpu.vector_load %arg6[%get3A_963, %get3A_964, %get3A_965] {strides = array<i32>} : memref<4x4x4096xf32, #tpu.memory_space<vmem>>, vector<1x1x16xf32>,
        %get3A_967 = vector.shape_cast %get3A_966 : vector<1x1x16xf32> to vector<16xf32>
        %mul3A_968 = vector.broadcast %squeeze3A_960 : f32 to vector<16xf32>
        %mul3A_969 = arith.mulf %mul3A_968, %get3A_967 : vector<16xf32>
        %add3A_970 = arith.addf %mul3A_947, %mul3A_969 : vector<16xf32>
        %slice3A_971 = vector.extract_strided_slice %get3A_6 {offsets = [3], sizes = [1], strides = [1]} : vector<16xf32> to vector<1xf32>
        %squeeze3A_972 = vector.extract %slice3A_971[0] : f32 from vector<1xf32>
        %get3A_973 = arith.constant 0 : i32
        %get3A_974 = arith.constant 3 : i32
        %get3A_975 = arith.index_cast %get3A_973 : i32 to index
        %get3A_976 = arith.index_cast %get3A_974 : i32 to index
        %get3A_977 = arith.index_cast %mul3A_936 : i32 to index
        %get3A_978 = tpu.vector_load %arg6[%get3A_975, %get3A_976, %get3A_977] {strides = array<i32>} : memref<4x4x4096xf32, #tpu.memory_space<vmem>>, vector<1x1x16xf32>,
        %get3A_979 = vector.shape_cast %get3A_978 : vector<1x1x16xf32> to vector<16xf32>
        %mul3A_980 = vector.broadcast %squeeze3A_972 : f32 to vector<16xf32>
        %mul3A_981 = arith.mulf %mul3A_980, %get3A_979 : vector<16xf32>
        %add3A_982 = arith.addf %mul3A_958, %mul3A_981 : vector<16xf32>
        %add3A_983 = arith.addf %add3A_970, %add3A_982 : vector<16xf32>
        %swap3A_984 = arith.constant 0 : i32
        %swap3A_985 = arith.index_cast %swap3A_984 : i32 to index
        %swap3A_986 = arith.index_cast %mul3A_936 : i32 to index
        %swap3A_987 = tpu.vector_load %arg7[%swap3A_985, %swap3A_986] {strides = array<i32>} : memref<2x4096xf32, #tpu.memory_space<vmem>>, vector<1x16xf32>,
        %swap3A_988 = vector.shape_cast %swap3A_987 : vector<1x16xf32> to vector<16xf32>
        %swap3A_989 = vector.shape_cast %add3A_983 : vector<16xf32> to vector<1x16xf32>
        tpu.vector_store %arg7[%swap3A_985, %swap3A_986], %swap3A_989 {strides = array<i32>} : memref<2x4096xf32, #tpu.memory_space<vmem>>, vector<1x16xf32>,
        %scan3A_990 = arith.constant 0 : i32
        scf.yield %scan3A_990 : i32
      }
      %scan3A_145 = arith.constant 64 : i32
      %add3A_146 = arith.constant 1 : i32
      %add3A_147 = arith.addi %add3A_118, %add3A_146 : i32
      %mul3A_148 = arith.constant 4 : i32
      %mul3A_149 = arith.muli %add3A_147, %mul3A_148 : i32
      %add3A_150 = arith.constant 0 : i32
      %add3A_151 = arith.addi %mul3A_149, %add3A_150 : i32
      %jit3A = arith.constant 4 : i32
      %div3A = arith.divsi %add3A_151, %jit3A : i32
      %sign3A = arith.constant 0 : i32
      %sign3A_152 = arith.cmpi sgt, %add3A_151, %sign3A : i32
      %sign3A_153 = arith.extui %sign3A_152 : i1 to i32
      %sign3A_154 = arith.constant 0 : i32
      %sign3A_155 = arith.cmpi slt, %add3A_151, %sign3A_154 : i32
      %sign3A_156 = arith.extui %sign3A_155 : i1 to i32
      %sign3A_157 = arith.subi %sign3A_153, %sign3A_156 : i32
      %sign3A_158 = arith.constant 0 : i32
      %sign3A_159 = arith.cmpi sgt, %jit3A, %sign3A_158 : i32
      %sign3A_160 = arith.extui %sign3A_159 : i1 to i32
      %sign3A_161 = arith.constant 0 : i32
      %sign3A_162 = arith.cmpi slt, %jit3A, %sign3A_161 : i32
      %sign3A_163 = arith.extui %sign3A_162 : i1 to i32
      %sign3A_164 = arith.subi %sign3A_160, %sign3A_163 : i32
      %ne3A = arith.cmpi ne, %sign3A_157, %sign3A_164 : i32
      %rem3A = arith.remsi %add3A_151, %jit3A : i32
      %ne3A_165 = arith.constant 0 : i32
      %ne3A_166 = arith.cmpi ne, %rem3A, %ne3A_165 : i32
      %and3A = arith.andi %ne3A, %ne3A_166 : i1
      %sub3A = arith.constant 1 : i32
      %sub3A_167 = arith.subi %div3A, %sub3A : i32
      %select_n3A = arith.select %and3A, %sub3A_167, %div3A : i32
      %jit3A_168 = arith.constant 4 : i32
      %eq3A = arith.constant 0 : i32
      %eq3A_169 = arith.cmpi eq, %jit3A_168, %eq3A : i32
      %jit3A_170 = arith.constant 1 : i32
      %select_n3A_171 = arith.select %eq3A_169, %jit3A_170, %jit3A_168 : i32
      %rem3A_172 = arith.remsi %add3A_151, %select_n3A_171 : i32
      %ne3A_173 = arith.constant 0 : i32
      %ne3A_174 = arith.cmpi ne, %rem3A_172, %ne3A_173 : i32
      %lt3A = arith.constant 0 : i32
      %lt3A_175 = arith.cmpi slt, %rem3A_172, %lt3A : i32
      %lt3A_176 = arith.constant 0 : i32
      %lt3A_177 = arith.cmpi slt, %select_n3A_171, %lt3A_176 : i32
      %ne3A_178 = arith.xori %lt3A_175, %lt3A_177 : i1
      %and3A_179 = arith.andi %ne3A_178, %ne3A_174 : i1
      %add3A_180 = arith.addi %rem3A_172, %select_n3A_171 : i32
      %select_n3A_181 = arith.select %and3A_179, %add3A_180, %rem3A_172 : i32
      %lt3A_182 = arith.constant 16 : i32
      %lt3A_183 = arith.cmpi slt, %select_n3A, %lt3A_182 : i32
      %convert_element_type3A_184 = arith.extui %lt3A_183 : i1 to i32
      %cond3A_185 = arith.constant 0 : i32
      %cond3A_186 = arith.cmpi ne, %convert_element_type3A_184, %cond3A_185 : i32
      scf.if %cond3A_186 {
        %mul3A_755 = arith.constant 4 : i32
        %mul3A_756 = arith.muli %select_n3A_181, %mul3A_755 : i32
        %add3A_757 = arith.addi %add3A_4, %mul3A_756 : i32
        %dma_start3A_758 = arith.constant 0 : i32
        %dma_start3A_759 = arith.constant 0 : i32
        %dma_start3A_760 = arith.constant 0 : i32
        %dma_start3A_761 = tpu.memref_slice %arg6[%dma_start3A_758, %dma_start3A_759, %dma_start3A_760] : memref<4x4x4096xf32, #tpu.memory_space<vmem>> -> memref<1x4x4096xf32, #tpu.memory_space<vmem>>
        %dma_start3A_762 = tpu.memref_squeeze %dma_start3A_761 : memref<1x4x4096xf32, #tpu.memory_space<vmem>> -> memref<4x4096xf32, #tpu.memory_space<vmem>>
        %dma_start3A_763 = arith.constant 0 : i32
        %dma_start3A_764 = tpu.memref_slice %arg2[%select_n3A, %add3A_757, %dma_start3A_763] : memref<16x2048x4096xf32, #tpu.memory_space<hbm>> -> memref<1x4x4096xf32, #tpu.memory_space<hbm>>
        %dma_start3A_765 = tpu.memref_squeeze %dma_start3A_764 : memref<1x4x4096xf32, #tpu.memory_space<hbm>> -> memref<4x4096xf32, #tpu.memory_space<hbm>>
        %dma_start3A_766 = arith.constant 0 : i32
        %dma_start3A_767 = arith.constant 0 : i32
        %dma_start3A_768 = tpu.memref_slice %arg6[%dma_start3A_758, %dma_start3A_766, %dma_start3A_767] : memref<4x4x4096xf32, #tpu.memory_space<vmem>> -> memref<1x4x4096xf32, #tpu.memory_space<vmem>>
        %dma_start3A_769 = tpu.memref_squeeze %dma_start3A_768 : memref<1x4x4096xf32, #tpu.memory_space<vmem>> -> memref<4x4096xf32, #tpu.memory_space<vmem>>
        %dma_start3A_770 = arith.constant 0 : i32
        %dma_start3A_771 = tpu.memref_slice %arg2[%select_n3A, %add3A_757, %dma_start3A_770] : memref<16x2048x4096xf32, #tpu.memory_space<hbm>> -> memref<1x4x4096xf32, #tpu.memory_space<hbm>>
        %dma_start3A_772 = tpu.memref_squeeze %dma_start3A_771 : memref<1x4x4096xf32, #tpu.memory_space<hbm>> -> memref<4x4096xf32, #tpu.memory_space<hbm>>
        tpu.enqueue_dma source(%dma_start3A_772 : memref<4x4096xf32, #tpu.memory_space<hbm>>) target(%dma_start3A_769 : memref<4x4096xf32, #tpu.memory_space<vmem>>) target_semaphore(%arg8 : memref<!tpu.dma_semaphore, #tpu.memory_space<semaphore_mem>>)
      } else {
      }
      %dma_wait3A_187 = arith.constant 0 : i32
      %dma_wait3A_188 = arith.constant 1 : i32
      %dma_wait3A_189 = arith.constant 0 : i32
      %dma_wait3A_190 = arith.constant 0 : i32
      %dma_wait3A_191 = tpu.memref_slice %arg6[%dma_wait3A_188, %dma_wait3A_189, %dma_wait3A_190] : memref<4x4x4096xf32, #tpu.memory_space<vmem>> -> memref<1x4x4096xf32, #tpu.memory_space<vmem>>
      %dma_wait3A_192 = tpu.memref_squeeze %dma_wait3A_191 : memref<1x4x4096xf32, #tpu.memory_space<vmem>> -> memref<4x4096xf32, #tpu.memory_space<vmem>>
      %dma_wait3A_193 = arith.constant 0 : i32
      %dma_wait3A_194 = arith.constant 0 : i32
      %dma_wait3A_195 = tpu.memref_slice %arg2[%dma_wait3A_187, %dma_wait3A_193, %dma_wait3A_194] : memref<16x2048x4096xf32, #tpu.memory_space<hbm>> -> memref<1x4x4096xf32, #tpu.memory_space<hbm>>
      %dma_wait3A_196 = tpu.memref_squeeze %dma_wait3A_195 : memref<1x4x4096xf32, #tpu.memory_space<hbm>> -> memref<4x4096xf32, #tpu.memory_space<hbm>>
      %dma_wait3A_197 = arith.constant 0 : i32
      %dma_wait3A_198 = arith.constant 0 : i32
      %dma_wait3A_199 = tpu.memref_slice %arg6[%dma_wait3A_188, %dma_wait3A_197, %dma_wait3A_198] : memref<4x4x4096xf32, #tpu.memory_space<vmem>> -> memref<1x4x4096xf32, #tpu.memory_space<vmem>>
      %dma_wait3A_200 = tpu.memref_squeeze %dma_wait3A_199 : memref<1x4x4096xf32, #tpu.memory_space<vmem>> -> memref<4x4096xf32, #tpu.memory_space<vmem>>
      %dma_wait3A_201 = arith.constant 0 : i32
      %dma_wait3A_202 = arith.constant 0 : i32
      %dma_wait3A_203 = tpu.memref_slice %arg2[%dma_wait3A_187, %dma_wait3A_201, %dma_wait3A_202] : memref<16x2048x4096xf32, #tpu.memory_space<hbm>> -> memref<1x4x4096xf32, #tpu.memory_space<hbm>>
      %dma_wait3A_204 = tpu.memref_squeeze %dma_wait3A_203 : memref<1x4x4096xf32, #tpu.memory_space<hbm>> -> memref<4x4096xf32, #tpu.memory_space<hbm>>
      tpu.wait_dma2 semaphore(%arg9 : memref<!tpu.dma_semaphore, #tpu.memory_space<semaphore_mem>>) src(%dma_wait3A_204 : memref<4x4096xf32, #tpu.memory_space<hbm>>) dst(%dma_wait3A_200 : memref<4x4096xf32, #tpu.memory_space<vmem>>)
      %scan3A_205 = arith.constant 0 : i32
      %scan3A_206 = arith.constant 0 : i32
      %scan3A_207 = arith.constant 64 : i32
      %scan3A_208 = arith.addi %scan3A_206, %scan3A_207 : i32
      %scan3A_209 = arith.constant 1 : i32
      %scan3A_210 = scf.for %scan3A_755 = %scan3A_206 to %scan3A_208 step %scan3A_209 iter_args(%scan3A_756 = %scan3A_205) -> (i32)  : i32 {
        %mul3A_757 = arith.constant 4 : i32
        %mul3A_758 = arith.muli %scan3A_755, %mul3A_757 : i32
        %add3A_759 = arith.constant 0 : i32
        %add3A_760 = arith.addi %mul3A_758, %add3A_759 : i32
        %mul3A_761 = arith.constant 16 : i32
        %mul3A_762 = arith.muli %add3A_760, %mul3A_761 : i32
        %slice3A = vector.extract_strided_slice %get3A_6 {offsets = [4], sizes = [1], strides = [1]} : vector<16xf32> to vector<1xf32>
        %squeeze3A = vector.extract %slice3A[0] : f32 from vector<1xf32>
        %get3A_763 = arith.constant 1 : i32
        %get3A_764 = arith.constant 0 : i32
        %get3A_765 = arith.index_cast %get3A_763 : i32 to index
        %get3A_766 = arith.index_cast %get3A_764 : i32 to index
        %get3A_767 = arith.index_cast %mul3A_762 : i32 to index
        %get3A_768 = tpu.vector_load %arg6[%get3A_765, %get3A_766, %get3A_767] {strides = array<i32>} : memref<4x4x4096xf32, #tpu.memory_space<vmem>>, vector<1x1x16xf32>,
        %get3A_769 = vector.shape_cast %get3A_768 : vector<1x1x16xf32> to vector<16xf32>
        %mul3A_770 = vector.broadcast %squeeze3A : f32 to vector<16xf32>
        %mul3A_771 = arith.mulf %mul3A_770, %get3A_769 : vector<16xf32>
        %slice3A_772 = vector.extract_strided_slice %get3A_6 {offsets = [5], sizes = [1], strides = [1]} : vector<16xf32> to vector<1xf32>
        %squeeze3A_773 = vector.extract %slice3A_772[0] : f32 from vector<1xf32>
        %get3A_774 = arith.constant 1 : i32
        %get3A_775 = arith.constant 1 : i32
        %get3A_776 = arith.index_cast %get3A_774 : i32 to index
        %get3A_777 = arith.index_cast %get3A_775 : i32 to index
        %get3A_778 = arith.index_cast %mul3A_762 : i32 to index
        %get3A_779 = tpu.vector_load %arg6[%get3A_776, %get3A_777, %get3A_778] {strides = array<i32>} : memref<4x4x4096xf32, #tpu.memory_space<vmem>>, vector<1x1x16xf32>,
        %get3A_780 = vector.shape_cast %get3A_779 : vector<1x1x16xf32> to vector<16xf32>
        %mul3A_781 = vector.broadcast %squeeze3A_773 : f32 to vector<16xf32>
        %mul3A_782 = arith.mulf %mul3A_781, %get3A_780 : vector<16xf32>
        %slice3A_783 = vector.extract_strided_slice %get3A_6 {offsets = [6], sizes = [1], strides = [1]} : vector<16xf32> to vector<1xf32>
        %squeeze3A_784 = vector.extract %slice3A_783[0] : f32 from vector<1xf32>
        %get3A_785 = arith.constant 1 : i32
        %get3A_786 = arith.constant 2 : i32
        %get3A_787 = arith.index_cast %get3A_785 : i32 to index
        %get3A_788 = arith.index_cast %get3A_786 : i32 to index
        %get3A_789 = arith.index_cast %mul3A_762 : i32 to index
        %get3A_790 = tpu.vector_load %arg6[%get3A_787, %get3A_788, %get3A_789] {strides = array<i32>} : memref<4x4x4096xf32, #tpu.memory_space<vmem>>, vector<1x1x16xf32>,
        %get3A_791 = vector.shape_cast %get3A_790 : vector<1x1x16xf32> to vector<16xf32>
        %mul3A_792 = vector.broadcast %squeeze3A_784 : f32 to vector<16xf32>
        %mul3A_793 = arith.mulf %mul3A_792, %get3A_791 : vector<16xf32>
        %add3A_794 = arith.addf %mul3A_771, %mul3A_793 : vector<16xf32>
        %slice3A_795 = vector.extract_strided_slice %get3A_6 {offsets = [7], sizes = [1], strides = [1]} : vector<16xf32> to vector<1xf32>
        %squeeze3A_796 = vector.extract %slice3A_795[0] : f32 from vector<1xf32>
        %get3A_797 = arith.constant 1 : i32
        %get3A_798 = arith.constant 3 : i32
        %get3A_799 = arith.index_cast %get3A_797 : i32 to index
        %get3A_800 = arith.index_cast %get3A_798 : i32 to index
        %get3A_801 = arith.index_cast %mul3A_762 : i32 to index
        %get3A_802 = tpu.vector_load %arg6[%get3A_799, %get3A_800, %get3A_801] {strides = array<i32>} : memref<4x4x4096xf32, #tpu.memory_space<vmem>>, vector<1x1x16xf32>,
        %get3A_803 = vector.shape_cast %get3A_802 : vector<1x1x16xf32> to vector<16xf32>
        %mul3A_804 = vector.broadcast %squeeze3A_796 : f32 to vector<16xf32>
        %mul3A_805 = arith.mulf %mul3A_804, %get3A_803 : vector<16xf32>
        %add3A_806 = arith.addf %mul3A_782, %mul3A_805 : vector<16xf32>
        %add3A_807 = arith.addf %add3A_794, %add3A_806 : vector<16xf32>
        %get3A_808 = arith.constant 0 : i32
        %get3A_809 = arith.index_cast %get3A_808 : i32 to index
        %get3A_810 = arith.index_cast %mul3A_762 : i32 to index
        %get3A_811 = tpu.vector_load %arg7[%get3A_809, %get3A_810] {strides = array<i32>} : memref<2x4096xf32, #tpu.memory_space<vmem>>, vector<1x16xf32>,
        %get3A_812 = vector.shape_cast %get3A_811 : vector<1x16xf32> to vector<16xf32>
        %add3A_813 = arith.addf %add3A_807, %get3A_812 : vector<16xf32>
        %swap3A = arith.constant 0 : i32
        %swap3A_814 = arith.index_cast %swap3A : i32 to index
        %swap3A_815 = arith.index_cast %mul3A_762 : i32 to index
        %swap3A_816 = tpu.vector_load %arg7[%swap3A_814, %swap3A_815] {strides = array<i32>} : memref<2x4096xf32, #tpu.memory_space<vmem>>, vector<1x16xf32>,
        %swap3A_817 = vector.shape_cast %swap3A_816 : vector<1x16xf32> to vector<16xf32>
        %swap3A_818 = vector.shape_cast %add3A_813 : vector<16xf32> to vector<1x16xf32>
        tpu.vector_store %arg7[%swap3A_814, %swap3A_815], %swap3A_818 {strides = array<i32>} : memref<2x4096xf32, #tpu.memory_space<vmem>>, vector<1x16xf32>,
        %mul3A_819 = arith.constant 4 : i32
        %mul3A_820 = arith.muli %scan3A_755, %mul3A_819 : i32
        %add3A_821 = arith.constant 1 : i32
        %add3A_822 = arith.addi %mul3A_820, %add3A_821 : i32
        %mul3A_823 = arith.constant 16 : i32
        %mul3A_824 = arith.muli %add3A_822, %mul3A_823 : i32
        %slice3A_825 = vector.extract_strided_slice %get3A_6 {offsets = [4], sizes = [1], strides = [1]} : vector<16xf32> to vector<1xf32>
        %squeeze3A_826 = vector.extract %slice3A_825[0] : f32 from vector<1xf32>
        %get3A_827 = arith.constant 1 : i32
        %get3A_828 = arith.constant 0 : i32
        %get3A_829 = arith.index_cast %get3A_827 : i32 to index
        %get3A_830 = arith.index_cast %get3A_828 : i32 to index
        %get3A_831 = arith.index_cast %mul3A_824 : i32 to index
        %get3A_832 = tpu.vector_load %arg6[%get3A_829, %get3A_830, %get3A_831] {strides = array<i32>} : memref<4x4x4096xf32, #tpu.memory_space<vmem>>, vector<1x1x16xf32>,
        %get3A_833 = vector.shape_cast %get3A_832 : vector<1x1x16xf32> to vector<16xf32>
        %mul3A_834 = vector.broadcast %squeeze3A_826 : f32 to vector<16xf32>
        %mul3A_835 = arith.mulf %mul3A_834, %get3A_833 : vector<16xf32>
        %slice3A_836 = vector.extract_strided_slice %get3A_6 {offsets = [5], sizes = [1], strides = [1]} : vector<16xf32> to vector<1xf32>
        %squeeze3A_837 = vector.extract %slice3A_836[0] : f32 from vector<1xf32>
        %get3A_838 = arith.constant 1 : i32
        %get3A_839 = arith.constant 1 : i32
        %get3A_840 = arith.index_cast %get3A_838 : i32 to index
        %get3A_841 = arith.index_cast %get3A_839 : i32 to index
        %get3A_842 = arith.index_cast %mul3A_824 : i32 to index
        %get3A_843 = tpu.vector_load %arg6[%get3A_840, %get3A_841, %get3A_842] {strides = array<i32>} : memref<4x4x4096xf32, #tpu.memory_space<vmem>>, vector<1x1x16xf32>,
        %get3A_844 = vector.shape_cast %get3A_843 : vector<1x1x16xf32> to vector<16xf32>
        %mul3A_845 = vector.broadcast %squeeze3A_837 : f32 to vector<16xf32>
        %mul3A_846 = arith.mulf %mul3A_845, %get3A_844 : vector<16xf32>
        %slice3A_847 = vector.extract_strided_slice %get3A_6 {offsets = [6], sizes = [1], strides = [1]} : vector<16xf32> to vector<1xf32>
        %squeeze3A_848 = vector.extract %slice3A_847[0] : f32 from vector<1xf32>
        %get3A_849 = arith.constant 1 : i32
        %get3A_850 = arith.constant 2 : i32
        %get3A_851 = arith.index_cast %get3A_849 : i32 to index
        %get3A_852 = arith.index_cast %get3A_850 : i32 to index
        %get3A_853 = arith.index_cast %mul3A_824 : i32 to index
        %get3A_854 = tpu.vector_load %arg6[%get3A_851, %get3A_852, %get3A_853] {strides = array<i32>} : memref<4x4x4096xf32, #tpu.memory_space<vmem>>, vector<1x1x16xf32>,
        %get3A_855 = vector.shape_cast %get3A_854 : vector<1x1x16xf32> to vector<16xf32>
        %mul3A_856 = vector.broadcast %squeeze3A_848 : f32 to vector<16xf32>
        %mul3A_857 = arith.mulf %mul3A_856, %get3A_855 : vector<16xf32>
        %add3A_858 = arith.addf %mul3A_835, %mul3A_857 : vector<16xf32>
        %slice3A_859 = vector.extract_strided_slice %get3A_6 {offsets = [7], sizes = [1], strides = [1]} : vector<16xf32> to vector<1xf32>
        %squeeze3A_860 = vector.extract %slice3A_859[0] : f32 from vector<1xf32>
        %get3A_861 = arith.constant 1 : i32
        %get3A_862 = arith.constant 3 : i32
        %get3A_863 = arith.index_cast %get3A_861 : i32 to index
        %get3A_864 = arith.index_cast %get3A_862 : i32 to index
        %get3A_865 = arith.index_cast %mul3A_824 : i32 to index
        %get3A_866 = tpu.vector_load %arg6[%get3A_863, %get3A_864, %get3A_865] {strides = array<i32>} : memref<4x4x4096xf32, #tpu.memory_space<vmem>>, vector<1x1x16xf32>,
        %get3A_867 = vector.shape_cast %get3A_866 : vector<1x1x16xf32> to vector<16xf32>
        %mul3A_868 = vector.broadcast %squeeze3A_860 : f32 to vector<16xf32>
        %mul3A_869 = arith.mulf %mul3A_868, %get3A_867 : vector<16xf32>
        %add3A_870 = arith.addf %mul3A_846, %mul3A_869 : vector<16xf32>
        %add3A_871 = arith.addf %add3A_858, %add3A_870 : vector<16xf32>
        %get3A_872 = arith.constant 0 : i32
        %get3A_873 = arith.index_cast %get3A_872 : i32 to index
        %get3A_874 = arith.index_cast %mul3A_824 : i32 to index
        %get3A_875 = tpu.vector_load %arg7[%get3A_873, %get3A_874] {strides = array<i32>} : memref<2x4096xf32, #tpu.memory_space<vmem>>, vector<1x16xf32>,
        %get3A_876 = vector.shape_cast %get3A_875 : vector<1x16xf32> to vector<16xf32>
        %add3A_877 = arith.addf %add3A_871, %get3A_876 : vector<16xf32>
        %swap3A_878 = arith.constant 0 : i32
        %swap3A_879 = arith.index_cast %swap3A_878 : i32 to index
        %swap3A_880 = arith.index_cast %mul3A_824 : i32 to index
        %swap3A_881 = tpu.vector_load %arg7[%swap3A_879, %swap3A_880] {strides = array<i32>} : memref<2x4096xf32, #tpu.memory_space<vmem>>, vector<1x16xf32>,
        %swap3A_882 = vector.shape_cast %swap3A_881 : vector<1x16xf32> to vector<16xf32>
        %swap3A_883 = vector.shape_cast %add3A_877 : vector<16xf32> to vector<1x16xf32>
        tpu.vector_store %arg7[%swap3A_879, %swap3A_880], %swap3A_883 {strides = array<i32>} : memref<2x4096xf32, #tpu.memory_space<vmem>>, vector<1x16xf32>,
        %mul3A_884 = arith.constant 4 : i32
        %mul3A_885 = arith.muli %scan3A_755, %mul3A_884 : i32
        %add3A_886 = arith.constant 2 : i32
        %add3A_887 = arith.addi %mul3A_885, %add3A_886 : i32
        %mul3A_888 = arith.constant 16 : i32
        %mul3A_889 = arith.muli %add3A_887, %mul3A_888 : i32
        %slice3A_890 = vector.extract_strided_slice %get3A_6 {offsets = [4], sizes = [1], strides = [1]} : vector<16xf32> to vector<1xf32>
        %squeeze3A_891 = vector.extract %slice3A_890[0] : f32 from vector<1xf32>
        %get3A_892 = arith.constant 1 : i32
        %get3A_893 = arith.constant 0 : i32
        %get3A_894 = arith.index_cast %get3A_892 : i32 to index
        %get3A_895 = arith.index_cast %get3A_893 : i32 to index
        %get3A_896 = arith.index_cast %mul3A_889 : i32 to index
        %get3A_897 = tpu.vector_load %arg6[%get3A_894, %get3A_895, %get3A_896] {strides = array<i32>} : memref<4x4x4096xf32, #tpu.memory_space<vmem>>, vector<1x1x16xf32>,
        %get3A_898 = vector.shape_cast %get3A_897 : vector<1x1x16xf32> to vector<16xf32>
        %mul3A_899 = vector.broadcast %squeeze3A_891 : f32 to vector<16xf32>
        %mul3A_900 = arith.mulf %mul3A_899, %get3A_898 : vector<16xf32>
        %slice3A_901 = vector.extract_strided_slice %get3A_6 {offsets = [5], sizes = [1], strides = [1]} : vector<16xf32> to vector<1xf32>
        %squeeze3A_902 = vector.extract %slice3A_901[0] : f32 from vector<1xf32>
        %get3A_903 = arith.constant 1 : i32
        %get3A_904 = arith.constant 1 : i32
        %get3A_905 = arith.index_cast %get3A_903 : i32 to index
        %get3A_906 = arith.index_cast %get3A_904 : i32 to index
        %get3A_907 = arith.index_cast %mul3A_889 : i32 to index
        %get3A_908 = tpu.vector_load %arg6[%get3A_905, %get3A_906, %get3A_907] {strides = array<i32>} : memref<4x4x4096xf32, #tpu.memory_space<vmem>>, vector<1x1x16xf32>,
        %get3A_909 = vector.shape_cast %get3A_908 : vector<1x1x16xf32> to vector<16xf32>
        %mul3A_910 = vector.broadcast %squeeze3A_902 : f32 to vector<16xf32>
        %mul3A_911 = arith.mulf %mul3A_910, %get3A_909 : vector<16xf32>
        %slice3A_912 = vector.extract_strided_slice %get3A_6 {offsets = [6], sizes = [1], strides = [1]} : vector<16xf32> to vector<1xf32>
        %squeeze3A_913 = vector.extract %slice3A_912[0] : f32 from vector<1xf32>
        %get3A_914 = arith.constant 1 : i32
        %get3A_915 = arith.constant 2 : i32
        %get3A_916 = arith.index_cast %get3A_914 : i32 to index
        %get3A_917 = arith.index_cast %get3A_915 : i32 to index
        %get3A_918 = arith.index_cast %mul3A_889 : i32 to index
        %get3A_919 = tpu.vector_load %arg6[%get3A_916, %get3A_917, %get3A_918] {strides = array<i32>} : memref<4x4x4096xf32, #tpu.memory_space<vmem>>, vector<1x1x16xf32>,
        %get3A_920 = vector.shape_cast %get3A_919 : vector<1x1x16xf32> to vector<16xf32>
        %mul3A_921 = vector.broadcast %squeeze3A_913 : f32 to vector<16xf32>
        %mul3A_922 = arith.mulf %mul3A_921, %get3A_920 : vector<16xf32>
        %add3A_923 = arith.addf %mul3A_900, %mul3A_922 : vector<16xf32>
        %slice3A_924 = vector.extract_strided_slice %get3A_6 {offsets = [7], sizes = [1], strides = [1]} : vector<16xf32> to vector<1xf32>
        %squeeze3A_925 = vector.extract %slice3A_924[0] : f32 from vector<1xf32>
        %get3A_926 = arith.constant 1 : i32
        %get3A_927 = arith.constant 3 : i32
        %get3A_928 = arith.index_cast %get3A_926 : i32 to index
        %get3A_929 = arith.index_cast %get3A_927 : i32 to index
        %get3A_930 = arith.index_cast %mul3A_889 : i32 to index
        %get3A_931 = tpu.vector_load %arg6[%get3A_928, %get3A_929, %get3A_930] {strides = array<i32>} : memref<4x4x4096xf32, #tpu.memory_space<vmem>>, vector<1x1x16xf32>,
        %get3A_932 = vector.shape_cast %get3A_931 : vector<1x1x16xf32> to vector<16xf32>
        %mul3A_933 = vector.broadcast %squeeze3A_925 : f32 to vector<16xf32>
        %mul3A_934 = arith.mulf %mul3A_933, %get3A_932 : vector<16xf32>
        %add3A_935 = arith.addf %mul3A_911, %mul3A_934 : vector<16xf32>
        %add3A_936 = arith.addf %add3A_923, %add3A_935 : vector<16xf32>
        %get3A_937 = arith.constant 0 : i32
        %get3A_938 = arith.index_cast %get3A_937 : i32 to index
        %get3A_939 = arith.index_cast %mul3A_889 : i32 to index
        %get3A_940 = tpu.vector_load %arg7[%get3A_938, %get3A_939] {strides = array<i32>} : memref<2x4096xf32, #tpu.memory_space<vmem>>, vector<1x16xf32>,
        %get3A_941 = vector.shape_cast %get3A_940 : vector<1x16xf32> to vector<16xf32>
        %add3A_942 = arith.addf %add3A_936, %get3A_941 : vector<16xf32>
        %swap3A_943 = arith.constant 0 : i32
        %swap3A_944 = arith.index_cast %swap3A_943 : i32 to index
        %swap3A_945 = arith.index_cast %mul3A_889 : i32 to index
        %swap3A_946 = tpu.vector_load %arg7[%swap3A_944, %swap3A_945] {strides = array<i32>} : memref<2x4096xf32, #tpu.memory_space<vmem>>, vector<1x16xf32>,
        %swap3A_947 = vector.shape_cast %swap3A_946 : vector<1x16xf32> to vector<16xf32>
        %swap3A_948 = vector.shape_cast %add3A_942 : vector<16xf32> to vector<1x16xf32>
        tpu.vector_store %arg7[%swap3A_944, %swap3A_945], %swap3A_948 {strides = array<i32>} : memref<2x4096xf32, #tpu.memory_space<vmem>>, vector<1x16xf32>,
        %mul3A_949 = arith.constant 4 : i32
        %mul3A_950 = arith.muli %scan3A_755, %mul3A_949 : i32
        %add3A_951 = arith.constant 3 : i32
        %add3A_952 = arith.addi %mul3A_950, %add3A_951 : i32
        %mul3A_953 = arith.constant 16 : i32
        %mul3A_954 = arith.muli %add3A_952, %mul3A_953 : i32
        %slice3A_955 = vector.extract_strided_slice %get3A_6 {offsets = [4], sizes = [1], strides = [1]} : vector<16xf32> to vector<1xf32>
        %squeeze3A_956 = vector.extract %slice3A_955[0] : f32 from vector<1xf32>
        %get3A_957 = arith.constant 1 : i32
        %get3A_958 = arith.constant 0 : i32
        %get3A_959 = arith.index_cast %get3A_957 : i32 to index
        %get3A_960 = arith.index_cast %get3A_958 : i32 to index
        %get3A_961 = arith.index_cast %mul3A_954 : i32 to index
        %get3A_962 = tpu.vector_load %arg6[%get3A_959, %get3A_960, %get3A_961] {strides = array<i32>} : memref<4x4x4096xf32, #tpu.memory_space<vmem>>, vector<1x1x16xf32>,
        %get3A_963 = vector.shape_cast %get3A_962 : vector<1x1x16xf32> to vector<16xf32>
        %mul3A_964 = vector.broadcast %squeeze3A_956 : f32 to vector<16xf32>
        %mul3A_965 = arith.mulf %mul3A_964, %get3A_963 : vector<16xf32>
        %slice3A_966 = vector.extract_strided_slice %get3A_6 {offsets = [5], sizes = [1], strides = [1]} : vector<16xf32> to vector<1xf32>
        %squeeze3A_967 = vector.extract %slice3A_966[0] : f32 from vector<1xf32>
        %get3A_968 = arith.constant 1 : i32
        %get3A_969 = arith.constant 1 : i32
        %get3A_970 = arith.index_cast %get3A_968 : i32 to index
        %get3A_971 = arith.index_cast %get3A_969 : i32 to index
        %get3A_972 = arith.index_cast %mul3A_954 : i32 to index
        %get3A_973 = tpu.vector_load %arg6[%get3A_970, %get3A_971, %get3A_972] {strides = array<i32>} : memref<4x4x4096xf32, #tpu.memory_space<vmem>>, vector<1x1x16xf32>,
        %get3A_974 = vector.shape_cast %get3A_973 : vector<1x1x16xf32> to vector<16xf32>
        %mul3A_975 = vector.broadcast %squeeze3A_967 : f32 to vector<16xf32>
        %mul3A_976 = arith.mulf %mul3A_975, %get3A_974 : vector<16xf32>
        %slice3A_977 = vector.extract_strided_slice %get3A_6 {offsets = [6], sizes = [1], strides = [1]} : vector<16xf32> to vector<1xf32>
        %squeeze3A_978 = vector.extract %slice3A_977[0] : f32 from vector<1xf32>
        %get3A_979 = arith.constant 1 : i32
        %get3A_980 = arith.constant 2 : i32
        %get3A_981 = arith.index_cast %get3A_979 : i32 to index
        %get3A_982 = arith.index_cast %get3A_980 : i32 to index
        %get3A_983 = arith.index_cast %mul3A_954 : i32 to index
        %get3A_984 = tpu.vector_load %arg6[%get3A_981, %get3A_982, %get3A_983] {strides = array<i32>} : memref<4x4x4096xf32, #tpu.memory_space<vmem>>, vector<1x1x16xf32>,
        %get3A_985 = vector.shape_cast %get3A_984 : vector<1x1x16xf32> to vector<16xf32>
        %mul3A_986 = vector.broadcast %squeeze3A_978 : f32 to vector<16xf32>
        %mul3A_987 = arith.mulf %mul3A_986, %get3A_985 : vector<16xf32>
        %add3A_988 = arith.addf %mul3A_965, %mul3A_987 : vector<16xf32>
        %slice3A_989 = vector.extract_strided_slice %get3A_6 {offsets = [7], sizes = [1], strides = [1]} : vector<16xf32> to vector<1xf32>
        %squeeze3A_990 = vector.extract %slice3A_989[0] : f32 from vector<1xf32>
        %get3A_991 = arith.constant 1 : i32
        %get3A_992 = arith.constant 3 : i32
        %get3A_993 = arith.index_cast %get3A_991 : i32 to index
        %get3A_994 = arith.index_cast %get3A_992 : i32 to index
        %get3A_995 = arith.index_cast %mul3A_954 : i32 to index
        %get3A_996 = tpu.vector_load %arg6[%get3A_993, %get3A_994, %get3A_995] {strides = array<i32>} : memref<4x4x4096xf32, #tpu.memory_space<vmem>>, vector<1x1x16xf32>,
        %get3A_997 = vector.shape_cast %get3A_996 : vector<1x1x16xf32> to vector<16xf32>
        %mul3A_998 = vector.broadcast %squeeze3A_990 : f32 to vector<16xf32>
        %mul3A_999 = arith.mulf %mul3A_998, %get3A_997 : vector<16xf32>
        %add3A_1000 = arith.addf %mul3A_976, %mul3A_999 : vector<16xf32>
        %add3A_1001 = arith.addf %add3A_988, %add3A_1000 : vector<16xf32>
        %get3A_1002 = arith.constant 0 : i32
        %get3A_1003 = arith.index_cast %get3A_1002 : i32 to index
        %get3A_1004 = arith.index_cast %mul3A_954 : i32 to index
        %get3A_1005 = tpu.vector_load %arg7[%get3A_1003, %get3A_1004] {strides = array<i32>} : memref<2x4096xf32, #tpu.memory_space<vmem>>, vector<1x16xf32>,
        %get3A_1006 = vector.shape_cast %get3A_1005 : vector<1x16xf32> to vector<16xf32>
        %add3A_1007 = arith.addf %add3A_1001, %get3A_1006 : vector<16xf32>
        %swap3A_1008 = arith.constant 0 : i32
        %swap3A_1009 = arith.index_cast %swap3A_1008 : i32 to index
        %swap3A_1010 = arith.index_cast %mul3A_954 : i32 to index
        %swap3A_1011 = tpu.vector_load %arg7[%swap3A_1009, %swap3A_1010] {strides = array<i32>} : memref<2x4096xf32, #tpu.memory_space<vmem>>, vector<1x16xf32>,
        %swap3A_1012 = vector.shape_cast %swap3A_1011 : vector<1x16xf32> to vector<16xf32>
        %swap3A_1013 = vector.shape_cast %add3A_1007 : vector<16xf32> to vector<1x16xf32>
        tpu.vector_store %arg7[%swap3A_1009, %swap3A_1010], %swap3A_1013 {strides = array<i32>} : memref<2x4096xf32, #tpu.memory_space<vmem>>, vector<1x16xf32>,
        %scan3A_1014 = arith.constant 0 : i32
        scf.yield %scan3A_1014 : i32
      }
      %scan3A_211 = arith.constant 64 : i32
      %add3A_212 = arith.constant 1 : i32
      %add3A_213 = arith.addi %add3A_118, %add3A_212 : i32
      %mul3A_214 = arith.constant 4 : i32
      %mul3A_215 = arith.muli %add3A_213, %mul3A_214 : i32
      %add3A_216 = arith.constant 1 : i32
      %add3A_217 = arith.addi %mul3A_215, %add3A_216 : i32
      %jit3A_218 = arith.constant 4 : i32
      %div3A_219 = arith.divsi %add3A_217, %jit3A_218 : i32
      %sign3A_220 = arith.constant 0 : i32
      %sign3A_221 = arith.cmpi sgt, %add3A_217, %sign3A_220 : i32
      %sign3A_222 = arith.extui %sign3A_221 : i1 to i32
      %sign3A_223 = arith.constant 0 : i32
      %sign3A_224 = arith.cmpi slt, %add3A_217, %sign3A_223 : i32
      %sign3A_225 = arith.extui %sign3A_224 : i1 to i32
      %sign3A_226 = arith.subi %sign3A_222, %sign3A_225 : i32
      %sign3A_227 = arith.constant 0 : i32
      %sign3A_228 = arith.cmpi sgt, %jit3A_218, %sign3A_227 : i32
      %sign3A_229 = arith.extui %sign3A_228 : i1 to i32
      %sign3A_230 = arith.constant 0 : i32
      %sign3A_231 = arith.cmpi slt, %jit3A_218, %sign3A_230 : i32
      %sign3A_232 = arith.extui %sign3A_231 : i1 to i32
      %sign3A_233 = arith.subi %sign3A_229, %sign3A_232 : i32
      %ne3A_234 = arith.cmpi ne, %sign3A_226, %sign3A_233 : i32
      %rem3A_235 = arith.remsi %add3A_217, %jit3A_218 : i32
      %ne3A_236 = arith.constant 0 : i32
      %ne3A_237 = arith.cmpi ne, %rem3A_235, %ne3A_236 : i32
      %and3A_238 = arith.andi %ne3A_234, %ne3A_237 : i1
      %sub3A_239 = arith.constant 1 : i32
      %sub3A_240 = arith.subi %div3A_219, %sub3A_239 : i32
      %select_n3A_241 = arith.select %and3A_238, %sub3A_240, %div3A_219 : i32
      %jit3A_242 = arith.constant 4 : i32
      %eq3A_243 = arith.constant 0 : i32
      %eq3A_244 = arith.cmpi eq, %jit3A_242, %eq3A_243 : i32
      %jit3A_245 = arith.constant 1 : i32
      %select_n3A_246 = arith.select %eq3A_244, %jit3A_245, %jit3A_242 : i32
      %rem3A_247 = arith.remsi %add3A_217, %select_n3A_246 : i32
      %ne3A_248 = arith.constant 0 : i32
      %ne3A_249 = arith.cmpi ne, %rem3A_247, %ne3A_248 : i32
      %lt3A_250 = arith.constant 0 : i32
      %lt3A_251 = arith.cmpi slt, %rem3A_247, %lt3A_250 : i32
      %lt3A_252 = arith.constant 0 : i32
      %lt3A_253 = arith.cmpi slt, %select_n3A_246, %lt3A_252 : i32
      %ne3A_254 = arith.xori %lt3A_251, %lt3A_253 : i1
      %and3A_255 = arith.andi %ne3A_254, %ne3A_249 : i1
      %add3A_256 = arith.addi %rem3A_247, %select_n3A_246 : i32
      %select_n3A_257 = arith.select %and3A_255, %add3A_256, %rem3A_247 : i32
      %lt3A_258 = arith.constant 16 : i32
      %lt3A_259 = arith.cmpi slt, %select_n3A_241, %lt3A_258 : i32
      %convert_element_type3A_260 = arith.extui %lt3A_259 : i1 to i32
      %cond3A_261 = arith.constant 0 : i32
      %cond3A_262 = arith.cmpi ne, %convert_element_type3A_260, %cond3A_261 : i32
      scf.if %cond3A_262 {
        %mul3A_755 = arith.constant 4 : i32
        %mul3A_756 = arith.muli %select_n3A_257, %mul3A_755 : i32
        %add3A_757 = arith.addi %add3A_4, %mul3A_756 : i32
        %dma_start3A_758 = arith.constant 1 : i32
        %dma_start3A_759 = arith.constant 0 : i32
        %dma_start3A_760 = arith.constant 0 : i32
        %dma_start3A_761 = tpu.memref_slice %arg6[%dma_start3A_758, %dma_start3A_759, %dma_start3A_760] : memref<4x4x4096xf32, #tpu.memory_space<vmem>> -> memref<1x4x4096xf32, #tpu.memory_space<vmem>>
        %dma_start3A_762 = tpu.memref_squeeze %dma_start3A_761 : memref<1x4x4096xf32, #tpu.memory_space<vmem>> -> memref<4x4096xf32, #tpu.memory_space<vmem>>
        %dma_start3A_763 = arith.constant 0 : i32
        %dma_start3A_764 = tpu.memref_slice %arg2[%select_n3A_241, %add3A_757, %dma_start3A_763] : memref<16x2048x4096xf32, #tpu.memory_space<hbm>> -> memref<1x4x4096xf32, #tpu.memory_space<hbm>>
        %dma_start3A_765 = tpu.memref_squeeze %dma_start3A_764 : memref<1x4x4096xf32, #tpu.memory_space<hbm>> -> memref<4x4096xf32, #tpu.memory_space<hbm>>
        %dma_start3A_766 = arith.constant 0 : i32
        %dma_start3A_767 = arith.constant 0 : i32
        %dma_start3A_768 = tpu.memref_slice %arg6[%dma_start3A_758, %dma_start3A_766, %dma_start3A_767] : memref<4x4x4096xf32, #tpu.memory_space<vmem>> -> memref<1x4x4096xf32, #tpu.memory_space<vmem>>
        %dma_start3A_769 = tpu.memref_squeeze %dma_start3A_768 : memref<1x4x4096xf32, #tpu.memory_space<vmem>> -> memref<4x4096xf32, #tpu.memory_space<vmem>>
        %dma_start3A_770 = arith.constant 0 : i32
        %dma_start3A_771 = tpu.memref_slice %arg2[%select_n3A_241, %add3A_757, %dma_start3A_770] : memref<16x2048x4096xf32, #tpu.memory_space<hbm>> -> memref<1x4x4096xf32, #tpu.memory_space<hbm>>
        %dma_start3A_772 = tpu.memref_squeeze %dma_start3A_771 : memref<1x4x4096xf32, #tpu.memory_space<hbm>> -> memref<4x4096xf32, #tpu.memory_space<hbm>>
        tpu.enqueue_dma source(%dma_start3A_772 : memref<4x4096xf32, #tpu.memory_space<hbm>>) target(%dma_start3A_769 : memref<4x4096xf32, #tpu.memory_space<vmem>>) target_semaphore(%arg9 : memref<!tpu.dma_semaphore, #tpu.memory_space<semaphore_mem>>)
      } else {
      }
      %dma_wait3A_263 = arith.constant 0 : i32
      %dma_wait3A_264 = arith.constant 2 : i32
      %dma_wait3A_265 = arith.constant 0 : i32
      %dma_wait3A_266 = arith.constant 0 : i32
      %dma_wait3A_267 = tpu.memref_slice %arg6[%dma_wait3A_264, %dma_wait3A_265, %dma_wait3A_266] : memref<4x4x4096xf32, #tpu.memory_space<vmem>> -> memref<1x4x4096xf32, #tpu.memory_space<vmem>>
      %dma_wait3A_268 = tpu.memref_squeeze %dma_wait3A_267 : memref<1x4x4096xf32, #tpu.memory_space<vmem>> -> memref<4x4096xf32, #tpu.memory_space<vmem>>
      %dma_wait3A_269 = arith.constant 0 : i32
      %dma_wait3A_270 = arith.constant 0 : i32
      %dma_wait3A_271 = tpu.memref_slice %arg2[%dma_wait3A_263, %dma_wait3A_269, %dma_wait3A_270] : memref<16x2048x4096xf32, #tpu.memory_space<hbm>> -> memref<1x4x4096xf32, #tpu.memory_space<hbm>>
      %dma_wait3A_272 = tpu.memref_squeeze %dma_wait3A_271 : memref<1x4x4096xf32, #tpu.memory_space<hbm>> -> memref<4x4096xf32, #tpu.memory_space<hbm>>
      %dma_wait3A_273 = arith.constant 0 : i32
      %dma_wait3A_274 = arith.constant 0 : i32
      %dma_wait3A_275 = tpu.memref_slice %arg6[%dma_wait3A_264, %dma_wait3A_273, %dma_wait3A_274] : memref<4x4x4096xf32, #tpu.memory_space<vmem>> -> memref<1x4x4096xf32, #tpu.memory_space<vmem>>
      %dma_wait3A_276 = tpu.memref_squeeze %dma_wait3A_275 : memref<1x4x4096xf32, #tpu.memory_space<vmem>> -> memref<4x4096xf32, #tpu.memory_space<vmem>>
      %dma_wait3A_277 = arith.constant 0 : i32
      %dma_wait3A_278 = arith.constant 0 : i32
      %dma_wait3A_279 = tpu.memref_slice %arg2[%dma_wait3A_263, %dma_wait3A_277, %dma_wait3A_278] : memref<16x2048x4096xf32, #tpu.memory_space<hbm>> -> memref<1x4x4096xf32, #tpu.memory_space<hbm>>
      %dma_wait3A_280 = tpu.memref_squeeze %dma_wait3A_279 : memref<1x4x4096xf32, #tpu.memory_space<hbm>> -> memref<4x4096xf32, #tpu.memory_space<hbm>>
      tpu.wait_dma2 semaphore(%arg10 : memref<!tpu.dma_semaphore, #tpu.memory_space<semaphore_mem>>) src(%dma_wait3A_280 : memref<4x4096xf32, #tpu.memory_space<hbm>>) dst(%dma_wait3A_276 : memref<4x4096xf32, #tpu.memory_space<vmem>>)
      %scan3A_281 = arith.constant 0 : i32
      %scan3A_282 = arith.constant 0 : i32
      %scan3A_283 = arith.constant 64 : i32
      %scan3A_284 = arith.addi %scan3A_282, %scan3A_283 : i32
      %scan3A_285 = arith.constant 1 : i32
      %scan3A_286 = scf.for %scan3A_755 = %scan3A_282 to %scan3A_284 step %scan3A_285 iter_args(%scan3A_756 = %scan3A_281) -> (i32)  : i32 {
        %mul3A_757 = arith.constant 4 : i32
        %mul3A_758 = arith.muli %scan3A_755, %mul3A_757 : i32
        %add3A_759 = arith.constant 0 : i32
        %add3A_760 = arith.addi %mul3A_758, %add3A_759 : i32
        %mul3A_761 = arith.constant 16 : i32
        %mul3A_762 = arith.muli %add3A_760, %mul3A_761 : i32
        %slice3A = vector.extract_strided_slice %get3A_6 {offsets = [8], sizes = [1], strides = [1]} : vector<16xf32> to vector<1xf32>
        %squeeze3A = vector.extract %slice3A[0] : f32 from vector<1xf32>
        %get3A_763 = arith.constant 2 : i32
        %get3A_764 = arith.constant 0 : i32
        %get3A_765 = arith.index_cast %get3A_763 : i32 to index
        %get3A_766 = arith.index_cast %get3A_764 : i32 to index
        %get3A_767 = arith.index_cast %mul3A_762 : i32 to index
        %get3A_768 = tpu.vector_load %arg6[%get3A_765, %get3A_766, %get3A_767] {strides = array<i32>} : memref<4x4x4096xf32, #tpu.memory_space<vmem>>, vector<1x1x16xf32>,
        %get3A_769 = vector.shape_cast %get3A_768 : vector<1x1x16xf32> to vector<16xf32>
        %mul3A_770 = vector.broadcast %squeeze3A : f32 to vector<16xf32>
        %mul3A_771 = arith.mulf %mul3A_770, %get3A_769 : vector<16xf32>
        %slice3A_772 = vector.extract_strided_slice %get3A_6 {offsets = [9], sizes = [1], strides = [1]} : vector<16xf32> to vector<1xf32>
        %squeeze3A_773 = vector.extract %slice3A_772[0] : f32 from vector<1xf32>
        %get3A_774 = arith.constant 2 : i32
        %get3A_775 = arith.constant 1 : i32
        %get3A_776 = arith.index_cast %get3A_774 : i32 to index
        %get3A_777 = arith.index_cast %get3A_775 : i32 to index
        %get3A_778 = arith.index_cast %mul3A_762 : i32 to index
        %get3A_779 = tpu.vector_load %arg6[%get3A_776, %get3A_777, %get3A_778] {strides = array<i32>} : memref<4x4x4096xf32, #tpu.memory_space<vmem>>, vector<1x1x16xf32>,
        %get3A_780 = vector.shape_cast %get3A_779 : vector<1x1x16xf32> to vector<16xf32>
        %mul3A_781 = vector.broadcast %squeeze3A_773 : f32 to vector<16xf32>
        %mul3A_782 = arith.mulf %mul3A_781, %get3A_780 : vector<16xf32>
        %slice3A_783 = vector.extract_strided_slice %get3A_6 {offsets = [10], sizes = [1], strides = [1]} : vector<16xf32> to vector<1xf32>
        %squeeze3A_784 = vector.extract %slice3A_783[0] : f32 from vector<1xf32>
        %get3A_785 = arith.constant 2 : i32
        %get3A_786 = arith.constant 2 : i32
        %get3A_787 = arith.index_cast %get3A_785 : i32 to index
        %get3A_788 = arith.index_cast %get3A_786 : i32 to index
        %get3A_789 = arith.index_cast %mul3A_762 : i32 to index
        %get3A_790 = tpu.vector_load %arg6[%get3A_787, %get3A_788, %get3A_789] {strides = array<i32>} : memref<4x4x4096xf32, #tpu.memory_space<vmem>>, vector<1x1x16xf32>,
        %get3A_791 = vector.shape_cast %get3A_790 : vector<1x1x16xf32> to vector<16xf32>
        %mul3A_792 = vector.broadcast %squeeze3A_784 : f32 to vector<16xf32>
        %mul3A_793 = arith.mulf %mul3A_792, %get3A_791 : vector<16xf32>
        %add3A_794 = arith.addf %mul3A_771, %mul3A_793 : vector<16xf32>
        %slice3A_795 = vector.extract_strided_slice %get3A_6 {offsets = [11], sizes = [1], strides = [1]} : vector<16xf32> to vector<1xf32>
        %squeeze3A_796 = vector.extract %slice3A_795[0] : f32 from vector<1xf32>
        %get3A_797 = arith.constant 2 : i32
        %get3A_798 = arith.constant 3 : i32
        %get3A_799 = arith.index_cast %get3A_797 : i32 to index
        %get3A_800 = arith.index_cast %get3A_798 : i32 to index
        %get3A_801 = arith.index_cast %mul3A_762 : i32 to index
        %get3A_802 = tpu.vector_load %arg6[%get3A_799, %get3A_800, %get3A_801] {strides = array<i32>} : memref<4x4x4096xf32, #tpu.memory_space<vmem>>, vector<1x1x16xf32>,
        %get3A_803 = vector.shape_cast %get3A_802 : vector<1x1x16xf32> to vector<16xf32>
        %mul3A_804 = vector.broadcast %squeeze3A_796 : f32 to vector<16xf32>
        %mul3A_805 = arith.mulf %mul3A_804, %get3A_803 : vector<16xf32>
        %add3A_806 = arith.addf %mul3A_782, %mul3A_805 : vector<16xf32>
        %add3A_807 = arith.addf %add3A_794, %add3A_806 : vector<16xf32>
        %get3A_808 = arith.constant 0 : i32
        %get3A_809 = arith.index_cast %get3A_808 : i32 to index
        %get3A_810 = arith.index_cast %mul3A_762 : i32 to index
        %get3A_811 = tpu.vector_load %arg7[%get3A_809, %get3A_810] {strides = array<i32>} : memref<2x4096xf32, #tpu.memory_space<vmem>>, vector<1x16xf32>,
        %get3A_812 = vector.shape_cast %get3A_811 : vector<1x16xf32> to vector<16xf32>
        %add3A_813 = arith.addf %add3A_807, %get3A_812 : vector<16xf32>
        %swap3A = arith.constant 0 : i32
        %swap3A_814 = arith.index_cast %swap3A : i32 to index
        %swap3A_815 = arith.index_cast %mul3A_762 : i32 to index
        %swap3A_816 = tpu.vector_load %arg7[%swap3A_814, %swap3A_815] {strides = array<i32>} : memref<2x4096xf32, #tpu.memory_space<vmem>>, vector<1x16xf32>,
        %swap3A_817 = vector.shape_cast %swap3A_816 : vector<1x16xf32> to vector<16xf32>
        %swap3A_818 = vector.shape_cast %add3A_813 : vector<16xf32> to vector<1x16xf32>
        tpu.vector_store %arg7[%swap3A_814, %swap3A_815], %swap3A_818 {strides = array<i32>} : memref<2x4096xf32, #tpu.memory_space<vmem>>, vector<1x16xf32>,
        %mul3A_819 = arith.constant 4 : i32
        %mul3A_820 = arith.muli %scan3A_755, %mul3A_819 : i32
        %add3A_821 = arith.constant 1 : i32
        %add3A_822 = arith.addi %mul3A_820, %add3A_821 : i32
        %mul3A_823 = arith.constant 16 : i32
        %mul3A_824 = arith.muli %add3A_822, %mul3A_823 : i32
        %slice3A_825 = vector.extract_strided_slice %get3A_6 {offsets = [8], sizes = [1], strides = [1]} : vector<16xf32> to vector<1xf32>
        %squeeze3A_826 = vector.extract %slice3A_825[0] : f32 from vector<1xf32>
        %get3A_827 = arith.constant 2 : i32
        %get3A_828 = arith.constant 0 : i32
        %get3A_829 = arith.index_cast %get3A_827 : i32 to index
        %get3A_830 = arith.index_cast %get3A_828 : i32 to index
        %get3A_831 = arith.index_cast %mul3A_824 : i32 to index
        %get3A_832 = tpu.vector_load %arg6[%get3A_829, %get3A_830, %get3A_831] {strides = array<i32>} : memref<4x4x4096xf32, #tpu.memory_space<vmem>>, vector<1x1x16xf32>,
        %get3A_833 = vector.shape_cast %get3A_832 : vector<1x1x16xf32> to vector<16xf32>
        %mul3A_834 = vector.broadcast %squeeze3A_826 : f32 to vector<16xf32>
        %mul3A_835 = arith.mulf %mul3A_834, %get3A_833 : vector<16xf32>
        %slice3A_836 = vector.extract_strided_slice %get3A_6 {offsets = [9], sizes = [1], strides = [1]} : vector<16xf32> to vector<1xf32>
        %squeeze3A_837 = vector.extract %slice3A_836[0] : f32 from vector<1xf32>
        %get3A_838 = arith.constant 2 : i32
        %get3A_839 = arith.constant 1 : i32
        %get3A_840 = arith.index_cast %get3A_838 : i32 to index
        %get3A_841 = arith.index_cast %get3A_839 : i32 to index
        %get3A_842 = arith.index_cast %mul3A_824 : i32 to index
        %get3A_843 = tpu.vector_load %arg6[%get3A_840, %get3A_841, %get3A_842] {strides = array<i32>} : memref<4x4x4096xf32, #tpu.memory_space<vmem>>, vector<1x1x16xf32>,
        %get3A_844 = vector.shape_cast %get3A_843 : vector<1x1x16xf32> to vector<16xf32>
        %mul3A_845 = vector.broadcast %squeeze3A_837 : f32 to vector<16xf32>
        %mul3A_846 = arith.mulf %mul3A_845, %get3A_844 : vector<16xf32>
        %slice3A_847 = vector.extract_strided_slice %get3A_6 {offsets = [10], sizes = [1], strides = [1]} : vector<16xf32> to vector<1xf32>
        %squeeze3A_848 = vector.extract %slice3A_847[0] : f32 from vector<1xf32>
        %get3A_849 = arith.constant 2 : i32
        %get3A_850 = arith.constant 2 : i32
        %get3A_851 = arith.index_cast %get3A_849 : i32 to index
        %get3A_852 = arith.index_cast %get3A_850 : i32 to index
        %get3A_853 = arith.index_cast %mul3A_824 : i32 to index
        %get3A_854 = tpu.vector_load %arg6[%get3A_851, %get3A_852, %get3A_853] {strides = array<i32>} : memref<4x4x4096xf32, #tpu.memory_space<vmem>>, vector<1x1x16xf32>,
        %get3A_855 = vector.shape_cast %get3A_854 : vector<1x1x16xf32> to vector<16xf32>
        %mul3A_856 = vector.broadcast %squeeze3A_848 : f32 to vector<16xf32>
        %mul3A_857 = arith.mulf %mul3A_856, %get3A_855 : vector<16xf32>
        %add3A_858 = arith.addf %mul3A_835, %mul3A_857 : vector<16xf32>
        %slice3A_859 = vector.extract_strided_slice %get3A_6 {offsets = [11], sizes = [1], strides = [1]} : vector<16xf32> to vector<1xf32>
        %squeeze3A_860 = vector.extract %slice3A_859[0] : f32 from vector<1xf32>
        %get3A_861 = arith.constant 2 : i32
        %get3A_862 = arith.constant 3 : i32
        %get3A_863 = arith.index_cast %get3A_861 : i32 to index
        %get3A_864 = arith.index_cast %get3A_862 : i32 to index
        %get3A_865 = arith.index_cast %mul3A_824 : i32 to index
        %get3A_866 = tpu.vector_load %arg6[%get3A_863, %get3A_864, %get3A_865] {strides = array<i32>} : memref<4x4x4096xf32, #tpu.memory_space<vmem>>, vector<1x1x16xf32>,
        %get3A_867 = vector.shape_cast %get3A_866 : vector<1x1x16xf32> to vector<16xf32>
        %mul3A_868 = vector.broadcast %squeeze3A_860 : f32 to vector<16xf32>
        %mul3A_869 = arith.mulf %mul3A_868, %get3A_867 : vector<16xf32>
        %add3A_870 = arith.addf %mul3A_846, %mul3A_869 : vector<16xf32>
        %add3A_871 = arith.addf %add3A_858, %add3A_870 : vector<16xf32>
        %get3A_872 = arith.constant 0 : i32
        %get3A_873 = arith.index_cast %get3A_872 : i32 to index
        %get3A_874 = arith.index_cast %mul3A_824 : i32 to index
        %get3A_875 = tpu.vector_load %arg7[%get3A_873, %get3A_874] {strides = array<i32>} : memref<2x4096xf32, #tpu.memory_space<vmem>>, vector<1x16xf32>,
        %get3A_876 = vector.shape_cast %get3A_875 : vector<1x16xf32> to vector<16xf32>
        %add3A_877 = arith.addf %add3A_871, %get3A_876 : vector<16xf32>
        %swap3A_878 = arith.constant 0 : i32
        %swap3A_879 = arith.index_cast %swap3A_878 : i32 to index
        %swap3A_880 = arith.index_cast %mul3A_824 : i32 to index
        %swap3A_881 = tpu.vector_load %arg7[%swap3A_879, %swap3A_880] {strides = array<i32>} : memref<2x4096xf32, #tpu.memory_space<vmem>>, vector<1x16xf32>,
        %swap3A_882 = vector.shape_cast %swap3A_881 : vector<1x16xf32> to vector<16xf32>
        %swap3A_883 = vector.shape_cast %add3A_877 : vector<16xf32> to vector<1x16xf32>
        tpu.vector_store %arg7[%swap3A_879, %swap3A_880], %swap3A_883 {strides = array<i32>} : memref<2x4096xf32, #tpu.memory_space<vmem>>, vector<1x16xf32>,
        %mul3A_884 = arith.constant 4 : i32
        %mul3A_885 = arith.muli %scan3A_755, %mul3A_884 : i32
        %add3A_886 = arith.constant 2 : i32
        %add3A_887 = arith.addi %mul3A_885, %add3A_886 : i32
        %mul3A_888 = arith.constant 16 : i32
        %mul3A_889 = arith.muli %add3A_887, %mul3A_888 : i32
        %slice3A_890 = vector.extract_strided_slice %get3A_6 {offsets = [8], sizes = [1], strides = [1]} : vector<16xf32> to vector<1xf32>
        %squeeze3A_891 = vector.extract %slice3A_890[0] : f32 from vector<1xf32>
        %get3A_892 = arith.constant 2 : i32
        %get3A_893 = arith.constant 0 : i32
        %get3A_894 = arith.index_cast %get3A_892 : i32 to index
        %get3A_895 = arith.index_cast %get3A_893 : i32 to index
        %get3A_896 = arith.index_cast %mul3A_889 : i32 to index
        %get3A_897 = tpu.vector_load %arg6[%get3A_894, %get3A_895, %get3A_896] {strides = array<i32>} : memref<4x4x4096xf32, #tpu.memory_space<vmem>>, vector<1x1x16xf32>,
        %get3A_898 = vector.shape_cast %get3A_897 : vector<1x1x16xf32> to vector<16xf32>
        %mul3A_899 = vector.broadcast %squeeze3A_891 : f32 to vector<16xf32>
        %mul3A_900 = arith.mulf %mul3A_899, %get3A_898 : vector<16xf32>
        %slice3A_901 = vector.extract_strided_slice %get3A_6 {offsets = [9], sizes = [1], strides = [1]} : vector<16xf32> to vector<1xf32>
        %squeeze3A_902 = vector.extract %slice3A_901[0] : f32 from vector<1xf32>
        %get3A_903 = arith.constant 2 : i32
        %get3A_904 = arith.constant 1 : i32
        %get3A_905 = arith.index_cast %get3A_903 : i32 to index
        %get3A_906 = arith.index_cast %get3A_904 : i32 to index
        %get3A_907 = arith.index_cast %mul3A_889 : i32 to index
        %get3A_908 = tpu.vector_load %arg6[%get3A_905, %get3A_906, %get3A_907] {strides = array<i32>} : memref<4x4x4096xf32, #tpu.memory_space<vmem>>, vector<1x1x16xf32>,
        %get3A_909 = vector.shape_cast %get3A_908 : vector<1x1x16xf32> to vector<16xf32>
        %mul3A_910 = vector.broadcast %squeeze3A_902 : f32 to vector<16xf32>
        %mul3A_911 = arith.mulf %mul3A_910, %get3A_909 : vector<16xf32>
        %slice3A_912 = vector.extract_strided_slice %get3A_6 {offsets = [10], sizes = [1], strides = [1]} : vector<16xf32> to vector<1xf32>
        %squeeze3A_913 = vector.extract %slice3A_912[0] : f32 from vector<1xf32>
        %get3A_914 = arith.constant 2 : i32
        %get3A_915 = arith.constant 2 : i32
        %get3A_916 = arith.index_cast %get3A_914 : i32 to index
        %get3A_917 = arith.index_cast %get3A_915 : i32 to index
        %get3A_918 = arith.index_cast %mul3A_889 : i32 to index
        %get3A_919 = tpu.vector_load %arg6[%get3A_916, %get3A_917, %get3A_918] {strides = array<i32>} : memref<4x4x4096xf32, #tpu.memory_space<vmem>>, vector<1x1x16xf32>,
        %get3A_920 = vector.shape_cast %get3A_919 : vector<1x1x16xf32> to vector<16xf32>
        %mul3A_921 = vector.broadcast %squeeze3A_913 : f32 to vector<16xf32>
        %mul3A_922 = arith.mulf %mul3A_921, %get3A_920 : vector<16xf32>
        %add3A_923 = arith.addf %mul3A_900, %mul3A_922 : vector<16xf32>
        %slice3A_924 = vector.extract_strided_slice %get3A_6 {offsets = [11], sizes = [1], strides = [1]} : vector<16xf32> to vector<1xf32>
        %squeeze3A_925 = vector.extract %slice3A_924[0] : f32 from vector<1xf32>
        %get3A_926 = arith.constant 2 : i32
        %get3A_927 = arith.constant 3 : i32
        %get3A_928 = arith.index_cast %get3A_926 : i32 to index
        %get3A_929 = arith.index_cast %get3A_927 : i32 to index
        %get3A_930 = arith.index_cast %mul3A_889 : i32 to index
        %get3A_931 = tpu.vector_load %arg6[%get3A_928, %get3A_929, %get3A_930] {strides = array<i32>} : memref<4x4x4096xf32, #tpu.memory_space<vmem>>, vector<1x1x16xf32>,
        %get3A_932 = vector.shape_cast %get3A_931 : vector<1x1x16xf32> to vector<16xf32>
        %mul3A_933 = vector.broadcast %squeeze3A_925 : f32 to vector<16xf32>
        %mul3A_934 = arith.mulf %mul3A_933, %get3A_932 : vector<16xf32>
        %add3A_935 = arith.addf %mul3A_911, %mul3A_934 : vector<16xf32>
        %add3A_936 = arith.addf %add3A_923, %add3A_935 : vector<16xf32>
        %get3A_937 = arith.constant 0 : i32
        %get3A_938 = arith.index_cast %get3A_937 : i32 to index
        %get3A_939 = arith.index_cast %mul3A_889 : i32 to index
        %get3A_940 = tpu.vector_load %arg7[%get3A_938, %get3A_939] {strides = array<i32>} : memref<2x4096xf32, #tpu.memory_space<vmem>>, vector<1x16xf32>,
        %get3A_941 = vector.shape_cast %get3A_940 : vector<1x16xf32> to vector<16xf32>
        %add3A_942 = arith.addf %add3A_936, %get3A_941 : vector<16xf32>
        %swap3A_943 = arith.constant 0 : i32
        %swap3A_944 = arith.index_cast %swap3A_943 : i32 to index
        %swap3A_945 = arith.index_cast %mul3A_889 : i32 to index
        %swap3A_946 = tpu.vector_load %arg7[%swap3A_944, %swap3A_945] {strides = array<i32>} : memref<2x4096xf32, #tpu.memory_space<vmem>>, vector<1x16xf32>,
        %swap3A_947 = vector.shape_cast %swap3A_946 : vector<1x16xf32> to vector<16xf32>
        %swap3A_948 = vector.shape_cast %add3A_942 : vector<16xf32> to vector<1x16xf32>
        tpu.vector_store %arg7[%swap3A_944, %swap3A_945], %swap3A_948 {strides = array<i32>} : memref<2x4096xf32, #tpu.memory_space<vmem>>, vector<1x16xf32>,
        %mul3A_949 = arith.constant 4 : i32
        %mul3A_950 = arith.muli %scan3A_755, %mul3A_949 : i32
        %add3A_951 = arith.constant 3 : i32
        %add3A_952 = arith.addi %mul3A_950, %add3A_951 : i32
        %mul3A_953 = arith.constant 16 : i32
        %mul3A_954 = arith.muli %add3A_952, %mul3A_953 : i32
        %slice3A_955 = vector.extract_strided_slice %get3A_6 {offsets = [8], sizes = [1], strides = [1]} : vector<16xf32> to vector<1xf32>
        %squeeze3A_956 = vector.extract %slice3A_955[0] : f32 from vector<1xf32>
        %get3A_957 = arith.constant 2 : i32
        %get3A_958 = arith.constant 0 : i32
        %get3A_959 = arith.index_cast %get3A_957 : i32 to index
        %get3A_960 = arith.index_cast %get3A_958 : i32 to index
        %get3A_961 = arith.index_cast %mul3A_954 : i32 to index
        %get3A_962 = tpu.vector_load %arg6[%get3A_959, %get3A_960, %get3A_961] {strides = array<i32>} : memref<4x4x4096xf32, #tpu.memory_space<vmem>>, vector<1x1x16xf32>,
        %get3A_963 = vector.shape_cast %get3A_962 : vector<1x1x16xf32> to vector<16xf32>
        %mul3A_964 = vector.broadcast %squeeze3A_956 : f32 to vector<16xf32>
        %mul3A_965 = arith.mulf %mul3A_964, %get3A_963 : vector<16xf32>
        %slice3A_966 = vector.extract_strided_slice %get3A_6 {offsets = [9], sizes = [1], strides = [1]} : vector<16xf32> to vector<1xf32>
        %squeeze3A_967 = vector.extract %slice3A_966[0] : f32 from vector<1xf32>
        %get3A_968 = arith.constant 2 : i32
        %get3A_969 = arith.constant 1 : i32
        %get3A_970 = arith.index_cast %get3A_968 : i32 to index
        %get3A_971 = arith.index_cast %get3A_969 : i32 to index
        %get3A_972 = arith.index_cast %mul3A_954 : i32 to index
        %get3A_973 = tpu.vector_load %arg6[%get3A_970, %get3A_971, %get3A_972] {strides = array<i32>} : memref<4x4x4096xf32, #tpu.memory_space<vmem>>, vector<1x1x16xf32>,
        %get3A_974 = vector.shape_cast %get3A_973 : vector<1x1x16xf32> to vector<16xf32>
        %mul3A_975 = vector.broadcast %squeeze3A_967 : f32 to vector<16xf32>
        %mul3A_976 = arith.mulf %mul3A_975, %get3A_974 : vector<16xf32>
        %slice3A_977 = vector.extract_strided_slice %get3A_6 {offsets = [10], sizes = [1], strides = [1]} : vector<16xf32> to vector<1xf32>
        %squeeze3A_978 = vector.extract %slice3A_977[0] : f32 from vector<1xf32>
        %get3A_979 = arith.constant 2 : i32
        %get3A_980 = arith.constant 2 : i32
        %get3A_981 = arith.index_cast %get3A_979 : i32 to index
        %get3A_982 = arith.index_cast %get3A_980 : i32 to index
        %get3A_983 = arith.index_cast %mul3A_954 : i32 to index
        %get3A_984 = tpu.vector_load %arg6[%get3A_981, %get3A_982, %get3A_983] {strides = array<i32>} : memref<4x4x4096xf32, #tpu.memory_space<vmem>>, vector<1x1x16xf32>,
        %get3A_985 = vector.shape_cast %get3A_984 : vector<1x1x16xf32> to vector<16xf32>
        %mul3A_986 = vector.broadcast %squeeze3A_978 : f32 to vector<16xf32>
        %mul3A_987 = arith.mulf %mul3A_986, %get3A_985 : vector<16xf32>
        %add3A_988 = arith.addf %mul3A_965, %mul3A_987 : vector<16xf32>
        %slice3A_989 = vector.extract_strided_slice %get3A_6 {offsets = [11], sizes = [1], strides = [1]} : vector<16xf32> to vector<1xf32>
        %squeeze3A_990 = vector.extract %slice3A_989[0] : f32 from vector<1xf32>
        %get3A_991 = arith.constant 2 : i32
        %get3A_992 = arith.constant 3 : i32
        %get3A_993 = arith.index_cast %get3A_991 : i32 to index
        %get3A_994 = arith.index_cast %get3A_992 : i32 to index
        %get3A_995 = arith.index_cast %mul3A_954 : i32 to index
        %get3A_996 = tpu.vector_load %arg6[%get3A_993, %get3A_994, %get3A_995] {strides = array<i32>} : memref<4x4x4096xf32, #tpu.memory_space<vmem>>, vector<1x1x16xf32>,
        %get3A_997 = vector.shape_cast %get3A_996 : vector<1x1x16xf32> to vector<16xf32>
        %mul3A_998 = vector.broadcast %squeeze3A_990 : f32 to vector<16xf32>
        %mul3A_999 = arith.mulf %mul3A_998, %get3A_997 : vector<16xf32>
        %add3A_1000 = arith.addf %mul3A_976, %mul3A_999 : vector<16xf32>
        %add3A_1001 = arith.addf %add3A_988, %add3A_1000 : vector<16xf32>
        %get3A_1002 = arith.constant 0 : i32
        %get3A_1003 = arith.index_cast %get3A_1002 : i32 to index
        %get3A_1004 = arith.index_cast %mul3A_954 : i32 to index
        %get3A_1005 = tpu.vector_load %arg7[%get3A_1003, %get3A_1004] {strides = array<i32>} : memref<2x4096xf32, #tpu.memory_space<vmem>>, vector<1x16xf32>,
        %get3A_1006 = vector.shape_cast %get3A_1005 : vector<1x16xf32> to vector<16xf32>
        %add3A_1007 = arith.addf %add3A_1001, %get3A_1006 : vector<16xf32>
        %swap3A_1008 = arith.constant 0 : i32
        %swap3A_1009 = arith.index_cast %swap3A_1008 : i32 to index
        %swap3A_1010 = arith.index_cast %mul3A_954 : i32 to index
        %swap3A_1011 = tpu.vector_load %arg7[%swap3A_1009, %swap3A_1010] {strides = array<i32>} : memref<2x4096xf32, #tpu.memory_space<vmem>>, vector<1x16xf32>,
        %swap3A_1012 = vector.shape_cast %swap3A_1011 : vector<1x16xf32> to vector<16xf32>
        %swap3A_1013 = vector.shape_cast %add3A_1007 : vector<16xf32> to vector<1x16xf32>
        tpu.vector_store %arg7[%swap3A_1009, %swap3A_1010], %swap3A_1013 {strides = array<i32>} : memref<2x4096xf32, #tpu.memory_space<vmem>>, vector<1x16xf32>,
        %scan3A_1014 = arith.constant 0 : i32
        scf.yield %scan3A_1014 : i32
      }
      %scan3A_287 = arith.constant 64 : i32
      %add3A_288 = arith.constant 1 : i32
      %add3A_289 = arith.addi %add3A_118, %add3A_288 : i32
      %mul3A_290 = arith.constant 4 : i32
      %mul3A_291 = arith.muli %add3A_289, %mul3A_290 : i32
      %add3A_292 = arith.constant 2 : i32
      %add3A_293 = arith.addi %mul3A_291, %add3A_292 : i32
      %jit3A_294 = arith.constant 4 : i32
      %div3A_295 = arith.divsi %add3A_293, %jit3A_294 : i32
      %sign3A_296 = arith.constant 0 : i32
      %sign3A_297 = arith.cmpi sgt, %add3A_293, %sign3A_296 : i32
      %sign3A_298 = arith.extui %sign3A_297 : i1 to i32
      %sign3A_299 = arith.constant 0 : i32
      %sign3A_300 = arith.cmpi slt, %add3A_293, %sign3A_299 : i32
      %sign3A_301 = arith.extui %sign3A_300 : i1 to i32
      %sign3A_302 = arith.subi %sign3A_298, %sign3A_301 : i32
      %sign3A_303 = arith.constant 0 : i32
      %sign3A_304 = arith.cmpi sgt, %jit3A_294, %sign3A_303 : i32
      %sign3A_305 = arith.extui %sign3A_304 : i1 to i32
      %sign3A_306 = arith.constant 0 : i32
      %sign3A_307 = arith.cmpi slt, %jit3A_294, %sign3A_306 : i32
      %sign3A_308 = arith.extui %sign3A_307 : i1 to i32
      %sign3A_309 = arith.subi %sign3A_305, %sign3A_308 : i32
      %ne3A_310 = arith.cmpi ne, %sign3A_302, %sign3A_309 : i32
      %rem3A_311 = arith.remsi %add3A_293, %jit3A_294 : i32
      %ne3A_312 = arith.constant 0 : i32
      %ne3A_313 = arith.cmpi ne, %rem3A_311, %ne3A_312 : i32
      %and3A_314 = arith.andi %ne3A_310, %ne3A_313 : i1
      %sub3A_315 = arith.constant 1 : i32
      %sub3A_316 = arith.subi %div3A_295, %sub3A_315 : i32
      %select_n3A_317 = arith.select %and3A_314, %sub3A_316, %div3A_295 : i32
      %jit3A_318 = arith.constant 4 : i32
      %eq3A_319 = arith.constant 0 : i32
      %eq3A_320 = arith.cmpi eq, %jit3A_318, %eq3A_319 : i32
      %jit3A_321 = arith.constant 1 : i32
      %select_n3A_322 = arith.select %eq3A_320, %jit3A_321, %jit3A_318 : i32
      %rem3A_323 = arith.remsi %add3A_293, %select_n3A_322 : i32
      %ne3A_324 = arith.constant 0 : i32
      %ne3A_325 = arith.cmpi ne, %rem3A_323, %ne3A_324 : i32
      %lt3A_326 = arith.constant 0 : i32
      %lt3A_327 = arith.cmpi slt, %rem3A_323, %lt3A_326 : i32
      %lt3A_328 = arith.constant 0 : i32
      %lt3A_329 = arith.cmpi slt, %select_n3A_322, %lt3A_328 : i32
      %ne3A_330 = arith.xori %lt3A_327, %lt3A_329 : i1
      %and3A_331 = arith.andi %ne3A_330, %ne3A_325 : i1
      %add3A_332 = arith.addi %rem3A_323, %select_n3A_322 : i32
      %select_n3A_333 = arith.select %and3A_331, %add3A_332, %rem3A_323 : i32
      %lt3A_334 = arith.constant 16 : i32
      %lt3A_335 = arith.cmpi slt, %select_n3A_317, %lt3A_334 : i32
      %convert_element_type3A_336 = arith.extui %lt3A_335 : i1 to i32
      %cond3A_337 = arith.constant 0 : i32
      %cond3A_338 = arith.cmpi ne, %convert_element_type3A_336, %cond3A_337 : i32
      scf.if %cond3A_338 {
        %mul3A_755 = arith.constant 4 : i32
        %mul3A_756 = arith.muli %select_n3A_333, %mul3A_755 : i32
        %add3A_757 = arith.addi %add3A_4, %mul3A_756 : i32
        %dma_start3A_758 = arith.constant 2 : i32
        %dma_start3A_759 = arith.constant 0 : i32
        %dma_start3A_760 = arith.constant 0 : i32
        %dma_start3A_761 = tpu.memref_slice %arg6[%dma_start3A_758, %dma_start3A_759, %dma_start3A_760] : memref<4x4x4096xf32, #tpu.memory_space<vmem>> -> memref<1x4x4096xf32, #tpu.memory_space<vmem>>
        %dma_start3A_762 = tpu.memref_squeeze %dma_start3A_761 : memref<1x4x4096xf32, #tpu.memory_space<vmem>> -> memref<4x4096xf32, #tpu.memory_space<vmem>>
        %dma_start3A_763 = arith.constant 0 : i32
        %dma_start3A_764 = tpu.memref_slice %arg2[%select_n3A_317, %add3A_757, %dma_start3A_763] : memref<16x2048x4096xf32, #tpu.memory_space<hbm>> -> memref<1x4x4096xf32, #tpu.memory_space<hbm>>
        %dma_start3A_765 = tpu.memref_squeeze %dma_start3A_764 : memref<1x4x4096xf32, #tpu.memory_space<hbm>> -> memref<4x4096xf32, #tpu.memory_space<hbm>>
        %dma_start3A_766 = arith.constant 0 : i32
        %dma_start3A_767 = arith.constant 0 : i32
        %dma_start3A_768 = tpu.memref_slice %arg6[%dma_start3A_758, %dma_start3A_766, %dma_start3A_767] : memref<4x4x4096xf32, #tpu.memory_space<vmem>> -> memref<1x4x4096xf32, #tpu.memory_space<vmem>>
        %dma_start3A_769 = tpu.memref_squeeze %dma_start3A_768 : memref<1x4x4096xf32, #tpu.memory_space<vmem>> -> memref<4x4096xf32, #tpu.memory_space<vmem>>
        %dma_start3A_770 = arith.constant 0 : i32
        %dma_start3A_771 = tpu.memref_slice %arg2[%select_n3A_317, %add3A_757, %dma_start3A_770] : memref<16x2048x4096xf32, #tpu.memory_space<hbm>> -> memref<1x4x4096xf32, #tpu.memory_space<hbm>>
        %dma_start3A_772 = tpu.memref_squeeze %dma_start3A_771 : memref<1x4x4096xf32, #tpu.memory_space<hbm>> -> memref<4x4096xf32, #tpu.memory_space<hbm>>
        tpu.enqueue_dma source(%dma_start3A_772 : memref<4x4096xf32, #tpu.memory_space<hbm>>) target(%dma_start3A_769 : memref<4x4096xf32, #tpu.memory_space<vmem>>) target_semaphore(%arg10 : memref<!tpu.dma_semaphore, #tpu.memory_space<semaphore_mem>>)
      } else {
      }
      %dma_wait3A_339 = arith.constant 0 : i32
      %dma_wait3A_340 = arith.constant 3 : i32
      %dma_wait3A_341 = arith.constant 0 : i32
      %dma_wait3A_342 = arith.constant 0 : i32
      %dma_wait3A_343 = tpu.memref_slice %arg6[%dma_wait3A_340, %dma_wait3A_341, %dma_wait3A_342] : memref<4x4x4096xf32, #tpu.memory_space<vmem>> -> memref<1x4x4096xf32, #tpu.memory_space<vmem>>
      %dma_wait3A_344 = tpu.memref_squeeze %dma_wait3A_343 : memref<1x4x4096xf32, #tpu.memory_space<vmem>> -> memref<4x4096xf32, #tpu.memory_space<vmem>>
      %dma_wait3A_345 = arith.constant 0 : i32
      %dma_wait3A_346 = arith.constant 0 : i32
      %dma_wait3A_347 = tpu.memref_slice %arg2[%dma_wait3A_339, %dma_wait3A_345, %dma_wait3A_346] : memref<16x2048x4096xf32, #tpu.memory_space<hbm>> -> memref<1x4x4096xf32, #tpu.memory_space<hbm>>
      %dma_wait3A_348 = tpu.memref_squeeze %dma_wait3A_347 : memref<1x4x4096xf32, #tpu.memory_space<hbm>> -> memref<4x4096xf32, #tpu.memory_space<hbm>>
      %dma_wait3A_349 = arith.constant 0 : i32
      %dma_wait3A_350 = arith.constant 0 : i32
      %dma_wait3A_351 = tpu.memref_slice %arg6[%dma_wait3A_340, %dma_wait3A_349, %dma_wait3A_350] : memref<4x4x4096xf32, #tpu.memory_space<vmem>> -> memref<1x4x4096xf32, #tpu.memory_space<vmem>>
      %dma_wait3A_352 = tpu.memref_squeeze %dma_wait3A_351 : memref<1x4x4096xf32, #tpu.memory_space<vmem>> -> memref<4x4096xf32, #tpu.memory_space<vmem>>
      %dma_wait3A_353 = arith.constant 0 : i32
      %dma_wait3A_354 = arith.constant 0 : i32
      %dma_wait3A_355 = tpu.memref_slice %arg2[%dma_wait3A_339, %dma_wait3A_353, %dma_wait3A_354] : memref<16x2048x4096xf32, #tpu.memory_space<hbm>> -> memref<1x4x4096xf32, #tpu.memory_space<hbm>>
      %dma_wait3A_356 = tpu.memref_squeeze %dma_wait3A_355 : memref<1x4x4096xf32, #tpu.memory_space<hbm>> -> memref<4x4096xf32, #tpu.memory_space<hbm>>
      tpu.wait_dma2 semaphore(%arg11 : memref<!tpu.dma_semaphore, #tpu.memory_space<semaphore_mem>>) src(%dma_wait3A_356 : memref<4x4096xf32, #tpu.memory_space<hbm>>) dst(%dma_wait3A_352 : memref<4x4096xf32, #tpu.memory_space<vmem>>)
      %scan3A_357 = arith.constant 0 : i32
      %scan3A_358 = arith.constant 0 : i32
      %scan3A_359 = arith.constant 64 : i32
      %scan3A_360 = arith.addi %scan3A_358, %scan3A_359 : i32
      %scan3A_361 = arith.constant 1 : i32
      %scan3A_362 = scf.for %scan3A_755 = %scan3A_358 to %scan3A_360 step %scan3A_361 iter_args(%scan3A_756 = %scan3A_357) -> (i32)  : i32 {
        %mul3A_757 = arith.constant 4 : i32
        %mul3A_758 = arith.muli %scan3A_755, %mul3A_757 : i32
        %add3A_759 = arith.constant 0 : i32
        %add3A_760 = arith.addi %mul3A_758, %add3A_759 : i32
        %mul3A_761 = arith.constant 16 : i32
        %mul3A_762 = arith.muli %add3A_760, %mul3A_761 : i32
        %slice3A = vector.extract_strided_slice %get3A_6 {offsets = [12], sizes = [1], strides = [1]} : vector<16xf32> to vector<1xf32>
        %squeeze3A = vector.extract %slice3A[0] : f32 from vector<1xf32>
        %get3A_763 = arith.constant 3 : i32
        %get3A_764 = arith.constant 0 : i32
        %get3A_765 = arith.index_cast %get3A_763 : i32 to index
        %get3A_766 = arith.index_cast %get3A_764 : i32 to index
        %get3A_767 = arith.index_cast %mul3A_762 : i32 to index
        %get3A_768 = tpu.vector_load %arg6[%get3A_765, %get3A_766, %get3A_767] {strides = array<i32>} : memref<4x4x4096xf32, #tpu.memory_space<vmem>>, vector<1x1x16xf32>,
        %get3A_769 = vector.shape_cast %get3A_768 : vector<1x1x16xf32> to vector<16xf32>
        %mul3A_770 = vector.broadcast %squeeze3A : f32 to vector<16xf32>
        %mul3A_771 = arith.mulf %mul3A_770, %get3A_769 : vector<16xf32>
        %slice3A_772 = vector.extract_strided_slice %get3A_6 {offsets = [13], sizes = [1], strides = [1]} : vector<16xf32> to vector<1xf32>
        %squeeze3A_773 = vector.extract %slice3A_772[0] : f32 from vector<1xf32>
        %get3A_774 = arith.constant 3 : i32
        %get3A_775 = arith.constant 1 : i32
        %get3A_776 = arith.index_cast %get3A_774 : i32 to index
        %get3A_777 = arith.index_cast %get3A_775 : i32 to index
        %get3A_778 = arith.index_cast %mul3A_762 : i32 to index
        %get3A_779 = tpu.vector_load %arg6[%get3A_776, %get3A_777, %get3A_778] {strides = array<i32>} : memref<4x4x4096xf32, #tpu.memory_space<vmem>>, vector<1x1x16xf32>,
        %get3A_780 = vector.shape_cast %get3A_779 : vector<1x1x16xf32> to vector<16xf32>
        %mul3A_781 = vector.broadcast %squeeze3A_773 : f32 to vector<16xf32>
        %mul3A_782 = arith.mulf %mul3A_781, %get3A_780 : vector<16xf32>
        %slice3A_783 = vector.extract_strided_slice %get3A_6 {offsets = [14], sizes = [1], strides = [1]} : vector<16xf32> to vector<1xf32>
        %squeeze3A_784 = vector.extract %slice3A_783[0] : f32 from vector<1xf32>
        %get3A_785 = arith.constant 3 : i32
        %get3A_786 = arith.constant 2 : i32
        %get3A_787 = arith.index_cast %get3A_785 : i32 to index
        %get3A_788 = arith.index_cast %get3A_786 : i32 to index
        %get3A_789 = arith.index_cast %mul3A_762 : i32 to index
        %get3A_790 = tpu.vector_load %arg6[%get3A_787, %get3A_788, %get3A_789] {strides = array<i32>} : memref<4x4x4096xf32, #tpu.memory_space<vmem>>, vector<1x1x16xf32>,
        %get3A_791 = vector.shape_cast %get3A_790 : vector<1x1x16xf32> to vector<16xf32>
        %mul3A_792 = vector.broadcast %squeeze3A_784 : f32 to vector<16xf32>
        %mul3A_793 = arith.mulf %mul3A_792, %get3A_791 : vector<16xf32>
        %add3A_794 = arith.addf %mul3A_771, %mul3A_793 : vector<16xf32>
        %slice3A_795 = vector.extract_strided_slice %get3A_6 {offsets = [15], sizes = [1], strides = [1]} : vector<16xf32> to vector<1xf32>
        %squeeze3A_796 = vector.extract %slice3A_795[0] : f32 from vector<1xf32>
        %get3A_797 = arith.constant 3 : i32
        %get3A_798 = arith.constant 3 : i32
        %get3A_799 = arith.index_cast %get3A_797 : i32 to index
        %get3A_800 = arith.index_cast %get3A_798 : i32 to index
        %get3A_801 = arith.index_cast %mul3A_762 : i32 to index
        %get3A_802 = tpu.vector_load %arg6[%get3A_799, %get3A_800, %get3A_801] {strides = array<i32>} : memref<4x4x4096xf32, #tpu.memory_space<vmem>>, vector<1x1x16xf32>,
        %get3A_803 = vector.shape_cast %get3A_802 : vector<1x1x16xf32> to vector<16xf32>
        %mul3A_804 = vector.broadcast %squeeze3A_796 : f32 to vector<16xf32>
        %mul3A_805 = arith.mulf %mul3A_804, %get3A_803 : vector<16xf32>
        %add3A_806 = arith.addf %mul3A_782, %mul3A_805 : vector<16xf32>
        %add3A_807 = arith.addf %add3A_794, %add3A_806 : vector<16xf32>
        %get3A_808 = arith.constant 0 : i32
        %get3A_809 = arith.index_cast %get3A_808 : i32 to index
        %get3A_810 = arith.index_cast %mul3A_762 : i32 to index
        %get3A_811 = tpu.vector_load %arg7[%get3A_809, %get3A_810] {strides = array<i32>} : memref<2x4096xf32, #tpu.memory_space<vmem>>, vector<1x16xf32>,
        %get3A_812 = vector.shape_cast %get3A_811 : vector<1x16xf32> to vector<16xf32>
        %add3A_813 = arith.addf %add3A_807, %get3A_812 : vector<16xf32>
        %swap3A = arith.constant 0 : i32
        %swap3A_814 = arith.index_cast %swap3A : i32 to index
        %swap3A_815 = arith.index_cast %mul3A_762 : i32 to index
        %swap3A_816 = tpu.vector_load %arg7[%swap3A_814, %swap3A_815] {strides = array<i32>} : memref<2x4096xf32, #tpu.memory_space<vmem>>, vector<1x16xf32>,
        %swap3A_817 = vector.shape_cast %swap3A_816 : vector<1x16xf32> to vector<16xf32>
        %swap3A_818 = vector.shape_cast %add3A_813 : vector<16xf32> to vector<1x16xf32>
        tpu.vector_store %arg7[%swap3A_814, %swap3A_815], %swap3A_818 {strides = array<i32>} : memref<2x4096xf32, #tpu.memory_space<vmem>>, vector<1x16xf32>,
        %mul3A_819 = arith.constant 4 : i32
        %mul3A_820 = arith.muli %scan3A_755, %mul3A_819 : i32
        %add3A_821 = arith.constant 1 : i32
        %add3A_822 = arith.addi %mul3A_820, %add3A_821 : i32
        %mul3A_823 = arith.constant 16 : i32
        %mul3A_824 = arith.muli %add3A_822, %mul3A_823 : i32
        %slice3A_825 = vector.extract_strided_slice %get3A_6 {offsets = [12], sizes = [1], strides = [1]} : vector<16xf32> to vector<1xf32>
        %squeeze3A_826 = vector.extract %slice3A_825[0] : f32 from vector<1xf32>
        %get3A_827 = arith.constant 3 : i32
        %get3A_828 = arith.constant 0 : i32
        %get3A_829 = arith.index_cast %get3A_827 : i32 to index
        %get3A_830 = arith.index_cast %get3A_828 : i32 to index
        %get3A_831 = arith.index_cast %mul3A_824 : i32 to index
        %get3A_832 = tpu.vector_load %arg6[%get3A_829, %get3A_830, %get3A_831] {strides = array<i32>} : memref<4x4x4096xf32, #tpu.memory_space<vmem>>, vector<1x1x16xf32>,
        %get3A_833 = vector.shape_cast %get3A_832 : vector<1x1x16xf32> to vector<16xf32>
        %mul3A_834 = vector.broadcast %squeeze3A_826 : f32 to vector<16xf32>
        %mul3A_835 = arith.mulf %mul3A_834, %get3A_833 : vector<16xf32>
        %slice3A_836 = vector.extract_strided_slice %get3A_6 {offsets = [13], sizes = [1], strides = [1]} : vector<16xf32> to vector<1xf32>
        %squeeze3A_837 = vector.extract %slice3A_836[0] : f32 from vector<1xf32>
        %get3A_838 = arith.constant 3 : i32
        %get3A_839 = arith.constant 1 : i32
        %get3A_840 = arith.index_cast %get3A_838 : i32 to index
        %get3A_841 = arith.index_cast %get3A_839 : i32 to index
        %get3A_842 = arith.index_cast %mul3A_824 : i32 to index
        %get3A_843 = tpu.vector_load %arg6[%get3A_840, %get3A_841, %get3A_842] {strides = array<i32>} : memref<4x4x4096xf32, #tpu.memory_space<vmem>>, vector<1x1x16xf32>,
        %get3A_844 = vector.shape_cast %get3A_843 : vector<1x1x16xf32> to vector<16xf32>
        %mul3A_845 = vector.broadcast %squeeze3A_837 : f32 to vector<16xf32>
        %mul3A_846 = arith.mulf %mul3A_845, %get3A_844 : vector<16xf32>
        %slice3A_847 = vector.extract_strided_slice %get3A_6 {offsets = [14], sizes = [1], strides = [1]} : vector<16xf32> to vector<1xf32>
        %squeeze3A_848 = vector.extract %slice3A_847[0] : f32 from vector<1xf32>
        %get3A_849 = arith.constant 3 : i32
        %get3A_850 = arith.constant 2 : i32
        %get3A_851 = arith.index_cast %get3A_849 : i32 to index
        %get3A_852 = arith.index_cast %get3A_850 : i32 to index
        %get3A_853 = arith.index_cast %mul3A_824 : i32 to index
        %get3A_854 = tpu.vector_load %arg6[%get3A_851, %get3A_852, %get3A_853] {strides = array<i32>} : memref<4x4x4096xf32, #tpu.memory_space<vmem>>, vector<1x1x16xf32>,
        %get3A_855 = vector.shape_cast %get3A_854 : vector<1x1x16xf32> to vector<16xf32>
        %mul3A_856 = vector.broadcast %squeeze3A_848 : f32 to vector<16xf32>
        %mul3A_857 = arith.mulf %mul3A_856, %get3A_855 : vector<16xf32>
        %add3A_858 = arith.addf %mul3A_835, %mul3A_857 : vector<16xf32>
        %slice3A_859 = vector.extract_strided_slice %get3A_6 {offsets = [15], sizes = [1], strides = [1]} : vector<16xf32> to vector<1xf32>
        %squeeze3A_860 = vector.extract %slice3A_859[0] : f32 from vector<1xf32>
        %get3A_861 = arith.constant 3 : i32
        %get3A_862 = arith.constant 3 : i32
        %get3A_863 = arith.index_cast %get3A_861 : i32 to index
        %get3A_864 = arith.index_cast %get3A_862 : i32 to index
        %get3A_865 = arith.index_cast %mul3A_824 : i32 to index
        %get3A_866 = tpu.vector_load %arg6[%get3A_863, %get3A_864, %get3A_865] {strides = array<i32>} : memref<4x4x4096xf32, #tpu.memory_space<vmem>>, vector<1x1x16xf32>,
        %get3A_867 = vector.shape_cast %get3A_866 : vector<1x1x16xf32> to vector<16xf32>
        %mul3A_868 = vector.broadcast %squeeze3A_860 : f32 to vector<16xf32>
        %mul3A_869 = arith.mulf %mul3A_868, %get3A_867 : vector<16xf32>
        %add3A_870 = arith.addf %mul3A_846, %mul3A_869 : vector<16xf32>
        %add3A_871 = arith.addf %add3A_858, %add3A_870 : vector<16xf32>
        %get3A_872 = arith.constant 0 : i32
        %get3A_873 = arith.index_cast %get3A_872 : i32 to index
        %get3A_874 = arith.index_cast %mul3A_824 : i32 to index
        %get3A_875 = tpu.vector_load %arg7[%get3A_873, %get3A_874] {strides = array<i32>} : memref<2x4096xf32, #tpu.memory_space<vmem>>, vector<1x16xf32>,
        %get3A_876 = vector.shape_cast %get3A_875 : vector<1x16xf32> to vector<16xf32>
        %add3A_877 = arith.addf %add3A_871, %get3A_876 : vector<16xf32>
        %swap3A_878 = arith.constant 0 : i32
        %swap3A_879 = arith.index_cast %swap3A_878 : i32 to index
        %swap3A_880 = arith.index_cast %mul3A_824 : i32 to index
        %swap3A_881 = tpu.vector_load %arg7[%swap3A_879, %swap3A_880] {strides = array<i32>} : memref<2x4096xf32, #tpu.memory_space<vmem>>, vector<1x16xf32>,
        %swap3A_882 = vector.shape_cast %swap3A_881 : vector<1x16xf32> to vector<16xf32>
        %swap3A_883 = vector.shape_cast %add3A_877 : vector<16xf32> to vector<1x16xf32>
        tpu.vector_store %arg7[%swap3A_879, %swap3A_880], %swap3A_883 {strides = array<i32>} : memref<2x4096xf32, #tpu.memory_space<vmem>>, vector<1x16xf32>,
        %mul3A_884 = arith.constant 4 : i32
        %mul3A_885 = arith.muli %scan3A_755, %mul3A_884 : i32
        %add3A_886 = arith.constant 2 : i32
        %add3A_887 = arith.addi %mul3A_885, %add3A_886 : i32
        %mul3A_888 = arith.constant 16 : i32
        %mul3A_889 = arith.muli %add3A_887, %mul3A_888 : i32
        %slice3A_890 = vector.extract_strided_slice %get3A_6 {offsets = [12], sizes = [1], strides = [1]} : vector<16xf32> to vector<1xf32>
        %squeeze3A_891 = vector.extract %slice3A_890[0] : f32 from vector<1xf32>
        %get3A_892 = arith.constant 3 : i32
        %get3A_893 = arith.constant 0 : i32
        %get3A_894 = arith.index_cast %get3A_892 : i32 to index
        %get3A_895 = arith.index_cast %get3A_893 : i32 to index
        %get3A_896 = arith.index_cast %mul3A_889 : i32 to index
        %get3A_897 = tpu.vector_load %arg6[%get3A_894, %get3A_895, %get3A_896] {strides = array<i32>} : memref<4x4x4096xf32, #tpu.memory_space<vmem>>, vector<1x1x16xf32>,
        %get3A_898 = vector.shape_cast %get3A_897 : vector<1x1x16xf32> to vector<16xf32>
        %mul3A_899 = vector.broadcast %squeeze3A_891 : f32 to vector<16xf32>
        %mul3A_900 = arith.mulf %mul3A_899, %get3A_898 : vector<16xf32>
        %slice3A_901 = vector.extract_strided_slice %get3A_6 {offsets = [13], sizes = [1], strides = [1]} : vector<16xf32> to vector<1xf32>
        %squeeze3A_902 = vector.extract %slice3A_901[0] : f32 from vector<1xf32>
        %get3A_903 = arith.constant 3 : i32
        %get3A_904 = arith.constant 1 : i32
        %get3A_905 = arith.index_cast %get3A_903 : i32 to index
        %get3A_906 = arith.index_cast %get3A_904 : i32 to index
        %get3A_907 = arith.index_cast %mul3A_889 : i32 to index
        %get3A_908 = tpu.vector_load %arg6[%get3A_905, %get3A_906, %get3A_907] {strides = array<i32>} : memref<4x4x4096xf32, #tpu.memory_space<vmem>>, vector<1x1x16xf32>,
        %get3A_909 = vector.shape_cast %get3A_908 : vector<1x1x16xf32> to vector<16xf32>
        %mul3A_910 = vector.broadcast %squeeze3A_902 : f32 to vector<16xf32>
        %mul3A_911 = arith.mulf %mul3A_910, %get3A_909 : vector<16xf32>
        %slice3A_912 = vector.extract_strided_slice %get3A_6 {offsets = [14], sizes = [1], strides = [1]} : vector<16xf32> to vector<1xf32>
        %squeeze3A_913 = vector.extract %slice3A_912[0] : f32 from vector<1xf32>
        %get3A_914 = arith.constant 3 : i32
        %get3A_915 = arith.constant 2 : i32
        %get3A_916 = arith.index_cast %get3A_914 : i32 to index
        %get3A_917 = arith.index_cast %get3A_915 : i32 to index
        %get3A_918 = arith.index_cast %mul3A_889 : i32 to index
        %get3A_919 = tpu.vector_load %arg6[%get3A_916, %get3A_917, %get3A_918] {strides = array<i32>} : memref<4x4x4096xf32, #tpu.memory_space<vmem>>, vector<1x1x16xf32>,
        %get3A_920 = vector.shape_cast %get3A_919 : vector<1x1x16xf32> to vector<16xf32>
        %mul3A_921 = vector.broadcast %squeeze3A_913 : f32 to vector<16xf32>
        %mul3A_922 = arith.mulf %mul3A_921, %get3A_920 : vector<16xf32>
        %add3A_923 = arith.addf %mul3A_900, %mul3A_922 : vector<16xf32>
        %slice3A_924 = vector.extract_strided_slice %get3A_6 {offsets = [15], sizes = [1], strides = [1]} : vector<16xf32> to vector<1xf32>
        %squeeze3A_925 = vector.extract %slice3A_924[0] : f32 from vector<1xf32>
        %get3A_926 = arith.constant 3 : i32
        %get3A_927 = arith.constant 3 : i32
        %get3A_928 = arith.index_cast %get3A_926 : i32 to index
        %get3A_929 = arith.index_cast %get3A_927 : i32 to index
        %get3A_930 = arith.index_cast %mul3A_889 : i32 to index
        %get3A_931 = tpu.vector_load %arg6[%get3A_928, %get3A_929, %get3A_930] {strides = array<i32>} : memref<4x4x4096xf32, #tpu.memory_space<vmem>>, vector<1x1x16xf32>,
        %get3A_932 = vector.shape_cast %get3A_931 : vector<1x1x16xf32> to vector<16xf32>
        %mul3A_933 = vector.broadcast %squeeze3A_925 : f32 to vector<16xf32>
        %mul3A_934 = arith.mulf %mul3A_933, %get3A_932 : vector<16xf32>
        %add3A_935 = arith.addf %mul3A_911, %mul3A_934 : vector<16xf32>
        %add3A_936 = arith.addf %add3A_923, %add3A_935 : vector<16xf32>
        %get3A_937 = arith.constant 0 : i32
        %get3A_938 = arith.index_cast %get3A_937 : i32 to index
        %get3A_939 = arith.index_cast %mul3A_889 : i32 to index
        %get3A_940 = tpu.vector_load %arg7[%get3A_938, %get3A_939] {strides = array<i32>} : memref<2x4096xf32, #tpu.memory_space<vmem>>, vector<1x16xf32>,
        %get3A_941 = vector.shape_cast %get3A_940 : vector<1x16xf32> to vector<16xf32>
        %add3A_942 = arith.addf %add3A_936, %get3A_941 : vector<16xf32>
        %swap3A_943 = arith.constant 0 : i32
        %swap3A_944 = arith.index_cast %swap3A_943 : i32 to index
        %swap3A_945 = arith.index_cast %mul3A_889 : i32 to index
        %swap3A_946 = tpu.vector_load %arg7[%swap3A_944, %swap3A_945] {strides = array<i32>} : memref<2x4096xf32, #tpu.memory_space<vmem>>, vector<1x16xf32>,
        %swap3A_947 = vector.shape_cast %swap3A_946 : vector<1x16xf32> to vector<16xf32>
        %swap3A_948 = vector.shape_cast %add3A_942 : vector<16xf32> to vector<1x16xf32>
        tpu.vector_store %arg7[%swap3A_944, %swap3A_945], %swap3A_948 {strides = array<i32>} : memref<2x4096xf32, #tpu.memory_space<vmem>>, vector<1x16xf32>,
        %mul3A_949 = arith.constant 4 : i32
        %mul3A_950 = arith.muli %scan3A_755, %mul3A_949 : i32
        %add3A_951 = arith.constant 3 : i32
        %add3A_952 = arith.addi %mul3A_950, %add3A_951 : i32
        %mul3A_953 = arith.constant 16 : i32
        %mul3A_954 = arith.muli %add3A_952, %mul3A_953 : i32
        %slice3A_955 = vector.extract_strided_slice %get3A_6 {offsets = [12], sizes = [1], strides = [1]} : vector<16xf32> to vector<1xf32>
        %squeeze3A_956 = vector.extract %slice3A_955[0] : f32 from vector<1xf32>
        %get3A_957 = arith.constant 3 : i32
        %get3A_958 = arith.constant 0 : i32
        %get3A_959 = arith.index_cast %get3A_957 : i32 to index
        %get3A_960 = arith.index_cast %get3A_958 : i32 to index
        %get3A_961 = arith.index_cast %mul3A_954 : i32 to index
        %get3A_962 = tpu.vector_load %arg6[%get3A_959, %get3A_960, %get3A_961] {strides = array<i32>} : memref<4x4x4096xf32, #tpu.memory_space<vmem>>, vector<1x1x16xf32>,
        %get3A_963 = vector.shape_cast %get3A_962 : vector<1x1x16xf32> to vector<16xf32>
        %mul3A_964 = vector.broadcast %squeeze3A_956 : f32 to vector<16xf32>
        %mul3A_965 = arith.mulf %mul3A_964, %get3A_963 : vector<16xf32>
        %slice3A_966 = vector.extract_strided_slice %get3A_6 {offsets = [13], sizes = [1], strides = [1]} : vector<16xf32> to vector<1xf32>
        %squeeze3A_967 = vector.extract %slice3A_966[0] : f32 from vector<1xf32>
        %get3A_968 = arith.constant 3 : i32
        %get3A_969 = arith.constant 1 : i32
        %get3A_970 = arith.index_cast %get3A_968 : i32 to index
        %get3A_971 = arith.index_cast %get3A_969 : i32 to index
        %get3A_972 = arith.index_cast %mul3A_954 : i32 to index
        %get3A_973 = tpu.vector_load %arg6[%get3A_970, %get3A_971, %get3A_972] {strides = array<i32>} : memref<4x4x4096xf32, #tpu.memory_space<vmem>>, vector<1x1x16xf32>,
        %get3A_974 = vector.shape_cast %get3A_973 : vector<1x1x16xf32> to vector<16xf32>
        %mul3A_975 = vector.broadcast %squeeze3A_967 : f32 to vector<16xf32>
        %mul3A_976 = arith.mulf %mul3A_975, %get3A_974 : vector<16xf32>
        %slice3A_977 = vector.extract_strided_slice %get3A_6 {offsets = [14], sizes = [1], strides = [1]} : vector<16xf32> to vector<1xf32>
        %squeeze3A_978 = vector.extract %slice3A_977[0] : f32 from vector<1xf32>
        %get3A_979 = arith.constant 3 : i32
        %get3A_980 = arith.constant 2 : i32
        %get3A_981 = arith.index_cast %get3A_979 : i32 to index
        %get3A_982 = arith.index_cast %get3A_980 : i32 to index
        %get3A_983 = arith.index_cast %mul3A_954 : i32 to index
        %get3A_984 = tpu.vector_load %arg6[%get3A_981, %get3A_982, %get3A_983] {strides = array<i32>} : memref<4x4x4096xf32, #tpu.memory_space<vmem>>, vector<1x1x16xf32>,
        %get3A_985 = vector.shape_cast %get3A_984 : vector<1x1x16xf32> to vector<16xf32>
        %mul3A_986 = vector.broadcast %squeeze3A_978 : f32 to vector<16xf32>
        %mul3A_987 = arith.mulf %mul3A_986, %get3A_985 : vector<16xf32>
        %add3A_988 = arith.addf %mul3A_965, %mul3A_987 : vector<16xf32>
        %slice3A_989 = vector.extract_strided_slice %get3A_6 {offsets = [15], sizes = [1], strides = [1]} : vector<16xf32> to vector<1xf32>
        %squeeze3A_990 = vector.extract %slice3A_989[0] : f32 from vector<1xf32>
        %get3A_991 = arith.constant 3 : i32
        %get3A_992 = arith.constant 3 : i32
        %get3A_993 = arith.index_cast %get3A_991 : i32 to index
        %get3A_994 = arith.index_cast %get3A_992 : i32 to index
        %get3A_995 = arith.index_cast %mul3A_954 : i32 to index
        %get3A_996 = tpu.vector_load %arg6[%get3A_993, %get3A_994, %get3A_995] {strides = array<i32>} : memref<4x4x4096xf32, #tpu.memory_space<vmem>>, vector<1x1x16xf32>,
        %get3A_997 = vector.shape_cast %get3A_996 : vector<1x1x16xf32> to vector<16xf32>
        %mul3A_998 = vector.broadcast %squeeze3A_990 : f32 to vector<16xf32>
        %mul3A_999 = arith.mulf %mul3A_998, %get3A_997 : vector<16xf32>
        %add3A_1000 = arith.addf %mul3A_976, %mul3A_999 : vector<16xf32>
        %add3A_1001 = arith.addf %add3A_988, %add3A_1000 : vector<16xf32>
        %get3A_1002 = arith.constant 0 : i32
        %get3A_1003 = arith.index_cast %get3A_1002 : i32 to index
        %get3A_1004 = arith.index_cast %mul3A_954 : i32 to index
        %get3A_1005 = tpu.vector_load %arg7[%get3A_1003, %get3A_1004] {strides = array<i32>} : memref<2x4096xf32, #tpu.memory_space<vmem>>, vector<1x16xf32>,
        %get3A_1006 = vector.shape_cast %get3A_1005 : vector<1x16xf32> to vector<16xf32>
        %add3A_1007 = arith.addf %add3A_1001, %get3A_1006 : vector<16xf32>
        %swap3A_1008 = arith.constant 0 : i32
        %swap3A_1009 = arith.index_cast %swap3A_1008 : i32 to index
        %swap3A_1010 = arith.index_cast %mul3A_954 : i32 to index
        %swap3A_1011 = tpu.vector_load %arg7[%swap3A_1009, %swap3A_1010] {strides = array<i32>} : memref<2x4096xf32, #tpu.memory_space<vmem>>, vector<1x16xf32>,
        %swap3A_1012 = vector.shape_cast %swap3A_1011 : vector<1x16xf32> to vector<16xf32>
        %swap3A_1013 = vector.shape_cast %add3A_1007 : vector<16xf32> to vector<1x16xf32>
        tpu.vector_store %arg7[%swap3A_1009, %swap3A_1010], %swap3A_1013 {strides = array<i32>} : memref<2x4096xf32, #tpu.memory_space<vmem>>, vector<1x16xf32>,
        %scan3A_1014 = arith.constant 0 : i32
        scf.yield %scan3A_1014 : i32
      }
      %scan3A_363 = arith.constant 64 : i32
      %add3A_364 = arith.constant 1 : i32
      %add3A_365 = arith.addi %add3A_118, %add3A_364 : i32
      %mul3A_366 = arith.constant 4 : i32
      %mul3A_367 = arith.muli %add3A_365, %mul3A_366 : i32
      %add3A_368 = arith.constant 3 : i32
      %add3A_369 = arith.addi %mul3A_367, %add3A_368 : i32
      %jit3A_370 = arith.constant 4 : i32
      %div3A_371 = arith.divsi %add3A_369, %jit3A_370 : i32
      %sign3A_372 = arith.constant 0 : i32
      %sign3A_373 = arith.cmpi sgt, %add3A_369, %sign3A_372 : i32
      %sign3A_374 = arith.extui %sign3A_373 : i1 to i32
      %sign3A_375 = arith.constant 0 : i32
      %sign3A_376 = arith.cmpi slt, %add3A_369, %sign3A_375 : i32
      %sign3A_377 = arith.extui %sign3A_376 : i1 to i32
      %sign3A_378 = arith.subi %sign3A_374, %sign3A_377 : i32
      %sign3A_379 = arith.constant 0 : i32
      %sign3A_380 = arith.cmpi sgt, %jit3A_370, %sign3A_379 : i32
      %sign3A_381 = arith.extui %sign3A_380 : i1 to i32
      %sign3A_382 = arith.constant 0 : i32
      %sign3A_383 = arith.cmpi slt, %jit3A_370, %sign3A_382 : i32
      %sign3A_384 = arith.extui %sign3A_383 : i1 to i32
      %sign3A_385 = arith.subi %sign3A_381, %sign3A_384 : i32
      %ne3A_386 = arith.cmpi ne, %sign3A_378, %sign3A_385 : i32
      %rem3A_387 = arith.remsi %add3A_369, %jit3A_370 : i32
      %ne3A_388 = arith.constant 0 : i32
      %ne3A_389 = arith.cmpi ne, %rem3A_387, %ne3A_388 : i32
      %and3A_390 = arith.andi %ne3A_386, %ne3A_389 : i1
      %sub3A_391 = arith.constant 1 : i32
      %sub3A_392 = arith.subi %div3A_371, %sub3A_391 : i32
      %select_n3A_393 = arith.select %and3A_390, %sub3A_392, %div3A_371 : i32
      %jit3A_394 = arith.constant 4 : i32
      %eq3A_395 = arith.constant 0 : i32
      %eq3A_396 = arith.cmpi eq, %jit3A_394, %eq3A_395 : i32
      %jit3A_397 = arith.constant 1 : i32
      %select_n3A_398 = arith.select %eq3A_396, %jit3A_397, %jit3A_394 : i32
      %rem3A_399 = arith.remsi %add3A_369, %select_n3A_398 : i32
      %ne3A_400 = arith.constant 0 : i32
      %ne3A_401 = arith.cmpi ne, %rem3A_399, %ne3A_400 : i32
      %lt3A_402 = arith.constant 0 : i32
      %lt3A_403 = arith.cmpi slt, %rem3A_399, %lt3A_402 : i32
      %lt3A_404 = arith.constant 0 : i32
      %lt3A_405 = arith.cmpi slt, %select_n3A_398, %lt3A_404 : i32
      %ne3A_406 = arith.xori %lt3A_403, %lt3A_405 : i1
      %and3A_407 = arith.andi %ne3A_406, %ne3A_401 : i1
      %add3A_408 = arith.addi %rem3A_399, %select_n3A_398 : i32
      %select_n3A_409 = arith.select %and3A_407, %add3A_408, %rem3A_399 : i32
      %lt3A_410 = arith.constant 16 : i32
      %lt3A_411 = arith.cmpi slt, %select_n3A_393, %lt3A_410 : i32
      %convert_element_type3A_412 = arith.extui %lt3A_411 : i1 to i32
      %cond3A_413 = arith.constant 0 : i32
      %cond3A_414 = arith.cmpi ne, %convert_element_type3A_412, %cond3A_413 : i32
      scf.if %cond3A_414 {
        %mul3A_755 = arith.constant 4 : i32
        %mul3A_756 = arith.muli %select_n3A_409, %mul3A_755 : i32
        %add3A_757 = arith.addi %add3A_4, %mul3A_756 : i32
        %dma_start3A_758 = arith.constant 3 : i32
        %dma_start3A_759 = arith.constant 0 : i32
        %dma_start3A_760 = arith.constant 0 : i32
        %dma_start3A_761 = tpu.memref_slice %arg6[%dma_start3A_758, %dma_start3A_759, %dma_start3A_760] : memref<4x4x4096xf32, #tpu.memory_space<vmem>> -> memref<1x4x4096xf32, #tpu.memory_space<vmem>>
        %dma_start3A_762 = tpu.memref_squeeze %dma_start3A_761 : memref<1x4x4096xf32, #tpu.memory_space<vmem>> -> memref<4x4096xf32, #tpu.memory_space<vmem>>
        %dma_start3A_763 = arith.constant 0 : i32
        %dma_start3A_764 = tpu.memref_slice %arg2[%select_n3A_393, %add3A_757, %dma_start3A_763] : memref<16x2048x4096xf32, #tpu.memory_space<hbm>> -> memref<1x4x4096xf32, #tpu.memory_space<hbm>>
        %dma_start3A_765 = tpu.memref_squeeze %dma_start3A_764 : memref<1x4x4096xf32, #tpu.memory_space<hbm>> -> memref<4x4096xf32, #tpu.memory_space<hbm>>
        %dma_start3A_766 = arith.constant 0 : i32
        %dma_start3A_767 = arith.constant 0 : i32
        %dma_start3A_768 = tpu.memref_slice %arg6[%dma_start3A_758, %dma_start3A_766, %dma_start3A_767] : memref<4x4x4096xf32, #tpu.memory_space<vmem>> -> memref<1x4x4096xf32, #tpu.memory_space<vmem>>
        %dma_start3A_769 = tpu.memref_squeeze %dma_start3A_768 : memref<1x4x4096xf32, #tpu.memory_space<vmem>> -> memref<4x4096xf32, #tpu.memory_space<vmem>>
        %dma_start3A_770 = arith.constant 0 : i32
        %dma_start3A_771 = tpu.memref_slice %arg2[%select_n3A_393, %add3A_757, %dma_start3A_770] : memref<16x2048x4096xf32, #tpu.memory_space<hbm>> -> memref<1x4x4096xf32, #tpu.memory_space<hbm>>
        %dma_start3A_772 = tpu.memref_squeeze %dma_start3A_771 : memref<1x4x4096xf32, #tpu.memory_space<hbm>> -> memref<4x4096xf32, #tpu.memory_space<hbm>>
        tpu.enqueue_dma source(%dma_start3A_772 : memref<4x4096xf32, #tpu.memory_space<hbm>>) target(%dma_start3A_769 : memref<4x4096xf32, #tpu.memory_space<vmem>>) target_semaphore(%arg11 : memref<!tpu.dma_semaphore, #tpu.memory_space<semaphore_mem>>)
      } else {
      }
      %dma_start3A_415 = arith.constant 0 : i32
      %dma_start3A_416 = arith.constant 0 : i32
      %dma_start3A_417 = tpu.memref_slice %arg7[%dma_start3A_415, %dma_start3A_416] : memref<2x4096xf32, #tpu.memory_space<vmem>> -> memref<1x4096xf32, #tpu.memory_space<vmem>>
      %dma_start3A_418 = tpu.memref_squeeze %dma_start3A_417 : memref<1x4096xf32, #tpu.memory_space<vmem>> -> memref<4096xf32, #tpu.memory_space<vmem>>
      %dma_start3A_419 = arith.constant 0 : i32
      %dma_start3A_420 = tpu.memref_slice %arg4[%add3A, %add3A_118, %dma_start3A_419] : memref<32x16x4096xf32, #tpu.memory_space<hbm>> -> memref<1x1x4096xf32, #tpu.memory_space<hbm>>
      %dma_start3A_421 = tpu.memref_squeeze %dma_start3A_420 : memref<1x1x4096xf32, #tpu.memory_space<hbm>> -> memref<4096xf32, #tpu.memory_space<hbm>>
      %dma_start3A_422 = arith.constant 0 : i32
      %dma_start3A_423 = tpu.memref_slice %arg4[%add3A, %add3A_118, %dma_start3A_422] : memref<32x16x4096xf32, #tpu.memory_space<hbm>> -> memref<1x1x4096xf32, #tpu.memory_space<hbm>>
      %dma_start3A_424 = tpu.memref_squeeze %dma_start3A_423 : memref<1x1x4096xf32, #tpu.memory_space<hbm>> -> memref<4096xf32, #tpu.memory_space<hbm>>
      %dma_start3A_425 = arith.constant 0 : i32
      %dma_start3A_426 = tpu.memref_slice %arg7[%dma_start3A_415, %dma_start3A_425] : memref<2x4096xf32, #tpu.memory_space<vmem>> -> memref<1x4096xf32, #tpu.memory_space<vmem>>
      %dma_start3A_427 = tpu.memref_squeeze %dma_start3A_426 : memref<1x4096xf32, #tpu.memory_space<vmem>> -> memref<4096xf32, #tpu.memory_space<vmem>>
      tpu.enqueue_dma source(%dma_start3A_427 : memref<4096xf32, #tpu.memory_space<vmem>>) target(%dma_start3A_424 : memref<4096xf32, #tpu.memory_space<hbm>>) target_semaphore(%arg12 : memref<!tpu.dma_semaphore, #tpu.memory_space<semaphore_mem>>)
      %mul3A_428 = arith.constant 2 : i32
      %mul3A_429 = arith.muli %scan3A_113, %mul3A_428 : i32
      %add3A_430 = arith.constant 1 : i32
      %add3A_431 = arith.addi %mul3A_429, %add3A_430 : i32
      %gt3A_432 = arith.constant 0 : i32
      %gt3A_433 = arith.cmpi sgt, %scan3A_113, %gt3A_432 : i32
      %convert_element_type3A_434 = arith.extui %gt3A_433 : i1 to i32
      %cond3A_435 = arith.constant 0 : i32
      %cond3A_436 = arith.cmpi ne, %convert_element_type3A_434, %cond3A_435 : i32
      scf.if %cond3A_436 {
        %dma_wait3A_755 = arith.constant 0 : i32
        %dma_wait3A_756 = arith.constant 0 : i32
        %dma_wait3A_757 = arith.constant 0 : i32
        %dma_wait3A_758 = arith.constant 0 : i32
        %dma_wait3A_759 = tpu.memref_slice %arg7[%dma_wait3A_755, %dma_wait3A_758] : memref<2x4096xf32, #tpu.memory_space<vmem>> -> memref<1x4096xf32, #tpu.memory_space<vmem>>
        %dma_wait3A_760 = tpu.memref_squeeze %dma_wait3A_759 : memref<1x4096xf32, #tpu.memory_space<vmem>> -> memref<4096xf32, #tpu.memory_space<vmem>>
        %dma_wait3A_761 = arith.constant 0 : i32
        %dma_wait3A_762 = tpu.memref_slice %arg4[%dma_wait3A_756, %dma_wait3A_757, %dma_wait3A_761] : memref<32x16x4096xf32, #tpu.memory_space<hbm>> -> memref<1x1x4096xf32, #tpu.memory_space<hbm>>
        %dma_wait3A_763 = tpu.memref_squeeze %dma_wait3A_762 : memref<1x1x4096xf32, #tpu.memory_space<hbm>> -> memref<4096xf32, #tpu.memory_space<hbm>>
        %dma_wait3A_764 = arith.constant 0 : i32
        %dma_wait3A_765 = tpu.memref_slice %arg4[%dma_wait3A_756, %dma_wait3A_757, %dma_wait3A_764] : memref<32x16x4096xf32, #tpu.memory_space<hbm>> -> memref<1x1x4096xf32, #tpu.memory_space<hbm>>
        %dma_wait3A_766 = tpu.memref_squeeze %dma_wait3A_765 : memref<1x1x4096xf32, #tpu.memory_space<hbm>> -> memref<4096xf32, #tpu.memory_space<hbm>>
        %dma_wait3A_767 = arith.constant 0 : i32
        %dma_wait3A_768 = tpu.memref_slice %arg7[%dma_wait3A_755, %dma_wait3A_767] : memref<2x4096xf32, #tpu.memory_space<vmem>> -> memref<1x4096xf32, #tpu.memory_space<vmem>>
        %dma_wait3A_769 = tpu.memref_squeeze %dma_wait3A_768 : memref<1x4096xf32, #tpu.memory_space<vmem>> -> memref<4096xf32, #tpu.memory_space<vmem>>
        tpu.wait_dma2 semaphore(%arg12 : memref<!tpu.dma_semaphore, #tpu.memory_space<semaphore_mem>>) src(%dma_wait3A_769 : memref<4096xf32, #tpu.memory_space<vmem>>) dst(%dma_wait3A_766 : memref<4096xf32, #tpu.memory_space<hbm>>)
      } else {
      }
      %dma_wait3A_437 = arith.constant 0 : i32
      %dma_wait3A_438 = arith.constant 0 : i32
      %dma_wait3A_439 = arith.constant 0 : i32
      %dma_wait3A_440 = arith.constant 0 : i32
      %dma_wait3A_441 = tpu.memref_slice %arg6[%dma_wait3A_438, %dma_wait3A_439, %dma_wait3A_440] : memref<4x4x4096xf32, #tpu.memory_space<vmem>> -> memref<1x4x4096xf32, #tpu.memory_space<vmem>>
      %dma_wait3A_442 = tpu.memref_squeeze %dma_wait3A_441 : memref<1x4x4096xf32, #tpu.memory_space<vmem>> -> memref<4x4096xf32, #tpu.memory_space<vmem>>
      %dma_wait3A_443 = arith.constant 0 : i32
      %dma_wait3A_444 = arith.constant 0 : i32
      %dma_wait3A_445 = tpu.memref_slice %arg2[%dma_wait3A_437, %dma_wait3A_443, %dma_wait3A_444] : memref<16x2048x4096xf32, #tpu.memory_space<hbm>> -> memref<1x4x4096xf32, #tpu.memory_space<hbm>>
      %dma_wait3A_446 = tpu.memref_squeeze %dma_wait3A_445 : memref<1x4x4096xf32, #tpu.memory_space<hbm>> -> memref<4x4096xf32, #tpu.memory_space<hbm>>
      %dma_wait3A_447 = arith.constant 0 : i32
      %dma_wait3A_448 = arith.constant 0 : i32
      %dma_wait3A_449 = tpu.memref_slice %arg6[%dma_wait3A_438, %dma_wait3A_447, %dma_wait3A_448] : memref<4x4x4096xf32, #tpu.memory_space<vmem>> -> memref<1x4x4096xf32, #tpu.memory_space<vmem>>
      %dma_wait3A_450 = tpu.memref_squeeze %dma_wait3A_449 : memref<1x4x4096xf32, #tpu.memory_space<vmem>> -> memref<4x4096xf32, #tpu.memory_space<vmem>>
      %dma_wait3A_451 = arith.constant 0 : i32
      %dma_wait3A_452 = arith.constant 0 : i32
      %dma_wait3A_453 = tpu.memref_slice %arg2[%dma_wait3A_437, %dma_wait3A_451, %dma_wait3A_452] : memref<16x2048x4096xf32, #tpu.memory_space<hbm>> -> memref<1x4x4096xf32, #tpu.memory_space<hbm>>
      %dma_wait3A_454 = tpu.memref_squeeze %dma_wait3A_453 : memref<1x4x4096xf32, #tpu.memory_space<hbm>> -> memref<4x4096xf32, #tpu.memory_space<hbm>>
      tpu.wait_dma2 semaphore(%arg8 : memref<!tpu.dma_semaphore, #tpu.memory_space<semaphore_mem>>) src(%dma_wait3A_454 : memref<4x4096xf32, #tpu.memory_space<hbm>>) dst(%dma_wait3A_450 : memref<4x4096xf32, #tpu.memory_space<vmem>>)
      %scan3A_455 = arith.constant 0 : i32
      %scan3A_456 = arith.constant 0 : i32
      %scan3A_457 = arith.constant 64 : i32
      %scan3A_458 = arith.addi %scan3A_456, %scan3A_457 : i32
      %scan3A_459 = arith.constant 1 : i32
      %scan3A_460 = scf.for %scan3A_755 = %scan3A_456 to %scan3A_458 step %scan3A_459 iter_args(%scan3A_756 = %scan3A_455) -> (i32)  : i32 {
        %mul3A_757 = arith.constant 4 : i32
        %mul3A_758 = arith.muli %scan3A_755, %mul3A_757 : i32
        %add3A_759 = arith.constant 0 : i32
        %add3A_760 = arith.addi %mul3A_758, %add3A_759 : i32
        %mul3A_761 = arith.constant 16 : i32
        %mul3A_762 = arith.muli %add3A_760, %mul3A_761 : i32
        %slice3A = vector.extract_strided_slice %get3A_6 {offsets = [0], sizes = [1], strides = [1]} : vector<16xf32> to vector<1xf32>
        %squeeze3A = vector.extract %slice3A[0] : f32 from vector<1xf32>
        %get3A_763 = arith.constant 0 : i32
        %get3A_764 = arith.constant 0 : i32
        %get3A_765 = arith.index_cast %get3A_763 : i32 to index
        %get3A_766 = arith.index_cast %get3A_764 : i32 to index
        %get3A_767 = arith.index_cast %mul3A_762 : i32 to index
        %get3A_768 = tpu.vector_load %arg6[%get3A_765, %get3A_766, %get3A_767] {strides = array<i32>} : memref<4x4x4096xf32, #tpu.memory_space<vmem>>, vector<1x1x16xf32>,
        %get3A_769 = vector.shape_cast %get3A_768 : vector<1x1x16xf32> to vector<16xf32>
        %mul3A_770 = vector.broadcast %squeeze3A : f32 to vector<16xf32>
        %mul3A_771 = arith.mulf %mul3A_770, %get3A_769 : vector<16xf32>
        %slice3A_772 = vector.extract_strided_slice %get3A_6 {offsets = [1], sizes = [1], strides = [1]} : vector<16xf32> to vector<1xf32>
        %squeeze3A_773 = vector.extract %slice3A_772[0] : f32 from vector<1xf32>
        %get3A_774 = arith.constant 0 : i32
        %get3A_775 = arith.constant 1 : i32
        %get3A_776 = arith.index_cast %get3A_774 : i32 to index
        %get3A_777 = arith.index_cast %get3A_775 : i32 to index
        %get3A_778 = arith.index_cast %mul3A_762 : i32 to index
        %get3A_779 = tpu.vector_load %arg6[%get3A_776, %get3A_777, %get3A_778] {strides = array<i32>} : memref<4x4x4096xf32, #tpu.memory_space<vmem>>, vector<1x1x16xf32>,
        %get3A_780 = vector.shape_cast %get3A_779 : vector<1x1x16xf32> to vector<16xf32>
        %mul3A_781 = vector.broadcast %squeeze3A_773 : f32 to vector<16xf32>
        %mul3A_782 = arith.mulf %mul3A_781, %get3A_780 : vector<16xf32>
        %slice3A_783 = vector.extract_strided_slice %get3A_6 {offsets = [2], sizes = [1], strides = [1]} : vector<16xf32> to vector<1xf32>
        %squeeze3A_784 = vector.extract %slice3A_783[0] : f32 from vector<1xf32>
        %get3A_785 = arith.constant 0 : i32
        %get3A_786 = arith.constant 2 : i32
        %get3A_787 = arith.index_cast %get3A_785 : i32 to index
        %get3A_788 = arith.index_cast %get3A_786 : i32 to index
        %get3A_789 = arith.index_cast %mul3A_762 : i32 to index
        %get3A_790 = tpu.vector_load %arg6[%get3A_787, %get3A_788, %get3A_789] {strides = array<i32>} : memref<4x4x4096xf32, #tpu.memory_space<vmem>>, vector<1x1x16xf32>,
        %get3A_791 = vector.shape_cast %get3A_790 : vector<1x1x16xf32> to vector<16xf32>
        %mul3A_792 = vector.broadcast %squeeze3A_784 : f32 to vector<16xf32>
        %mul3A_793 = arith.mulf %mul3A_792, %get3A_791 : vector<16xf32>
        %add3A_794 = arith.addf %mul3A_771, %mul3A_793 : vector<16xf32>
        %slice3A_795 = vector.extract_strided_slice %get3A_6 {offsets = [3], sizes = [1], strides = [1]} : vector<16xf32> to vector<1xf32>
        %squeeze3A_796 = vector.extract %slice3A_795[0] : f32 from vector<1xf32>
        %get3A_797 = arith.constant 0 : i32
        %get3A_798 = arith.constant 3 : i32
        %get3A_799 = arith.index_cast %get3A_797 : i32 to index
        %get3A_800 = arith.index_cast %get3A_798 : i32 to index
        %get3A_801 = arith.index_cast %mul3A_762 : i32 to index
        %get3A_802 = tpu.vector_load %arg6[%get3A_799, %get3A_800, %get3A_801] {strides = array<i32>} : memref<4x4x4096xf32, #tpu.memory_space<vmem>>, vector<1x1x16xf32>,
        %get3A_803 = vector.shape_cast %get3A_802 : vector<1x1x16xf32> to vector<16xf32>
        %mul3A_804 = vector.broadcast %squeeze3A_796 : f32 to vector<16xf32>
        %mul3A_805 = arith.mulf %mul3A_804, %get3A_803 : vector<16xf32>
        %add3A_806 = arith.addf %mul3A_782, %mul3A_805 : vector<16xf32>
        %add3A_807 = arith.addf %add3A_794, %add3A_806 : vector<16xf32>
        %swap3A = arith.constant 1 : i32
        %swap3A_808 = arith.index_cast %swap3A : i32 to index
        %swap3A_809 = arith.index_cast %mul3A_762 : i32 to index
        %swap3A_810 = tpu.vector_load %arg7[%swap3A_808, %swap3A_809] {strides = array<i32>} : memref<2x4096xf32, #tpu.memory_space<vmem>>, vector<1x16xf32>,
        %swap3A_811 = vector.shape_cast %swap3A_810 : vector<1x16xf32> to vector<16xf32>
        %swap3A_812 = vector.shape_cast %add3A_807 : vector<16xf32> to vector<1x16xf32>
        tpu.vector_store %arg7[%swap3A_808, %swap3A_809], %swap3A_812 {strides = array<i32>} : memref<2x4096xf32, #tpu.memory_space<vmem>>, vector<1x16xf32>,
        %mul3A_813 = arith.constant 4 : i32
        %mul3A_814 = arith.muli %scan3A_755, %mul3A_813 : i32
        %add3A_815 = arith.constant 1 : i32
        %add3A_816 = arith.addi %mul3A_814, %add3A_815 : i32
        %mul3A_817 = arith.constant 16 : i32
        %mul3A_818 = arith.muli %add3A_816, %mul3A_817 : i32
        %slice3A_819 = vector.extract_strided_slice %get3A_6 {offsets = [0], sizes = [1], strides = [1]} : vector<16xf32> to vector<1xf32>
        %squeeze3A_820 = vector.extract %slice3A_819[0] : f32 from vector<1xf32>
        %get3A_821 = arith.constant 0 : i32
        %get3A_822 = arith.constant 0 : i32
        %get3A_823 = arith.index_cast %get3A_821 : i32 to index
        %get3A_824 = arith.index_cast %get3A_822 : i32 to index
        %get3A_825 = arith.index_cast %mul3A_818 : i32 to index
        %get3A_826 = tpu.vector_load %arg6[%get3A_823, %get3A_824, %get3A_825] {strides = array<i32>} : memref<4x4x4096xf32, #tpu.memory_space<vmem>>, vector<1x1x16xf32>,
        %get3A_827 = vector.shape_cast %get3A_826 : vector<1x1x16xf32> to vector<16xf32>
        %mul3A_828 = vector.broadcast %squeeze3A_820 : f32 to vector<16xf32>
        %mul3A_829 = arith.mulf %mul3A_828, %get3A_827 : vector<16xf32>
        %slice3A_830 = vector.extract_strided_slice %get3A_6 {offsets = [1], sizes = [1], strides = [1]} : vector<16xf32> to vector<1xf32>
        %squeeze3A_831 = vector.extract %slice3A_830[0] : f32 from vector<1xf32>
        %get3A_832 = arith.constant 0 : i32
        %get3A_833 = arith.constant 1 : i32
        %get3A_834 = arith.index_cast %get3A_832 : i32 to index
        %get3A_835 = arith.index_cast %get3A_833 : i32 to index
        %get3A_836 = arith.index_cast %mul3A_818 : i32 to index
        %get3A_837 = tpu.vector_load %arg6[%get3A_834, %get3A_835, %get3A_836] {strides = array<i32>} : memref<4x4x4096xf32, #tpu.memory_space<vmem>>, vector<1x1x16xf32>,
        %get3A_838 = vector.shape_cast %get3A_837 : vector<1x1x16xf32> to vector<16xf32>
        %mul3A_839 = vector.broadcast %squeeze3A_831 : f32 to vector<16xf32>
        %mul3A_840 = arith.mulf %mul3A_839, %get3A_838 : vector<16xf32>
        %slice3A_841 = vector.extract_strided_slice %get3A_6 {offsets = [2], sizes = [1], strides = [1]} : vector<16xf32> to vector<1xf32>
        %squeeze3A_842 = vector.extract %slice3A_841[0] : f32 from vector<1xf32>
        %get3A_843 = arith.constant 0 : i32
        %get3A_844 = arith.constant 2 : i32
        %get3A_845 = arith.index_cast %get3A_843 : i32 to index
        %get3A_846 = arith.index_cast %get3A_844 : i32 to index
        %get3A_847 = arith.index_cast %mul3A_818 : i32 to index
        %get3A_848 = tpu.vector_load %arg6[%get3A_845, %get3A_846, %get3A_847] {strides = array<i32>} : memref<4x4x4096xf32, #tpu.memory_space<vmem>>, vector<1x1x16xf32>,
        %get3A_849 = vector.shape_cast %get3A_848 : vector<1x1x16xf32> to vector<16xf32>
        %mul3A_850 = vector.broadcast %squeeze3A_842 : f32 to vector<16xf32>
        %mul3A_851 = arith.mulf %mul3A_850, %get3A_849 : vector<16xf32>
        %add3A_852 = arith.addf %mul3A_829, %mul3A_851 : vector<16xf32>
        %slice3A_853 = vector.extract_strided_slice %get3A_6 {offsets = [3], sizes = [1], strides = [1]} : vector<16xf32> to vector<1xf32>
        %squeeze3A_854 = vector.extract %slice3A_853[0] : f32 from vector<1xf32>
        %get3A_855 = arith.constant 0 : i32
        %get3A_856 = arith.constant 3 : i32
        %get3A_857 = arith.index_cast %get3A_855 : i32 to index
        %get3A_858 = arith.index_cast %get3A_856 : i32 to index
        %get3A_859 = arith.index_cast %mul3A_818 : i32 to index
        %get3A_860 = tpu.vector_load %arg6[%get3A_857, %get3A_858, %get3A_859] {strides = array<i32>} : memref<4x4x4096xf32, #tpu.memory_space<vmem>>, vector<1x1x16xf32>,
        %get3A_861 = vector.shape_cast %get3A_860 : vector<1x1x16xf32> to vector<16xf32>
        %mul3A_862 = vector.broadcast %squeeze3A_854 : f32 to vector<16xf32>
        %mul3A_863 = arith.mulf %mul3A_862, %get3A_861 : vector<16xf32>
        %add3A_864 = arith.addf %mul3A_840, %mul3A_863 : vector<16xf32>
        %add3A_865 = arith.addf %add3A_852, %add3A_864 : vector<16xf32>
        %swap3A_866 = arith.constant 1 : i32
        %swap3A_867 = arith.index_cast %swap3A_866 : i32 to index
        %swap3A_868 = arith.index_cast %mul3A_818 : i32 to index
        %swap3A_869 = tpu.vector_load %arg7[%swap3A_867, %swap3A_868] {strides = array<i32>} : memref<2x4096xf32, #tpu.memory_space<vmem>>, vector<1x16xf32>,
        %swap3A_870 = vector.shape_cast %swap3A_869 : vector<1x16xf32> to vector<16xf32>
        %swap3A_871 = vector.shape_cast %add3A_865 : vector<16xf32> to vector<1x16xf32>
        tpu.vector_store %arg7[%swap3A_867, %swap3A_868], %swap3A_871 {strides = array<i32>} : memref<2x4096xf32, #tpu.memory_space<vmem>>, vector<1x16xf32>,
        %mul3A_872 = arith.constant 4 : i32
        %mul3A_873 = arith.muli %scan3A_755, %mul3A_872 : i32
        %add3A_874 = arith.constant 2 : i32
        %add3A_875 = arith.addi %mul3A_873, %add3A_874 : i32
        %mul3A_876 = arith.constant 16 : i32
        %mul3A_877 = arith.muli %add3A_875, %mul3A_876 : i32
        %slice3A_878 = vector.extract_strided_slice %get3A_6 {offsets = [0], sizes = [1], strides = [1]} : vector<16xf32> to vector<1xf32>
        %squeeze3A_879 = vector.extract %slice3A_878[0] : f32 from vector<1xf32>
        %get3A_880 = arith.constant 0 : i32
        %get3A_881 = arith.constant 0 : i32
        %get3A_882 = arith.index_cast %get3A_880 : i32 to index
        %get3A_883 = arith.index_cast %get3A_881 : i32 to index
        %get3A_884 = arith.index_cast %mul3A_877 : i32 to index
        %get3A_885 = tpu.vector_load %arg6[%get3A_882, %get3A_883, %get3A_884] {strides = array<i32>} : memref<4x4x4096xf32, #tpu.memory_space<vmem>>, vector<1x1x16xf32>,
        %get3A_886 = vector.shape_cast %get3A_885 : vector<1x1x16xf32> to vector<16xf32>
        %mul3A_887 = vector.broadcast %squeeze3A_879 : f32 to vector<16xf32>
        %mul3A_888 = arith.mulf %mul3A_887, %get3A_886 : vector<16xf32>
        %slice3A_889 = vector.extract_strided_slice %get3A_6 {offsets = [1], sizes = [1], strides = [1]} : vector<16xf32> to vector<1xf32>
        %squeeze3A_890 = vector.extract %slice3A_889[0] : f32 from vector<1xf32>
        %get3A_891 = arith.constant 0 : i32
        %get3A_892 = arith.constant 1 : i32
        %get3A_893 = arith.index_cast %get3A_891 : i32 to index
        %get3A_894 = arith.index_cast %get3A_892 : i32 to index
        %get3A_895 = arith.index_cast %mul3A_877 : i32 to index
        %get3A_896 = tpu.vector_load %arg6[%get3A_893, %get3A_894, %get3A_895] {strides = array<i32>} : memref<4x4x4096xf32, #tpu.memory_space<vmem>>, vector<1x1x16xf32>,
        %get3A_897 = vector.shape_cast %get3A_896 : vector<1x1x16xf32> to vector<16xf32>
        %mul3A_898 = vector.broadcast %squeeze3A_890 : f32 to vector<16xf32>
        %mul3A_899 = arith.mulf %mul3A_898, %get3A_897 : vector<16xf32>
        %slice3A_900 = vector.extract_strided_slice %get3A_6 {offsets = [2], sizes = [1], strides = [1]} : vector<16xf32> to vector<1xf32>
        %squeeze3A_901 = vector.extract %slice3A_900[0] : f32 from vector<1xf32>
        %get3A_902 = arith.constant 0 : i32
        %get3A_903 = arith.constant 2 : i32
        %get3A_904 = arith.index_cast %get3A_902 : i32 to index
        %get3A_905 = arith.index_cast %get3A_903 : i32 to index
        %get3A_906 = arith.index_cast %mul3A_877 : i32 to index
        %get3A_907 = tpu.vector_load %arg6[%get3A_904, %get3A_905, %get3A_906] {strides = array<i32>} : memref<4x4x4096xf32, #tpu.memory_space<vmem>>, vector<1x1x16xf32>,
        %get3A_908 = vector.shape_cast %get3A_907 : vector<1x1x16xf32> to vector<16xf32>
        %mul3A_909 = vector.broadcast %squeeze3A_901 : f32 to vector<16xf32>
        %mul3A_910 = arith.mulf %mul3A_909, %get3A_908 : vector<16xf32>
        %add3A_911 = arith.addf %mul3A_888, %mul3A_910 : vector<16xf32>
        %slice3A_912 = vector.extract_strided_slice %get3A_6 {offsets = [3], sizes = [1], strides = [1]} : vector<16xf32> to vector<1xf32>
        %squeeze3A_913 = vector.extract %slice3A_912[0] : f32 from vector<1xf32>
        %get3A_914 = arith.constant 0 : i32
        %get3A_915 = arith.constant 3 : i32
        %get3A_916 = arith.index_cast %get3A_914 : i32 to index
        %get3A_917 = arith.index_cast %get3A_915 : i32 to index
        %get3A_918 = arith.index_cast %mul3A_877 : i32 to index
        %get3A_919 = tpu.vector_load %arg6[%get3A_916, %get3A_917, %get3A_918] {strides = array<i32>} : memref<4x4x4096xf32, #tpu.memory_space<vmem>>, vector<1x1x16xf32>,
        %get3A_920 = vector.shape_cast %get3A_919 : vector<1x1x16xf32> to vector<16xf32>
        %mul3A_921 = vector.broadcast %squeeze3A_913 : f32 to vector<16xf32>
        %mul3A_922 = arith.mulf %mul3A_921, %get3A_920 : vector<16xf32>
        %add3A_923 = arith.addf %mul3A_899, %mul3A_922 : vector<16xf32>
        %add3A_924 = arith.addf %add3A_911, %add3A_923 : vector<16xf32>
        %swap3A_925 = arith.constant 1 : i32
        %swap3A_926 = arith.index_cast %swap3A_925 : i32 to index
        %swap3A_927 = arith.index_cast %mul3A_877 : i32 to index
        %swap3A_928 = tpu.vector_load %arg7[%swap3A_926, %swap3A_927] {strides = array<i32>} : memref<2x4096xf32, #tpu.memory_space<vmem>>, vector<1x16xf32>,
        %swap3A_929 = vector.shape_cast %swap3A_928 : vector<1x16xf32> to vector<16xf32>
        %swap3A_930 = vector.shape_cast %add3A_924 : vector<16xf32> to vector<1x16xf32>
        tpu.vector_store %arg7[%swap3A_926, %swap3A_927], %swap3A_930 {strides = array<i32>} : memref<2x4096xf32, #tpu.memory_space<vmem>>, vector<1x16xf32>,
        %mul3A_931 = arith.constant 4 : i32
        %mul3A_932 = arith.muli %scan3A_755, %mul3A_931 : i32
        %add3A_933 = arith.constant 3 : i32
        %add3A_934 = arith.addi %mul3A_932, %add3A_933 : i32
        %mul3A_935 = arith.constant 16 : i32
        %mul3A_936 = arith.muli %add3A_934, %mul3A_935 : i32
        %slice3A_937 = vector.extract_strided_slice %get3A_6 {offsets = [0], sizes = [1], strides = [1]} : vector<16xf32> to vector<1xf32>
        %squeeze3A_938 = vector.extract %slice3A_937[0] : f32 from vector<1xf32>
        %get3A_939 = arith.constant 0 : i32
        %get3A_940 = arith.constant 0 : i32
        %get3A_941 = arith.index_cast %get3A_939 : i32 to index
        %get3A_942 = arith.index_cast %get3A_940 : i32 to index
        %get3A_943 = arith.index_cast %mul3A_936 : i32 to index
        %get3A_944 = tpu.vector_load %arg6[%get3A_941, %get3A_942, %get3A_943] {strides = array<i32>} : memref<4x4x4096xf32, #tpu.memory_space<vmem>>, vector<1x1x16xf32>,
        %get3A_945 = vector.shape_cast %get3A_944 : vector<1x1x16xf32> to vector<16xf32>
        %mul3A_946 = vector.broadcast %squeeze3A_938 : f32 to vector<16xf32>
        %mul3A_947 = arith.mulf %mul3A_946, %get3A_945 : vector<16xf32>
        %slice3A_948 = vector.extract_strided_slice %get3A_6 {offsets = [1], sizes = [1], strides = [1]} : vector<16xf32> to vector<1xf32>
        %squeeze3A_949 = vector.extract %slice3A_948[0] : f32 from vector<1xf32>
        %get3A_950 = arith.constant 0 : i32
        %get3A_951 = arith.constant 1 : i32
        %get3A_952 = arith.index_cast %get3A_950 : i32 to index
        %get3A_953 = arith.index_cast %get3A_951 : i32 to index
        %get3A_954 = arith.index_cast %mul3A_936 : i32 to index
        %get3A_955 = tpu.vector_load %arg6[%get3A_952, %get3A_953, %get3A_954] {strides = array<i32>} : memref<4x4x4096xf32, #tpu.memory_space<vmem>>, vector<1x1x16xf32>,
        %get3A_956 = vector.shape_cast %get3A_955 : vector<1x1x16xf32> to vector<16xf32>
        %mul3A_957 = vector.broadcast %squeeze3A_949 : f32 to vector<16xf32>
        %mul3A_958 = arith.mulf %mul3A_957, %get3A_956 : vector<16xf32>
        %slice3A_959 = vector.extract_strided_slice %get3A_6 {offsets = [2], sizes = [1], strides = [1]} : vector<16xf32> to vector<1xf32>
        %squeeze3A_960 = vector.extract %slice3A_959[0] : f32 from vector<1xf32>
        %get3A_961 = arith.constant 0 : i32
        %get3A_962 = arith.constant 2 : i32
        %get3A_963 = arith.index_cast %get3A_961 : i32 to index
        %get3A_964 = arith.index_cast %get3A_962 : i32 to index
        %get3A_965 = arith.index_cast %mul3A_936 : i32 to index
        %get3A_966 = tpu.vector_load %arg6[%get3A_963, %get3A_964, %get3A_965] {strides = array<i32>} : memref<4x4x4096xf32, #tpu.memory_space<vmem>>, vector<1x1x16xf32>,
        %get3A_967 = vector.shape_cast %get3A_966 : vector<1x1x16xf32> to vector<16xf32>
        %mul3A_968 = vector.broadcast %squeeze3A_960 : f32 to vector<16xf32>
        %mul3A_969 = arith.mulf %mul3A_968, %get3A_967 : vector<16xf32>
        %add3A_970 = arith.addf %mul3A_947, %mul3A_969 : vector<16xf32>
        %slice3A_971 = vector.extract_strided_slice %get3A_6 {offsets = [3], sizes = [1], strides = [1]} : vector<16xf32> to vector<1xf32>
        %squeeze3A_972 = vector.extract %slice3A_971[0] : f32 from vector<1xf32>
        %get3A_973 = arith.constant 0 : i32
        %get3A_974 = arith.constant 3 : i32
        %get3A_975 = arith.index_cast %get3A_973 : i32 to index
        %get3A_976 = arith.index_cast %get3A_974 : i32 to index
        %get3A_977 = arith.index_cast %mul3A_936 : i32 to index
        %get3A_978 = tpu.vector_load %arg6[%get3A_975, %get3A_976, %get3A_977] {strides = array<i32>} : memref<4x4x4096xf32, #tpu.memory_space<vmem>>, vector<1x1x16xf32>,
        %get3A_979 = vector.shape_cast %get3A_978 : vector<1x1x16xf32> to vector<16xf32>
        %mul3A_980 = vector.broadcast %squeeze3A_972 : f32 to vector<16xf32>
        %mul3A_981 = arith.mulf %mul3A_980, %get3A_979 : vector<16xf32>
        %add3A_982 = arith.addf %mul3A_958, %mul3A_981 : vector<16xf32>
        %add3A_983 = arith.addf %add3A_970, %add3A_982 : vector<16xf32>
        %swap3A_984 = arith.constant 1 : i32
        %swap3A_985 = arith.index_cast %swap3A_984 : i32 to index
        %swap3A_986 = arith.index_cast %mul3A_936 : i32 to index
        %swap3A_987 = tpu.vector_load %arg7[%swap3A_985, %swap3A_986] {strides = array<i32>} : memref<2x4096xf32, #tpu.memory_space<vmem>>, vector<1x16xf32>,
        %swap3A_988 = vector.shape_cast %swap3A_987 : vector<1x16xf32> to vector<16xf32>
        %swap3A_989 = vector.shape_cast %add3A_983 : vector<16xf32> to vector<1x16xf32>
        tpu.vector_store %arg7[%swap3A_985, %swap3A_986], %swap3A_989 {strides = array<i32>} : memref<2x4096xf32, #tpu.memory_space<vmem>>, vector<1x16xf32>,
        %scan3A_990 = arith.constant 0 : i32
        scf.yield %scan3A_990 : i32
      }
      %scan3A_461 = arith.constant 64 : i32
      %add3A_462 = arith.constant 1 : i32
      %add3A_463 = arith.addi %add3A_431, %add3A_462 : i32
      %mul3A_464 = arith.constant 4 : i32
      %mul3A_465 = arith.muli %add3A_463, %mul3A_464 : i32
      %add3A_466 = arith.constant 0 : i32
      %add3A_467 = arith.addi %mul3A_465, %add3A_466 : i32
      %jit3A_468 = arith.constant 4 : i32
      %div3A_469 = arith.divsi %add3A_467, %jit3A_468 : i32
      %sign3A_470 = arith.constant 0 : i32
      %sign3A_471 = arith.cmpi sgt, %add3A_467, %sign3A_470 : i32
      %sign3A_472 = arith.extui %sign3A_471 : i1 to i32
      %sign3A_473 = arith.constant 0 : i32
      %sign3A_474 = arith.cmpi slt, %add3A_467, %sign3A_473 : i32
      %sign3A_475 = arith.extui %sign3A_474 : i1 to i32
      %sign3A_476 = arith.subi %sign3A_472, %sign3A_475 : i32
      %sign3A_477 = arith.constant 0 : i32
      %sign3A_478 = arith.cmpi sgt, %jit3A_468, %sign3A_477 : i32
      %sign3A_479 = arith.extui %sign3A_478 : i1 to i32
      %sign3A_480 = arith.constant 0 : i32
      %sign3A_481 = arith.cmpi slt, %jit3A_468, %sign3A_480 : i32
      %sign3A_482 = arith.extui %sign3A_481 : i1 to i32
      %sign3A_483 = arith.subi %sign3A_479, %sign3A_482 : i32
      %ne3A_484 = arith.cmpi ne, %sign3A_476, %sign3A_483 : i32
      %rem3A_485 = arith.remsi %add3A_467, %jit3A_468 : i32
      %ne3A_486 = arith.constant 0 : i32
      %ne3A_487 = arith.cmpi ne, %rem3A_485, %ne3A_486 : i32
      %and3A_488 = arith.andi %ne3A_484, %ne3A_487 : i1
      %sub3A_489 = arith.constant 1 : i32
      %sub3A_490 = arith.subi %div3A_469, %sub3A_489 : i32
      %select_n3A_491 = arith.select %and3A_488, %sub3A_490, %div3A_469 : i32
      %jit3A_492 = arith.constant 4 : i32
      %eq3A_493 = arith.constant 0 : i32
      %eq3A_494 = arith.cmpi eq, %jit3A_492, %eq3A_493 : i32
      %jit3A_495 = arith.constant 1 : i32
      %select_n3A_496 = arith.select %eq3A_494, %jit3A_495, %jit3A_492 : i32
      %rem3A_497 = arith.remsi %add3A_467, %select_n3A_496 : i32
      %ne3A_498 = arith.constant 0 : i32
      %ne3A_499 = arith.cmpi ne, %rem3A_497, %ne3A_498 : i32
      %lt3A_500 = arith.constant 0 : i32
      %lt3A_501 = arith.cmpi slt, %rem3A_497, %lt3A_500 : i32
      %lt3A_502 = arith.constant 0 : i32
      %lt3A_503 = arith.cmpi slt, %select_n3A_496, %lt3A_502 : i32
      %ne3A_504 = arith.xori %lt3A_501, %lt3A_503 : i1
      %and3A_505 = arith.andi %ne3A_504, %ne3A_499 : i1
      %add3A_506 = arith.addi %rem3A_497, %select_n3A_496 : i32
      %select_n3A_507 = arith.select %and3A_505, %add3A_506, %rem3A_497 : i32
      %lt3A_508 = arith.constant 16 : i32
      %lt3A_509 = arith.cmpi slt, %select_n3A_491, %lt3A_508 : i32
      %convert_element_type3A_510 = arith.extui %lt3A_509 : i1 to i32
      %cond3A_511 = arith.constant 0 : i32
      %cond3A_512 = arith.cmpi ne, %convert_element_type3A_510, %cond3A_511 : i32
      scf.if %cond3A_512 {
        %mul3A_755 = arith.constant 4 : i32
        %mul3A_756 = arith.muli %select_n3A_507, %mul3A_755 : i32
        %add3A_757 = arith.addi %add3A_4, %mul3A_756 : i32
        %dma_start3A_758 = arith.constant 0 : i32
        %dma_start3A_759 = arith.constant 0 : i32
        %dma_start3A_760 = arith.constant 0 : i32
        %dma_start3A_761 = tpu.memref_slice %arg6[%dma_start3A_758, %dma_start3A_759, %dma_start3A_760] : memref<4x4x4096xf32, #tpu.memory_space<vmem>> -> memref<1x4x4096xf32, #tpu.memory_space<vmem>>
        %dma_start3A_762 = tpu.memref_squeeze %dma_start3A_761 : memref<1x4x4096xf32, #tpu.memory_space<vmem>> -> memref<4x4096xf32, #tpu.memory_space<vmem>>
        %dma_start3A_763 = arith.constant 0 : i32
        %dma_start3A_764 = tpu.memref_slice %arg2[%select_n3A_491, %add3A_757, %dma_start3A_763] : memref<16x2048x4096xf32, #tpu.memory_space<hbm>> -> memref<1x4x4096xf32, #tpu.memory_space<hbm>>
        %dma_start3A_765 = tpu.memref_squeeze %dma_start3A_764 : memref<1x4x4096xf32, #tpu.memory_space<hbm>> -> memref<4x4096xf32, #tpu.memory_space<hbm>>
        %dma_start3A_766 = arith.constant 0 : i32
        %dma_start3A_767 = arith.constant 0 : i32
        %dma_start3A_768 = tpu.memref_slice %arg6[%dma_start3A_758, %dma_start3A_766, %dma_start3A_767] : memref<4x4x4096xf32, #tpu.memory_space<vmem>> -> memref<1x4x4096xf32, #tpu.memory_space<vmem>>
        %dma_start3A_769 = tpu.memref_squeeze %dma_start3A_768 : memref<1x4x4096xf32, #tpu.memory_space<vmem>> -> memref<4x4096xf32, #tpu.memory_space<vmem>>
        %dma_start3A_770 = arith.constant 0 : i32
        %dma_start3A_771 = tpu.memref_slice %arg2[%select_n3A_491, %add3A_757, %dma_start3A_770] : memref<16x2048x4096xf32, #tpu.memory_space<hbm>> -> memref<1x4x4096xf32, #tpu.memory_space<hbm>>
        %dma_start3A_772 = tpu.memref_squeeze %dma_start3A_771 : memref<1x4x4096xf32, #tpu.memory_space<hbm>> -> memref<4x4096xf32, #tpu.memory_space<hbm>>
        tpu.enqueue_dma source(%dma_start3A_772 : memref<4x4096xf32, #tpu.memory_space<hbm>>) target(%dma_start3A_769 : memref<4x4096xf32, #tpu.memory_space<vmem>>) target_semaphore(%arg8 : memref<!tpu.dma_semaphore, #tpu.memory_space<semaphore_mem>>)
      } else {
      }
      %dma_wait3A_513 = arith.constant 0 : i32
      %dma_wait3A_514 = arith.constant 1 : i32
      %dma_wait3A_515 = arith.constant 0 : i32
      %dma_wait3A_516 = arith.constant 0 : i32
      %dma_wait3A_517 = tpu.memref_slice %arg6[%dma_wait3A_514, %dma_wait3A_515, %dma_wait3A_516] : memref<4x4x4096xf32, #tpu.memory_space<vmem>> -> memref<1x4x4096xf32, #tpu.memory_space<vmem>>
      %dma_wait3A_518 = tpu.memref_squeeze %dma_wait3A_517 : memref<1x4x4096xf32, #tpu.memory_space<vmem>> -> memref<4x4096xf32, #tpu.memory_space<vmem>>
      %dma_wait3A_519 = arith.constant 0 : i32
      %dma_wait3A_520 = arith.constant 0 : i32
      %dma_wait3A_521 = tpu.memref_slice %arg2[%dma_wait3A_513, %dma_wait3A_519, %dma_wait3A_520] : memref<16x2048x4096xf32, #tpu.memory_space<hbm>> -> memref<1x4x4096xf32, #tpu.memory_space<hbm>>
      %dma_wait3A_522 = tpu.memref_squeeze %dma_wait3A_521 : memref<1x4x4096xf32, #tpu.memory_space<hbm>> -> memref<4x4096xf32, #tpu.memory_space<hbm>>
      %dma_wait3A_523 = arith.constant 0 : i32
      %dma_wait3A_524 = arith.constant 0 : i32
      %dma_wait3A_525 = tpu.memref_slice %arg6[%dma_wait3A_514, %dma_wait3A_523, %dma_wait3A_524] : memref<4x4x4096xf32, #tpu.memory_space<vmem>> -> memref<1x4x4096xf32, #tpu.memory_space<vmem>>
      %dma_wait3A_526 = tpu.memref_squeeze %dma_wait3A_525 : memref<1x4x4096xf32, #tpu.memory_space<vmem>> -> memref<4x4096xf32, #tpu.memory_space<vmem>>
      %dma_wait3A_527 = arith.constant 0 : i32
      %dma_wait3A_528 = arith.constant 0 : i32
      %dma_wait3A_529 = tpu.memref_slice %arg2[%dma_wait3A_513, %dma_wait3A_527, %dma_wait3A_528] : memref<16x2048x4096xf32, #tpu.memory_space<hbm>> -> memref<1x4x4096xf32, #tpu.memory_space<hbm>>
      %dma_wait3A_530 = tpu.memref_squeeze %dma_wait3A_529 : memref<1x4x4096xf32, #tpu.memory_space<hbm>> -> memref<4x4096xf32, #tpu.memory_space<hbm>>
      tpu.wait_dma2 semaphore(%arg9 : memref<!tpu.dma_semaphore, #tpu.memory_space<semaphore_mem>>) src(%dma_wait3A_530 : memref<4x4096xf32, #tpu.memory_space<hbm>>) dst(%dma_wait3A_526 : memref<4x4096xf32, #tpu.memory_space<vmem>>)
      %scan3A_531 = arith.constant 0 : i32
      %scan3A_532 = arith.constant 0 : i32
      %scan3A_533 = arith.constant 64 : i32
      %scan3A_534 = arith.addi %scan3A_532, %scan3A_533 : i32
      %scan3A_535 = arith.constant 1 : i32
      %scan3A_536 = scf.for %scan3A_755 = %scan3A_532 to %scan3A_534 step %scan3A_535 iter_args(%scan3A_756 = %scan3A_531) -> (i32)  : i32 {
        %mul3A_757 = arith.constant 4 : i32
        %mul3A_758 = arith.muli %scan3A_755, %mul3A_757 : i32
        %add3A_759 = arith.constant 0 : i32
        %add3A_760 = arith.addi %mul3A_758, %add3A_759 : i32
        %mul3A_761 = arith.constant 16 : i32
        %mul3A_762 = arith.muli %add3A_760, %mul3A_761 : i32
        %slice3A = vector.extract_strided_slice %get3A_6 {offsets = [4], sizes = [1], strides = [1]} : vector<16xf32> to vector<1xf32>
        %squeeze3A = vector.extract %slice3A[0] : f32 from vector<1xf32>
        %get3A_763 = arith.constant 1 : i32
        %get3A_764 = arith.constant 0 : i32
        %get3A_765 = arith.index_cast %get3A_763 : i32 to index
        %get3A_766 = arith.index_cast %get3A_764 : i32 to index
        %get3A_767 = arith.index_cast %mul3A_762 : i32 to index
        %get3A_768 = tpu.vector_load %arg6[%get3A_765, %get3A_766, %get3A_767] {strides = array<i32>} : memref<4x4x4096xf32, #tpu.memory_space<vmem>>, vector<1x1x16xf32>,
        %get3A_769 = vector.shape_cast %get3A_768 : vector<1x1x16xf32> to vector<16xf32>
        %mul3A_770 = vector.broadcast %squeeze3A : f32 to vector<16xf32>
        %mul3A_771 = arith.mulf %mul3A_770, %get3A_769 : vector<16xf32>
        %slice3A_772 = vector.extract_strided_slice %get3A_6 {offsets = [5], sizes = [1], strides = [1]} : vector<16xf32> to vector<1xf32>
        %squeeze3A_773 = vector.extract %slice3A_772[0] : f32 from vector<1xf32>
        %get3A_774 = arith.constant 1 : i32
        %get3A_775 = arith.constant 1 : i32
        %get3A_776 = arith.index_cast %get3A_774 : i32 to index
        %get3A_777 = arith.index_cast %get3A_775 : i32 to index
        %get3A_778 = arith.index_cast %mul3A_762 : i32 to index
        %get3A_779 = tpu.vector_load %arg6[%get3A_776, %get3A_777, %get3A_778] {strides = array<i32>} : memref<4x4x4096xf32, #tpu.memory_space<vmem>>, vector<1x1x16xf32>,
        %get3A_780 = vector.shape_cast %get3A_779 : vector<1x1x16xf32> to vector<16xf32>
        %mul3A_781 = vector.broadcast %squeeze3A_773 : f32 to vector<16xf32>
        %mul3A_782 = arith.mulf %mul3A_781, %get3A_780 : vector<16xf32>
        %slice3A_783 = vector.extract_strided_slice %get3A_6 {offsets = [6], sizes = [1], strides = [1]} : vector<16xf32> to vector<1xf32>
        %squeeze3A_784 = vector.extract %slice3A_783[0] : f32 from vector<1xf32>
        %get3A_785 = arith.constant 1 : i32
        %get3A_786 = arith.constant 2 : i32
        %get3A_787 = arith.index_cast %get3A_785 : i32 to index
        %get3A_788 = arith.index_cast %get3A_786 : i32 to index
        %get3A_789 = arith.index_cast %mul3A_762 : i32 to index
        %get3A_790 = tpu.vector_load %arg6[%get3A_787, %get3A_788, %get3A_789] {strides = array<i32>} : memref<4x4x4096xf32, #tpu.memory_space<vmem>>, vector<1x1x16xf32>,
        %get3A_791 = vector.shape_cast %get3A_790 : vector<1x1x16xf32> to vector<16xf32>
        %mul3A_792 = vector.broadcast %squeeze3A_784 : f32 to vector<16xf32>
        %mul3A_793 = arith.mulf %mul3A_792, %get3A_791 : vector<16xf32>
        %add3A_794 = arith.addf %mul3A_771, %mul3A_793 : vector<16xf32>
        %slice3A_795 = vector.extract_strided_slice %get3A_6 {offsets = [7], sizes = [1], strides = [1]} : vector<16xf32> to vector<1xf32>
        %squeeze3A_796 = vector.extract %slice3A_795[0] : f32 from vector<1xf32>
        %get3A_797 = arith.constant 1 : i32
        %get3A_798 = arith.constant 3 : i32
        %get3A_799 = arith.index_cast %get3A_797 : i32 to index
        %get3A_800 = arith.index_cast %get3A_798 : i32 to index
        %get3A_801 = arith.index_cast %mul3A_762 : i32 to index
        %get3A_802 = tpu.vector_load %arg6[%get3A_799, %get3A_800, %get3A_801] {strides = array<i32>} : memref<4x4x4096xf32, #tpu.memory_space<vmem>>, vector<1x1x16xf32>,
        %get3A_803 = vector.shape_cast %get3A_802 : vector<1x1x16xf32> to vector<16xf32>
        %mul3A_804 = vector.broadcast %squeeze3A_796 : f32 to vector<16xf32>
        %mul3A_805 = arith.mulf %mul3A_804, %get3A_803 : vector<16xf32>
        %add3A_806 = arith.addf %mul3A_782, %mul3A_805 : vector<16xf32>
        %add3A_807 = arith.addf %add3A_794, %add3A_806 : vector<16xf32>
        %get3A_808 = arith.constant 1 : i32
        %get3A_809 = arith.index_cast %get3A_808 : i32 to index
        %get3A_810 = arith.index_cast %mul3A_762 : i32 to index
        %get3A_811 = tpu.vector_load %arg7[%get3A_809, %get3A_810] {strides = array<i32>} : memref<2x4096xf32, #tpu.memory_space<vmem>>, vector<1x16xf32>,
        %get3A_812 = vector.shape_cast %get3A_811 : vector<1x16xf32> to vector<16xf32>
        %add3A_813 = arith.addf %add3A_807, %get3A_812 : vector<16xf32>
        %swap3A = arith.constant 1 : i32
        %swap3A_814 = arith.index_cast %swap3A : i32 to index
        %swap3A_815 = arith.index_cast %mul3A_762 : i32 to index
        %swap3A_816 = tpu.vector_load %arg7[%swap3A_814, %swap3A_815] {strides = array<i32>} : memref<2x4096xf32, #tpu.memory_space<vmem>>, vector<1x16xf32>,
        %swap3A_817 = vector.shape_cast %swap3A_816 : vector<1x16xf32> to vector<16xf32>
        %swap3A_818 = vector.shape_cast %add3A_813 : vector<16xf32> to vector<1x16xf32>
        tpu.vector_store %arg7[%swap3A_814, %swap3A_815], %swap3A_818 {strides = array<i32>} : memref<2x4096xf32, #tpu.memory_space<vmem>>, vector<1x16xf32>,
        %mul3A_819 = arith.constant 4 : i32
        %mul3A_820 = arith.muli %scan3A_755, %mul3A_819 : i32
        %add3A_821 = arith.constant 1 : i32
        %add3A_822 = arith.addi %mul3A_820, %add3A_821 : i32
        %mul3A_823 = arith.constant 16 : i32
        %mul3A_824 = arith.muli %add3A_822, %mul3A_823 : i32
        %slice3A_825 = vector.extract_strided_slice %get3A_6 {offsets = [4], sizes = [1], strides = [1]} : vector<16xf32> to vector<1xf32>
        %squeeze3A_826 = vector.extract %slice3A_825[0] : f32 from vector<1xf32>
        %get3A_827 = arith.constant 1 : i32
        %get3A_828 = arith.constant 0 : i32
        %get3A_829 = arith.index_cast %get3A_827 : i32 to index
        %get3A_830 = arith.index_cast %get3A_828 : i32 to index
        %get3A_831 = arith.index_cast %mul3A_824 : i32 to index
        %get3A_832 = tpu.vector_load %arg6[%get3A_829, %get3A_830, %get3A_831] {strides = array<i32>} : memref<4x4x4096xf32, #tpu.memory_space<vmem>>, vector<1x1x16xf32>,
        %get3A_833 = vector.shape_cast %get3A_832 : vector<1x1x16xf32> to vector<16xf32>
        %mul3A_834 = vector.broadcast %squeeze3A_826 : f32 to vector<16xf32>
        %mul3A_835 = arith.mulf %mul3A_834, %get3A_833 : vector<16xf32>
        %slice3A_836 = vector.extract_strided_slice %get3A_6 {offsets = [5], sizes = [1], strides = [1]} : vector<16xf32> to vector<1xf32>
        %squeeze3A_837 = vector.extract %slice3A_836[0] : f32 from vector<1xf32>
        %get3A_838 = arith.constant 1 : i32
        %get3A_839 = arith.constant 1 : i32
        %get3A_840 = arith.index_cast %get3A_838 : i32 to index
        %get3A_841 = arith.index_cast %get3A_839 : i32 to index
        %get3A_842 = arith.index_cast %mul3A_824 : i32 to index
        %get3A_843 = tpu.vector_load %arg6[%get3A_840, %get3A_841, %get3A_842] {strides = array<i32>} : memref<4x4x4096xf32, #tpu.memory_space<vmem>>, vector<1x1x16xf32>,
        %get3A_844 = vector.shape_cast %get3A_843 : vector<1x1x16xf32> to vector<16xf32>
        %mul3A_845 = vector.broadcast %squeeze3A_837 : f32 to vector<16xf32>
        %mul3A_846 = arith.mulf %mul3A_845, %get3A_844 : vector<16xf32>
        %slice3A_847 = vector.extract_strided_slice %get3A_6 {offsets = [6], sizes = [1], strides = [1]} : vector<16xf32> to vector<1xf32>
        %squeeze3A_848 = vector.extract %slice3A_847[0] : f32 from vector<1xf32>
        %get3A_849 = arith.constant 1 : i32
        %get3A_850 = arith.constant 2 : i32
        %get3A_851 = arith.index_cast %get3A_849 : i32 to index
        %get3A_852 = arith.index_cast %get3A_850 : i32 to index
        %get3A_853 = arith.index_cast %mul3A_824 : i32 to index
        %get3A_854 = tpu.vector_load %arg6[%get3A_851, %get3A_852, %get3A_853] {strides = array<i32>} : memref<4x4x4096xf32, #tpu.memory_space<vmem>>, vector<1x1x16xf32>,
        %get3A_855 = vector.shape_cast %get3A_854 : vector<1x1x16xf32> to vector<16xf32>
        %mul3A_856 = vector.broadcast %squeeze3A_848 : f32 to vector<16xf32>
        %mul3A_857 = arith.mulf %mul3A_856, %get3A_855 : vector<16xf32>
        %add3A_858 = arith.addf %mul3A_835, %mul3A_857 : vector<16xf32>
        %slice3A_859 = vector.extract_strided_slice %get3A_6 {offsets = [7], sizes = [1], strides = [1]} : vector<16xf32> to vector<1xf32>
        %squeeze3A_860 = vector.extract %slice3A_859[0] : f32 from vector<1xf32>
        %get3A_861 = arith.constant 1 : i32
        %get3A_862 = arith.constant 3 : i32
        %get3A_863 = arith.index_cast %get3A_861 : i32 to index
        %get3A_864 = arith.index_cast %get3A_862 : i32 to index
        %get3A_865 = arith.index_cast %mul3A_824 : i32 to index
        %get3A_866 = tpu.vector_load %arg6[%get3A_863, %get3A_864, %get3A_865] {strides = array<i32>} : memref<4x4x4096xf32, #tpu.memory_space<vmem>>, vector<1x1x16xf32>,
        %get3A_867 = vector.shape_cast %get3A_866 : vector<1x1x16xf32> to vector<16xf32>
        %mul3A_868 = vector.broadcast %squeeze3A_860 : f32 to vector<16xf32>
        %mul3A_869 = arith.mulf %mul3A_868, %get3A_867 : vector<16xf32>
        %add3A_870 = arith.addf %mul3A_846, %mul3A_869 : vector<16xf32>
        %add3A_871 = arith.addf %add3A_858, %add3A_870 : vector<16xf32>
        %get3A_872 = arith.constant 1 : i32
        %get3A_873 = arith.index_cast %get3A_872 : i32 to index
        %get3A_874 = arith.index_cast %mul3A_824 : i32 to index
        %get3A_875 = tpu.vector_load %arg7[%get3A_873, %get3A_874] {strides = array<i32>} : memref<2x4096xf32, #tpu.memory_space<vmem>>, vector<1x16xf32>,
        %get3A_876 = vector.shape_cast %get3A_875 : vector<1x16xf32> to vector<16xf32>
        %add3A_877 = arith.addf %add3A_871, %get3A_876 : vector<16xf32>
        %swap3A_878 = arith.constant 1 : i32
        %swap3A_879 = arith.index_cast %swap3A_878 : i32 to index
        %swap3A_880 = arith.index_cast %mul3A_824 : i32 to index
        %swap3A_881 = tpu.vector_load %arg7[%swap3A_879, %swap3A_880] {strides = array<i32>} : memref<2x4096xf32, #tpu.memory_space<vmem>>, vector<1x16xf32>,
        %swap3A_882 = vector.shape_cast %swap3A_881 : vector<1x16xf32> to vector<16xf32>
        %swap3A_883 = vector.shape_cast %add3A_877 : vector<16xf32> to vector<1x16xf32>
        tpu.vector_store %arg7[%swap3A_879, %swap3A_880], %swap3A_883 {strides = array<i32>} : memref<2x4096xf32, #tpu.memory_space<vmem>>, vector<1x16xf32>,
        %mul3A_884 = arith.constant 4 : i32
        %mul3A_885 = arith.muli %scan3A_755, %mul3A_884 : i32
        %add3A_886 = arith.constant 2 : i32
        %add3A_887 = arith.addi %mul3A_885, %add3A_886 : i32
        %mul3A_888 = arith.constant 16 : i32
        %mul3A_889 = arith.muli %add3A_887, %mul3A_888 : i32
        %slice3A_890 = vector.extract_strided_slice %get3A_6 {offsets = [4], sizes = [1], strides = [1]} : vector<16xf32> to vector<1xf32>
        %squeeze3A_891 = vector.extract %slice3A_890[0] : f32 from vector<1xf32>
        %get3A_892 = arith.constant 1 : i32
        %get3A_893 = arith.constant 0 : i32
        %get3A_894 = arith.index_cast %get3A_892 : i32 to index
        %get3A_895 = arith.index_cast %get3A_893 : i32 to index
        %get3A_896 = arith.index_cast %mul3A_889 : i32 to index
        %get3A_897 = tpu.vector_load %arg6[%get3A_894, %get3A_895, %get3A_896] {strides = array<i32>} : memref<4x4x4096xf32, #tpu.memory_space<vmem>>, vector<1x1x16xf32>,
        %get3A_898 = vector.shape_cast %get3A_897 : vector<1x1x16xf32> to vector<16xf32>
        %mul3A_899 = vector.broadcast %squeeze3A_891 : f32 to vector<16xf32>
        %mul3A_900 = arith.mulf %mul3A_899, %get3A_898 : vector<16xf32>
        %slice3A_901 = vector.extract_strided_slice %get3A_6 {offsets = [5], sizes = [1], strides = [1]} : vector<16xf32> to vector<1xf32>
        %squeeze3A_902 = vector.extract %slice3A_901[0] : f32 from vector<1xf32>
        %get3A_903 = arith.constant 1 : i32
        %get3A_904 = arith.constant 1 : i32
        %get3A_905 = arith.index_cast %get3A_903 : i32 to index
        %get3A_906 = arith.index_cast %get3A_904 : i32 to index
        %get3A_907 = arith.index_cast %mul3A_889 : i32 to index
        %get3A_908 = tpu.vector_load %arg6[%get3A_905, %get3A_906, %get3A_907] {strides = array<i32>} : memref<4x4x4096xf32, #tpu.memory_space<vmem>>, vector<1x1x16xf32>,
        %get3A_909 = vector.shape_cast %get3A_908 : vector<1x1x16xf32> to vector<16xf32>
        %mul3A_910 = vector.broadcast %squeeze3A_902 : f32 to vector<16xf32>
        %mul3A_911 = arith.mulf %mul3A_910, %get3A_909 : vector<16xf32>
        %slice3A_912 = vector.extract_strided_slice %get3A_6 {offsets = [6], sizes = [1], strides = [1]} : vector<16xf32> to vector<1xf32>
        %squeeze3A_913 = vector.extract %slice3A_912[0] : f32 from vector<1xf32>
        %get3A_914 = arith.constant 1 : i32
        %get3A_915 = arith.constant 2 : i32
        %get3A_916 = arith.index_cast %get3A_914 : i32 to index
        %get3A_917 = arith.index_cast %get3A_915 : i32 to index
        %get3A_918 = arith.index_cast %mul3A_889 : i32 to index
        %get3A_919 = tpu.vector_load %arg6[%get3A_916, %get3A_917, %get3A_918] {strides = array<i32>} : memref<4x4x4096xf32, #tpu.memory_space<vmem>>, vector<1x1x16xf32>,
        %get3A_920 = vector.shape_cast %get3A_919 : vector<1x1x16xf32> to vector<16xf32>
        %mul3A_921 = vector.broadcast %squeeze3A_913 : f32 to vector<16xf32>
        %mul3A_922 = arith.mulf %mul3A_921, %get3A_920 : vector<16xf32>
        %add3A_923 = arith.addf %mul3A_900, %mul3A_922 : vector<16xf32>
        %slice3A_924 = vector.extract_strided_slice %get3A_6 {offsets = [7], sizes = [1], strides = [1]} : vector<16xf32> to vector<1xf32>
        %squeeze3A_925 = vector.extract %slice3A_924[0] : f32 from vector<1xf32>
        %get3A_926 = arith.constant 1 : i32
        %get3A_927 = arith.constant 3 : i32
        %get3A_928 = arith.index_cast %get3A_926 : i32 to index
        %get3A_929 = arith.index_cast %get3A_927 : i32 to index
        %get3A_930 = arith.index_cast %mul3A_889 : i32 to index
        %get3A_931 = tpu.vector_load %arg6[%get3A_928, %get3A_929, %get3A_930] {strides = array<i32>} : memref<4x4x4096xf32, #tpu.memory_space<vmem>>, vector<1x1x16xf32>,
        %get3A_932 = vector.shape_cast %get3A_931 : vector<1x1x16xf32> to vector<16xf32>
        %mul3A_933 = vector.broadcast %squeeze3A_925 : f32 to vector<16xf32>
        %mul3A_934 = arith.mulf %mul3A_933, %get3A_932 : vector<16xf32>
        %add3A_935 = arith.addf %mul3A_911, %mul3A_934 : vector<16xf32>
        %add3A_936 = arith.addf %add3A_923, %add3A_935 : vector<16xf32>
        %get3A_937 = arith.constant 1 : i32
        %get3A_938 = arith.index_cast %get3A_937 : i32 to index
        %get3A_939 = arith.index_cast %mul3A_889 : i32 to index
        %get3A_940 = tpu.vector_load %arg7[%get3A_938, %get3A_939] {strides = array<i32>} : memref<2x4096xf32, #tpu.memory_space<vmem>>, vector<1x16xf32>,
        %get3A_941 = vector.shape_cast %get3A_940 : vector<1x16xf32> to vector<16xf32>
        %add3A_942 = arith.addf %add3A_936, %get3A_941 : vector<16xf32>
        %swap3A_943 = arith.constant 1 : i32
        %swap3A_944 = arith.index_cast %swap3A_943 : i32 to index
        %swap3A_945 = arith.index_cast %mul3A_889 : i32 to index
        %swap3A_946 = tpu.vector_load %arg7[%swap3A_944, %swap3A_945] {strides = array<i32>} : memref<2x4096xf32, #tpu.memory_space<vmem>>, vector<1x16xf32>,
        %swap3A_947 = vector.shape_cast %swap3A_946 : vector<1x16xf32> to vector<16xf32>
        %swap3A_948 = vector.shape_cast %add3A_942 : vector<16xf32> to vector<1x16xf32>
        tpu.vector_store %arg7[%swap3A_944, %swap3A_945], %swap3A_948 {strides = array<i32>} : memref<2x4096xf32, #tpu.memory_space<vmem>>, vector<1x16xf32>,
        %mul3A_949 = arith.constant 4 : i32
        %mul3A_950 = arith.muli %scan3A_755, %mul3A_949 : i32
        %add3A_951 = arith.constant 3 : i32
        %add3A_952 = arith.addi %mul3A_950, %add3A_951 : i32
        %mul3A_953 = arith.constant 16 : i32
        %mul3A_954 = arith.muli %add3A_952, %mul3A_953 : i32
        %slice3A_955 = vector.extract_strided_slice %get3A_6 {offsets = [4], sizes = [1], strides = [1]} : vector<16xf32> to vector<1xf32>
        %squeeze3A_956 = vector.extract %slice3A_955[0] : f32 from vector<1xf32>
        %get3A_957 = arith.constant 1 : i32
        %get3A_958 = arith.constant 0 : i32
        %get3A_959 = arith.index_cast %get3A_957 : i32 to index
        %get3A_960 = arith.index_cast %get3A_958 : i32 to index
        %get3A_961 = arith.index_cast %mul3A_954 : i32 to index
        %get3A_962 = tpu.vector_load %arg6[%get3A_959, %get3A_960, %get3A_961] {strides = array<i32>} : memref<4x4x4096xf32, #tpu.memory_space<vmem>>, vector<1x1x16xf32>,
        %get3A_963 = vector.shape_cast %get3A_962 : vector<1x1x16xf32> to vector<16xf32>
        %mul3A_964 = vector.broadcast %squeeze3A_956 : f32 to vector<16xf32>
        %mul3A_965 = arith.mulf %mul3A_964, %get3A_963 : vector<16xf32>
        %slice3A_966 = vector.extract_strided_slice %get3A_6 {offsets = [5], sizes = [1], strides = [1]} : vector<16xf32> to vector<1xf32>
        %squeeze3A_967 = vector.extract %slice3A_966[0] : f32 from vector<1xf32>
        %get3A_968 = arith.constant 1 : i32
        %get3A_969 = arith.constant 1 : i32
        %get3A_970 = arith.index_cast %get3A_968 : i32 to index
        %get3A_971 = arith.index_cast %get3A_969 : i32 to index
        %get3A_972 = arith.index_cast %mul3A_954 : i32 to index
        %get3A_973 = tpu.vector_load %arg6[%get3A_970, %get3A_971, %get3A_972] {strides = array<i32>} : memref<4x4x4096xf32, #tpu.memory_space<vmem>>, vector<1x1x16xf32>,
        %get3A_974 = vector.shape_cast %get3A_973 : vector<1x1x16xf32> to vector<16xf32>
        %mul3A_975 = vector.broadcast %squeeze3A_967 : f32 to vector<16xf32>
        %mul3A_976 = arith.mulf %mul3A_975, %get3A_974 : vector<16xf32>
        %slice3A_977 = vector.extract_strided_slice %get3A_6 {offsets = [6], sizes = [1], strides = [1]} : vector<16xf32> to vector<1xf32>
        %squeeze3A_978 = vector.extract %slice3A_977[0] : f32 from vector<1xf32>
        %get3A_979 = arith.constant 1 : i32
        %get3A_980 = arith.constant 2 : i32
        %get3A_981 = arith.index_cast %get3A_979 : i32 to index
        %get3A_982 = arith.index_cast %get3A_980 : i32 to index
        %get3A_983 = arith.index_cast %mul3A_954 : i32 to index
        %get3A_984 = tpu.vector_load %arg6[%get3A_981, %get3A_982, %get3A_983] {strides = array<i32>} : memref<4x4x4096xf32, #tpu.memory_space<vmem>>, vector<1x1x16xf32>,
        %get3A_985 = vector.shape_cast %get3A_984 : vector<1x1x16xf32> to vector<16xf32>
        %mul3A_986 = vector.broadcast %squeeze3A_978 : f32 to vector<16xf32>
        %mul3A_987 = arith.mulf %mul3A_986, %get3A_985 : vector<16xf32>
        %add3A_988 = arith.addf %mul3A_965, %mul3A_987 : vector<16xf32>
        %slice3A_989 = vector.extract_strided_slice %get3A_6 {offsets = [7], sizes = [1], strides = [1]} : vector<16xf32> to vector<1xf32>
        %squeeze3A_990 = vector.extract %slice3A_989[0] : f32 from vector<1xf32>
        %get3A_991 = arith.constant 1 : i32
        %get3A_992 = arith.constant 3 : i32
        %get3A_993 = arith.index_cast %get3A_991 : i32 to index
        %get3A_994 = arith.index_cast %get3A_992 : i32 to index
        %get3A_995 = arith.index_cast %mul3A_954 : i32 to index
        %get3A_996 = tpu.vector_load %arg6[%get3A_993, %get3A_994, %get3A_995] {strides = array<i32>} : memref<4x4x4096xf32, #tpu.memory_space<vmem>>, vector<1x1x16xf32>,
        %get3A_997 = vector.shape_cast %get3A_996 : vector<1x1x16xf32> to vector<16xf32>
        %mul3A_998 = vector.broadcast %squeeze3A_990 : f32 to vector<16xf32>
        %mul3A_999 = arith.mulf %mul3A_998, %get3A_997 : vector<16xf32>
        %add3A_1000 = arith.addf %mul3A_976, %mul3A_999 : vector<16xf32>
        %add3A_1001 = arith.addf %add3A_988, %add3A_1000 : vector<16xf32>
        %get3A_1002 = arith.constant 1 : i32
        %get3A_1003 = arith.index_cast %get3A_1002 : i32 to index
        %get3A_1004 = arith.index_cast %mul3A_954 : i32 to index
        %get3A_1005 = tpu.vector_load %arg7[%get3A_1003, %get3A_1004] {strides = array<i32>} : memref<2x4096xf32, #tpu.memory_space<vmem>>, vector<1x16xf32>,
        %get3A_1006 = vector.shape_cast %get3A_1005 : vector<1x16xf32> to vector<16xf32>
        %add3A_1007 = arith.addf %add3A_1001, %get3A_1006 : vector<16xf32>
        %swap3A_1008 = arith.constant 1 : i32
        %swap3A_1009 = arith.index_cast %swap3A_1008 : i32 to index
        %swap3A_1010 = arith.index_cast %mul3A_954 : i32 to index
        %swap3A_1011 = tpu.vector_load %arg7[%swap3A_1009, %swap3A_1010] {strides = array<i32>} : memref<2x4096xf32, #tpu.memory_space<vmem>>, vector<1x16xf32>,
        %swap3A_1012 = vector.shape_cast %swap3A_1011 : vector<1x16xf32> to vector<16xf32>
        %swap3A_1013 = vector.shape_cast %add3A_1007 : vector<16xf32> to vector<1x16xf32>
        tpu.vector_store %arg7[%swap3A_1009, %swap3A_1010], %swap3A_1013 {strides = array<i32>} : memref<2x4096xf32, #tpu.memory_space<vmem>>, vector<1x16xf32>,
        %scan3A_1014 = arith.constant 0 : i32
        scf.yield %scan3A_1014 : i32
      }
      %scan3A_537 = arith.constant 64 : i32
      %add3A_538 = arith.constant 1 : i32
      %add3A_539 = arith.addi %add3A_431, %add3A_538 : i32
      %mul3A_540 = arith.constant 4 : i32
      %mul3A_541 = arith.muli %add3A_539, %mul3A_540 : i32
      %add3A_542 = arith.constant 1 : i32
      %add3A_543 = arith.addi %mul3A_541, %add3A_542 : i32
      %jit3A_544 = arith.constant 4 : i32
      %div3A_545 = arith.divsi %add3A_543, %jit3A_544 : i32
      %sign3A_546 = arith.constant 0 : i32
      %sign3A_547 = arith.cmpi sgt, %add3A_543, %sign3A_546 : i32
      %sign3A_548 = arith.extui %sign3A_547 : i1 to i32
      %sign3A_549 = arith.constant 0 : i32
      %sign3A_550 = arith.cmpi slt, %add3A_543, %sign3A_549 : i32
      %sign3A_551 = arith.extui %sign3A_550 : i1 to i32
      %sign3A_552 = arith.subi %sign3A_548, %sign3A_551 : i32
      %sign3A_553 = arith.constant 0 : i32
      %sign3A_554 = arith.cmpi sgt, %jit3A_544, %sign3A_553 : i32
      %sign3A_555 = arith.extui %sign3A_554 : i1 to i32
      %sign3A_556 = arith.constant 0 : i32
      %sign3A_557 = arith.cmpi slt, %jit3A_544, %sign3A_556 : i32
      %sign3A_558 = arith.extui %sign3A_557 : i1 to i32
      %sign3A_559 = arith.subi %sign3A_555, %sign3A_558 : i32
      %ne3A_560 = arith.cmpi ne, %sign3A_552, %sign3A_559 : i32
      %rem3A_561 = arith.remsi %add3A_543, %jit3A_544 : i32
      %ne3A_562 = arith.constant 0 : i32
      %ne3A_563 = arith.cmpi ne, %rem3A_561, %ne3A_562 : i32
      %and3A_564 = arith.andi %ne3A_560, %ne3A_563 : i1
      %sub3A_565 = arith.constant 1 : i32
      %sub3A_566 = arith.subi %div3A_545, %sub3A_565 : i32
      %select_n3A_567 = arith.select %and3A_564, %sub3A_566, %div3A_545 : i32
      %jit3A_568 = arith.constant 4 : i32
      %eq3A_569 = arith.constant 0 : i32
      %eq3A_570 = arith.cmpi eq, %jit3A_568, %eq3A_569 : i32
      %jit3A_571 = arith.constant 1 : i32
      %select_n3A_572 = arith.select %eq3A_570, %jit3A_571, %jit3A_568 : i32
      %rem3A_573 = arith.remsi %add3A_543, %select_n3A_572 : i32
      %ne3A_574 = arith.constant 0 : i32
      %ne3A_575 = arith.cmpi ne, %rem3A_573, %ne3A_574 : i32
      %lt3A_576 = arith.constant 0 : i32
      %lt3A_577 = arith.cmpi slt, %rem3A_573, %lt3A_576 : i32
      %lt3A_578 = arith.constant 0 : i32
      %lt3A_579 = arith.cmpi slt, %select_n3A_572, %lt3A_578 : i32
      %ne3A_580 = arith.xori %lt3A_577, %lt3A_579 : i1
      %and3A_581 = arith.andi %ne3A_580, %ne3A_575 : i1
      %add3A_582 = arith.addi %rem3A_573, %select_n3A_572 : i32
      %select_n3A_583 = arith.select %and3A_581, %add3A_582, %rem3A_573 : i32
      %lt3A_584 = arith.constant 16 : i32
      %lt3A_585 = arith.cmpi slt, %select_n3A_567, %lt3A_584 : i32
      %convert_element_type3A_586 = arith.extui %lt3A_585 : i1 to i32
      %cond3A_587 = arith.constant 0 : i32
      %cond3A_588 = arith.cmpi ne, %convert_element_type3A_586, %cond3A_587 : i32
      scf.if %cond3A_588 {
        %mul3A_755 = arith.constant 4 : i32
        %mul3A_756 = arith.muli %select_n3A_583, %mul3A_755 : i32
        %add3A_757 = arith.addi %add3A_4, %mul3A_756 : i32
        %dma_start3A_758 = arith.constant 1 : i32
        %dma_start3A_759 = arith.constant 0 : i32
        %dma_start3A_760 = arith.constant 0 : i32
        %dma_start3A_761 = tpu.memref_slice %arg6[%dma_start3A_758, %dma_start3A_759, %dma_start3A_760] : memref<4x4x4096xf32, #tpu.memory_space<vmem>> -> memref<1x4x4096xf32, #tpu.memory_space<vmem>>
        %dma_start3A_762 = tpu.memref_squeeze %dma_start3A_761 : memref<1x4x4096xf32, #tpu.memory_space<vmem>> -> memref<4x4096xf32, #tpu.memory_space<vmem>>
        %dma_start3A_763 = arith.constant 0 : i32
        %dma_start3A_764 = tpu.memref_slice %arg2[%select_n3A_567, %add3A_757, %dma_start3A_763] : memref<16x2048x4096xf32, #tpu.memory_space<hbm>> -> memref<1x4x4096xf32, #tpu.memory_space<hbm>>
        %dma_start3A_765 = tpu.memref_squeeze %dma_start3A_764 : memref<1x4x4096xf32, #tpu.memory_space<hbm>> -> memref<4x4096xf32, #tpu.memory_space<hbm>>
        %dma_start3A_766 = arith.constant 0 : i32
        %dma_start3A_767 = arith.constant 0 : i32
        %dma_start3A_768 = tpu.memref_slice %arg6[%dma_start3A_758, %dma_start3A_766, %dma_start3A_767] : memref<4x4x4096xf32, #tpu.memory_space<vmem>> -> memref<1x4x4096xf32, #tpu.memory_space<vmem>>
        %dma_start3A_769 = tpu.memref_squeeze %dma_start3A_768 : memref<1x4x4096xf32, #tpu.memory_space<vmem>> -> memref<4x4096xf32, #tpu.memory_space<vmem>>
        %dma_start3A_770 = arith.constant 0 : i32
        %dma_start3A_771 = tpu.memref_slice %arg2[%select_n3A_567, %add3A_757, %dma_start3A_770] : memref<16x2048x4096xf32, #tpu.memory_space<hbm>> -> memref<1x4x4096xf32, #tpu.memory_space<hbm>>
        %dma_start3A_772 = tpu.memref_squeeze %dma_start3A_771 : memref<1x4x4096xf32, #tpu.memory_space<hbm>> -> memref<4x4096xf32, #tpu.memory_space<hbm>>
        tpu.enqueue_dma source(%dma_start3A_772 : memref<4x4096xf32, #tpu.memory_space<hbm>>) target(%dma_start3A_769 : memref<4x4096xf32, #tpu.memory_space<vmem>>) target_semaphore(%arg9 : memref<!tpu.dma_semaphore, #tpu.memory_space<semaphore_mem>>)
      } else {
      }
      %dma_wait3A_589 = arith.constant 0 : i32
      %dma_wait3A_590 = arith.constant 2 : i32
      %dma_wait3A_591 = arith.constant 0 : i32
      %dma_wait3A_592 = arith.constant 0 : i32
      %dma_wait3A_593 = tpu.memref_slice %arg6[%dma_wait3A_590, %dma_wait3A_591, %dma_wait3A_592] : memref<4x4x4096xf32, #tpu.memory_space<vmem>> -> memref<1x4x4096xf32, #tpu.memory_space<vmem>>
      %dma_wait3A_594 = tpu.memref_squeeze %dma_wait3A_593 : memref<1x4x4096xf32, #tpu.memory_space<vmem>> -> memref<4x4096xf32, #tpu.memory_space<vmem>>
      %dma_wait3A_595 = arith.constant 0 : i32
      %dma_wait3A_596 = arith.constant 0 : i32
      %dma_wait3A_597 = tpu.memref_slice %arg2[%dma_wait3A_589, %dma_wait3A_595, %dma_wait3A_596] : memref<16x2048x4096xf32, #tpu.memory_space<hbm>> -> memref<1x4x4096xf32, #tpu.memory_space<hbm>>
      %dma_wait3A_598 = tpu.memref_squeeze %dma_wait3A_597 : memref<1x4x4096xf32, #tpu.memory_space<hbm>> -> memref<4x4096xf32, #tpu.memory_space<hbm>>
      %dma_wait3A_599 = arith.constant 0 : i32
      %dma_wait3A_600 = arith.constant 0 : i32
      %dma_wait3A_601 = tpu.memref_slice %arg6[%dma_wait3A_590, %dma_wait3A_599, %dma_wait3A_600] : memref<4x4x4096xf32, #tpu.memory_space<vmem>> -> memref<1x4x4096xf32, #tpu.memory_space<vmem>>
      %dma_wait3A_602 = tpu.memref_squeeze %dma_wait3A_601 : memref<1x4x4096xf32, #tpu.memory_space<vmem>> -> memref<4x4096xf32, #tpu.memory_space<vmem>>
      %dma_wait3A_603 = arith.constant 0 : i32
      %dma_wait3A_604 = arith.constant 0 : i32
      %dma_wait3A_605 = tpu.memref_slice %arg2[%dma_wait3A_589, %dma_wait3A_603, %dma_wait3A_604] : memref<16x2048x4096xf32, #tpu.memory_space<hbm>> -> memref<1x4x4096xf32, #tpu.memory_space<hbm>>
      %dma_wait3A_606 = tpu.memref_squeeze %dma_wait3A_605 : memref<1x4x4096xf32, #tpu.memory_space<hbm>> -> memref<4x4096xf32, #tpu.memory_space<hbm>>
      tpu.wait_dma2 semaphore(%arg10 : memref<!tpu.dma_semaphore, #tpu.memory_space<semaphore_mem>>) src(%dma_wait3A_606 : memref<4x4096xf32, #tpu.memory_space<hbm>>) dst(%dma_wait3A_602 : memref<4x4096xf32, #tpu.memory_space<vmem>>)
      %scan3A_607 = arith.constant 0 : i32
      %scan3A_608 = arith.constant 0 : i32
      %scan3A_609 = arith.constant 64 : i32
      %scan3A_610 = arith.addi %scan3A_608, %scan3A_609 : i32
      %scan3A_611 = arith.constant 1 : i32
      %scan3A_612 = scf.for %scan3A_755 = %scan3A_608 to %scan3A_610 step %scan3A_611 iter_args(%scan3A_756 = %scan3A_607) -> (i32)  : i32 {
        %mul3A_757 = arith.constant 4 : i32
        %mul3A_758 = arith.muli %scan3A_755, %mul3A_757 : i32
        %add3A_759 = arith.constant 0 : i32
        %add3A_760 = arith.addi %mul3A_758, %add3A_759 : i32
        %mul3A_761 = arith.constant 16 : i32
        %mul3A_762 = arith.muli %add3A_760, %mul3A_761 : i32
        %slice3A = vector.extract_strided_slice %get3A_6 {offsets = [8], sizes = [1], strides = [1]} : vector<16xf32> to vector<1xf32>
        %squeeze3A = vector.extract %slice3A[0] : f32 from vector<1xf32>
        %get3A_763 = arith.constant 2 : i32
        %get3A_764 = arith.constant 0 : i32
        %get3A_765 = arith.index_cast %get3A_763 : i32 to index
        %get3A_766 = arith.index_cast %get3A_764 : i32 to index
        %get3A_767 = arith.index_cast %mul3A_762 : i32 to index
        %get3A_768 = tpu.vector_load %arg6[%get3A_765, %get3A_766, %get3A_767] {strides = array<i32>} : memref<4x4x4096xf32, #tpu.memory_space<vmem>>, vector<1x1x16xf32>,
        %get3A_769 = vector.shape_cast %get3A_768 : vector<1x1x16xf32> to vector<16xf32>
        %mul3A_770 = vector.broadcast %squeeze3A : f32 to vector<16xf32>
        %mul3A_771 = arith.mulf %mul3A_770, %get3A_769 : vector<16xf32>
        %slice3A_772 = vector.extract_strided_slice %get3A_6 {offsets = [9], sizes = [1], strides = [1]} : vector<16xf32> to vector<1xf32>
        %squeeze3A_773 = vector.extract %slice3A_772[0] : f32 from vector<1xf32>
        %get3A_774 = arith.constant 2 : i32
        %get3A_775 = arith.constant 1 : i32
        %get3A_776 = arith.index_cast %get3A_774 : i32 to index
        %get3A_777 = arith.index_cast %get3A_775 : i32 to index
        %get3A_778 = arith.index_cast %mul3A_762 : i32 to index
        %get3A_779 = tpu.vector_load %arg6[%get3A_776, %get3A_777, %get3A_778] {strides = array<i32>} : memref<4x4x4096xf32, #tpu.memory_space<vmem>>, vector<1x1x16xf32>,
        %get3A_780 = vector.shape_cast %get3A_779 : vector<1x1x16xf32> to vector<16xf32>
        %mul3A_781 = vector.broadcast %squeeze3A_773 : f32 to vector<16xf32>
        %mul3A_782 = arith.mulf %mul3A_781, %get3A_780 : vector<16xf32>
        %slice3A_783 = vector.extract_strided_slice %get3A_6 {offsets = [10], sizes = [1], strides = [1]} : vector<16xf32> to vector<1xf32>
        %squeeze3A_784 = vector.extract %slice3A_783[0] : f32 from vector<1xf32>
        %get3A_785 = arith.constant 2 : i32
        %get3A_786 = arith.constant 2 : i32
        %get3A_787 = arith.index_cast %get3A_785 : i32 to index
        %get3A_788 = arith.index_cast %get3A_786 : i32 to index
        %get3A_789 = arith.index_cast %mul3A_762 : i32 to index
        %get3A_790 = tpu.vector_load %arg6[%get3A_787, %get3A_788, %get3A_789] {strides = array<i32>} : memref<4x4x4096xf32, #tpu.memory_space<vmem>>, vector<1x1x16xf32>,
        %get3A_791 = vector.shape_cast %get3A_790 : vector<1x1x16xf32> to vector<16xf32>
        %mul3A_792 = vector.broadcast %squeeze3A_784 : f32 to vector<16xf32>
        %mul3A_793 = arith.mulf %mul3A_792, %get3A_791 : vector<16xf32>
        %add3A_794 = arith.addf %mul3A_771, %mul3A_793 : vector<16xf32>
        %slice3A_795 = vector.extract_strided_slice %get3A_6 {offsets = [11], sizes = [1], strides = [1]} : vector<16xf32> to vector<1xf32>
        %squeeze3A_796 = vector.extract %slice3A_795[0] : f32 from vector<1xf32>
        %get3A_797 = arith.constant 2 : i32
        %get3A_798 = arith.constant 3 : i32
        %get3A_799 = arith.index_cast %get3A_797 : i32 to index
        %get3A_800 = arith.index_cast %get3A_798 : i32 to index
        %get3A_801 = arith.index_cast %mul3A_762 : i32 to index
        %get3A_802 = tpu.vector_load %arg6[%get3A_799, %get3A_800, %get3A_801] {strides = array<i32>} : memref<4x4x4096xf32, #tpu.memory_space<vmem>>, vector<1x1x16xf32>,
        %get3A_803 = vector.shape_cast %get3A_802 : vector<1x1x16xf32> to vector<16xf32>
        %mul3A_804 = vector.broadcast %squeeze3A_796 : f32 to vector<16xf32>
        %mul3A_805 = arith.mulf %mul3A_804, %get3A_803 : vector<16xf32>
        %add3A_806 = arith.addf %mul3A_782, %mul3A_805 : vector<16xf32>
        %add3A_807 = arith.addf %add3A_794, %add3A_806 : vector<16xf32>
        %get3A_808 = arith.constant 1 : i32
        %get3A_809 = arith.index_cast %get3A_808 : i32 to index
        %get3A_810 = arith.index_cast %mul3A_762 : i32 to index
        %get3A_811 = tpu.vector_load %arg7[%get3A_809, %get3A_810] {strides = array<i32>} : memref<2x4096xf32, #tpu.memory_space<vmem>>, vector<1x16xf32>,
        %get3A_812 = vector.shape_cast %get3A_811 : vector<1x16xf32> to vector<16xf32>
        %add3A_813 = arith.addf %add3A_807, %get3A_812 : vector<16xf32>
        %swap3A = arith.constant 1 : i32
        %swap3A_814 = arith.index_cast %swap3A : i32 to index
        %swap3A_815 = arith.index_cast %mul3A_762 : i32 to index
        %swap3A_816 = tpu.vector_load %arg7[%swap3A_814, %swap3A_815] {strides = array<i32>} : memref<2x4096xf32, #tpu.memory_space<vmem>>, vector<1x16xf32>,
        %swap3A_817 = vector.shape_cast %swap3A_816 : vector<1x16xf32> to vector<16xf32>
        %swap3A_818 = vector.shape_cast %add3A_813 : vector<16xf32> to vector<1x16xf32>
        tpu.vector_store %arg7[%swap3A_814, %swap3A_815], %swap3A_818 {strides = array<i32>} : memref<2x4096xf32, #tpu.memory_space<vmem>>, vector<1x16xf32>,
        %mul3A_819 = arith.constant 4 : i32
        %mul3A_820 = arith.muli %scan3A_755, %mul3A_819 : i32
        %add3A_821 = arith.constant 1 : i32
        %add3A_822 = arith.addi %mul3A_820, %add3A_821 : i32
        %mul3A_823 = arith.constant 16 : i32
        %mul3A_824 = arith.muli %add3A_822, %mul3A_823 : i32
        %slice3A_825 = vector.extract_strided_slice %get3A_6 {offsets = [8], sizes = [1], strides = [1]} : vector<16xf32> to vector<1xf32>
        %squeeze3A_826 = vector.extract %slice3A_825[0] : f32 from vector<1xf32>
        %get3A_827 = arith.constant 2 : i32
        %get3A_828 = arith.constant 0 : i32
        %get3A_829 = arith.index_cast %get3A_827 : i32 to index
        %get3A_830 = arith.index_cast %get3A_828 : i32 to index
        %get3A_831 = arith.index_cast %mul3A_824 : i32 to index
        %get3A_832 = tpu.vector_load %arg6[%get3A_829, %get3A_830, %get3A_831] {strides = array<i32>} : memref<4x4x4096xf32, #tpu.memory_space<vmem>>, vector<1x1x16xf32>,
        %get3A_833 = vector.shape_cast %get3A_832 : vector<1x1x16xf32> to vector<16xf32>
        %mul3A_834 = vector.broadcast %squeeze3A_826 : f32 to vector<16xf32>
        %mul3A_835 = arith.mulf %mul3A_834, %get3A_833 : vector<16xf32>
        %slice3A_836 = vector.extract_strided_slice %get3A_6 {offsets = [9], sizes = [1], strides = [1]} : vector<16xf32> to vector<1xf32>
        %squeeze3A_837 = vector.extract %slice3A_836[0] : f32 from vector<1xf32>
        %get3A_838 = arith.constant 2 : i32
        %get3A_839 = arith.constant 1 : i32
        %get3A_840 = arith.index_cast %get3A_838 : i32 to index
        %get3A_841 = arith.index_cast %get3A_839 : i32 to index
        %get3A_842 = arith.index_cast %mul3A_824 : i32 to index
        %get3A_843 = tpu.vector_load %arg6[%get3A_840, %get3A_841, %get3A_842] {strides = array<i32>} : memref<4x4x4096xf32, #tpu.memory_space<vmem>>, vector<1x1x16xf32>,
        %get3A_844 = vector.shape_cast %get3A_843 : vector<1x1x16xf32> to vector<16xf32>
        %mul3A_845 = vector.broadcast %squeeze3A_837 : f32 to vector<16xf32>
        %mul3A_846 = arith.mulf %mul3A_845, %get3A_844 : vector<16xf32>
        %slice3A_847 = vector.extract_strided_slice %get3A_6 {offsets = [10], sizes = [1], strides = [1]} : vector<16xf32> to vector<1xf32>
        %squeeze3A_848 = vector.extract %slice3A_847[0] : f32 from vector<1xf32>
        %get3A_849 = arith.constant 2 : i32
        %get3A_850 = arith.constant 2 : i32
        %get3A_851 = arith.index_cast %get3A_849 : i32 to index
        %get3A_852 = arith.index_cast %get3A_850 : i32 to index
        %get3A_853 = arith.index_cast %mul3A_824 : i32 to index
        %get3A_854 = tpu.vector_load %arg6[%get3A_851, %get3A_852, %get3A_853] {strides = array<i32>} : memref<4x4x4096xf32, #tpu.memory_space<vmem>>, vector<1x1x16xf32>,
        %get3A_855 = vector.shape_cast %get3A_854 : vector<1x1x16xf32> to vector<16xf32>
        %mul3A_856 = vector.broadcast %squeeze3A_848 : f32 to vector<16xf32>
        %mul3A_857 = arith.mulf %mul3A_856, %get3A_855 : vector<16xf32>
        %add3A_858 = arith.addf %mul3A_835, %mul3A_857 : vector<16xf32>
        %slice3A_859 = vector.extract_strided_slice %get3A_6 {offsets = [11], sizes = [1], strides = [1]} : vector<16xf32> to vector<1xf32>
        %squeeze3A_860 = vector.extract %slice3A_859[0] : f32 from vector<1xf32>
        %get3A_861 = arith.constant 2 : i32
        %get3A_862 = arith.constant 3 : i32
        %get3A_863 = arith.index_cast %get3A_861 : i32 to index
        %get3A_864 = arith.index_cast %get3A_862 : i32 to index
        %get3A_865 = arith.index_cast %mul3A_824 : i32 to index
        %get3A_866 = tpu.vector_load %arg6[%get3A_863, %get3A_864, %get3A_865] {strides = array<i32>} : memref<4x4x4096xf32, #tpu.memory_space<vmem>>, vector<1x1x16xf32>,
        %get3A_867 = vector.shape_cast %get3A_866 : vector<1x1x16xf32> to vector<16xf32>
        %mul3A_868 = vector.broadcast %squeeze3A_860 : f32 to vector<16xf32>
        %mul3A_869 = arith.mulf %mul3A_868, %get3A_867 : vector<16xf32>
        %add3A_870 = arith.addf %mul3A_846, %mul3A_869 : vector<16xf32>
        %add3A_871 = arith.addf %add3A_858, %add3A_870 : vector<16xf32>
        %get3A_872 = arith.constant 1 : i32
        %get3A_873 = arith.index_cast %get3A_872 : i32 to index
        %get3A_874 = arith.index_cast %mul3A_824 : i32 to index
        %get3A_875 = tpu.vector_load %arg7[%get3A_873, %get3A_874] {strides = array<i32>} : memref<2x4096xf32, #tpu.memory_space<vmem>>, vector<1x16xf32>,
        %get3A_876 = vector.shape_cast %get3A_875 : vector<1x16xf32> to vector<16xf32>
        %add3A_877 = arith.addf %add3A_871, %get3A_876 : vector<16xf32>
        %swap3A_878 = arith.constant 1 : i32
        %swap3A_879 = arith.index_cast %swap3A_878 : i32 to index
        %swap3A_880 = arith.index_cast %mul3A_824 : i32 to index
        %swap3A_881 = tpu.vector_load %arg7[%swap3A_879, %swap3A_880] {strides = array<i32>} : memref<2x4096xf32, #tpu.memory_space<vmem>>, vector<1x16xf32>,
        %swap3A_882 = vector.shape_cast %swap3A_881 : vector<1x16xf32> to vector<16xf32>
        %swap3A_883 = vector.shape_cast %add3A_877 : vector<16xf32> to vector<1x16xf32>
        tpu.vector_store %arg7[%swap3A_879, %swap3A_880], %swap3A_883 {strides = array<i32>} : memref<2x4096xf32, #tpu.memory_space<vmem>>, vector<1x16xf32>,
        %mul3A_884 = arith.constant 4 : i32
        %mul3A_885 = arith.muli %scan3A_755, %mul3A_884 : i32
        %add3A_886 = arith.constant 2 : i32
        %add3A_887 = arith.addi %mul3A_885, %add3A_886 : i32
        %mul3A_888 = arith.constant 16 : i32
        %mul3A_889 = arith.muli %add3A_887, %mul3A_888 : i32
        %slice3A_890 = vector.extract_strided_slice %get3A_6 {offsets = [8], sizes = [1], strides = [1]} : vector<16xf32> to vector<1xf32>
        %squeeze3A_891 = vector.extract %slice3A_890[0] : f32 from vector<1xf32>
        %get3A_892 = arith.constant 2 : i32
        %get3A_893 = arith.constant 0 : i32
        %get3A_894 = arith.index_cast %get3A_892 : i32 to index
        %get3A_895 = arith.index_cast %get3A_893 : i32 to index
        %get3A_896 = arith.index_cast %mul3A_889 : i32 to index
        %get3A_897 = tpu.vector_load %arg6[%get3A_894, %get3A_895, %get3A_896] {strides = array<i32>} : memref<4x4x4096xf32, #tpu.memory_space<vmem>>, vector<1x1x16xf32>,
        %get3A_898 = vector.shape_cast %get3A_897 : vector<1x1x16xf32> to vector<16xf32>
        %mul3A_899 = vector.broadcast %squeeze3A_891 : f32 to vector<16xf32>
        %mul3A_900 = arith.mulf %mul3A_899, %get3A_898 : vector<16xf32>
        %slice3A_901 = vector.extract_strided_slice %get3A_6 {offsets = [9], sizes = [1], strides = [1]} : vector<16xf32> to vector<1xf32>
        %squeeze3A_902 = vector.extract %slice3A_901[0] : f32 from vector<1xf32>
        %get3A_903 = arith.constant 2 : i32
        %get3A_904 = arith.constant 1 : i32
        %get3A_905 = arith.index_cast %get3A_903 : i32 to index
        %get3A_906 = arith.index_cast %get3A_904 : i32 to index
        %get3A_907 = arith.index_cast %mul3A_889 : i32 to index
        %get3A_908 = tpu.vector_load %arg6[%get3A_905, %get3A_906, %get3A_907] {strides = array<i32>} : memref<4x4x4096xf32, #tpu.memory_space<vmem>>, vector<1x1x16xf32>,
        %get3A_909 = vector.shape_cast %get3A_908 : vector<1x1x16xf32> to vector<16xf32>
        %mul3A_910 = vector.broadcast %squeeze3A_902 : f32 to vector<16xf32>
        %mul3A_911 = arith.mulf %mul3A_910, %get3A_909 : vector<16xf32>
        %slice3A_912 = vector.extract_strided_slice %get3A_6 {offsets = [10], sizes = [1], strides = [1]} : vector<16xf32> to vector<1xf32>
        %squeeze3A_913 = vector.extract %slice3A_912[0] : f32 from vector<1xf32>
        %get3A_914 = arith.constant 2 : i32
        %get3A_915 = arith.constant 2 : i32
        %get3A_916 = arith.index_cast %get3A_914 : i32 to index
        %get3A_917 = arith.index_cast %get3A_915 : i32 to index
        %get3A_918 = arith.index_cast %mul3A_889 : i32 to index
        %get3A_919 = tpu.vector_load %arg6[%get3A_916, %get3A_917, %get3A_918] {strides = array<i32>} : memref<4x4x4096xf32, #tpu.memory_space<vmem>>, vector<1x1x16xf32>,
        %get3A_920 = vector.shape_cast %get3A_919 : vector<1x1x16xf32> to vector<16xf32>
        %mul3A_921 = vector.broadcast %squeeze3A_913 : f32 to vector<16xf32>
        %mul3A_922 = arith.mulf %mul3A_921, %get3A_920 : vector<16xf32>
        %add3A_923 = arith.addf %mul3A_900, %mul3A_922 : vector<16xf32>
        %slice3A_924 = vector.extract_strided_slice %get3A_6 {offsets = [11], sizes = [1], strides = [1]} : vector<16xf32> to vector<1xf32>
        %squeeze3A_925 = vector.extract %slice3A_924[0] : f32 from vector<1xf32>
        %get3A_926 = arith.constant 2 : i32
        %get3A_927 = arith.constant 3 : i32
        %get3A_928 = arith.index_cast %get3A_926 : i32 to index
        %get3A_929 = arith.index_cast %get3A_927 : i32 to index
        %get3A_930 = arith.index_cast %mul3A_889 : i32 to index
        %get3A_931 = tpu.vector_load %arg6[%get3A_928, %get3A_929, %get3A_930] {strides = array<i32>} : memref<4x4x4096xf32, #tpu.memory_space<vmem>>, vector<1x1x16xf32>,
        %get3A_932 = vector.shape_cast %get3A_931 : vector<1x1x16xf32> to vector<16xf32>
        %mul3A_933 = vector.broadcast %squeeze3A_925 : f32 to vector<16xf32>
        %mul3A_934 = arith.mulf %mul3A_933, %get3A_932 : vector<16xf32>
        %add3A_935 = arith.addf %mul3A_911, %mul3A_934 : vector<16xf32>
        %add3A_936 = arith.addf %add3A_923, %add3A_935 : vector<16xf32>
        %get3A_937 = arith.constant 1 : i32
        %get3A_938 = arith.index_cast %get3A_937 : i32 to index
        %get3A_939 = arith.index_cast %mul3A_889 : i32 to index
        %get3A_940 = tpu.vector_load %arg7[%get3A_938, %get3A_939] {strides = array<i32>} : memref<2x4096xf32, #tpu.memory_space<vmem>>, vector<1x16xf32>,
        %get3A_941 = vector.shape_cast %get3A_940 : vector<1x16xf32> to vector<16xf32>
        %add3A_942 = arith.addf %add3A_936, %get3A_941 : vector<16xf32>
        %swap3A_943 = arith.constant 1 : i32
        %swap3A_944 = arith.index_cast %swap3A_943 : i32 to index
        %swap3A_945 = arith.index_cast %mul3A_889 : i32 to index
        %swap3A_946 = tpu.vector_load %arg7[%swap3A_944, %swap3A_945] {strides = array<i32>} : memref<2x4096xf32, #tpu.memory_space<vmem>>, vector<1x16xf32>,
        %swap3A_947 = vector.shape_cast %swap3A_946 : vector<1x16xf32> to vector<16xf32>
        %swap3A_948 = vector.shape_cast %add3A_942 : vector<16xf32> to vector<1x16xf32>
        tpu.vector_store %arg7[%swap3A_944, %swap3A_945], %swap3A_948 {strides = array<i32>} : memref<2x4096xf32, #tpu.memory_space<vmem>>, vector<1x16xf32>,
        %mul3A_949 = arith.constant 4 : i32
        %mul3A_950 = arith.muli %scan3A_755, %mul3A_949 : i32
        %add3A_951 = arith.constant 3 : i32
        %add3A_952 = arith.addi %mul3A_950, %add3A_951 : i32
        %mul3A_953 = arith.constant 16 : i32
        %mul3A_954 = arith.muli %add3A_952, %mul3A_953 : i32
        %slice3A_955 = vector.extract_strided_slice %get3A_6 {offsets = [8], sizes = [1], strides = [1]} : vector<16xf32> to vector<1xf32>
        %squeeze3A_956 = vector.extract %slice3A_955[0] : f32 from vector<1xf32>
        %get3A_957 = arith.constant 2 : i32
        %get3A_958 = arith.constant 0 : i32
        %get3A_959 = arith.index_cast %get3A_957 : i32 to index
        %get3A_960 = arith.index_cast %get3A_958 : i32 to index
        %get3A_961 = arith.index_cast %mul3A_954 : i32 to index
        %get3A_962 = tpu.vector_load %arg6[%get3A_959, %get3A_960, %get3A_961] {strides = array<i32>} : memref<4x4x4096xf32, #tpu.memory_space<vmem>>, vector<1x1x16xf32>,
        %get3A_963 = vector.shape_cast %get3A_962 : vector<1x1x16xf32> to vector<16xf32>
        %mul3A_964 = vector.broadcast %squeeze3A_956 : f32 to vector<16xf32>
        %mul3A_965 = arith.mulf %mul3A_964, %get3A_963 : vector<16xf32>
        %slice3A_966 = vector.extract_strided_slice %get3A_6 {offsets = [9], sizes = [1], strides = [1]} : vector<16xf32> to vector<1xf32>
        %squeeze3A_967 = vector.extract %slice3A_966[0] : f32 from vector<1xf32>
        %get3A_968 = arith.constant 2 : i32
        %get3A_969 = arith.constant 1 : i32
        %get3A_970 = arith.index_cast %get3A_968 : i32 to index
        %get3A_971 = arith.index_cast %get3A_969 : i32 to index
        %get3A_972 = arith.index_cast %mul3A_954 : i32 to index
        %get3A_973 = tpu.vector_load %arg6[%get3A_970, %get3A_971, %get3A_972] {strides = array<i32>} : memref<4x4x4096xf32, #tpu.memory_space<vmem>>, vector<1x1x16xf32>,
        %get3A_974 = vector.shape_cast %get3A_973 : vector<1x1x16xf32> to vector<16xf32>
        %mul3A_975 = vector.broadcast %squeeze3A_967 : f32 to vector<16xf32>
        %mul3A_976 = arith.mulf %mul3A_975, %get3A_974 : vector<16xf32>
        %slice3A_977 = vector.extract_strided_slice %get3A_6 {offsets = [10], sizes = [1], strides = [1]} : vector<16xf32> to vector<1xf32>
        %squeeze3A_978 = vector.extract %slice3A_977[0] : f32 from vector<1xf32>
        %get3A_979 = arith.constant 2 : i32
        %get3A_980 = arith.constant 2 : i32
        %get3A_981 = arith.index_cast %get3A_979 : i32 to index
        %get3A_982 = arith.index_cast %get3A_980 : i32 to index
        %get3A_983 = arith.index_cast %mul3A_954 : i32 to index
        %get3A_984 = tpu.vector_load %arg6[%get3A_981, %get3A_982, %get3A_983] {strides = array<i32>} : memref<4x4x4096xf32, #tpu.memory_space<vmem>>, vector<1x1x16xf32>,
        %get3A_985 = vector.shape_cast %get3A_984 : vector<1x1x16xf32> to vector<16xf32>
        %mul3A_986 = vector.broadcast %squeeze3A_978 : f32 to vector<16xf32>
        %mul3A_987 = arith.mulf %mul3A_986, %get3A_985 : vector<16xf32>
        %add3A_988 = arith.addf %mul3A_965, %mul3A_987 : vector<16xf32>
        %slice3A_989 = vector.extract_strided_slice %get3A_6 {offsets = [11], sizes = [1], strides = [1]} : vector<16xf32> to vector<1xf32>
        %squeeze3A_990 = vector.extract %slice3A_989[0] : f32 from vector<1xf32>
        %get3A_991 = arith.constant 2 : i32
        %get3A_992 = arith.constant 3 : i32
        %get3A_993 = arith.index_cast %get3A_991 : i32 to index
        %get3A_994 = arith.index_cast %get3A_992 : i32 to index
        %get3A_995 = arith.index_cast %mul3A_954 : i32 to index
        %get3A_996 = tpu.vector_load %arg6[%get3A_993, %get3A_994, %get3A_995] {strides = array<i32>} : memref<4x4x4096xf32, #tpu.memory_space<vmem>>, vector<1x1x16xf32>,
        %get3A_997 = vector.shape_cast %get3A_996 : vector<1x1x16xf32> to vector<16xf32>
        %mul3A_998 = vector.broadcast %squeeze3A_990 : f32 to vector<16xf32>
        %mul3A_999 = arith.mulf %mul3A_998, %get3A_997 : vector<16xf32>
        %add3A_1000 = arith.addf %mul3A_976, %mul3A_999 : vector<16xf32>
        %add3A_1001 = arith.addf %add3A_988, %add3A_1000 : vector<16xf32>
        %get3A_1002 = arith.constant 1 : i32
        %get3A_1003 = arith.index_cast %get3A_1002 : i32 to index
        %get3A_1004 = arith.index_cast %mul3A_954 : i32 to index
        %get3A_1005 = tpu.vector_load %arg7[%get3A_1003, %get3A_1004] {strides = array<i32>} : memref<2x4096xf32, #tpu.memory_space<vmem>>, vector<1x16xf32>,
        %get3A_1006 = vector.shape_cast %get3A_1005 : vector<1x16xf32> to vector<16xf32>
        %add3A_1007 = arith.addf %add3A_1001, %get3A_1006 : vector<16xf32>
        %swap3A_1008 = arith.constant 1 : i32
        %swap3A_1009 = arith.index_cast %swap3A_1008 : i32 to index
        %swap3A_1010 = arith.index_cast %mul3A_954 : i32 to index
        %swap3A_1011 = tpu.vector_load %arg7[%swap3A_1009, %swap3A_1010] {strides = array<i32>} : memref<2x4096xf32, #tpu.memory_space<vmem>>, vector<1x16xf32>,
        %swap3A_1012 = vector.shape_cast %swap3A_1011 : vector<1x16xf32> to vector<16xf32>
        %swap3A_1013 = vector.shape_cast %add3A_1007 : vector<16xf32> to vector<1x16xf32>
        tpu.vector_store %arg7[%swap3A_1009, %swap3A_1010], %swap3A_1013 {strides = array<i32>} : memref<2x4096xf32, #tpu.memory_space<vmem>>, vector<1x16xf32>,
        %scan3A_1014 = arith.constant 0 : i32
        scf.yield %scan3A_1014 : i32
      }
      %scan3A_613 = arith.constant 64 : i32
      %add3A_614 = arith.constant 1 : i32
      %add3A_615 = arith.addi %add3A_431, %add3A_614 : i32
      %mul3A_616 = arith.constant 4 : i32
      %mul3A_617 = arith.muli %add3A_615, %mul3A_616 : i32
      %add3A_618 = arith.constant 2 : i32
      %add3A_619 = arith.addi %mul3A_617, %add3A_618 : i32
      %jit3A_620 = arith.constant 4 : i32
      %div3A_621 = arith.divsi %add3A_619, %jit3A_620 : i32
      %sign3A_622 = arith.constant 0 : i32
      %sign3A_623 = arith.cmpi sgt, %add3A_619, %sign3A_622 : i32
      %sign3A_624 = arith.extui %sign3A_623 : i1 to i32
      %sign3A_625 = arith.constant 0 : i32
      %sign3A_626 = arith.cmpi slt, %add3A_619, %sign3A_625 : i32
      %sign3A_627 = arith.extui %sign3A_626 : i1 to i32
      %sign3A_628 = arith.subi %sign3A_624, %sign3A_627 : i32
      %sign3A_629 = arith.constant 0 : i32
      %sign3A_630 = arith.cmpi sgt, %jit3A_620, %sign3A_629 : i32
      %sign3A_631 = arith.extui %sign3A_630 : i1 to i32
      %sign3A_632 = arith.constant 0 : i32
      %sign3A_633 = arith.cmpi slt, %jit3A_620, %sign3A_632 : i32
      %sign3A_634 = arith.extui %sign3A_633 : i1 to i32
      %sign3A_635 = arith.subi %sign3A_631, %sign3A_634 : i32
      %ne3A_636 = arith.cmpi ne, %sign3A_628, %sign3A_635 : i32
      %rem3A_637 = arith.remsi %add3A_619, %jit3A_620 : i32
      %ne3A_638 = arith.constant 0 : i32
      %ne3A_639 = arith.cmpi ne, %rem3A_637, %ne3A_638 : i32
      %and3A_640 = arith.andi %ne3A_636, %ne3A_639 : i1
      %sub3A_641 = arith.constant 1 : i32
      %sub3A_642 = arith.subi %div3A_621, %sub3A_641 : i32
      %select_n3A_643 = arith.select %and3A_640, %sub3A_642, %div3A_621 : i32
      %jit3A_644 = arith.constant 4 : i32
      %eq3A_645 = arith.constant 0 : i32
      %eq3A_646 = arith.cmpi eq, %jit3A_644, %eq3A_645 : i32
      %jit3A_647 = arith.constant 1 : i32
      %select_n3A_648 = arith.select %eq3A_646, %jit3A_647, %jit3A_644 : i32
      %rem3A_649 = arith.remsi %add3A_619, %select_n3A_648 : i32
      %ne3A_650 = arith.constant 0 : i32
      %ne3A_651 = arith.cmpi ne, %rem3A_649, %ne3A_650 : i32
      %lt3A_652 = arith.constant 0 : i32
      %lt3A_653 = arith.cmpi slt, %rem3A_649, %lt3A_652 : i32
      %lt3A_654 = arith.constant 0 : i32
      %lt3A_655 = arith.cmpi slt, %select_n3A_648, %lt3A_654 : i32
      %ne3A_656 = arith.xori %lt3A_653, %lt3A_655 : i1
      %and3A_657 = arith.andi %ne3A_656, %ne3A_651 : i1
      %add3A_658 = arith.addi %rem3A_649, %select_n3A_648 : i32
      %select_n3A_659 = arith.select %and3A_657, %add3A_658, %rem3A_649 : i32
      %lt3A_660 = arith.constant 16 : i32
      %lt3A_661 = arith.cmpi slt, %select_n3A_643, %lt3A_660 : i32
      %convert_element_type3A_662 = arith.extui %lt3A_661 : i1 to i32
      %cond3A_663 = arith.constant 0 : i32
      %cond3A_664 = arith.cmpi ne, %convert_element_type3A_662, %cond3A_663 : i32
      scf.if %cond3A_664 {
        %mul3A_755 = arith.constant 4 : i32
        %mul3A_756 = arith.muli %select_n3A_659, %mul3A_755 : i32
        %add3A_757 = arith.addi %add3A_4, %mul3A_756 : i32
        %dma_start3A_758 = arith.constant 2 : i32
        %dma_start3A_759 = arith.constant 0 : i32
        %dma_start3A_760 = arith.constant 0 : i32
        %dma_start3A_761 = tpu.memref_slice %arg6[%dma_start3A_758, %dma_start3A_759, %dma_start3A_760] : memref<4x4x4096xf32, #tpu.memory_space<vmem>> -> memref<1x4x4096xf32, #tpu.memory_space<vmem>>
        %dma_start3A_762 = tpu.memref_squeeze %dma_start3A_761 : memref<1x4x4096xf32, #tpu.memory_space<vmem>> -> memref<4x4096xf32, #tpu.memory_space<vmem>>
        %dma_start3A_763 = arith.constant 0 : i32
        %dma_start3A_764 = tpu.memref_slice %arg2[%select_n3A_643, %add3A_757, %dma_start3A_763] : memref<16x2048x4096xf32, #tpu.memory_space<hbm>> -> memref<1x4x4096xf32, #tpu.memory_space<hbm>>
        %dma_start3A_765 = tpu.memref_squeeze %dma_start3A_764 : memref<1x4x4096xf32, #tpu.memory_space<hbm>> -> memref<4x4096xf32, #tpu.memory_space<hbm>>
        %dma_start3A_766 = arith.constant 0 : i32
        %dma_start3A_767 = arith.constant 0 : i32
        %dma_start3A_768 = tpu.memref_slice %arg6[%dma_start3A_758, %dma_start3A_766, %dma_start3A_767] : memref<4x4x4096xf32, #tpu.memory_space<vmem>> -> memref<1x4x4096xf32, #tpu.memory_space<vmem>>
        %dma_start3A_769 = tpu.memref_squeeze %dma_start3A_768 : memref<1x4x4096xf32, #tpu.memory_space<vmem>> -> memref<4x4096xf32, #tpu.memory_space<vmem>>
        %dma_start3A_770 = arith.constant 0 : i32
        %dma_start3A_771 = tpu.memref_slice %arg2[%select_n3A_643, %add3A_757, %dma_start3A_770] : memref<16x2048x4096xf32, #tpu.memory_space<hbm>> -> memref<1x4x4096xf32, #tpu.memory_space<hbm>>
        %dma_start3A_772 = tpu.memref_squeeze %dma_start3A_771 : memref<1x4x4096xf32, #tpu.memory_space<hbm>> -> memref<4x4096xf32, #tpu.memory_space<hbm>>
        tpu.enqueue_dma source(%dma_start3A_772 : memref<4x4096xf32, #tpu.memory_space<hbm>>) target(%dma_start3A_769 : memref<4x4096xf32, #tpu.memory_space<vmem>>) target_semaphore(%arg10 : memref<!tpu.dma_semaphore, #tpu.memory_space<semaphore_mem>>)
      } else {
      }
      %dma_wait3A_665 = arith.constant 0 : i32
      %dma_wait3A_666 = arith.constant 3 : i32
      %dma_wait3A_667 = arith.constant 0 : i32
      %dma_wait3A_668 = arith.constant 0 : i32
      %dma_wait3A_669 = tpu.memref_slice %arg6[%dma_wait3A_666, %dma_wait3A_667, %dma_wait3A_668] : memref<4x4x4096xf32, #tpu.memory_space<vmem>> -> memref<1x4x4096xf32, #tpu.memory_space<vmem>>
      %dma_wait3A_670 = tpu.memref_squeeze %dma_wait3A_669 : memref<1x4x4096xf32, #tpu.memory_space<vmem>> -> memref<4x4096xf32, #tpu.memory_space<vmem>>
      %dma_wait3A_671 = arith.constant 0 : i32
      %dma_wait3A_672 = arith.constant 0 : i32
      %dma_wait3A_673 = tpu.memref_slice %arg2[%dma_wait3A_665, %dma_wait3A_671, %dma_wait3A_672] : memref<16x2048x4096xf32, #tpu.memory_space<hbm>> -> memref<1x4x4096xf32, #tpu.memory_space<hbm>>
      %dma_wait3A_674 = tpu.memref_squeeze %dma_wait3A_673 : memref<1x4x4096xf32, #tpu.memory_space<hbm>> -> memref<4x4096xf32, #tpu.memory_space<hbm>>
      %dma_wait3A_675 = arith.constant 0 : i32
      %dma_wait3A_676 = arith.constant 0 : i32
      %dma_wait3A_677 = tpu.memref_slice %arg6[%dma_wait3A_666, %dma_wait3A_675, %dma_wait3A_676] : memref<4x4x4096xf32, #tpu.memory_space<vmem>> -> memref<1x4x4096xf32, #tpu.memory_space<vmem>>
      %dma_wait3A_678 = tpu.memref_squeeze %dma_wait3A_677 : memref<1x4x4096xf32, #tpu.memory_space<vmem>> -> memref<4x4096xf32, #tpu.memory_space<vmem>>
      %dma_wait3A_679 = arith.constant 0 : i32
      %dma_wait3A_680 = arith.constant 0 : i32
      %dma_wait3A_681 = tpu.memref_slice %arg2[%dma_wait3A_665, %dma_wait3A_679, %dma_wait3A_680] : memref<16x2048x4096xf32, #tpu.memory_space<hbm>> -> memref<1x4x4096xf32, #tpu.memory_space<hbm>>
      %dma_wait3A_682 = tpu.memref_squeeze %dma_wait3A_681 : memref<1x4x4096xf32, #tpu.memory_space<hbm>> -> memref<4x4096xf32, #tpu.memory_space<hbm>>
      tpu.wait_dma2 semaphore(%arg11 : memref<!tpu.dma_semaphore, #tpu.memory_space<semaphore_mem>>) src(%dma_wait3A_682 : memref<4x4096xf32, #tpu.memory_space<hbm>>) dst(%dma_wait3A_678 : memref<4x4096xf32, #tpu.memory_space<vmem>>)
      %scan3A_683 = arith.constant 0 : i32
      %scan3A_684 = arith.constant 0 : i32
      %scan3A_685 = arith.constant 64 : i32
      %scan3A_686 = arith.addi %scan3A_684, %scan3A_685 : i32
      %scan3A_687 = arith.constant 1 : i32
      %scan3A_688 = scf.for %scan3A_755 = %scan3A_684 to %scan3A_686 step %scan3A_687 iter_args(%scan3A_756 = %scan3A_683) -> (i32)  : i32 {
        %mul3A_757 = arith.constant 4 : i32
        %mul3A_758 = arith.muli %scan3A_755, %mul3A_757 : i32
        %add3A_759 = arith.constant 0 : i32
        %add3A_760 = arith.addi %mul3A_758, %add3A_759 : i32
        %mul3A_761 = arith.constant 16 : i32
        %mul3A_762 = arith.muli %add3A_760, %mul3A_761 : i32
        %slice3A = vector.extract_strided_slice %get3A_6 {offsets = [12], sizes = [1], strides = [1]} : vector<16xf32> to vector<1xf32>
        %squeeze3A = vector.extract %slice3A[0] : f32 from vector<1xf32>
        %get3A_763 = arith.constant 3 : i32
        %get3A_764 = arith.constant 0 : i32
        %get3A_765 = arith.index_cast %get3A_763 : i32 to index
        %get3A_766 = arith.index_cast %get3A_764 : i32 to index
        %get3A_767 = arith.index_cast %mul3A_762 : i32 to index
        %get3A_768 = tpu.vector_load %arg6[%get3A_765, %get3A_766, %get3A_767] {strides = array<i32>} : memref<4x4x4096xf32, #tpu.memory_space<vmem>>, vector<1x1x16xf32>,
        %get3A_769 = vector.shape_cast %get3A_768 : vector<1x1x16xf32> to vector<16xf32>
        %mul3A_770 = vector.broadcast %squeeze3A : f32 to vector<16xf32>
        %mul3A_771 = arith.mulf %mul3A_770, %get3A_769 : vector<16xf32>
        %slice3A_772 = vector.extract_strided_slice %get3A_6 {offsets = [13], sizes = [1], strides = [1]} : vector<16xf32> to vector<1xf32>
        %squeeze3A_773 = vector.extract %slice3A_772[0] : f32 from vector<1xf32>
        %get3A_774 = arith.constant 3 : i32
        %get3A_775 = arith.constant 1 : i32
        %get3A_776 = arith.index_cast %get3A_774 : i32 to index
        %get3A_777 = arith.index_cast %get3A_775 : i32 to index
        %get3A_778 = arith.index_cast %mul3A_762 : i32 to index
        %get3A_779 = tpu.vector_load %arg6[%get3A_776, %get3A_777, %get3A_778] {strides = array<i32>} : memref<4x4x4096xf32, #tpu.memory_space<vmem>>, vector<1x1x16xf32>,
        %get3A_780 = vector.shape_cast %get3A_779 : vector<1x1x16xf32> to vector<16xf32>
        %mul3A_781 = vector.broadcast %squeeze3A_773 : f32 to vector<16xf32>
        %mul3A_782 = arith.mulf %mul3A_781, %get3A_780 : vector<16xf32>
        %slice3A_783 = vector.extract_strided_slice %get3A_6 {offsets = [14], sizes = [1], strides = [1]} : vector<16xf32> to vector<1xf32>
        %squeeze3A_784 = vector.extract %slice3A_783[0] : f32 from vector<1xf32>
        %get3A_785 = arith.constant 3 : i32
        %get3A_786 = arith.constant 2 : i32
        %get3A_787 = arith.index_cast %get3A_785 : i32 to index
        %get3A_788 = arith.index_cast %get3A_786 : i32 to index
        %get3A_789 = arith.index_cast %mul3A_762 : i32 to index
        %get3A_790 = tpu.vector_load %arg6[%get3A_787, %get3A_788, %get3A_789] {strides = array<i32>} : memref<4x4x4096xf32, #tpu.memory_space<vmem>>, vector<1x1x16xf32>,
        %get3A_791 = vector.shape_cast %get3A_790 : vector<1x1x16xf32> to vector<16xf32>
        %mul3A_792 = vector.broadcast %squeeze3A_784 : f32 to vector<16xf32>
        %mul3A_793 = arith.mulf %mul3A_792, %get3A_791 : vector<16xf32>
        %add3A_794 = arith.addf %mul3A_771, %mul3A_793 : vector<16xf32>
        %slice3A_795 = vector.extract_strided_slice %get3A_6 {offsets = [15], sizes = [1], strides = [1]} : vector<16xf32> to vector<1xf32>
        %squeeze3A_796 = vector.extract %slice3A_795[0] : f32 from vector<1xf32>
        %get3A_797 = arith.constant 3 : i32
        %get3A_798 = arith.constant 3 : i32
        %get3A_799 = arith.index_cast %get3A_797 : i32 to index
        %get3A_800 = arith.index_cast %get3A_798 : i32 to index
        %get3A_801 = arith.index_cast %mul3A_762 : i32 to index
        %get3A_802 = tpu.vector_load %arg6[%get3A_799, %get3A_800, %get3A_801] {strides = array<i32>} : memref<4x4x4096xf32, #tpu.memory_space<vmem>>, vector<1x1x16xf32>,
        %get3A_803 = vector.shape_cast %get3A_802 : vector<1x1x16xf32> to vector<16xf32>
        %mul3A_804 = vector.broadcast %squeeze3A_796 : f32 to vector<16xf32>
        %mul3A_805 = arith.mulf %mul3A_804, %get3A_803 : vector<16xf32>
        %add3A_806 = arith.addf %mul3A_782, %mul3A_805 : vector<16xf32>
        %add3A_807 = arith.addf %add3A_794, %add3A_806 : vector<16xf32>
        %get3A_808 = arith.constant 1 : i32
        %get3A_809 = arith.index_cast %get3A_808 : i32 to index
        %get3A_810 = arith.index_cast %mul3A_762 : i32 to index
        %get3A_811 = tpu.vector_load %arg7[%get3A_809, %get3A_810] {strides = array<i32>} : memref<2x4096xf32, #tpu.memory_space<vmem>>, vector<1x16xf32>,
        %get3A_812 = vector.shape_cast %get3A_811 : vector<1x16xf32> to vector<16xf32>
        %add3A_813 = arith.addf %add3A_807, %get3A_812 : vector<16xf32>
        %swap3A = arith.constant 1 : i32
        %swap3A_814 = arith.index_cast %swap3A : i32 to index
        %swap3A_815 = arith.index_cast %mul3A_762 : i32 to index
        %swap3A_816 = tpu.vector_load %arg7[%swap3A_814, %swap3A_815] {strides = array<i32>} : memref<2x4096xf32, #tpu.memory_space<vmem>>, vector<1x16xf32>,
        %swap3A_817 = vector.shape_cast %swap3A_816 : vector<1x16xf32> to vector<16xf32>
        %swap3A_818 = vector.shape_cast %add3A_813 : vector<16xf32> to vector<1x16xf32>
        tpu.vector_store %arg7[%swap3A_814, %swap3A_815], %swap3A_818 {strides = array<i32>} : memref<2x4096xf32, #tpu.memory_space<vmem>>, vector<1x16xf32>,
        %mul3A_819 = arith.constant 4 : i32
        %mul3A_820 = arith.muli %scan3A_755, %mul3A_819 : i32
        %add3A_821 = arith.constant 1 : i32
        %add3A_822 = arith.addi %mul3A_820, %add3A_821 : i32
        %mul3A_823 = arith.constant 16 : i32
        %mul3A_824 = arith.muli %add3A_822, %mul3A_823 : i32
        %slice3A_825 = vector.extract_strided_slice %get3A_6 {offsets = [12], sizes = [1], strides = [1]} : vector<16xf32> to vector<1xf32>
        %squeeze3A_826 = vector.extract %slice3A_825[0] : f32 from vector<1xf32>
        %get3A_827 = arith.constant 3 : i32
        %get3A_828 = arith.constant 0 : i32
        %get3A_829 = arith.index_cast %get3A_827 : i32 to index
        %get3A_830 = arith.index_cast %get3A_828 : i32 to index
        %get3A_831 = arith.index_cast %mul3A_824 : i32 to index
        %get3A_832 = tpu.vector_load %arg6[%get3A_829, %get3A_830, %get3A_831] {strides = array<i32>} : memref<4x4x4096xf32, #tpu.memory_space<vmem>>, vector<1x1x16xf32>,
        %get3A_833 = vector.shape_cast %get3A_832 : vector<1x1x16xf32> to vector<16xf32>
        %mul3A_834 = vector.broadcast %squeeze3A_826 : f32 to vector<16xf32>
        %mul3A_835 = arith.mulf %mul3A_834, %get3A_833 : vector<16xf32>
        %slice3A_836 = vector.extract_strided_slice %get3A_6 {offsets = [13], sizes = [1], strides = [1]} : vector<16xf32> to vector<1xf32>
        %squeeze3A_837 = vector.extract %slice3A_836[0] : f32 from vector<1xf32>
        %get3A_838 = arith.constant 3 : i32
        %get3A_839 = arith.constant 1 : i32
        %get3A_840 = arith.index_cast %get3A_838 : i32 to index
        %get3A_841 = arith.index_cast %get3A_839 : i32 to index
        %get3A_842 = arith.index_cast %mul3A_824 : i32 to index
        %get3A_843 = tpu.vector_load %arg6[%get3A_840, %get3A_841, %get3A_842] {strides = array<i32>} : memref<4x4x4096xf32, #tpu.memory_space<vmem>>, vector<1x1x16xf32>,
        %get3A_844 = vector.shape_cast %get3A_843 : vector<1x1x16xf32> to vector<16xf32>
        %mul3A_845 = vector.broadcast %squeeze3A_837 : f32 to vector<16xf32>
        %mul3A_846 = arith.mulf %mul3A_845, %get3A_844 : vector<16xf32>
        %slice3A_847 = vector.extract_strided_slice %get3A_6 {offsets = [14], sizes = [1], strides = [1]} : vector<16xf32> to vector<1xf32>
        %squeeze3A_848 = vector.extract %slice3A_847[0] : f32 from vector<1xf32>
        %get3A_849 = arith.constant 3 : i32
        %get3A_850 = arith.constant 2 : i32
        %get3A_851 = arith.index_cast %get3A_849 : i32 to index
        %get3A_852 = arith.index_cast %get3A_850 : i32 to index
        %get3A_853 = arith.index_cast %mul3A_824 : i32 to index
        %get3A_854 = tpu.vector_load %arg6[%get3A_851, %get3A_852, %get3A_853] {strides = array<i32>} : memref<4x4x4096xf32, #tpu.memory_space<vmem>>, vector<1x1x16xf32>,
        %get3A_855 = vector.shape_cast %get3A_854 : vector<1x1x16xf32> to vector<16xf32>
        %mul3A_856 = vector.broadcast %squeeze3A_848 : f32 to vector<16xf32>
        %mul3A_857 = arith.mulf %mul3A_856, %get3A_855 : vector<16xf32>
        %add3A_858 = arith.addf %mul3A_835, %mul3A_857 : vector<16xf32>
        %slice3A_859 = vector.extract_strided_slice %get3A_6 {offsets = [15], sizes = [1], strides = [1]} : vector<16xf32> to vector<1xf32>
        %squeeze3A_860 = vector.extract %slice3A_859[0] : f32 from vector<1xf32>
        %get3A_861 = arith.constant 3 : i32
        %get3A_862 = arith.constant 3 : i32
        %get3A_863 = arith.index_cast %get3A_861 : i32 to index
        %get3A_864 = arith.index_cast %get3A_862 : i32 to index
        %get3A_865 = arith.index_cast %mul3A_824 : i32 to index
        %get3A_866 = tpu.vector_load %arg6[%get3A_863, %get3A_864, %get3A_865] {strides = array<i32>} : memref<4x4x4096xf32, #tpu.memory_space<vmem>>, vector<1x1x16xf32>,
        %get3A_867 = vector.shape_cast %get3A_866 : vector<1x1x16xf32> to vector<16xf32>
        %mul3A_868 = vector.broadcast %squeeze3A_860 : f32 to vector<16xf32>
        %mul3A_869 = arith.mulf %mul3A_868, %get3A_867 : vector<16xf32>
        %add3A_870 = arith.addf %mul3A_846, %mul3A_869 : vector<16xf32>
        %add3A_871 = arith.addf %add3A_858, %add3A_870 : vector<16xf32>
        %get3A_872 = arith.constant 1 : i32
        %get3A_873 = arith.index_cast %get3A_872 : i32 to index
        %get3A_874 = arith.index_cast %mul3A_824 : i32 to index
        %get3A_875 = tpu.vector_load %arg7[%get3A_873, %get3A_874] {strides = array<i32>} : memref<2x4096xf32, #tpu.memory_space<vmem>>, vector<1x16xf32>,
        %get3A_876 = vector.shape_cast %get3A_875 : vector<1x16xf32> to vector<16xf32>
        %add3A_877 = arith.addf %add3A_871, %get3A_876 : vector<16xf32>
        %swap3A_878 = arith.constant 1 : i32
        %swap3A_879 = arith.index_cast %swap3A_878 : i32 to index
        %swap3A_880 = arith.index_cast %mul3A_824 : i32 to index
        %swap3A_881 = tpu.vector_load %arg7[%swap3A_879, %swap3A_880] {strides = array<i32>} : memref<2x4096xf32, #tpu.memory_space<vmem>>, vector<1x16xf32>,
        %swap3A_882 = vector.shape_cast %swap3A_881 : vector<1x16xf32> to vector<16xf32>
        %swap3A_883 = vector.shape_cast %add3A_877 : vector<16xf32> to vector<1x16xf32>
        tpu.vector_store %arg7[%swap3A_879, %swap3A_880], %swap3A_883 {strides = array<i32>} : memref<2x4096xf32, #tpu.memory_space<vmem>>, vector<1x16xf32>,
        %mul3A_884 = arith.constant 4 : i32
        %mul3A_885 = arith.muli %scan3A_755, %mul3A_884 : i32
        %add3A_886 = arith.constant 2 : i32
        %add3A_887 = arith.addi %mul3A_885, %add3A_886 : i32
        %mul3A_888 = arith.constant 16 : i32
        %mul3A_889 = arith.muli %add3A_887, %mul3A_888 : i32
        %slice3A_890 = vector.extract_strided_slice %get3A_6 {offsets = [12], sizes = [1], strides = [1]} : vector<16xf32> to vector<1xf32>
        %squeeze3A_891 = vector.extract %slice3A_890[0] : f32 from vector<1xf32>
        %get3A_892 = arith.constant 3 : i32
        %get3A_893 = arith.constant 0 : i32
        %get3A_894 = arith.index_cast %get3A_892 : i32 to index
        %get3A_895 = arith.index_cast %get3A_893 : i32 to index
        %get3A_896 = arith.index_cast %mul3A_889 : i32 to index
        %get3A_897 = tpu.vector_load %arg6[%get3A_894, %get3A_895, %get3A_896] {strides = array<i32>} : memref<4x4x4096xf32, #tpu.memory_space<vmem>>, vector<1x1x16xf32>,
        %get3A_898 = vector.shape_cast %get3A_897 : vector<1x1x16xf32> to vector<16xf32>
        %mul3A_899 = vector.broadcast %squeeze3A_891 : f32 to vector<16xf32>
        %mul3A_900 = arith.mulf %mul3A_899, %get3A_898 : vector<16xf32>
        %slice3A_901 = vector.extract_strided_slice %get3A_6 {offsets = [13], sizes = [1], strides = [1]} : vector<16xf32> to vector<1xf32>
        %squeeze3A_902 = vector.extract %slice3A_901[0] : f32 from vector<1xf32>
        %get3A_903 = arith.constant 3 : i32
        %get3A_904 = arith.constant 1 : i32
        %get3A_905 = arith.index_cast %get3A_903 : i32 to index
        %get3A_906 = arith.index_cast %get3A_904 : i32 to index
        %get3A_907 = arith.index_cast %mul3A_889 : i32 to index
        %get3A_908 = tpu.vector_load %arg6[%get3A_905, %get3A_906, %get3A_907] {strides = array<i32>} : memref<4x4x4096xf32, #tpu.memory_space<vmem>>, vector<1x1x16xf32>,
        %get3A_909 = vector.shape_cast %get3A_908 : vector<1x1x16xf32> to vector<16xf32>
        %mul3A_910 = vector.broadcast %squeeze3A_902 : f32 to vector<16xf32>
        %mul3A_911 = arith.mulf %mul3A_910, %get3A_909 : vector<16xf32>
        %slice3A_912 = vector.extract_strided_slice %get3A_6 {offsets = [14], sizes = [1], strides = [1]} : vector<16xf32> to vector<1xf32>
        %squeeze3A_913 = vector.extract %slice3A_912[0] : f32 from vector<1xf32>
        %get3A_914 = arith.constant 3 : i32
        %get3A_915 = arith.constant 2 : i32
        %get3A_916 = arith.index_cast %get3A_914 : i32 to index
        %get3A_917 = arith.index_cast %get3A_915 : i32 to index
        %get3A_918 = arith.index_cast %mul3A_889 : i32 to index
        %get3A_919 = tpu.vector_load %arg6[%get3A_916, %get3A_917, %get3A_918] {strides = array<i32>} : memref<4x4x4096xf32, #tpu.memory_space<vmem>>, vector<1x1x16xf32>,
        %get3A_920 = vector.shape_cast %get3A_919 : vector<1x1x16xf32> to vector<16xf32>
        %mul3A_921 = vector.broadcast %squeeze3A_913 : f32 to vector<16xf32>
        %mul3A_922 = arith.mulf %mul3A_921, %get3A_920 : vector<16xf32>
        %add3A_923 = arith.addf %mul3A_900, %mul3A_922 : vector<16xf32>
        %slice3A_924 = vector.extract_strided_slice %get3A_6 {offsets = [15], sizes = [1], strides = [1]} : vector<16xf32> to vector<1xf32>
        %squeeze3A_925 = vector.extract %slice3A_924[0] : f32 from vector<1xf32>
        %get3A_926 = arith.constant 3 : i32
        %get3A_927 = arith.constant 3 : i32
        %get3A_928 = arith.index_cast %get3A_926 : i32 to index
        %get3A_929 = arith.index_cast %get3A_927 : i32 to index
        %get3A_930 = arith.index_cast %mul3A_889 : i32 to index
        %get3A_931 = tpu.vector_load %arg6[%get3A_928, %get3A_929, %get3A_930] {strides = array<i32>} : memref<4x4x4096xf32, #tpu.memory_space<vmem>>, vector<1x1x16xf32>,
        %get3A_932 = vector.shape_cast %get3A_931 : vector<1x1x16xf32> to vector<16xf32>
        %mul3A_933 = vector.broadcast %squeeze3A_925 : f32 to vector<16xf32>
        %mul3A_934 = arith.mulf %mul3A_933, %get3A_932 : vector<16xf32>
        %add3A_935 = arith.addf %mul3A_911, %mul3A_934 : vector<16xf32>
        %add3A_936 = arith.addf %add3A_923, %add3A_935 : vector<16xf32>
        %get3A_937 = arith.constant 1 : i32
        %get3A_938 = arith.index_cast %get3A_937 : i32 to index
        %get3A_939 = arith.index_cast %mul3A_889 : i32 to index
        %get3A_940 = tpu.vector_load %arg7[%get3A_938, %get3A_939] {strides = array<i32>} : memref<2x4096xf32, #tpu.memory_space<vmem>>, vector<1x16xf32>,
        %get3A_941 = vector.shape_cast %get3A_940 : vector<1x16xf32> to vector<16xf32>
        %add3A_942 = arith.addf %add3A_936, %get3A_941 : vector<16xf32>
        %swap3A_943 = arith.constant 1 : i32
        %swap3A_944 = arith.index_cast %swap3A_943 : i32 to index
        %swap3A_945 = arith.index_cast %mul3A_889 : i32 to index
        %swap3A_946 = tpu.vector_load %arg7[%swap3A_944, %swap3A_945] {strides = array<i32>} : memref<2x4096xf32, #tpu.memory_space<vmem>>, vector<1x16xf32>,
        %swap3A_947 = vector.shape_cast %swap3A_946 : vector<1x16xf32> to vector<16xf32>
        %swap3A_948 = vector.shape_cast %add3A_942 : vector<16xf32> to vector<1x16xf32>
        tpu.vector_store %arg7[%swap3A_944, %swap3A_945], %swap3A_948 {strides = array<i32>} : memref<2x4096xf32, #tpu.memory_space<vmem>>, vector<1x16xf32>,
        %mul3A_949 = arith.constant 4 : i32
        %mul3A_950 = arith.muli %scan3A_755, %mul3A_949 : i32
        %add3A_951 = arith.constant 3 : i32
        %add3A_952 = arith.addi %mul3A_950, %add3A_951 : i32
        %mul3A_953 = arith.constant 16 : i32
        %mul3A_954 = arith.muli %add3A_952, %mul3A_953 : i32
        %slice3A_955 = vector.extract_strided_slice %get3A_6 {offsets = [12], sizes = [1], strides = [1]} : vector<16xf32> to vector<1xf32>
        %squeeze3A_956 = vector.extract %slice3A_955[0] : f32 from vector<1xf32>
        %get3A_957 = arith.constant 3 : i32
        %get3A_958 = arith.constant 0 : i32
        %get3A_959 = arith.index_cast %get3A_957 : i32 to index
        %get3A_960 = arith.index_cast %get3A_958 : i32 to index
        %get3A_961 = arith.index_cast %mul3A_954 : i32 to index
        %get3A_962 = tpu.vector_load %arg6[%get3A_959, %get3A_960, %get3A_961] {strides = array<i32>} : memref<4x4x4096xf32, #tpu.memory_space<vmem>>, vector<1x1x16xf32>,
        %get3A_963 = vector.shape_cast %get3A_962 : vector<1x1x16xf32> to vector<16xf32>
        %mul3A_964 = vector.broadcast %squeeze3A_956 : f32 to vector<16xf32>
        %mul3A_965 = arith.mulf %mul3A_964, %get3A_963 : vector<16xf32>
        %slice3A_966 = vector.extract_strided_slice %get3A_6 {offsets = [13], sizes = [1], strides = [1]} : vector<16xf32> to vector<1xf32>
        %squeeze3A_967 = vector.extract %slice3A_966[0] : f32 from vector<1xf32>
        %get3A_968 = arith.constant 3 : i32
        %get3A_969 = arith.constant 1 : i32
        %get3A_970 = arith.index_cast %get3A_968 : i32 to index
        %get3A_971 = arith.index_cast %get3A_969 : i32 to index
        %get3A_972 = arith.index_cast %mul3A_954 : i32 to index
        %get3A_973 = tpu.vector_load %arg6[%get3A_970, %get3A_971, %get3A_972] {strides = array<i32>} : memref<4x4x4096xf32, #tpu.memory_space<vmem>>, vector<1x1x16xf32>,
        %get3A_974 = vector.shape_cast %get3A_973 : vector<1x1x16xf32> to vector<16xf32>
        %mul3A_975 = vector.broadcast %squeeze3A_967 : f32 to vector<16xf32>
        %mul3A_976 = arith.mulf %mul3A_975, %get3A_974 : vector<16xf32>
        %slice3A_977 = vector.extract_strided_slice %get3A_6 {offsets = [14], sizes = [1], strides = [1]} : vector<16xf32> to vector<1xf32>
        %squeeze3A_978 = vector.extract %slice3A_977[0] : f32 from vector<1xf32>
        %get3A_979 = arith.constant 3 : i32
        %get3A_980 = arith.constant 2 : i32
        %get3A_981 = arith.index_cast %get3A_979 : i32 to index
        %get3A_982 = arith.index_cast %get3A_980 : i32 to index
        %get3A_983 = arith.index_cast %mul3A_954 : i32 to index
        %get3A_984 = tpu.vector_load %arg6[%get3A_981, %get3A_982, %get3A_983] {strides = array<i32>} : memref<4x4x4096xf32, #tpu.memory_space<vmem>>, vector<1x1x16xf32>,
        %get3A_985 = vector.shape_cast %get3A_984 : vector<1x1x16xf32> to vector<16xf32>
        %mul3A_986 = vector.broadcast %squeeze3A_978 : f32 to vector<16xf32>
        %mul3A_987 = arith.mulf %mul3A_986, %get3A_985 : vector<16xf32>
        %add3A_988 = arith.addf %mul3A_965, %mul3A_987 : vector<16xf32>
        %slice3A_989 = vector.extract_strided_slice %get3A_6 {offsets = [15], sizes = [1], strides = [1]} : vector<16xf32> to vector<1xf32>
        %squeeze3A_990 = vector.extract %slice3A_989[0] : f32 from vector<1xf32>
        %get3A_991 = arith.constant 3 : i32
        %get3A_992 = arith.constant 3 : i32
        %get3A_993 = arith.index_cast %get3A_991 : i32 to index
        %get3A_994 = arith.index_cast %get3A_992 : i32 to index
        %get3A_995 = arith.index_cast %mul3A_954 : i32 to index
        %get3A_996 = tpu.vector_load %arg6[%get3A_993, %get3A_994, %get3A_995] {strides = array<i32>} : memref<4x4x4096xf32, #tpu.memory_space<vmem>>, vector<1x1x16xf32>,
        %get3A_997 = vector.shape_cast %get3A_996 : vector<1x1x16xf32> to vector<16xf32>
        %mul3A_998 = vector.broadcast %squeeze3A_990 : f32 to vector<16xf32>
        %mul3A_999 = arith.mulf %mul3A_998, %get3A_997 : vector<16xf32>
        %add3A_1000 = arith.addf %mul3A_976, %mul3A_999 : vector<16xf32>
        %add3A_1001 = arith.addf %add3A_988, %add3A_1000 : vector<16xf32>
        %get3A_1002 = arith.constant 1 : i32
        %get3A_1003 = arith.index_cast %get3A_1002 : i32 to index
        %get3A_1004 = arith.index_cast %mul3A_954 : i32 to index
        %get3A_1005 = tpu.vector_load %arg7[%get3A_1003, %get3A_1004] {strides = array<i32>} : memref<2x4096xf32, #tpu.memory_space<vmem>>, vector<1x16xf32>,
        %get3A_1006 = vector.shape_cast %get3A_1005 : vector<1x16xf32> to vector<16xf32>
        %add3A_1007 = arith.addf %add3A_1001, %get3A_1006 : vector<16xf32>
        %swap3A_1008 = arith.constant 1 : i32
        %swap3A_1009 = arith.index_cast %swap3A_1008 : i32 to index
        %swap3A_1010 = arith.index_cast %mul3A_954 : i32 to index
        %swap3A_1011 = tpu.vector_load %arg7[%swap3A_1009, %swap3A_1010] {strides = array<i32>} : memref<2x4096xf32, #tpu.memory_space<vmem>>, vector<1x16xf32>,
        %swap3A_1012 = vector.shape_cast %swap3A_1011 : vector<1x16xf32> to vector<16xf32>
        %swap3A_1013 = vector.shape_cast %add3A_1007 : vector<16xf32> to vector<1x16xf32>
        tpu.vector_store %arg7[%swap3A_1009, %swap3A_1010], %swap3A_1013 {strides = array<i32>} : memref<2x4096xf32, #tpu.memory_space<vmem>>, vector<1x16xf32>,
        %scan3A_1014 = arith.constant 0 : i32
        scf.yield %scan3A_1014 : i32
      }
      %scan3A_689 = arith.constant 64 : i32
      %add3A_690 = arith.constant 1 : i32
      %add3A_691 = arith.addi %add3A_431, %add3A_690 : i32
      %mul3A_692 = arith.constant 4 : i32
      %mul3A_693 = arith.muli %add3A_691, %mul3A_692 : i32
      %add3A_694 = arith.constant 3 : i32
      %add3A_695 = arith.addi %mul3A_693, %add3A_694 : i32
      %jit3A_696 = arith.constant 4 : i32
      %div3A_697 = arith.divsi %add3A_695, %jit3A_696 : i32
      %sign3A_698 = arith.constant 0 : i32
      %sign3A_699 = arith.cmpi sgt, %add3A_695, %sign3A_698 : i32
      %sign3A_700 = arith.extui %sign3A_699 : i1 to i32
      %sign3A_701 = arith.constant 0 : i32
      %sign3A_702 = arith.cmpi slt, %add3A_695, %sign3A_701 : i32
      %sign3A_703 = arith.extui %sign3A_702 : i1 to i32
      %sign3A_704 = arith.subi %sign3A_700, %sign3A_703 : i32
      %sign3A_705 = arith.constant 0 : i32
      %sign3A_706 = arith.cmpi sgt, %jit3A_696, %sign3A_705 : i32
      %sign3A_707 = arith.extui %sign3A_706 : i1 to i32
      %sign3A_708 = arith.constant 0 : i32
      %sign3A_709 = arith.cmpi slt, %jit3A_696, %sign3A_708 : i32
      %sign3A_710 = arith.extui %sign3A_709 : i1 to i32
      %sign3A_711 = arith.subi %sign3A_707, %sign3A_710 : i32
      %ne3A_712 = arith.cmpi ne, %sign3A_704, %sign3A_711 : i32
      %rem3A_713 = arith.remsi %add3A_695, %jit3A_696 : i32
      %ne3A_714 = arith.constant 0 : i32
      %ne3A_715 = arith.cmpi ne, %rem3A_713, %ne3A_714 : i32
      %and3A_716 = arith.andi %ne3A_712, %ne3A_715 : i1
      %sub3A_717 = arith.constant 1 : i32
      %sub3A_718 = arith.subi %div3A_697, %sub3A_717 : i32
      %select_n3A_719 = arith.select %and3A_716, %sub3A_718, %div3A_697 : i32
      %jit3A_720 = arith.constant 4 : i32
      %eq3A_721 = arith.constant 0 : i32
      %eq3A_722 = arith.cmpi eq, %jit3A_720, %eq3A_721 : i32
      %jit3A_723 = arith.constant 1 : i32
      %select_n3A_724 = arith.select %eq3A_722, %jit3A_723, %jit3A_720 : i32
      %rem3A_725 = arith.remsi %add3A_695, %select_n3A_724 : i32
      %ne3A_726 = arith.constant 0 : i32
      %ne3A_727 = arith.cmpi ne, %rem3A_725, %ne3A_726 : i32
      %lt3A_728 = arith.constant 0 : i32
      %lt3A_729 = arith.cmpi slt, %rem3A_725, %lt3A_728 : i32
      %lt3A_730 = arith.constant 0 : i32
      %lt3A_731 = arith.cmpi slt, %select_n3A_724, %lt3A_730 : i32
      %ne3A_732 = arith.xori %lt3A_729, %lt3A_731 : i1
      %and3A_733 = arith.andi %ne3A_732, %ne3A_727 : i1
      %add3A_734 = arith.addi %rem3A_725, %select_n3A_724 : i32
      %select_n3A_735 = arith.select %and3A_733, %add3A_734, %rem3A_725 : i32
      %lt3A_736 = arith.constant 16 : i32
      %lt3A_737 = arith.cmpi slt, %select_n3A_719, %lt3A_736 : i32
      %convert_element_type3A_738 = arith.extui %lt3A_737 : i1 to i32
      %cond3A_739 = arith.constant 0 : i32
      %cond3A_740 = arith.cmpi ne, %convert_element_type3A_738, %cond3A_739 : i32
      scf.if %cond3A_740 {
        %mul3A_755 = arith.constant 4 : i32
        %mul3A_756 = arith.muli %select_n3A_735, %mul3A_755 : i32
        %add3A_757 = arith.addi %add3A_4, %mul3A_756 : i32
        %dma_start3A_758 = arith.constant 3 : i32
        %dma_start3A_759 = arith.constant 0 : i32
        %dma_start3A_760 = arith.constant 0 : i32
        %dma_start3A_761 = tpu.memref_slice %arg6[%dma_start3A_758, %dma_start3A_759, %dma_start3A_760] : memref<4x4x4096xf32, #tpu.memory_space<vmem>> -> memref<1x4x4096xf32, #tpu.memory_space<vmem>>
        %dma_start3A_762 = tpu.memref_squeeze %dma_start3A_761 : memref<1x4x4096xf32, #tpu.memory_space<vmem>> -> memref<4x4096xf32, #tpu.memory_space<vmem>>
        %dma_start3A_763 = arith.constant 0 : i32
        %dma_start3A_764 = tpu.memref_slice %arg2[%select_n3A_719, %add3A_757, %dma_start3A_763] : memref<16x2048x4096xf32, #tpu.memory_space<hbm>> -> memref<1x4x4096xf32, #tpu.memory_space<hbm>>
        %dma_start3A_765 = tpu.memref_squeeze %dma_start3A_764 : memref<1x4x4096xf32, #tpu.memory_space<hbm>> -> memref<4x4096xf32, #tpu.memory_space<hbm>>
        %dma_start3A_766 = arith.constant 0 : i32
        %dma_start3A_767 = arith.constant 0 : i32
        %dma_start3A_768 = tpu.memref_slice %arg6[%dma_start3A_758, %dma_start3A_766, %dma_start3A_767] : memref<4x4x4096xf32, #tpu.memory_space<vmem>> -> memref<1x4x4096xf32, #tpu.memory_space<vmem>>
        %dma_start3A_769 = tpu.memref_squeeze %dma_start3A_768 : memref<1x4x4096xf32, #tpu.memory_space<vmem>> -> memref<4x4096xf32, #tpu.memory_space<vmem>>
        %dma_start3A_770 = arith.constant 0 : i32
        %dma_start3A_771 = tpu.memref_slice %arg2[%select_n3A_719, %add3A_757, %dma_start3A_770] : memref<16x2048x4096xf32, #tpu.memory_space<hbm>> -> memref<1x4x4096xf32, #tpu.memory_space<hbm>>
        %dma_start3A_772 = tpu.memref_squeeze %dma_start3A_771 : memref<1x4x4096xf32, #tpu.memory_space<hbm>> -> memref<4x4096xf32, #tpu.memory_space<hbm>>
        tpu.enqueue_dma source(%dma_start3A_772 : memref<4x4096xf32, #tpu.memory_space<hbm>>) target(%dma_start3A_769 : memref<4x4096xf32, #tpu.memory_space<vmem>>) target_semaphore(%arg11 : memref<!tpu.dma_semaphore, #tpu.memory_space<semaphore_mem>>)
      } else {
      }
      %dma_start3A_741 = arith.constant 1 : i32
      %dma_start3A_742 = arith.constant 0 : i32
      %dma_start3A_743 = tpu.memref_slice %arg7[%dma_start3A_741, %dma_start3A_742] : memref<2x4096xf32, #tpu.memory_space<vmem>> -> memref<1x4096xf32, #tpu.memory_space<vmem>>
      %dma_start3A_744 = tpu.memref_squeeze %dma_start3A_743 : memref<1x4096xf32, #tpu.memory_space<vmem>> -> memref<4096xf32, #tpu.memory_space<vmem>>
      %dma_start3A_745 = arith.constant 0 : i32
      %dma_start3A_746 = tpu.memref_slice %arg4[%add3A, %add3A_431, %dma_start3A_745] : memref<32x16x4096xf32, #tpu.memory_space<hbm>> -> memref<1x1x4096xf32, #tpu.memory_space<hbm>>
      %dma_start3A_747 = tpu.memref_squeeze %dma_start3A_746 : memref<1x1x4096xf32, #tpu.memory_space<hbm>> -> memref<4096xf32, #tpu.memory_space<hbm>>
      %dma_start3A_748 = arith.constant 0 : i32
      %dma_start3A_749 = tpu.memref_slice %arg4[%add3A, %add3A_431, %dma_start3A_748] : memref<32x16x4096xf32, #tpu.memory_space<hbm>> -> memref<1x1x4096xf32, #tpu.memory_space<hbm>>
      %dma_start3A_750 = tpu.memref_squeeze %dma_start3A_749 : memref<1x1x4096xf32, #tpu.memory_space<hbm>> -> memref<4096xf32, #tpu.memory_space<hbm>>
      %dma_start3A_751 = arith.constant 0 : i32
      %dma_start3A_752 = tpu.memref_slice %arg7[%dma_start3A_741, %dma_start3A_751] : memref<2x4096xf32, #tpu.memory_space<vmem>> -> memref<1x4096xf32, #tpu.memory_space<vmem>>
      %dma_start3A_753 = tpu.memref_squeeze %dma_start3A_752 : memref<1x4096xf32, #tpu.memory_space<vmem>> -> memref<4096xf32, #tpu.memory_space<vmem>>
      tpu.enqueue_dma source(%dma_start3A_753 : memref<4096xf32, #tpu.memory_space<vmem>>) target(%dma_start3A_750 : memref<4096xf32, #tpu.memory_space<hbm>>) target_semaphore(%arg12 : memref<!tpu.dma_semaphore, #tpu.memory_space<semaphore_mem>>)
      %scan3A_754 = arith.constant 0 : i32
      scf.yield %scan3A_754 : i32
    }
    %scan3A_83 = arith.constant 8 : i32
    %dma_wait3A = arith.constant 0 : i32
    %dma_wait3A_84 = arith.constant 0 : i32
    %dma_wait3A_85 = arith.constant 0 : i32
    %dma_wait3A_86 = arith.constant 0 : i32
    %dma_wait3A_87 = tpu.memref_slice %arg7[%dma_wait3A, %dma_wait3A_86] : memref<2x4096xf32, #tpu.memory_space<vmem>> -> memref<1x4096xf32, #tpu.memory_space<vmem>>
    %dma_wait3A_88 = tpu.memref_squeeze %dma_wait3A_87 : memref<1x4096xf32, #tpu.memory_space<vmem>> -> memref<4096xf32, #tpu.memory_space<vmem>>
    %dma_wait3A_89 = arith.constant 0 : i32
    %dma_wait3A_90 = tpu.memref_slice %arg4[%dma_wait3A_84, %dma_wait3A_85, %dma_wait3A_89] : memref<32x16x4096xf32, #tpu.memory_space<hbm>> -> memref<1x1x4096xf32, #tpu.memory_space<hbm>>
    %dma_wait3A_91 = tpu.memref_squeeze %dma_wait3A_90 : memref<1x1x4096xf32, #tpu.memory_space<hbm>> -> memref<4096xf32, #tpu.memory_space<hbm>>
    %dma_wait3A_92 = arith.constant 0 : i32
    %dma_wait3A_93 = tpu.memref_slice %arg4[%dma_wait3A_84, %dma_wait3A_85, %dma_wait3A_92] : memref<32x16x4096xf32, #tpu.memory_space<hbm>> -> memref<1x1x4096xf32, #tpu.memory_space<hbm>>
    %dma_wait3A_94 = tpu.memref_squeeze %dma_wait3A_93 : memref<1x1x4096xf32, #tpu.memory_space<hbm>> -> memref<4096xf32, #tpu.memory_space<hbm>>
    %dma_wait3A_95 = arith.constant 0 : i32
    %dma_wait3A_96 = tpu.memref_slice %arg7[%dma_wait3A, %dma_wait3A_95] : memref<2x4096xf32, #tpu.memory_space<vmem>> -> memref<1x4096xf32, #tpu.memory_space<vmem>>
    %dma_wait3A_97 = tpu.memref_squeeze %dma_wait3A_96 : memref<1x4096xf32, #tpu.memory_space<vmem>> -> memref<4096xf32, #tpu.memory_space<vmem>>
    tpu.wait_dma2 semaphore(%arg12 : memref<!tpu.dma_semaphore, #tpu.memory_space<semaphore_mem>>) src(%dma_wait3A_97 : memref<4096xf32, #tpu.memory_space<vmem>>) dst(%dma_wait3A_94 : memref<4096xf32, #tpu.memory_space<hbm>>)
    %dma_wait3A_98 = arith.constant 0 : i32
    %dma_wait3A_99 = arith.constant 0 : i32
    %dma_wait3A_100 = arith.constant 0 : i32
    %dma_wait3A_101 = arith.constant 0 : i32
    %dma_wait3A_102 = tpu.memref_slice %arg7[%dma_wait3A_98, %dma_wait3A_101] : memref<2x4096xf32, #tpu.memory_space<vmem>> -> memref<1x4096xf32, #tpu.memory_space<vmem>>
    %dma_wait3A_103 = tpu.memref_squeeze %dma_wait3A_102 : memref<1x4096xf32, #tpu.memory_space<vmem>> -> memref<4096xf32, #tpu.memory_space<vmem>>
    %dma_wait3A_104 = arith.constant 0 : i32
    %dma_wait3A_105 = tpu.memref_slice %arg4[%dma_wait3A_99, %dma_wait3A_100, %dma_wait3A_104] : memref<32x16x4096xf32, #tpu.memory_space<hbm>> -> memref<1x1x4096xf32, #tpu.memory_space<hbm>>
    %dma_wait3A_106 = tpu.memref_squeeze %dma_wait3A_105 : memref<1x1x4096xf32, #tpu.memory_space<hbm>> -> memref<4096xf32, #tpu.memory_space<hbm>>
    %dma_wait3A_107 = arith.constant 0 : i32
    %dma_wait3A_108 = tpu.memref_slice %arg4[%dma_wait3A_99, %dma_wait3A_100, %dma_wait3A_107] : memref<32x16x4096xf32, #tpu.memory_space<hbm>> -> memref<1x1x4096xf32, #tpu.memory_space<hbm>>
    %dma_wait3A_109 = tpu.memref_squeeze %dma_wait3A_108 : memref<1x1x4096xf32, #tpu.memory_space<hbm>> -> memref<4096xf32, #tpu.memory_space<hbm>>
    %dma_wait3A_110 = arith.constant 0 : i32
    %dma_wait3A_111 = tpu.memref_slice %arg7[%dma_wait3A_98, %dma_wait3A_110] : memref<2x4096xf32, #tpu.memory_space<vmem>> -> memref<1x4096xf32, #tpu.memory_space<vmem>>
    %dma_wait3A_112 = tpu.memref_squeeze %dma_wait3A_111 : memref<1x4096xf32, #tpu.memory_space<vmem>> -> memref<4096xf32, #tpu.memory_space<vmem>>
    tpu.wait_dma2 semaphore(%arg12 : memref<!tpu.dma_semaphore, #tpu.memory_space<semaphore_mem>>) src(%dma_wait3A_112 : memref<4096xf32, #tpu.memory_space<vmem>>) dst(%dma_wait3A_109 : memref<4096xf32, #tpu.memory_space<hbm>>)
    return
  }
}

module attributes {stable_mosaic.version = 14 : i64} {
  func.func @_tc_partial_kernel(%arg0: i32, %arg1: i32, %arg2: memref<1x768x4096xf32, #tpu.memory_space<vmem>>, %arg3: memref<768x1xf32, #tpu.memory_space<vmem>>, %arg4: memref<1x1x4096xf32, #tpu.memory_space<vmem>>) attributes {dimension_semantics = [#tpu.dimension_semantics<arbitrary>, #tpu.dimension_semantics<arbitrary>], iteration_bounds = array<i64: 16, 2>, scalar_prefetch = 0 : i64, scratch_operands = 0 : i64, tpu.core_type = #tpu.core_type<tc>, window_params = [{transform_indices = @transform_0, window_bounds = array<i64: 1, 768, 4096>}, {transform_indices = @transform_1, window_bounds = array<i64: 768, 1>}, {transform_indices = @transform_2, window_bounds = array<i64: 1, 1, 4096>}]} {
    %get3A = arith.constant 0 : index
    %get3A_0 = arith.constant 0 : index
    %get3A_1 = arith.constant 0 : index
    %get3A_2 = vector.load %arg2[%get3A, %get3A_0, %get3A_1] : memref<1x768x4096xf32, #tpu.memory_space<vmem>>, vector<1x768x4096xf32>
    %get3A_3 = vector.shape_cast %get3A_2 : vector<1x768x4096xf32> to vector<768x4096xf32>
    %get3A_4 = arith.constant 0 : index
    %get3A_5 = arith.constant 0 : index
    %get3A_6 = vector.load %arg3[%get3A_4, %get3A_5] : memref<768x1xf32, #tpu.memory_space<vmem>>, vector<768x1xf32>
    %mul3A = vector.broadcast %get3A_6 : vector<768x1xf32> to vector<768x4096xf32>
    %mul3A_7 = arith.mulf %get3A_3, %mul3A : vector<768x4096xf32>
    %reduce_sum3A = arith.constant dense<0.000000e+00> : vector<4096xf32>
    %reduce_sum3A_8 = vector.multi_reduction <add>, %mul3A_7, %reduce_sum3A [0] : vector<768x4096xf32> to vector<4096xf32>
    %broadcast_in_dim3A = vector.shape_cast %reduce_sum3A_8 : vector<4096xf32> to vector<1x4096xf32>
    %eq3A = arith.constant 0 : i32
    %eq3A_9 = arith.cmpi eq, %arg1, %eq3A : i32
    %convert_element_type3A = arith.extui %eq3A_9 : i1 to i32
    %cond3A = arith.constant 0 : i32
    %cond3A_10 = arith.cmpi ne, %convert_element_type3A, %cond3A : i32
    scf.if %cond3A_10 {
      %swap3A = arith.constant 0 : index
      %swap3A_15 = arith.constant 0 : index
      %swap3A_16 = arith.constant 0 : index
      %swap3A_17 = vector.load %arg4[%swap3A, %swap3A_15, %swap3A_16] : memref<1x1x4096xf32, #tpu.memory_space<vmem>>, vector<1x1x4096xf32>
      %swap3A_18 = vector.shape_cast %swap3A_17 : vector<1x1x4096xf32> to vector<1x4096xf32>
      %swap3A_19 = vector.shape_cast %broadcast_in_dim3A : vector<1x4096xf32> to vector<1x1x4096xf32>
      tpu.vector_store %arg4[%swap3A, %swap3A_15, %swap3A_16], %swap3A_19 {strides = array<i32>} : memref<1x1x4096xf32, #tpu.memory_space<vmem>>, vector<1x1x4096xf32>,
    } else {
    }
    %gt3A = arith.constant 0 : i32
    %gt3A_11 = arith.cmpi sgt, %arg1, %gt3A : i32
    %convert_element_type3A_12 = arith.extui %gt3A_11 : i1 to i32
    %cond3A_13 = arith.constant 0 : i32
    %cond3A_14 = arith.cmpi ne, %convert_element_type3A_12, %cond3A_13 : i32
    scf.if %cond3A_14 {
      %get3A_15 = arith.constant 0 : index
      %get3A_16 = arith.constant 0 : index
      %get3A_17 = arith.constant 0 : index
      %get3A_18 = vector.load %arg4[%get3A_15, %get3A_16, %get3A_17] : memref<1x1x4096xf32, #tpu.memory_space<vmem>>, vector<1x1x4096xf32>
      %get3A_19 = vector.shape_cast %get3A_18 : vector<1x1x4096xf32> to vector<1x4096xf32>
      %add3A = arith.addf %get3A_19, %broadcast_in_dim3A : vector<1x4096xf32>
      %swap3A = arith.constant 0 : index
      %swap3A_20 = arith.constant 0 : index
      %swap3A_21 = arith.constant 0 : index
      %swap3A_22 = vector.load %arg4[%swap3A, %swap3A_20, %swap3A_21] : memref<1x1x4096xf32, #tpu.memory_space<vmem>>, vector<1x1x4096xf32>
      %swap3A_23 = vector.shape_cast %swap3A_22 : vector<1x1x4096xf32> to vector<1x4096xf32>
      %swap3A_24 = vector.shape_cast %add3A : vector<1x4096xf32> to vector<1x1x4096xf32>
      tpu.vector_store %arg4[%swap3A, %swap3A_20, %swap3A_21], %swap3A_24 {strides = array<i32>} : memref<1x1x4096xf32, #tpu.memory_space<vmem>>, vector<1x1x4096xf32>,
    } else {
    }
    return
  }
  func.func @transform_0(%arg0: i32, %arg1: i32) -> (i32, i32, i32) {
    %c0_i32 = arith.constant 0 : i32
    %c0_i32_0 = arith.constant 0 : i32
    return %arg0, %arg1, %c0_i32 : i32, i32, i32
  }
  func.func @transform_1(%arg0: i32, %arg1: i32) -> (i32, i32) {
    %c0_i32 = arith.constant 0 : i32
    %c0_i32_0 = arith.constant 0 : i32
    return %arg1, %c0_i32 : i32, i32
  }
  func.func @transform_2(%arg0: i32, %arg1: i32) -> (i32, i32, i32) {
    %c0_i32 = arith.constant 0 : i32
    %c0_i32_0 = arith.constant 0 : i32
    %c0_i32_1 = arith.constant 0 : i32
    return %arg0, %c0_i32, %c0_i32_0 : i32, i32, i32
  }
}

module attributes {stable_mosaic.version = 14 : i64} {
  func.func @_combine_kernel(%arg0: memref<16x1x4096xf32, #tpu.memory_space<vmem>>, %arg1: memref<32x16x4096xf32, #tpu.memory_space<vmem>>, %arg2: memref<16x3xf32, #tpu.memory_space<vmem>>, %arg3: memref<1x1xf32, #tpu.memory_space<vmem>>, %arg4: memref<14x200xf32, #tpu.memory_space<vmem>>, %arg5: memref<1x200xf32, #tpu.memory_space<vmem>>, %arg6: memref<200x100xf32, #tpu.memory_space<vmem>>, %arg7: memref<1x100xf32, #tpu.memory_space<vmem>>, %arg8: memref<100x1xf32, #tpu.memory_space<vmem>>, %arg9: memref<1x1xf32, #tpu.memory_space<vmem>>, %arg10: memref<3x4xf32, #tpu.memory_space<vmem>>, %arg11: memref<1x4xf32, #tpu.memory_space<vmem>>, %arg12: memref<4x4xf32, #tpu.memory_space<vmem>>, %arg13: memref<1x4xf32, #tpu.memory_space<vmem>>, %arg14: memref<16x1x1xf32, #tpu.memory_space<vmem>>) attributes {dimension_semantics = [], scalar_prefetch = 0 : i64, scratch_operands = 0 : i64, tpu.core_type = #tpu.core_type<tc>} {
    %get3A = arith.constant 0 : index
    %get3A_0 = arith.constant 0 : index
    %get3A_1 = arith.constant 0 : index
    %get3A_2 = vector.load %arg0[%get3A, %get3A_0, %get3A_1] : memref<16x1x4096xf32, #tpu.memory_space<vmem>>, vector<16x1x4096xf32>
    %get3A_3 = vector.shape_cast %get3A_2 : vector<16x1x4096xf32> to vector<16x4096xf32>
    %get3A_4 = arith.constant 0 : index
    %get3A_5 = arith.constant 0 : index
    %get3A_6 = arith.constant 0 : index
    %get3A_7 = vector.load %arg1[%get3A_4, %get3A_5, %get3A_6] : memref<32x16x4096xf32, #tpu.memory_space<vmem>>, vector<32x16x4096xf32>
    %reduce_sum3A = arith.constant dense<0.000000e+00> : vector<16x4096xf32>
    %reduce_sum3A_8 = vector.multi_reduction <add>, %get3A_7, %reduce_sum3A [0] : vector<32x16x4096xf32> to vector<16x4096xf32>
    %add3A = arith.addf %get3A_3, %reduce_sum3A_8 : vector<16x4096xf32>
    %get3A_9 = arith.constant 0 : index
    %get3A_10 = arith.constant 0 : index
    %get3A_11 = vector.load %arg3[%get3A_9, %get3A_10] : memref<1x1xf32, #tpu.memory_space<vmem>>, vector<1x1xf32>
    %get3A_12 = vector.extract %get3A_11[0, 0] : f32 from vector<1x1xf32>
    %add3A_13 = vector.broadcast %get3A_12 : f32 to vector<16x4096xf32>
    %add3A_14 = arith.addf %add3A, %add3A_13 : vector<16x4096xf32>
    %iota3A = tpu.iota {dimensions = array<i32: 1>} : vector<16x4096xi32>
    %reduce_max3A = arith.constant dense<0xFF800000> : vector<16xf32>
    %reduce_max3A_15 = vector.multi_reduction <maximumf>, %add3A_14, %reduce_max3A [1] : vector<16x4096xf32> to vector<16xf32>
    %broadcast_in_dim3A = vector.shape_cast %reduce_max3A_15 : vector<16xf32> to vector<16x1xf32>
    %eq3A = vector.broadcast %broadcast_in_dim3A : vector<16x1xf32> to vector<16x4096xf32>
    %eq3A_16 = arith.cmpf oeq, %add3A_14, %eq3A : vector<16x4096xf32>
    %jit3A = arith.constant 4096 : i32
    %broadcast_in_dim3A_17 = vector.broadcast %jit3A : i32 to vector<16x4096xi32>
    %select_n3A = arith.select %eq3A_16, %iota3A, %broadcast_in_dim3A_17 : vector<16x4096xi1>, vector<16x4096xi32>
    %reduce_min3A = arith.constant dense<2147483647> : vector<16xi32>
    %reduce_min3A_18 = vector.multi_reduction <minsi>, %select_n3A, %reduce_min3A [1] : vector<16x4096xi32> to vector<16xi32>
    %broadcast_in_dim3A_19 = vector.shape_cast %reduce_min3A_18 : vector<16xi32> to vector<16x1xi32>
    %eq3A_20 = vector.broadcast %broadcast_in_dim3A_19 : vector<16x1xi32> to vector<16x4096xi32>
    %eq3A_21 = arith.cmpi eq, %iota3A, %eq3A_20 : vector<16x4096xi32>
    %jit3A_22 = arith.constant 0xFF800000 : f32
    %broadcast_in_dim3A_23 = vector.broadcast %jit3A_22 : f32 to vector<16x4096xf32>
    %select_n3A_24 = arith.select %eq3A_21, %broadcast_in_dim3A_23, %add3A_14 : vector<16x4096xi1>, vector<16x4096xf32>
    %reduce_max3A_25 = arith.constant dense<0xFF800000> : vector<16xf32>
    %reduce_max3A_26 = vector.multi_reduction <maximumf>, %select_n3A_24, %reduce_max3A_25 [1] : vector<16x4096xf32> to vector<16xf32>
    %broadcast_in_dim3A_27 = vector.shape_cast %reduce_max3A_26 : vector<16xf32> to vector<16x1xf32>
    %eq3A_28 = vector.broadcast %broadcast_in_dim3A_27 : vector<16x1xf32> to vector<16x4096xf32>
    %eq3A_29 = arith.cmpf oeq, %select_n3A_24, %eq3A_28 : vector<16x4096xf32>
    %jit3A_30 = arith.constant 4096 : i32
    %broadcast_in_dim3A_31 = vector.broadcast %jit3A_30 : i32 to vector<16x4096xi32>
    %select_n3A_32 = arith.select %eq3A_29, %iota3A, %broadcast_in_dim3A_31 : vector<16x4096xi1>, vector<16x4096xi32>
    %reduce_min3A_33 = arith.constant dense<2147483647> : vector<16xi32>
    %reduce_min3A_34 = vector.multi_reduction <minsi>, %select_n3A_32, %reduce_min3A_33 [1] : vector<16x4096xi32> to vector<16xi32>
    %broadcast_in_dim3A_35 = vector.shape_cast %reduce_min3A_34 : vector<16xi32> to vector<16x1xi32>
    %eq3A_36 = vector.broadcast %broadcast_in_dim3A_35 : vector<16x1xi32> to vector<16x4096xi32>
    %eq3A_37 = arith.cmpi eq, %iota3A, %eq3A_36 : vector<16x4096xi32>
    %jit3A_38 = arith.constant 0xFF800000 : f32
    %broadcast_in_dim3A_39 = vector.broadcast %jit3A_38 : f32 to vector<16x4096xf32>
    %select_n3A_40 = arith.select %eq3A_37, %broadcast_in_dim3A_39, %select_n3A_24 : vector<16x4096xi1>, vector<16x4096xf32>
    %reduce_max3A_41 = arith.constant dense<0xFF800000> : vector<16xf32>
    %reduce_max3A_42 = vector.multi_reduction <maximumf>, %select_n3A_40, %reduce_max3A_41 [1] : vector<16x4096xf32> to vector<16xf32>
    %broadcast_in_dim3A_43 = vector.shape_cast %reduce_max3A_42 : vector<16xf32> to vector<16x1xf32>
    %eq3A_44 = vector.broadcast %broadcast_in_dim3A_43 : vector<16x1xf32> to vector<16x4096xf32>
    %eq3A_45 = arith.cmpf oeq, %select_n3A_40, %eq3A_44 : vector<16x4096xf32>
    %jit3A_46 = arith.constant 4096 : i32
    %broadcast_in_dim3A_47 = vector.broadcast %jit3A_46 : i32 to vector<16x4096xi32>
    %select_n3A_48 = arith.select %eq3A_45, %iota3A, %broadcast_in_dim3A_47 : vector<16x4096xi1>, vector<16x4096xi32>
    %reduce_min3A_49 = arith.constant dense<2147483647> : vector<16xi32>
    %reduce_min3A_50 = vector.multi_reduction <minsi>, %select_n3A_48, %reduce_min3A_49 [1] : vector<16x4096xi32> to vector<16xi32>
    %broadcast_in_dim3A_51 = vector.shape_cast %reduce_min3A_50 : vector<16xi32> to vector<16x1xi32>
    %eq3A_52 = vector.broadcast %broadcast_in_dim3A_51 : vector<16x1xi32> to vector<16x4096xi32>
    %eq3A_53 = arith.cmpi eq, %iota3A, %eq3A_52 : vector<16x4096xi32>
    %jit3A_54 = arith.constant 0xFF800000 : f32
    %broadcast_in_dim3A_55 = vector.broadcast %jit3A_54 : f32 to vector<16x4096xf32>
    %select_n3A_56 = arith.select %eq3A_53, %broadcast_in_dim3A_55, %select_n3A_40 : vector<16x4096xi1>, vector<16x4096xf32>
    %reduce_max3A_57 = arith.constant dense<0xFF800000> : vector<16xf32>
    %reduce_max3A_58 = vector.multi_reduction <maximumf>, %select_n3A_56, %reduce_max3A_57 [1] : vector<16x4096xf32> to vector<16xf32>
    %broadcast_in_dim3A_59 = vector.shape_cast %reduce_max3A_58 : vector<16xf32> to vector<16x1xf32>
    %eq3A_60 = vector.broadcast %broadcast_in_dim3A_59 : vector<16x1xf32> to vector<16x4096xf32>
    %eq3A_61 = arith.cmpf oeq, %select_n3A_56, %eq3A_60 : vector<16x4096xf32>
    %jit3A_62 = arith.constant 4096 : i32
    %broadcast_in_dim3A_63 = vector.broadcast %jit3A_62 : i32 to vector<16x4096xi32>
    %select_n3A_64 = arith.select %eq3A_61, %iota3A, %broadcast_in_dim3A_63 : vector<16x4096xi1>, vector<16x4096xi32>
    %reduce_min3A_65 = arith.constant dense<2147483647> : vector<16xi32>
    %reduce_min3A_66 = vector.multi_reduction <minsi>, %select_n3A_64, %reduce_min3A_65 [1] : vector<16x4096xi32> to vector<16xi32>
    %broadcast_in_dim3A_67 = vector.shape_cast %reduce_min3A_66 : vector<16xi32> to vector<16x1xi32>
    %eq3A_68 = vector.broadcast %broadcast_in_dim3A_67 : vector<16x1xi32> to vector<16x4096xi32>
    %eq3A_69 = arith.cmpi eq, %iota3A, %eq3A_68 : vector<16x4096xi32>
    %jit3A_70 = arith.constant 0xFF800000 : f32
    %broadcast_in_dim3A_71 = vector.broadcast %jit3A_70 : f32 to vector<16x4096xf32>
    %select_n3A_72 = arith.select %eq3A_69, %broadcast_in_dim3A_71, %select_n3A_56 : vector<16x4096xi1>, vector<16x4096xf32>
    %reduce_max3A_73 = arith.constant dense<0xFF800000> : vector<16xf32>
    %reduce_max3A_74 = vector.multi_reduction <maximumf>, %select_n3A_72, %reduce_max3A_73 [1] : vector<16x4096xf32> to vector<16xf32>
    %broadcast_in_dim3A_75 = vector.shape_cast %reduce_max3A_74 : vector<16xf32> to vector<16x1xf32>
    %concatenate3A = tpu.concatenate %broadcast_in_dim3A, %broadcast_in_dim3A_27, %broadcast_in_dim3A_43, %broadcast_in_dim3A_59, %broadcast_in_dim3A_75 in 1 : vector<16x1xf32>, vector<16x1xf32>, vector<16x1xf32>, vector<16x1xf32>, vector<16x1xf32> -> vector<16x5xf32>
    %reduce_min3A_76 = arith.constant dense<0x7F800000> : vector<16xf32>
    %reduce_min3A_77 = vector.multi_reduction <minimumf>, %add3A_14, %reduce_min3A_76 [1] : vector<16x4096xf32> to vector<16xf32>
    %broadcast_in_dim3A_78 = vector.shape_cast %reduce_min3A_77 : vector<16xf32> to vector<16x1xf32>
    %eq3A_79 = vector.broadcast %broadcast_in_dim3A_78 : vector<16x1xf32> to vector<16x4096xf32>
    %eq3A_80 = arith.cmpf oeq, %add3A_14, %eq3A_79 : vector<16x4096xf32>
    %jit3A_81 = arith.constant 4096 : i32
    %broadcast_in_dim3A_82 = vector.broadcast %jit3A_81 : i32 to vector<16x4096xi32>
    %select_n3A_83 = arith.select %eq3A_80, %iota3A, %broadcast_in_dim3A_82 : vector<16x4096xi1>, vector<16x4096xi32>
    %reduce_min3A_84 = arith.constant dense<2147483647> : vector<16xi32>
    %reduce_min3A_85 = vector.multi_reduction <minsi>, %select_n3A_83, %reduce_min3A_84 [1] : vector<16x4096xi32> to vector<16xi32>
    %broadcast_in_dim3A_86 = vector.shape_cast %reduce_min3A_85 : vector<16xi32> to vector<16x1xi32>
    %eq3A_87 = vector.broadcast %broadcast_in_dim3A_86 : vector<16x1xi32> to vector<16x4096xi32>
    %eq3A_88 = arith.cmpi eq, %iota3A, %eq3A_87 : vector<16x4096xi32>
    %jit3A_89 = arith.constant 0x7F800000 : f32
    %broadcast_in_dim3A_90 = vector.broadcast %jit3A_89 : f32 to vector<16x4096xf32>
    %select_n3A_91 = arith.select %eq3A_88, %broadcast_in_dim3A_90, %add3A_14 : vector<16x4096xi1>, vector<16x4096xf32>
    %reduce_min3A_92 = arith.constant dense<0x7F800000> : vector<16xf32>
    %reduce_min3A_93 = vector.multi_reduction <minimumf>, %select_n3A_91, %reduce_min3A_92 [1] : vector<16x4096xf32> to vector<16xf32>
    %broadcast_in_dim3A_94 = vector.shape_cast %reduce_min3A_93 : vector<16xf32> to vector<16x1xf32>
    %eq3A_95 = vector.broadcast %broadcast_in_dim3A_94 : vector<16x1xf32> to vector<16x4096xf32>
    %eq3A_96 = arith.cmpf oeq, %select_n3A_91, %eq3A_95 : vector<16x4096xf32>
    %jit3A_97 = arith.constant 4096 : i32
    %broadcast_in_dim3A_98 = vector.broadcast %jit3A_97 : i32 to vector<16x4096xi32>
    %select_n3A_99 = arith.select %eq3A_96, %iota3A, %broadcast_in_dim3A_98 : vector<16x4096xi1>, vector<16x4096xi32>
    %reduce_min3A_100 = arith.constant dense<2147483647> : vector<16xi32>
    %reduce_min3A_101 = vector.multi_reduction <minsi>, %select_n3A_99, %reduce_min3A_100 [1] : vector<16x4096xi32> to vector<16xi32>
    %broadcast_in_dim3A_102 = vector.shape_cast %reduce_min3A_101 : vector<16xi32> to vector<16x1xi32>
    %eq3A_103 = vector.broadcast %broadcast_in_dim3A_102 : vector<16x1xi32> to vector<16x4096xi32>
    %eq3A_104 = arith.cmpi eq, %iota3A, %eq3A_103 : vector<16x4096xi32>
    %jit3A_105 = arith.constant 0x7F800000 : f32
    %broadcast_in_dim3A_106 = vector.broadcast %jit3A_105 : f32 to vector<16x4096xf32>
    %select_n3A_107 = arith.select %eq3A_104, %broadcast_in_dim3A_106, %select_n3A_91 : vector<16x4096xi1>, vector<16x4096xf32>
    %reduce_min3A_108 = arith.constant dense<0x7F800000> : vector<16xf32>
    %reduce_min3A_109 = vector.multi_reduction <minimumf>, %select_n3A_107, %reduce_min3A_108 [1] : vector<16x4096xf32> to vector<16xf32>
    %broadcast_in_dim3A_110 = vector.shape_cast %reduce_min3A_109 : vector<16xf32> to vector<16x1xf32>
    %eq3A_111 = vector.broadcast %broadcast_in_dim3A_110 : vector<16x1xf32> to vector<16x4096xf32>
    %eq3A_112 = arith.cmpf oeq, %select_n3A_107, %eq3A_111 : vector<16x4096xf32>
    %jit3A_113 = arith.constant 4096 : i32
    %broadcast_in_dim3A_114 = vector.broadcast %jit3A_113 : i32 to vector<16x4096xi32>
    %select_n3A_115 = arith.select %eq3A_112, %iota3A, %broadcast_in_dim3A_114 : vector<16x4096xi1>, vector<16x4096xi32>
    %reduce_min3A_116 = arith.constant dense<2147483647> : vector<16xi32>
    %reduce_min3A_117 = vector.multi_reduction <minsi>, %select_n3A_115, %reduce_min3A_116 [1] : vector<16x4096xi32> to vector<16xi32>
    %broadcast_in_dim3A_118 = vector.shape_cast %reduce_min3A_117 : vector<16xi32> to vector<16x1xi32>
    %eq3A_119 = vector.broadcast %broadcast_in_dim3A_118 : vector<16x1xi32> to vector<16x4096xi32>
    %eq3A_120 = arith.cmpi eq, %iota3A, %eq3A_119 : vector<16x4096xi32>
    %jit3A_121 = arith.constant 0x7F800000 : f32
    %broadcast_in_dim3A_122 = vector.broadcast %jit3A_121 : f32 to vector<16x4096xf32>
    %select_n3A_123 = arith.select %eq3A_120, %broadcast_in_dim3A_122, %select_n3A_107 : vector<16x4096xi1>, vector<16x4096xf32>
    %reduce_min3A_124 = arith.constant dense<0x7F800000> : vector<16xf32>
    %reduce_min3A_125 = vector.multi_reduction <minimumf>, %select_n3A_123, %reduce_min3A_124 [1] : vector<16x4096xf32> to vector<16xf32>
    %broadcast_in_dim3A_126 = vector.shape_cast %reduce_min3A_125 : vector<16xf32> to vector<16x1xf32>
    %eq3A_127 = vector.broadcast %broadcast_in_dim3A_126 : vector<16x1xf32> to vector<16x4096xf32>
    %eq3A_128 = arith.cmpf oeq, %select_n3A_123, %eq3A_127 : vector<16x4096xf32>
    %jit3A_129 = arith.constant 4096 : i32
    %broadcast_in_dim3A_130 = vector.broadcast %jit3A_129 : i32 to vector<16x4096xi32>
    %select_n3A_131 = arith.select %eq3A_128, %iota3A, %broadcast_in_dim3A_130 : vector<16x4096xi1>, vector<16x4096xi32>
    %reduce_min3A_132 = arith.constant dense<2147483647> : vector<16xi32>
    %reduce_min3A_133 = vector.multi_reduction <minsi>, %select_n3A_131, %reduce_min3A_132 [1] : vector<16x4096xi32> to vector<16xi32>
    %broadcast_in_dim3A_134 = vector.shape_cast %reduce_min3A_133 : vector<16xi32> to vector<16x1xi32>
    %eq3A_135 = vector.broadcast %broadcast_in_dim3A_134 : vector<16x1xi32> to vector<16x4096xi32>
    %eq3A_136 = arith.cmpi eq, %iota3A, %eq3A_135 : vector<16x4096xi32>
    %jit3A_137 = arith.constant 0x7F800000 : f32
    %broadcast_in_dim3A_138 = vector.broadcast %jit3A_137 : f32 to vector<16x4096xf32>
    %select_n3A_139 = arith.select %eq3A_136, %broadcast_in_dim3A_138, %select_n3A_123 : vector<16x4096xi1>, vector<16x4096xf32>
    %reduce_min3A_140 = arith.constant dense<0x7F800000> : vector<16xf32>
    %reduce_min3A_141 = vector.multi_reduction <minimumf>, %select_n3A_139, %reduce_min3A_140 [1] : vector<16x4096xf32> to vector<16xf32>
    %broadcast_in_dim3A_142 = vector.shape_cast %reduce_min3A_141 : vector<16xf32> to vector<16x1xf32>
    %concatenate3A_143 = tpu.concatenate %broadcast_in_dim3A_78, %broadcast_in_dim3A_94, %broadcast_in_dim3A_110, %broadcast_in_dim3A_126, %broadcast_in_dim3A_142 in 1 : vector<16x1xf32>, vector<16x1xf32>, vector<16x1xf32>, vector<16x1xf32>, vector<16x1xf32> -> vector<16x5xf32>
    %get3A_144 = arith.constant 0 : index
    %get3A_145 = arith.constant 0 : index
    %get3A_146 = vector.load %arg2[%get3A_144, %get3A_145] : memref<16x3xf32, #tpu.memory_space<vmem>>, vector<16x3xf32>
    %get3A_147 = arith.constant 0 : index
    %get3A_148 = arith.constant 0 : index
    %get3A_149 = vector.load %arg10[%get3A_147, %get3A_148] : memref<3x4xf32, #tpu.memory_space<vmem>>, vector<3x4xf32>
    %dot_general3A = arith.constant dense<0.000000e+00> : vector<16x4xf32>
    %dot_general3A_150 = tpu.matmul %get3A_146, %get3A_149, %dot_general3A {dimension_numbers = #tpu.dot_dimension_numbers<[1], [0], [0], [1], [0, 0, 1, 1], [], []>, transpose_lhs_hint = false} : vector<16x3xf32>, vector<3x4xf32>, vector<16x4xf32> -> vector<16x4xf32>
    %get3A_151 = arith.constant 0 : index
    %get3A_152 = arith.constant 0 : index
    %get3A_153 = vector.load %arg11[%get3A_151, %get3A_152] : memref<1x4xf32, #tpu.memory_space<vmem>>, vector<1x4xf32>
    %add3A_154 = vector.broadcast %get3A_153 : vector<1x4xf32> to vector<16x4xf32>
    %add3A_155 = arith.addf %dot_general3A_150, %add3A_154 : vector<16x4xf32>
    %logistic3A = arith.negf %add3A_155 : vector<16x4xf32>
    %logistic3A_156 = math.exp %logistic3A : vector<16x4xf32>
    %logistic3A_157 = arith.constant 1.000000e+00 : f32
    %logistic3A_158 = vector.broadcast %logistic3A_157 : f32 to vector<16x4xf32>
    %logistic3A_159 = arith.addf %logistic3A_158, %logistic3A_156 : vector<16x4xf32>
    %logistic3A_160 = arith.divf %logistic3A_158, %logistic3A_159 : vector<16x4xf32>
    %get3A_161 = arith.constant 0 : index
    %get3A_162 = arith.constant 0 : index
    %get3A_163 = vector.load %arg12[%get3A_161, %get3A_162] : memref<4x4xf32, #tpu.memory_space<vmem>>, vector<4x4xf32>
    %dot_general3A_164 = arith.constant dense<0.000000e+00> : vector<16x4xf32>
    %dot_general3A_165 = tpu.matmul %logistic3A_160, %get3A_163, %dot_general3A_164 {dimension_numbers = #tpu.dot_dimension_numbers<[1], [0], [0], [1], [0, 0, 1, 1], [], []>, transpose_lhs_hint = false} : vector<16x4xf32>, vector<4x4xf32>, vector<16x4xf32> -> vector<16x4xf32>
    %get3A_166 = arith.constant 0 : index
    %get3A_167 = arith.constant 0 : index
    %get3A_168 = vector.load %arg13[%get3A_166, %get3A_167] : memref<1x4xf32, #tpu.memory_space<vmem>>, vector<1x4xf32>
    %add3A_169 = vector.broadcast %get3A_168 : vector<1x4xf32> to vector<16x4xf32>
    %add3A_170 = arith.addf %dot_general3A_165, %add3A_169 : vector<16x4xf32>
    %concatenate3A_171 = tpu.concatenate %concatenate3A, %concatenate3A_143, %add3A_170 in 1 : vector<16x5xf32>, vector<16x5xf32>, vector<16x4xf32> -> vector<16x14xf32>
    %get3A_172 = arith.constant 0 : index
    %get3A_173 = arith.constant 0 : index
    %get3A_174 = vector.load %arg4[%get3A_172, %get3A_173] : memref<14x200xf32, #tpu.memory_space<vmem>>, vector<14x200xf32>
    %dot_general3A_175 = arith.constant dense<0.000000e+00> : vector<16x200xf32>
    %dot_general3A_176 = tpu.matmul %concatenate3A_171, %get3A_174, %dot_general3A_175 {dimension_numbers = #tpu.dot_dimension_numbers<[1], [0], [0], [1], [0, 0, 1, 1], [], []>, transpose_lhs_hint = false} : vector<16x14xf32>, vector<14x200xf32>, vector<16x200xf32> -> vector<16x200xf32>
    %get3A_177 = arith.constant 0 : index
    %get3A_178 = arith.constant 0 : index
    %get3A_179 = vector.load %arg5[%get3A_177, %get3A_178] : memref<1x200xf32, #tpu.memory_space<vmem>>, vector<1x200xf32>
    %add3A_180 = vector.broadcast %get3A_179 : vector<1x200xf32> to vector<16x200xf32>
    %add3A_181 = arith.addf %dot_general3A_176, %add3A_180 : vector<16x200xf32>
    %logistic3A_182 = arith.negf %add3A_181 : vector<16x200xf32>
    %logistic3A_183 = math.exp %logistic3A_182 : vector<16x200xf32>
    %logistic3A_184 = arith.constant 1.000000e+00 : f32
    %logistic3A_185 = vector.broadcast %logistic3A_184 : f32 to vector<16x200xf32>
    %logistic3A_186 = arith.addf %logistic3A_185, %logistic3A_183 : vector<16x200xf32>
    %logistic3A_187 = arith.divf %logistic3A_185, %logistic3A_186 : vector<16x200xf32>
    %get3A_188 = arith.constant 0 : index
    %get3A_189 = arith.constant 0 : index
    %get3A_190 = vector.load %arg6[%get3A_188, %get3A_189] : memref<200x100xf32, #tpu.memory_space<vmem>>, vector<200x100xf32>
    %dot_general3A_191 = arith.constant dense<0.000000e+00> : vector<16x100xf32>
    %dot_general3A_192 = tpu.matmul %logistic3A_187, %get3A_190, %dot_general3A_191 {dimension_numbers = #tpu.dot_dimension_numbers<[1], [0], [0], [1], [0, 0, 1, 1], [], []>, transpose_lhs_hint = false} : vector<16x200xf32>, vector<200x100xf32>, vector<16x100xf32> -> vector<16x100xf32>
    %get3A_193 = arith.constant 0 : index
    %get3A_194 = arith.constant 0 : index
    %get3A_195 = vector.load %arg7[%get3A_193, %get3A_194] : memref<1x100xf32, #tpu.memory_space<vmem>>, vector<1x100xf32>
    %add3A_196 = vector.broadcast %get3A_195 : vector<1x100xf32> to vector<16x100xf32>
    %add3A_197 = arith.addf %dot_general3A_192, %add3A_196 : vector<16x100xf32>
    %logistic3A_198 = arith.negf %add3A_197 : vector<16x100xf32>
    %logistic3A_199 = math.exp %logistic3A_198 : vector<16x100xf32>
    %logistic3A_200 = arith.constant 1.000000e+00 : f32
    %logistic3A_201 = vector.broadcast %logistic3A_200 : f32 to vector<16x100xf32>
    %logistic3A_202 = arith.addf %logistic3A_201, %logistic3A_199 : vector<16x100xf32>
    %logistic3A_203 = arith.divf %logistic3A_201, %logistic3A_202 : vector<16x100xf32>
    %get3A_204 = arith.constant 0 : index
    %get3A_205 = arith.constant 0 : index
    %get3A_206 = vector.load %arg8[%get3A_204, %get3A_205] : memref<100x1xf32, #tpu.memory_space<vmem>>, vector<100x1xf32>
    %dot_general3A_207 = arith.constant dense<0.000000e+00> : vector<16x1xf32>
    %dot_general3A_208 = tpu.matmul %logistic3A_203, %get3A_206, %dot_general3A_207 {dimension_numbers = #tpu.dot_dimension_numbers<[1], [0], [0], [1], [0, 0, 1, 1], [], []>, transpose_lhs_hint = false} : vector<16x100xf32>, vector<100x1xf32>, vector<16x1xf32> -> vector<16x1xf32>
    %get3A_209 = arith.constant 0 : index
    %get3A_210 = arith.constant 0 : index
    %get3A_211 = vector.load %arg9[%get3A_209, %get3A_210] : memref<1x1xf32, #tpu.memory_space<vmem>>, vector<1x1xf32>
    %add3A_212 = vector.broadcast %get3A_211 : vector<1x1xf32> to vector<16x1xf32>
    %add3A_213 = arith.addf %dot_general3A_208, %add3A_212 : vector<16x1xf32>
    %logistic3A_214 = arith.negf %add3A_213 : vector<16x1xf32>
    %logistic3A_215 = math.exp %logistic3A_214 : vector<16x1xf32>
    %logistic3A_216 = arith.constant 1.000000e+00 : f32
    %logistic3A_217 = vector.broadcast %logistic3A_216 : f32 to vector<16x1xf32>
    %logistic3A_218 = arith.addf %logistic3A_217, %logistic3A_215 : vector<16x1xf32>
    %logistic3A_219 = arith.divf %logistic3A_217, %logistic3A_218 : vector<16x1xf32>
    %reshape3A = vector.shape_cast %logistic3A_219 : vector<16x1xf32> to vector<16x1x1xf32>
    %swap3A = arith.constant 0 : index
    %swap3A_220 = arith.constant 0 : index
    %swap3A_221 = arith.constant 0 : index
    %swap3A_222 = vector.load %arg14[%swap3A, %swap3A_220, %swap3A_221] : memref<16x1x1xf32, #tpu.memory_space<vmem>>, vector<16x1x1xf32>
    tpu.vector_store %arg14[%swap3A, %swap3A_220, %swap3A_221], %reshape3A {strides = array<i32>} : memref<16x1x1xf32, #tpu.memory_space<vmem>>, vector<16x1x1xf32>,
    return
  }
}

</mosaic_0001>

<sc_bundles>
// kernel: _run.5.cloned.1.call-start
scs
__scs_entry_jumppad:
0x0: {  	(pc) =	sbr.rel $0x88, $3  }
0x1: {  	(tag) =	ssettag $0x0;
	lr =	simm.s32 $0x1  }
0x2: {  	[smem:$0x3F93] =	sst lr;
	_ =	strace $0xD0000000  }
0x3: {  	_ = 	snop  }
0x4: {  	_ = 	snop  }
0x5: {  	_ = 	snop  }
0x6: {  	_ = 	snop  }
0x7: {  	_ = 	snop  }
__scs_overlays_trampoline_lowered:
0x8: {  	[smem:$0x3FA2] =	sst s0  }
0x9: {  	[smem:$0x3FA3] =	sst s1  }
0xa: {  	[smem:$0x3FA4] =	sst s2  }
0xb: {  	[smem:$0x3FA5] =	sst s3  }
0xc: {  	[smem:$0x3FA6] =	sst s4  }
0xd: {  	[smem:$0x3FA7] =	sst s5  }
0xe: {  	[smem:$0x3FA8] =	sst s6  }
0xf: {  	[smem:$0x3FA9] =	sst s7  }
0x10: {  	[smem:$0x3FAA] =	sst s8  }
0x11: {  	[smem:$0x3FAB] =	sst s9;
	s0 =	simm.s32 @!p0 $0x0  }
0x12: {  	s1 =	sld [smem:$0x3F91];
	s0 =	simm.s32 @p0 $0x1  }
0x13: {  	[smem:$0x3FAC] =	sst s0;
	s0 =	simm.s32 @!p1 $0x0  }
0x14: {  	s2 =	sld [smem:$0x3F90];
	s0 =	simm.s32 @p1 $0x1  }
0x15: {  	[smem:$0x3FAD] =	sst s0;
	s0 =	simm.s32 @!p2 $0x0  }
0x16: {  	s3 =	sld [smem:$0x3FDB];
	s0 =	simm.s32 @p2 $0x1  }
0x17: {  	s4 =	simm.s32 $0x1BF5;
	[smem:$0x3FAF] =	sst s0  }
0x18: {  	s0 =	sld [smem:$0x3F92];
	_ =	swait.ge [sflag:s4], $0x0  }
0x19: {  	s7 =	sld [smem:$0x3F93]  }
0x1a: {  	s8 =	sadd.s32 $0xFFFFE003, lr  }
0x1b: {  	s9 =	sadd.s32 $0xFFFFFEF7, lr;
	s5 =	simm.s32 $0xFFFFFFFF;
	p2 =	slt.u32 s8, $0xFFFFF086  }
0x1c: {  	p1 =	slt.u32 s9, $0xF7A;
	s5 =	simm.s32 @!p2 $0x0  }
0x1d: {  	s5 =	simm.s32 @p1 $0x1;
	p0 =	seq.s32 s7, s2  }
0x1e: {  	s7 =	smul.u32 @!p0 $0xF7A, s2;
	p2 =	seq.s32 @!p0 s5, $0x0  }
0x1f: {  	s9 =	smul.u32 $0xF7A, s1;
	s8 =	simm.s32 @!p0 $0x1BF5;
	p2 =	por !p2, p0  }
0x20: {  	[sflag:s8] =	ssyncset.s32 @!p0 $0xFFFFF086;
	s6 =	sadd.s32 @!p0 s3, s7;
	s7 =	simm.s32 @!p0 $0x108  }
0x21: {  	s3 =	sadd.s32 s3, s9;
	s6 =	sadd.s32 @!p0 $0x88, s6;
	s7 =	simm.s32 @p2 $0x1082  }
0x22: {  	[simem:s7], [sflag:s8] =	dma.local @!p0 [hbm:s6], $0xF7A  }
0x23: {  	s9 =	sor.u32 $0xD0000000, s2;
	s6 =	simm.s32 $0x108;
	_ =	swait.ge @!p0 [sflag:s8], $0x0  }
0x24: {  	s3 =	sadd.s32 $0x88, s3;
	s6 =	simm.s32 @!p1 $0x1082;
	[sflag:s4] =	ssyncset.s32 $0xFFFFF086  }
0x25: {  	[simem:s6], [sflag:s4] =	dma.local [hbm:s3], $0xF7A  }
0x26: {  	[smem:$0x3F93] =	sst s1;
	(tag) =	ssettag s2;
	_ =	strace s9  }
0x27: {  	s1 =	sld [smem:$0x3FA3]  }
0x28: {  	s2 =	sld [smem:$0x3FA4]  }
0x29: {  	s4 =	sld [smem:$0x3FA6]  }
0x2a: {  	p0 =	seq.s32 s5, $0x0;
	s5 =	sld [smem:$0x3FA7]  }
0x2b: {  	s6 =	sld [smem:$0x3FA8]  }
0x2c: {  	s7 =	sld [smem:$0x3FA9]  }
0x2d: {  	s3 =	simm.s32 $0x108;
	s8 =	sld [smem:$0x3FAA]  }
0x2e: {  	s3 =	simm.s32 @!p0 $0x1082;
	s9 =	sld [smem:$0x3FAB]  }
0x2f: {  	lr =	sadd.s32 s0, s3;
	s0 =	sld [smem:$0x3FA2]  }
0x30: {  	s3 =	sld [smem:$0x3FA5]  }
0x31: {  	[smem:$0x3FAE] =	sst s10  }
0x32: {  	s10 =	sld [smem:$0x3FAC];
	_ =	sdelay $0x3  }
0x33: {  	p0 =	seq.s32 s10, $0x1;
	s10 =	sld [smem:$0x3FAE];
	_ =	sdelay $0x3  }
0x34: {  	[smem:$0x3FAE] =	sst s10  }
0x35: {  	s10 =	sld [smem:$0x3FAD];
	_ =	sdelay $0x3  }
0x36: {  	p1 =	seq.s32 s10, $0x1;
	s10 =	sld [smem:$0x3FAE];
	_ =	sdelay $0x3  }
0x37: {  	[smem:$0x3FAE] =	sst s10  }
0x38: {  	s10 =	sld [smem:$0x3FAF]  }
0x39: {  	_ = 	snop;
	(pc) =	sbr.ind lr, $3  }
0x3a: {  	_ = 	snop  }
0x3b: {  	_ = 	snop  }
0x3c: {  	p2 =	seq.s32 s10, $0x1;
	s10 =	sld [smem:$0x3FAE]  }
0x3d: {  	_ =	shalt  }
0x3e: {  	_ =	shalt  }
0x3f: {  	_ =	shalt  }
0x40: {  	_ =	shalt  }
0x41: {  	_ =	shalt  }
0x42: {  	_ =	shalt  }
0x43: {  	_ =	shalt  }
0x44: {  	_ =	shalt  }
0x45: {  	_ =	shalt  }
0x46: {  	_ =	shalt  }
0x47: {  	_ =	shalt  }
0x48: {  	_ =	shalt  }
0x49: {  	_ =	shalt  }
0x4a: {  	_ =	shalt  }
0x4b: {  	_ =	shalt  }
0x4c: {  	_ =	shalt  }
0x4d: {  	_ =	shalt  }
0x4e: {  	_ =	shalt  }
0x4f: {  	_ =	shalt  }
0x50: {  	_ =	shalt  }
0x51: {  	_ =	shalt  }
0x52: {  	_ =	shalt  }
0x53: {  	_ =	shalt  }
0x54: {  	_ =	shalt  }
0x55: {  	_ =	shalt  }
0x56: {  	_ =	shalt  }
0x57: {  	_ =	shalt  }
0x58: {  	_ =	shalt  }
0x59: {  	_ =	shalt  }
0x5a: {  	_ =	shalt  }
0x5b: {  	_ =	shalt  }
0x5c: {  	_ =	shalt  }
0x5d: {  	_ =	shalt  }
0x5e: {  	_ =	shalt  }
0x5f: {  	_ =	shalt  }
0x60: {  	_ =	shalt  }
0x61: {  	_ =	shalt  }
0x62: {  	_ =	shalt  }
0x63: {  	_ =	shalt  }
0x64: {  	_ =	shalt  }
0x65: {  	_ =	shalt  }
0x66: {  	_ =	shalt  }
0x67: {  	_ =	shalt  }
0x68: {  	_ =	shalt  }
0x69: {  	_ =	shalt  }
0x6a: {  	_ =	shalt  }
0x6b: {  	_ =	shalt  }
0x6c: {  	_ =	shalt  }
0x6d: {  	_ =	shalt  }
0x6e: {  	_ =	shalt  }
0x6f: {  	_ =	shalt  }
0x70: {  	_ =	shalt  }
0x71: {  	_ =	shalt  }
0x72: {  	_ =	shalt  }
0x73: {  	_ =	shalt  }
0x74: {  	_ =	shalt  }
0x75: {  	_ =	shalt  }
0x76: {  	_ =	shalt  }
0x77: {  	_ =	shalt  }
0x78: {  	_ =	shalt  }
0x79: {  	_ =	shalt  }
0x7a: {  	_ =	shalt  }
0x7b: {  	_ =	shalt  }
0x7c: {  	_ =	shalt  }
0x7d: {  	_ =	shalt  }
0x7e: {  	_ =	shalt  }
0x7f: {  	_ =	shalt  }
0x80: {  	_ =	shalt  }
0x81: {  	_ =	shalt  }
0x82: {  	_ =	shalt  }
0x83: {  	_ =	shalt  }
0x84: {  	_ =	shalt  }
0x85: {  	_ =	shalt  }
0x86: {  	_ =	shalt  }
0x87: {  	_ =	shalt  }
.Lfunc_end0:
.L_simem_size_0:
called_computation_lowered:
.L_overlay_start_0:
0x88: {  	s2 =	sld [smem:$0x3FD9]  }
0x89: {  	s3 =	sld [smem:$0x3FFE];
	_ =	sdelay $0x1  }
0x8a: {  	s1 =	srdreg.scid  }
0x8b: {  	s0 =	sand.u32 $0x1, s1  }
0x8c: {  	s17 =	sshll.u32 s0, $0xA;
	s2 =	sadd.s32 s3, s2  }
0x8d: {  	s2 =	sadd.s32 s2, s17  }
0x8e: {  	[smem:$0x3FBA] =	sst s2  }
0x8f: {  	_ = 	snop  }
0x90: {  	s2 =	sld [smem:$0x3FC9]  }
0x91: {  	s18 =	sld [smem:$0x3FC7];
	(tm) =	ssettm $0x1  }
0x92: {  	s4 =	sld [smem:$0x3FFB];
	_ =	sdelay $0x3  }
0x93: {  	_ =	strace s4  }
0x94: {  	s4 =	sld [smem:$0x3FFC];
	_ =	sdelay $0x3  }
0x95: {  	_ =	strace s4  }
0x96: {  	s4 =	sld [smem:$0x3FFD];
	_ =	sdelay $0x3  }
0x97: {  	_ =	strace s4  }
0x98: {  	_ =	strace $0x8FFFFFFF  }
0x99: {  	s19 =	sld [smem:$0x3FDB];
	_ =	sdelay $0x1  }
0x9a: {  	s5 =	simm.s32 $_scs_section_size  }
0x9b: {  	s6 =	simm.s32 $_size__tile_overlayer_lowered;
	s7 =	simm.s32 $_tile_overlayer_lowered  }
0x9c: {  	s22 =	simm.s32 $0x1BFF;
	s21 =	sshll.u32 s7, $0x1;
	s4 =	sadd.s32 s5, s19  }
0x9d: {  	s8 =	simm.s32 $0x0;
	s20 =	sshll.u32 s6, $0x1;
	s6 =	sadd.s32 s21, s4  }
0x9e: {  	[timem:s8], [sflag:s22] =	dma.local [hbm:s6], s20  }
0x9f: {  	_ =	swait.ge [sflag:s22], s20  }
0xa0: {  	s5 =	ssub.s32 $0x0, s20;
	[sflag:s22] =	ssyncset.done $0x0  }
0xa1: {  	[sflag:s22] =	ssyncadd.s32 s5;
	_ =	sdelay $0x1  }
0xa2: {  	s23 =	simm.s32 $0x1B8B  }
0xa3: {  	_ =	swait.ge [sflag:s23], $0x1  }
0xa4: {  	[sflag:s23] =	ssyncset.done $0x0  }
0xa5: {  	s25 =	simm.s32 $0x1B8E;
	s24 =	sld [smem:$0x3FFE];
	[sflag:s23] =	ssyncadd.s32 $0xFFFFFFFF  }
0xa6: {  	s26 =	simm.s32 $execute0_lowered;
	[smem:$0x3FD2] =	sst s25  }
0xa7: {  	s6 =	sshll.u32 s26, $0x1;
	_ =	strace $0x80000046;
	[dreg:$0x1] =	wrdreg $0xFFFFFFFF  }
0xa8: {  	s28 =	simm.s32 $_size_execute0_lowered;
	s4 =	sadd.s32 s4, s6;
	[dreg:$0x0] =	wrdreg $0x0  }
0xa9: {  	s6 =	sshll.u32 s28, $0x1;
	[dreg:$0x2] =	wrdreg s4  }
0xaa: {  	[dreg:$0x3] =	wrdreg s6  }
0xab: {  	[dreg:$0x4] =	wrdreg $0xC0  }
0xac: {  	_ =	task [dreg:s8], $0x5FFFF  }
0xad: {  	[dreg:$0x1] =	wrdreg $0xFFFFFFFF  }
0xae: {  	[dreg:$0x0] =	wrdreg $0x60  }
0xaf: {  	[dreg:$0x2] =	wrdreg s2  }
0xb0: {  	[dreg:$0x3] =	wrdreg s18  }
0xb1: {  	[dreg:$0x4] =	wrdreg s24  }
0xb2: {  	[dreg:$0x5] =	wrdreg $0x9  }
0xb3: {  	_ =	task.clear_ibuf [dreg:s8], $0x6FFFF;
	_ =	strace $0x90000046  }
0xb4: {  	s29 =	simm.s32 $0x9;
	_ =	strace $0x80000048  }
0xb5: {  	_ =	swait.ge [sflag:s29], $0x1  }
0xb6: {  	[sflag:s29] =	ssyncadd.s32 $0xFFFFFFFF  }
0xb7: {  	_ =	strace $0x90000048  }
0xb8: {  	_ =	sfence  }
0xb9: {  	s30 =	sld [smem:$0x0];
	_ =	sdelay $0x2  }
0xba: {  	s31 =	sshll.u32 s1, $0xD;
	s1 =	sshrl.u32 s1, $0x2  }
0xbb: {  	s3 =	sand.u32 $0x4000, s31;
	s1 =	sadd.s32 s1, s30  }
0xbc: {  	s0 =	sor.u32 s3, s0;
	s1 =	sshll.u32 s1, $0x11  }
0xbd: {  	s0 =	sor.u32 s1, s0  }
0xbe: {  	s0 =	sadd.s32 $0x8F2B, s0  }
0xbf: {  	[sflag:s0] =	ssyncadd.remote.s32 $0x1  }
0xc0: {  	_ =	sfence.sel $0xFFFF  }
0xc1: {  	[dreg:$0x0] =	wrdreg $0xFFFFFFFF;
	(pc) =	sbr.abs _section_cstart, $3  }
0xc2: {  	[dreg:$0x1] =	wrdreg $0xFFFFFFFF  }
0xc3: {  	_ =	task.clear_ibuf [dreg:s8], $0x2FFFF;
	_ =	strace $0x9FFFFFFF  }
0xc4: {  	(tm) =	ssettm $0x7FFFFFFF  }
0xc5: {  	_ =	shalt  }
tec
execute0_lowered:
.L_overlay_start_1:
0x0: {  	(tag) =	ssettag $0x1  }
0x1: {  	s9 =	rddreg [dreg:$0x0]  }
0x2: {  	s0 =	rddreg [dreg:$0x2];
	s1 =	srdreg.scid  }
0x3: {  	s2 =	stileid.u32;
	s4 =	simm.s32 $0x0;
	s28 =	simm.s32 $0x1  }
0x4: {  	s29 =	simm.s32 $0x2;
	s30 =	simm.s32 $0x3;
	s31 =	simm.s32 $0x4  }
0x5: {  	s1 =	sand.u32 $0x1, s1;
	s2 =	sshll.u32 s2, $0x1;
	[smem:$0x7FF] =	sst s4  }
0x6: {  	s5 =	sadd.s32 $0x2000, s0;
	s13 =	sadd.s32 $0x40, s9;
	s24 =	sadd.s32 $0x200000, s9  }
0x7: {  	s25 =	sadd.s32 $0x200040, s9;
	s2 =	sor.u32 s1, s2;
	s20 =	ssub.s32 $0x2, s1  }
0x8: {  	_ =	strace $0x80000047;
	s3 =	sshll.u32 s2, $0x4;
	s1 =	sshrl.u32 s20, $0x1  }
0x9: {  	s6 =	sshll.u32 s2, $0xD;
	s8 =	sshll.u32 s2, $0x10;
	s2 =	simm.s32 $0x0  }
0xa: {  	s3 =	sor.u32 $0x600, s3;
	s0 =	ssub.s32 s20, s1;
	s21 =	sadd.s32 s6, s9  }
0xb: {  	s10 =	sor.u32 $0xC0000, s6;
	[dreg:$0x4] =	wrdreg s3;
	s22 =	sadd.s32 $0xC0040, s21  }
0xc: {  	s6 =	sor.u32 $0xC1000, s6;
	s23 =	sadd.s32 $0xC1000, s21;
	[dreg:$0x5] =	wrdreg s22  }
0xd: {  	s3 =	sshll.u32 s3, $0x9;
	s1 =	sadd.s32 $0xC1040, s21;
	[dreg:$0x6] =	wrdreg s23  }
0xe: {  	s14 =	smov.u32 s10;
	s26 =	sadd.s32 s10, s25;
	[dreg:$0x7] =	wrdreg s1  }
0xf: {  	s17 =	smov.u32 s6;
	s0 =	smax.u32 s0, $0x1;
	[dreg:$0x9] =	wrdreg s26  }
0x10: {  	s7 =	sadd.s32 s9, s3;
	s3 =	sadd.s32 s3, s24;
	[dreg:$0xb] =	wrdreg s0  }
0x11: {  	s18 =	sadd.s32 s6, s25;
	s1 =	sadd.s32 s6, s24;
	[dreg:$0x8] =	wrdreg s3  }
0x12: {  	s21 =	simm.s32 $0x200;
	s22 =	simm.s32 $0x400;
	[dreg:$0xa] =	wrdreg s1  }
.LBB2_1:
0x13: {  	[dreg:$0xc] =	wrdreg s2  }
0x14: {  	s0 =	rddreg [dreg:$0x1];
	s15 =	simm.s32 $0x6  }
0x15: {  	[tilespmem:s4], [sflag:$0x6] =	stream.linear.gather [hbm4b:s0+s4], $0x800, $0x38;
	[tilespmem:$0x12880] =	vst v63  }
0x16: {  	_ =	swait.ge [sflag:s15], $0x800  }
0x17: {  	[sflag:s15] =	ssyncset.done $0x0  }
0x18: {  	s16 =	rddreg [dreg:$0x4];
	[sflag:s15] =	ssyncadd.s32 $0xFFFFF800  }
0x19: {  	v15 =	vld [tilespmem:s16+$0x0];
	_ =	sdelay $0x4  }
0x1a: {  	s19 =	simm.s32 $0x880;
	v0 =	vbroadcast v15, $0x0;
	v1 =	vbroadcast v15, $0x1  }
0x1b: {  	[tilespmem:s19], [sflag:$0x1] =	stream.strided.gather [hbm4b:s7+s21], $0x4000, s22, s21, $0x38;
	v2 =	vbroadcast v15, $0x2;
	v3 =	vbroadcast v15, $0x3;
	[tilespmem:$0x12880] =	vst v63  }
0x1c: {  	s1 =	simm.s32 $0x4880;
	s20 =	rddreg [dreg:$0x5];
	v4 =	vbroadcast v15, $0x4;
	v5 =	vbroadcast v15, $0x5  }
0x1d: {  	[tilespmem:s1], [sflag:$0x2] =	stream.strided.gather [hbm4b:s20+s21], $0x4000, s22, s21, $0x38;
	v6 =	vbroadcast v15, $0x6;
	v7 =	vbroadcast v15, $0x7;
	[tilespmem:$0x12880] =	vst v63  }
0x1e: {  	s24 =	simm.s32 $0x8880;
	s23 =	rddreg [dreg:$0x6];
	v8 =	vbroadcast v15, $0x8;
	v9 =	vbroadcast v15, $0x9  }
0x1f: {  	[tilespmem:s24], [sflag:$0x3] =	stream.strided.gather [hbm4b:s23+s21], $0x4000, s22, s21, $0x38;
	v10 =	vbroadcast v15, $0xA;
	v11 =	vbroadcast v15, $0xB;
	[tilespmem:$0x12880] =	vst v63  }
0x20: {  	s26 =	simm.s32 $0xC880;
	s3 =	simm.s32 $0x0;
	s25 =	rddreg [dreg:$0x7];
	v12 =	vbroadcast v15, $0xC;
	v13 =	vbroadcast v15, $0xD  }
0x21: {  	v14 =	vbroadcast v15, $0xE;
	v15 =	vbroadcast v15, $0xF;
	[tilespmem:s26], [sflag:$0x4] =	stream.strided.gather [hbm4b:s25+s21], $0x4000, s22, s21, $0x38;
	[tilespmem:$0x12880] =	vst v63  }
.LBB2_2:
0x22: {  	p0 =	seq.s32 s3, $0x0  }
0x23: {  	s0 =	simm.s32 @!p0 $0x5  }
0x24: {  	_ =	swait.ge @!p0 [sflag:s0], $0x1000  }
0x25: {  	[sflag:s0] =	ssyncset.done @!p0 $0x0  }
0x26: {  	s19 =	simm.s32 $0x0;
	[sflag:s0] =	ssyncadd.s32 @!p0 $0xFFFFF000  }
0x27: {  	s9 =	simm.s32 $0x0;
	s0 =	sand.u32 $0x3FFFFE00, s19;
	_ =	swait.ge [sflag:s28], $0x4000  }
0x28: {  	s1 =	sand.u32 $0x40, s9;
	s0 =	sadd.s32 $0x880, s0;
	[sflag:s28] =	ssyncset.done $0x0  }
0x29: {  	s2 =	sor.u32 s1, s0;
	[sflag:s28] =	ssyncadd.s32 $0xFFFFC000  }
0x2a: {  	v16 =	vld [tilespmem:s2+$0x180]  }
0x2b: {  	v17 =	vld [tilespmem:s2+$0x100]  }
0x2c: {  	v18 =	vld [tilespmem:s2+$0x0]  }
0x2d: {  	v19 =	vld [tilespmem:s2+$0x80];
	_ =	sdelay $0x3  }
0x2e: {  	v16 =	vmul.f32 v16, v3;
	v17 =	vmul.f32 v17, v2  }
0x2f: {  	v18 =	vmul.f32 v18, v0;
	v19 =	vmul.f32 v19, v1;
	_ =	sdelay $0x1  }
0x30: {  	s20 =	simm.s32 $0x0;
	v17 =	vadd.f32 v17, v18;
	v16 =	vadd.f32 v16, v19  }
0x31: {  	s2 =	sand.u32 $0x3FFFFF00, s20  }
0x32: {  	s2 =	sadd.s32 $0x10880, s2;
	v16 =	vadd.f32 v16, v17  }
0x33: {  	s10 =	sor.u32 $0x10, s1;
	s6 =	sor.u32 s1, s2  }
0x34: {  	s23 =	sor.u32 s10, s0;
	[tilespmem:s6+$0x0] =	vst v16  }
0x35: {  	v16 =	vld [tilespmem:s23+$0x0]  }
0x36: {  	v17 =	vld [tilespmem:s23+$0x80]  }
0x37: {  	v18 =	vld [tilespmem:s23+$0x100]  }
0x38: {  	v19 =	vld [tilespmem:s23+$0x180];
	_ =	sdelay $0x3  }
0x39: {  	v17 =	vmul.f32 v17, v1;
	v18 =	vmul.f32 v18, v2  }
0x3a: {  	v16 =	vmul.f32 v16, v0;
	v19 =	vmul.f32 v19, v3;
	_ =	sdelay $0x1  }
0x3b: {  	v16 =	vadd.f32 v18, v16;
	v17 =	vadd.f32 v19, v17;
	_ =	sdelay $0x1  }
0x3c: {  	v16 =	vadd.f32 v17, v16  }
0x3d: {  	s24 =	sor.u32 $0x20, s1;
	s10 =	sor.u32 s10, s2  }
0x3e: {  	s25 =	sor.u32 s24, s0;
	[tilespmem:s10+$0x0] =	vst v16  }
0x3f: {  	v16 =	vld [tilespmem:s25+$0x180]  }
0x40: {  	v17 =	vld [tilespmem:s25+$0x100]  }
0x41: {  	v18 =	vld [tilespmem:s25+$0x80]  }
0x42: {  	v19 =	vld [tilespmem:s25+$0x0];
	_ =	sdelay $0x3  }
0x43: {  	v16 =	vmul.f32 v16, v3;
	v17 =	vmul.f32 v17, v2  }
0x44: {  	v18 =	vmul.f32 v18, v1;
	v19 =	vmul.f32 v19, v0;
	_ =	sdelay $0x1  }
0x45: {  	v16 =	vadd.f32 v16, v18;
	v17 =	vadd.f32 v17, v19;
	_ =	sdelay $0x1  }
0x46: {  	v16 =	vadd.f32 v16, v17  }
0x47: {  	s11 =	sor.u32 $0x30, s1;
	s26 =	sor.u32 s24, s2  }
0x48: {  	s1 =	sor.u32 s11, s0;
	[tilespmem:s26+$0x0] =	vst v16  }
0x49: {  	v16 =	vld [tilespmem:s1+$0x0]  }
0x4a: {  	s0 =	sor.u32 s11, s2;
	s6 =	sshll.u32 s3, $0x1;
	s10 =	simm.s32 $0x1;
	v17 =	vld [tilespmem:s1+$0x180]  }
.LBB2_3:
0x4b: {  	p1 =	sne.s32 s10, $0x3F  }
0x4c: {  	v18 =	vld [tilespmem:s1+$0x80];
	s9 =	sadd.s32 $0x40, s9;
	s19 =	smov.u32 s10;
	s10 =	sadd.s32 $0x1, s10  }
0x4d: {  	v19 =	vld [tilespmem:s1+$0x100];
	_ =	sdelay $0x2  }
0x4e: {  	v16 =	vmul.f32 v16, v0;
	v17 =	vmul.f32 v17, v3  }
0x4f: {  	v18 =	vmul.f32 v18, v1  }
0x50: {  	v19 =	vmul.f32 v19, v2  }
0x51: {  	v17 =	vadd.f32 v17, v18  }
0x52: {  	v16 =	vadd.f32 v19, v16  }
0x53: {  	s1 =	sshll.u32 s19, $0x8  }
0x54: {  	s1 =	sand.u32 $0x3FFFFE00, s1;
	v16 =	vadd.f32 v17, v16  }
0x55: {  	s20 =	sand.u32 $0x40, s9;
	s1 =	sadd.s32 $0x880, s1  }
0x56: {  	s11 =	sor.u32 $0x20, s20;
	s2 =	sor.u32 $0x30, s20;
	s23 =	sor.u32 s20, s1;
	[tilespmem:s0+$0x0] =	vst v16  }
0x57: {  	v16 =	vld [tilespmem:s23+$0x180]  }
0x58: {  	v17 =	vld [tilespmem:s23+$0x100]  }
0x59: {  	v18 =	vld [tilespmem:s23+$0x0]  }
0x5a: {  	v19 =	vld [tilespmem:s23+$0x80];
	_ =	sdelay $0x1  }
0x5b: {  	v16 =	vmul.f32 v16, v3  }
0x5c: {  	v17 =	vmul.f32 v17, v2  }
0x5d: {  	v18 =	vmul.f32 v18, v0  }
0x5e: {  	v19 =	vmul.f32 v19, v1  }
0x5f: {  	v17 =	vadd.f32 v17, v18  }
0x60: {  	s0 =	sshll.u32 s19, $0x7;
	v16 =	vadd.f32 v16, v19  }
0x61: {  	s0 =	sand.u32 $0x3FFFFF00, s0  }
0x62: {  	s0 =	sadd.s32 $0x10880, s0;
	v16 =	vadd.f32 v16, v17  }
0x63: {  	s19 =	sor.u32 s20, s0;
	s20 =	sor.u32 $0x10, s20;
	s23 =	sor.u32 s11, s0  }
0x64: {  	[tilespmem:s19+$0x0] =	vst v16;
	s19 =	sor.u32 s20, s1;
	s20 =	sor.u32 s20, s0;
	s0 =	sor.u32 s2, s0  }
0x65: {  	v16 =	vld [tilespmem:s19+$0x0]  }
0x66: {  	v17 =	vld [tilespmem:s19+$0x80]  }
0x67: {  	v18 =	vld [tilespmem:s19+$0x100]  }
0x68: {  	v19 =	vld [tilespmem:s19+$0x180];
	_ =	sdelay $0x3  }
0x69: {  	v17 =	vmul.f32 v17, v1;
	v18 =	vmul.f32 v18, v2  }
0x6a: {  	v16 =	vmul.f32 v16, v0;
	v19 =	vmul.f32 v19, v3;
	_ =	sdelay $0x1  }
0x6b: {  	v16 =	vadd.f32 v18, v16;
	v17 =	vadd.f32 v19, v17;
	_ =	sdelay $0x1  }
0x6c: {  	v16 =	vadd.f32 v17, v16;
	_ =	sdelay $0x1  }
0x6d: {  	s11 =	sor.u32 s11, s1;
	[tilespmem:s20+$0x0] =	vst v16  }
0x6e: {  	v16 =	vld [tilespmem:s11+$0x180]  }
0x6f: {  	v17 =	vld [tilespmem:s11+$0x100]  }
0x70: {  	v18 =	vld [tilespmem:s11+$0x80]  }
0x71: {  	v19 =	vld [tilespmem:s11+$0x0];
	_ =	sdelay $0x1  }
0x72: {  	v16 =	vmul.f32 v16, v3  }
0x73: {  	v17 =	vmul.f32 v17, v2  }
0x74: {  	v18 =	vmul.f32 v18, v1  }
0x75: {  	v19 =	vmul.f32 v19, v0  }
0x76: {  	v16 =	vadd.f32 v16, v18  }
0x77: {  	v17 =	vadd.f32 v17, v19;
	_ =	sdelay $0x1  }
.Ltmp0:
0x78: {  	v16 =	vadd.f32 v16, v17;
	(pc) =	sbr.rel @p1 .LBB2_3-.Ltmp0, $4  }
0x79: {  	_ = 	snop  }
0x7a: {  	s1 =	sor.u32 s2, s1;
	[tilespmem:s23+$0x0] =	vst v16  }
0x7b: {  	v16 =	vld [tilespmem:s1+$0x0]  }
0x7c: {  	v17 =	vld [tilespmem:s1+$0x180]  }
0x7d: {  	v18 =	vld [tilespmem:s1+$0x80]  }
0x7e: {  	v19 =	vld [tilespmem:s1+$0x100];
	_ =	sdelay $0x3  }
0x7f: {  	v16 =	vmul.f32 v16, v0;
	v17 =	vmul.f32 v17, v3  }
0x80: {  	v18 =	vmul.f32 v18, v1;
	v19 =	vmul.f32 v19, v2;
	_ =	sdelay $0x1  }
0x81: {  	v17 =	vadd.f32 v17, v18;
	v16 =	vadd.f32 v19, v16;
	_ =	sdelay $0x1  }
0x82: {  	s9 =	sor.u32 $0x1, s6;
	v16 =	vadd.f32 v17, v16  }
0x83: {  	s10 =	sshll.u32 s9, $0x14  }
0x84: {  	s12 =	simm.s32 $0x880;
	s15 =	simm.s32 $0x0;
	s11 =	sadd.s32 s10, s7;
	[tilespmem:s0+$0x0] =	vst v16  }
0x85: {  	[tilespmem:s12], [sflag:$0x1] =	stream.strided.gather [hbm4b:s11+s21], $0x4000, s22, s21, $0x38;
	[tilespmem:$0x12880] =	vst v63  }
0x86: {  	s19 =	sand.u32 $0x3FFFFE00, s15;
	s11 =	simm.s32 $0x0;
	_ =	swait.ge [sflag:s29], $0x4000  }
0x87: {  	s2 =	sadd.s32 $0x4880, s19;
	s6 =	sand.u32 $0x40, s11;
	[sflag:s29] =	ssyncset.done $0x0  }
0x88: {  	s0 =	sadd.s32 $0x4900, s19;
	s20 =	sor.u32 s6, s2;
	[sflag:s29] =	ssyncadd.s32 $0xFFFFC000  }
0x89: {  	s1 =	sadd.s32 $0x4980, s19;
	s23 =	sor.u32 s6, s0;
	v16 =	vld [tilespmem:s20+$0x0]  }
0x8a: {  	s19 =	sadd.s32 $0x4A00, s19;
	s16 =	sor.u32 s6, s1;
	v17 =	vld [tilespmem:s23+$0x0]  }
0x8b: {  	s24 =	sor.u32 s6, s19;
	v18 =	vld [tilespmem:s16+$0x0]  }
0x8c: {  	v19 =	vld [tilespmem:s24+$0x0];
	_ =	sdelay $0x1  }
0x8d: {  	s25 =	simm.s32 $0x0  }
0x8e: {  	s20 =	sand.u32 $0x3FFFFF00, s25  }
0x8f: {  	s20 =	sadd.s32 $0x10880, s20;
	v16 =	vmul.f32 v16, v4;
	v18 =	vmul.f32 v18, v6  }
0x90: {  	s26 =	sor.u32 s6, s20;
	v17 =	vmul.f32 v17, v5;
	v19 =	vmul.f32 v19, v7  }
0x91: {  	v20 =	vld [tilespmem:s26+$0x0]  }
0x92: {  	v16 =	vadd.f32 v18, v16;
	v17 =	vadd.f32 v19, v17;
	_ =	sdelay $0x1  }
0x93: {  	v16 =	vadd.f32 v17, v16;
	_ =	sdelay $0x1  }
0x94: {  	v16 =	vadd.f32 v16, v20  }
0x95: {  	s24 =	sor.u32 $0x10, s6  }
0x96: {  	s12 =	sor.u32 s24, s2;
	[tilespmem:s26+$0x0] =	vst v16  }
0x97: {  	s25 =	sor.u32 s24, s1;
	v16 =	vld [tilespmem:s12+$0x0]  }
0x98: {  	s15 =	sor.u32 s24, s19;
	v17 =	vld [tilespmem:s25+$0x0]  }
0x99: {  	s16 =	sor.u32 s24, s0;
	v18 =	vld [tilespmem:s15+$0x0]  }
0x9a: {  	v19 =	vld [tilespmem:s16+$0x0];
	_ =	sdelay $0x3  }
0x9b: {  	v16 =	vmul.f32 v16, v4;
	v17 =	vmul.f32 v17, v6  }
0x9c: {  	s25 =	sor.u32 s24, s20;
	v19 =	vmul.f32 v19, v5;
	v18 =	vmul.f32 v18, v7  }
0x9d: {  	v20 =	vld [tilespmem:s25+$0x0]  }
0x9e: {  	v16 =	vadd.f32 v17, v16;
	v17 =	vadd.f32 v18, v19;
	_ =	sdelay $0x1  }
0x9f: {  	v16 =	vadd.f32 v17, v16;
	_ =	sdelay $0x1  }
0xa0: {  	v16 =	vadd.f32 v16, v20  }
0xa1: {  	s24 =	sor.u32 $0x20, s6  }
0xa2: {  	s26 =	sor.u32 s24, s19;
	[tilespmem:s25+$0x0] =	vst v16  }
0xa3: {  	s12 =	sor.u32 s24, s1;
	v16 =	vld [tilespmem:s26+$0x0]  }
0xa4: {  	s15 =	sor.u32 s24, s0;
	v17 =	vld [tilespmem:s12+$0x0]  }
0xa5: {  	s16 =	sor.u32 s24, s2;
	v18 =	vld [tilespmem:s15+$0x0]  }
0xa6: {  	v19 =	vld [tilespmem:s16+$0x0];
	_ =	sdelay $0x3  }
0xa7: {  	v17 =	vmul.f32 v17, v6;
	v16 =	vmul.f32 v16, v7  }
0xa8: {  	s26 =	sor.u32 s24, s20;
	v19 =	vmul.f32 v19, v4;
	v18 =	vmul.f32 v18, v5  }
0xa9: {  	v20 =	vld [tilespmem:s26+$0x0]  }
0xaa: {  	v17 =	vadd.f32 v17, v19;
	v16 =	vadd.f32 v16, v18;
	_ =	sdelay $0x1  }
0xab: {  	v16 =	vadd.f32 v16, v17;
	_ =	sdelay $0x1  }
0xac: {  	v16 =	vadd.f32 v16, v20  }
0xad: {  	s6 =	sor.u32 $0x30, s6  }
0xae: {  	s2 =	sor.u32 s6, s2;
	[tilespmem:s26+$0x0] =	vst v16  }
0xaf: {  	s19 =	sor.u32 s6, s19;
	v16 =	vld [tilespmem:s2+$0x0]  }
0xb0: {  	s0 =	sor.u32 s6, s0;
	v17 =	vld [tilespmem:s19+$0x0]  }
0xb1: {  	s1 =	sor.u32 s6, s1;
	v18 =	vld [tilespmem:s0+$0x0]  }
0xb2: {  	s23 =	sor.u32 s6, s20;
	s19 =	simm.s32 $0x1;
	v19 =	vld [tilespmem:s1+$0x0]  }
.LBB2_5:
0xb3: {  	p1 =	sne.s32 s19, $0x3F  }
0xb4: {  	v20 =	vld [tilespmem:s23+$0x0];
	s11 =	sadd.s32 $0x40, s11;
	s24 =	smov.u32 s19;
	s19 =	sadd.s32 $0x1, s19  }
0xb5: {  	_ = 	snop  }
0xb6: {  	v16 =	vmul.f32 v16, v4;
	v17 =	vmul.f32 v17, v7  }
0xb7: {  	v18 =	vmul.f32 v18, v5  }
0xb8: {  	v19 =	vmul.f32 v19, v6  }
0xb9: {  	v17 =	vadd.f32 v17, v18  }
0xba: {  	v16 =	vadd.f32 v19, v16;
	_ =	sdelay $0x1  }
0xbb: {  	v16 =	vadd.f32 v17, v16  }
0xbc: {  	s1 =	sshll.u32 s24, $0x8  }
0xbd: {  	s0 =	sand.u32 $0x40, s11;
	s1 =	sand.u32 $0x3FFFFE00, s1;
	v16 =	vadd.f32 v16, v20  }
0xbe: {  	s2 =	sadd.s32 $0x4880, s1;
	s6 =	sadd.s32 $0x4900, s1;
	s20 =	sadd.s32 $0x4980, s1  }
0xbf: {  	s1 =	sadd.s32 $0x4A00, s1;
	s25 =	sor.u32 s0, s2;
	s26 =	sor.u32 s0, s6;
	[tilespmem:s23+$0x0] =	vst v16  }
0xc0: {  	s23 =	sor.u32 s0, s20;
	v16 =	vld [tilespmem:s25+$0x0];
	s25 =	sor.u32 s0, s1  }
0xc1: {  	v17 =	vld [tilespmem:s26+$0x0]  }
0xc2: {  	v18 =	vld [tilespmem:s23+$0x0]  }
0xc3: {  	v19 =	vld [tilespmem:s25+$0x0];
	_ =	sdelay $0x1  }
0xc4: {  	s23 =	sshll.u32 s24, $0x7;
	v16 =	vmul.f32 v16, v4  }
0xc5: {  	s23 =	sand.u32 $0x3FFFFF00, s23  }
0xc6: {  	s23 =	sadd.s32 $0x10880, s23;
	v18 =	vmul.f32 v18, v6  }
0xc7: {  	s24 =	sor.u32 s0, s23;
	v17 =	vmul.f32 v17, v5;
	v19 =	vmul.f32 v19, v7  }
0xc8: {  	v16 =	vadd.f32 v18, v16;
	v18 =	vld [tilespmem:s24+$0x0]  }
0xc9: {  	v17 =	vadd.f32 v19, v17;
	_ =	sdelay $0x1  }
0xca: {  	v16 =	vadd.f32 v17, v16;
	_ =	sdelay $0x1  }
0xcb: {  	v16 =	vadd.f32 v16, v18  }
0xcc: {  	s25 =	sor.u32 $0x10, s0  }
0xcd: {  	s26 =	sor.u32 s25, s6;
	s12 =	sor.u32 s25, s20;
	[tilespmem:s24+$0x0] =	vst v16;
	s24 =	sor.u32 s25, s2  }
0xce: {  	v16 =	vld [tilespmem:s24+$0x0];
	s24 =	sor.u32 s25, s1  }
0xcf: {  	v17 =	vld [tilespmem:s12+$0x0]  }
0xd0: {  	v18 =	vld [tilespmem:s24+$0x0]  }
0xd1: {  	v19 =	vld [tilespmem:s26+$0x0];
	_ =	sdelay $0x3  }
0xd2: {  	v16 =	vmul.f32 v16, v4;
	v17 =	vmul.f32 v17, v6  }
0xd3: {  	s12 =	sor.u32 s25, s23;
	v18 =	vmul.f32 v18, v7;
	v19 =	vmul.f32 v19, v5  }
0xd4: {  	v16 =	vadd.f32 v17, v16;
	v17 =	vld [tilespmem:s12+$0x0]  }
0xd5: {  	v18 =	vadd.f32 v18, v19;
	_ =	sdelay $0x1  }
0xd6: {  	v16 =	vadd.f32 v18, v16;
	_ =	sdelay $0x1  }
0xd7: {  	v16 =	vadd.f32 v16, v17  }
0xd8: {  	s24 =	sor.u32 $0x20, s0  }
0xd9: {  	s25 =	sor.u32 s24, s20;
	s26 =	sor.u32 s24, s1;
	[tilespmem:s12+$0x0] =	vst v16;
	s12 =	sor.u32 s24, s6  }
0xda: {  	s15 =	sor.u32 s24, s2;
	v16 =	vld [tilespmem:s26+$0x0]  }
0xdb: {  	v17 =	vld [tilespmem:s25+$0x0]  }
0xdc: {  	v18 =	vld [tilespmem:s12+$0x0]  }
0xdd: {  	v19 =	vld [tilespmem:s15+$0x0];
	_ =	sdelay $0x3  }
0xde: {  	v16 =	vmul.f32 v16, v7;
	v17 =	vmul.f32 v17, v6  }
0xdf: {  	s12 =	sor.u32 s24, s23;
	v18 =	vmul.f32 v18, v5;
	v19 =	vmul.f32 v19, v4  }
0xe0: {  	v20 =	vld [tilespmem:s12+$0x0]  }
0xe1: {  	v16 =	vadd.f32 v16, v18;
	v17 =	vadd.f32 v17, v19;
	_ =	sdelay $0x1  }
0xe2: {  	v16 =	vadd.f32 v16, v17;
	_ =	sdelay $0x1  }
0xe3: {  	v16 =	vadd.f32 v16, v20  }
0xe4: {  	s0 =	sor.u32 $0x30, s0  }
.Ltmp1:
0xe5: {  	s2 =	sor.u32 s0, s2;
	s1 =	sor.u32 s0, s1;
	[tilespmem:s12+$0x0] =	vst v16;
	(pc) =	sbr.rel @p1 .LBB2_5-.Ltmp1, $4  }
0xe6: {  	v16 =	vld [tilespmem:s2+$0x0];
	s2 =	sor.u32 s0, s6;
	s6 =	sor.u32 s0, s20  }
0xe7: {  	v17 =	vld [tilespmem:s1+$0x0]  }
0xe8: {  	v18 =	vld [tilespmem:s2+$0x0]  }
0xe9: {  	s23 =	sor.u32 s0, s23;
	v19 =	vld [tilespmem:s6+$0x0]  }
0xea: {  	_ =	sdelay $0x2  }
0xeb: {  	v16 =	vmul.f32 v16, v4;
	v17 =	vmul.f32 v17, v7  }
0xec: {  	v18 =	vmul.f32 v18, v5;
	v19 =	vmul.f32 v19, v6  }
0xed: {  	v20 =	vld [tilespmem:s23+$0x0]  }
0xee: {  	v17 =	vadd.f32 v17, v18;
	v16 =	vadd.f32 v19, v16;
	_ =	sdelay $0x1  }
0xef: {  	v16 =	vadd.f32 v17, v16;
	_ =	sdelay $0x1  }
0xf0: {  	v16 =	vadd.f32 v16, v20  }
0xf1: {  	s0 =	sor.u32 s10, s14  }
0xf2: {  	s1 =	simm.s32 $0x4880;
	s15 =	simm.s32 $0x0;
	s0 =	sadd.s32 s0, s13;
	[tilespmem:s23+$0x0] =	vst v16  }
0xf3: {  	[tilespmem:s1], [sflag:$0x2] =	stream.strided.gather [hbm4b:s0+s21], $0x4000, s22, s21, $0x38;
	[tilespmem:$0x12880] =	vst v63  }
0xf4: {  	s11 =	simm.s32 $0x0;
	s12 =	sand.u32 $0x3FFFFE00, s15;
	_ =	swait.ge [sflag:s30], $0x4000  }
0xf5: {  	s6 =	sand.u32 $0x40, s11;
	s2 =	sadd.s32 $0x8880, s12;
	[sflag:s30] =	ssyncset.done $0x0  }
0xf6: {  	s15 =	sor.u32 s6, s2;
	s0 =	sadd.s32 $0x8900, s12;
	[sflag:s30] =	ssyncadd.s32 $0xFFFFC000  }
0xf7: {  	s1 =	sadd.s32 $0x8980, s12;
	s19 =	sor.u32 s6, s0;
	v16 =	vld [tilespmem:s15+$0x0]  }
0xf8: {  	s12 =	sadd.s32 $0x8A00, s12;
	s16 =	sor.u32 s6, s1;
	v17 =	vld [tilespmem:s19+$0x0]  }
0xf9: {  	s20 =	sor.u32 s6, s12;
	v18 =	vld [tilespmem:s16+$0x0]  }
0xfa: {  	v19 =	vld [tilespmem:s20+$0x0];
	_ =	sdelay $0x1  }
0xfb: {  	s23 =	simm.s32 $0x0  }
0xfc: {  	s15 =	sand.u32 $0x3FFFFF00, s23  }
0xfd: {  	s15 =	sadd.s32 $0x10880, s15;
	v16 =	vmul.f32 v16, v8;
	v18 =	vmul.f32 v18, v10  }
0xfe: {  	s24 =	sor.u32 s6, s15;
	v17 =	vmul.f32 v17, v9;
	v19 =	vmul.f32 v19, v11  }
0xff: {  	v20 =	vld [tilespmem:s24+$0x0]  }
0x100: {  	v16 =	vadd.f32 v18, v16;
	v17 =	vadd.f32 v19, v17;
	_ =	sdelay $0x1  }
0x101: {  	v16 =	vadd.f32 v17, v16;
	_ =	sdelay $0x1  }
0x102: {  	v16 =	vadd.f32 v16, v20  }
0x103: {  	s20 =	sor.u32 $0x10, s6  }
0x104: {  	s25 =	sor.u32 s20, s2;
	[tilespmem:s24+$0x0] =	vst v16  }
0x105: {  	s26 =	sor.u32 s20, s1;
	v16 =	vld [tilespmem:s25+$0x0]  }
0x106: {  	s16 =	sor.u32 s20, s12;
	v17 =	vld [tilespmem:s26+$0x0]  }
0x107: {  	s24 =	sor.u32 s20, s0;
	v18 =	vld [tilespmem:s16+$0x0]  }
0x108: {  	v19 =	vld [tilespmem:s24+$0x0];
	_ =	sdelay $0x3  }
0x109: {  	v16 =	vmul.f32 v16, v8;
	v17 =	vmul.f32 v17, v10  }
0x10a: {  	s25 =	sor.u32 s20, s15;
	v19 =	vmul.f32 v19, v9;
	v18 =	vmul.f32 v18, v11  }
0x10b: {  	v20 =	vld [tilespmem:s25+$0x0]  }
0x10c: {  	v16 =	vadd.f32 v17, v16;
	v17 =	vadd.f32 v18, v19;
	_ =	sdelay $0x1  }
0x10d: {  	v16 =	vadd.f32 v17, v16;
	_ =	sdelay $0x1  }
0x10e: {  	v16 =	vadd.f32 v16, v20  }
0x10f: {  	s20 =	sor.u32 $0x20, s6  }
0x110: {  	s26 =	sor.u32 s20, s12;
	[tilespmem:s25+$0x0] =	vst v16  }
0x111: {  	s16 =	sor.u32 s20, s1;
	v16 =	vld [tilespmem:s26+$0x0]  }
0x112: {  	s24 =	sor.u32 s20, s0;
	v17 =	vld [tilespmem:s16+$0x0]  }
0x113: {  	s25 =	sor.u32 s20, s2;
	v18 =	vld [tilespmem:s24+$0x0]  }
0x114: {  	v19 =	vld [tilespmem:s25+$0x0];
	_ =	sdelay $0x3  }
0x115: {  	v17 =	vmul.f32 v17, v10;
	v16 =	vmul.f32 v16, v11  }
0x116: {  	s26 =	sor.u32 s20, s15;
	v19 =	vmul.f32 v19, v8;
	v18 =	vmul.f32 v18, v9  }
0x117: {  	v20 =	vld [tilespmem:s26+$0x0]  }
0x118: {  	v17 =	vadd.f32 v17, v19;
	v16 =	vadd.f32 v16, v18;
	_ =	sdelay $0x1  }
0x119: {  	v16 =	vadd.f32 v16, v17;
	_ =	sdelay $0x1  }
0x11a: {  	v16 =	vadd.f32 v16, v20  }
0x11b: {  	s6 =	sor.u32 $0x30, s6  }
0x11c: {  	s2 =	sor.u32 s6, s2;
	[tilespmem:s26+$0x0] =	vst v16  }
0x11d: {  	s12 =	sor.u32 s6, s12;
	v16 =	vld [tilespmem:s2+$0x0]  }
0x11e: {  	s0 =	sor.u32 s6, s0;
	v17 =	vld [tilespmem:s12+$0x0]  }
0x11f: {  	s1 =	sor.u32 s6, s1;
	v18 =	vld [tilespmem:s0+$0x0]  }
0x120: {  	s19 =	simm.s32 $0x1;
	s23 =	sor.u32 s6, s15;
	v19 =	vld [tilespmem:s1+$0x0]  }
.LBB2_7:
0x121: {  	p1 =	sne.s32 s19, $0x3F  }
0x122: {  	v20 =	vld [tilespmem:s23+$0x0];
	s11 =	sadd.s32 $0x40, s11;
	s12 =	smov.u32 s19;
	s19 =	sadd.s32 $0x1, s19  }
0x123: {  	_ = 	snop  }
0x124: {  	v16 =	vmul.f32 v16, v8;
	v17 =	vmul.f32 v17, v11  }
0x125: {  	v18 =	vmul.f32 v18, v9  }
0x126: {  	v19 =	vmul.f32 v19, v10  }
0x127: {  	v17 =	vadd.f32 v17, v18  }
0x128: {  	v16 =	vadd.f32 v19, v16;
	_ =	sdelay $0x1  }
0x129: {  	v16 =	vadd.f32 v17, v16  }
0x12a: {  	s1 =	sshll.u32 s12, $0x8  }
0x12b: {  	s0 =	sand.u32 $0x40, s11;
	s1 =	sand.u32 $0x3FFFFE00, s1;
	v16 =	vadd.f32 v16, v20  }
0x12c: {  	s2 =	sadd.s32 $0x8880, s1;
	s6 =	sadd.s32 $0x8900, s1;
	s20 =	sadd.s32 $0x8980, s1  }
0x12d: {  	s1 =	sadd.s32 $0x8A00, s1;
	s15 =	sor.u32 s0, s2;
	s24 =	sor.u32 s0, s6;
	[tilespmem:s23+$0x0] =	vst v16  }
0x12e: {  	s23 =	sor.u32 s0, s1;
	v16 =	vld [tilespmem:s15+$0x0];
	s15 =	sor.u32 s0, s20  }
0x12f: {  	v17 =	vld [tilespmem:s24+$0x0]  }
0x130: {  	v18 =	vld [tilespmem:s15+$0x0]  }
0x131: {  	v19 =	vld [tilespmem:s23+$0x0];
	_ =	sdelay $0x1  }
0x132: {  	s12 =	sshll.u32 s12, $0x7;
	v16 =	vmul.f32 v16, v8  }
0x133: {  	s12 =	sand.u32 $0x3FFFFF00, s12  }
0x134: {  	s23 =	sadd.s32 $0x10880, s12;
	v18 =	vmul.f32 v18, v10  }
0x135: {  	s12 =	sor.u32 s0, s23;
	v17 =	vmul.f32 v17, v9;
	v19 =	vmul.f32 v19, v11  }
0x136: {  	v16 =	vadd.f32 v18, v16;
	v18 =	vld [tilespmem:s12+$0x0]  }
0x137: {  	v17 =	vadd.f32 v19, v17;
	_ =	sdelay $0x1  }
0x138: {  	v16 =	vadd.f32 v17, v16;
	_ =	sdelay $0x1  }
0x139: {  	v16 =	vadd.f32 v16, v18  }
0x13a: {  	s15 =	sor.u32 $0x10, s0  }
0x13b: {  	s24 =	sor.u32 s15, s6;
	s25 =	sor.u32 s15, s20;
	[tilespmem:s12+$0x0] =	vst v16;
	s12 =	sor.u32 s15, s2  }
0x13c: {  	v16 =	vld [tilespmem:s12+$0x0];
	s12 =	sor.u32 s15, s1  }
0x13d: {  	v17 =	vld [tilespmem:s25+$0x0]  }
0x13e: {  	v18 =	vld [tilespmem:s12+$0x0]  }
0x13f: {  	v19 =	vld [tilespmem:s24+$0x0];
	_ =	sdelay $0x3  }
0x140: {  	v16 =	vmul.f32 v16, v8;
	v17 =	vmul.f32 v17, v10  }
0x141: {  	s12 =	sor.u32 s15, s23;
	v18 =	vmul.f32 v18, v11;
	v19 =	vmul.f32 v19, v9  }
0x142: {  	v16 =	vadd.f32 v17, v16;
	v17 =	vld [tilespmem:s12+$0x0]  }
0x143: {  	v18 =	vadd.f32 v18, v19;
	_ =	sdelay $0x1  }
0x144: {  	v16 =	vadd.f32 v18, v16;
	_ =	sdelay $0x1  }
0x145: {  	v16 =	vadd.f32 v16, v17  }
0x146: {  	s15 =	sor.u32 $0x20, s0  }
0x147: {  	s24 =	sor.u32 s15, s20;
	s25 =	sor.u32 s15, s1;
	[tilespmem:s12+$0x0] =	vst v16;
	s12 =	sor.u32 s15, s6  }
0x148: {  	s26 =	sor.u32 s15, s2;
	v16 =	vld [tilespmem:s25+$0x0]  }
0x149: {  	v17 =	vld [tilespmem:s24+$0x0]  }
0x14a: {  	v18 =	vld [tilespmem:s12+$0x0]  }
0x14b: {  	v19 =	vld [tilespmem:s26+$0x0];
	_ =	sdelay $0x3  }
0x14c: {  	v16 =	vmul.f32 v16, v11;
	v17 =	vmul.f32 v17, v10  }
0x14d: {  	s12 =	sor.u32 s15, s23;
	v18 =	vmul.f32 v18, v9;
	v19 =	vmul.f32 v19, v8  }
0x14e: {  	v20 =	vld [tilespmem:s12+$0x0]  }
0x14f: {  	v16 =	vadd.f32 v16, v18;
	v17 =	vadd.f32 v17, v19;
	_ =	sdelay $0x1  }
0x150: {  	v16 =	vadd.f32 v16, v17;
	_ =	sdelay $0x1  }
0x151: {  	v16 =	vadd.f32 v16, v20  }
0x152: {  	s0 =	sor.u32 $0x30, s0  }
.Ltmp2:
0x153: {  	s2 =	sor.u32 s0, s2;
	s1 =	sor.u32 s0, s1;
	[tilespmem:s12+$0x0] =	vst v16;
	(pc) =	sbr.rel @p1 .LBB2_7-.Ltmp2, $4  }
0x154: {  	v16 =	vld [tilespmem:s2+$0x0];
	s2 =	sor.u32 s0, s6;
	s6 =	sor.u32 s0, s20  }
0x155: {  	v17 =	vld [tilespmem:s1+$0x0]  }
0x156: {  	v18 =	vld [tilespmem:s2+$0x0]  }
0x157: {  	s23 =	sor.u32 s0, s23;
	v19 =	vld [tilespmem:s6+$0x0]  }
0x158: {  	_ =	sdelay $0x2  }
0x159: {  	v16 =	vmul.f32 v16, v8;
	v17 =	vmul.f32 v17, v11  }
0x15a: {  	v18 =	vmul.f32 v18, v9;
	v19 =	vmul.f32 v19, v10  }
0x15b: {  	v20 =	vld [tilespmem:s23+$0x0]  }
0x15c: {  	v17 =	vadd.f32 v17, v18;
	v16 =	vadd.f32 v19, v16;
	_ =	sdelay $0x1  }
0x15d: {  	v16 =	vadd.f32 v17, v16;
	_ =	sdelay $0x1  }
0x15e: {  	v16 =	vadd.f32 v16, v20  }
0x15f: {  	s10 =	sor.u32 s17, s10;
	s0 =	rddreg [dreg:$0x0]  }
0x160: {  	s1 =	simm.s32 $0x8880;
	s15 =	simm.s32 $0x0;
	s0 =	sadd.s32 s0, s10;
	[tilespmem:s23+$0x0] =	vst v16  }
0x161: {  	[tilespmem:s1], [sflag:$0x3] =	stream.strided.gather [hbm4b:s0+s21], $0x4000, s22, s21, $0x38;
	[tilespmem:$0x12880] =	vst v63  }
0x162: {  	s11 =	simm.s32 $0x0;
	s12 =	sand.u32 $0x3FFFFE00, s15;
	_ =	swait.ge [sflag:s31], $0x4000  }
0x163: {  	s6 =	sand.u32 $0x40, s11;
	s2 =	sadd.s32 $0xC880, s12;
	[sflag:s31] =	ssyncset.done $0x0  }
0x164: {  	s15 =	sor.u32 s6, s2;
	s0 =	sadd.s32 $0xC900, s12;
	[sflag:s31] =	ssyncadd.s32 $0xFFFFC000  }
0x165: {  	s1 =	sadd.s32 $0xC980, s12;
	s19 =	sor.u32 s6, s0;
	v16 =	vld [tilespmem:s15+$0x0]  }
0x166: {  	s12 =	sadd.s32 $0xCA00, s12;
	s16 =	sor.u32 s6, s1;
	v17 =	vld [tilespmem:s19+$0x0]  }
0x167: {  	s20 =	sor.u32 s6, s12;
	v18 =	vld [tilespmem:s16+$0x0]  }
0x168: {  	v19 =	vld [tilespmem:s20+$0x0];
	_ =	sdelay $0x1  }
0x169: {  	s23 =	simm.s32 $0x0  }
0x16a: {  	s15 =	sand.u32 $0x3FFFFF00, s23  }
0x16b: {  	s15 =	sadd.s32 $0x10880, s15;
	v16 =	vmul.f32 v16, v12;
	v18 =	vmul.f32 v18, v14  }
0x16c: {  	s24 =	sor.u32 s6, s15;
	v17 =	vmul.f32 v17, v13;
	v19 =	vmul.f32 v19, v15  }
0x16d: {  	v20 =	vld [tilespmem:s24+$0x0]  }
0x16e: {  	v16 =	vadd.f32 v18, v16;
	v17 =	vadd.f32 v19, v17;
	_ =	sdelay $0x1  }
0x16f: {  	v16 =	vadd.f32 v17, v16;
	_ =	sdelay $0x1  }
0x170: {  	v16 =	vadd.f32 v16, v20  }
0x171: {  	s20 =	sor.u32 $0x10, s6  }
0x172: {  	s25 =	sor.u32 s20, s2;
	[tilespmem:s24+$0x0] =	vst v16  }
0x173: {  	s26 =	sor.u32 s20, s1;
	v16 =	vld [tilespmem:s25+$0x0]  }
0x174: {  	s16 =	sor.u32 s20, s12;
	v17 =	vld [tilespmem:s26+$0x0]  }
0x175: {  	s24 =	sor.u32 s20, s0;
	v18 =	vld [tilespmem:s16+$0x0]  }
0x176: {  	v19 =	vld [tilespmem:s24+$0x0];
	_ =	sdelay $0x3  }
0x177: {  	v16 =	vmul.f32 v16, v12;
	v17 =	vmul.f32 v17, v14  }
0x178: {  	s25 =	sor.u32 s20, s15;
	v19 =	vmul.f32 v19, v13;
	v18 =	vmul.f32 v18, v15  }
0x179: {  	v20 =	vld [tilespmem:s25+$0x0]  }
0x17a: {  	v16 =	vadd.f32 v17, v16;
	v17 =	vadd.f32 v18, v19;
	_ =	sdelay $0x1  }
0x17b: {  	v16 =	vadd.f32 v17, v16;
	_ =	sdelay $0x1  }
0x17c: {  	v16 =	vadd.f32 v16, v20  }
0x17d: {  	s20 =	sor.u32 $0x20, s6  }
0x17e: {  	s26 =	sor.u32 s20, s12;
	[tilespmem:s25+$0x0] =	vst v16  }
0x17f: {  	s16 =	sor.u32 s20, s1;
	v16 =	vld [tilespmem:s26+$0x0]  }
0x180: {  	s24 =	sor.u32 s20, s0;
	v17 =	vld [tilespmem:s16+$0x0]  }
0x181: {  	s25 =	sor.u32 s20, s2;
	v18 =	vld [tilespmem:s24+$0x0]  }
0x182: {  	v19 =	vld [tilespmem:s25+$0x0];
	_ =	sdelay $0x3  }
0x183: {  	v17 =	vmul.f32 v17, v14;
	v16 =	vmul.f32 v16, v15  }
0x184: {  	s26 =	sor.u32 s20, s15;
	v19 =	vmul.f32 v19, v12;
	v18 =	vmul.f32 v18, v13  }
0x185: {  	v20 =	vld [tilespmem:s26+$0x0]  }
0x186: {  	v17 =	vadd.f32 v17, v19;
	v16 =	vadd.f32 v16, v18;
	_ =	sdelay $0x1  }
0x187: {  	v16 =	vadd.f32 v16, v17;
	_ =	sdelay $0x1  }
0x188: {  	v16 =	vadd.f32 v16, v20  }
0x189: {  	s6 =	sor.u32 $0x30, s6  }
0x18a: {  	s2 =	sor.u32 s6, s2;
	[tilespmem:s26+$0x0] =	vst v16  }
0x18b: {  	s12 =	sor.u32 s6, s12;
	v16 =	vld [tilespmem:s2+$0x0]  }
0x18c: {  	s0 =	sor.u32 s6, s0;
	v17 =	vld [tilespmem:s12+$0x0]  }
0x18d: {  	s1 =	sor.u32 s6, s1;
	v18 =	vld [tilespmem:s0+$0x0]  }
0x18e: {  	s19 =	simm.s32 $0x1;
	s23 =	sor.u32 s6, s15;
	v19 =	vld [tilespmem:s1+$0x0]  }
.LBB2_9:
0x18f: {  	p1 =	sne.s32 s19, $0x3F  }
0x190: {  	v20 =	vld [tilespmem:s23+$0x0];
	s11 =	sadd.s32 $0x40, s11;
	s12 =	smov.u32 s19;
	s19 =	sadd.s32 $0x1, s19  }
0x191: {  	_ = 	snop  }
0x192: {  	v16 =	vmul.f32 v16, v12;
	v17 =	vmul.f32 v17, v15  }
0x193: {  	v18 =	vmul.f32 v18, v13  }
0x194: {  	v19 =	vmul.f32 v19, v14  }
0x195: {  	v17 =	vadd.f32 v17, v18  }
0x196: {  	v16 =	vadd.f32 v19, v16;
	_ =	sdelay $0x1  }
0x197: {  	v16 =	vadd.f32 v17, v16  }
0x198: {  	s1 =	sshll.u32 s12, $0x8  }
0x199: {  	s0 =	sand.u32 $0x40, s11;
	s1 =	sand.u32 $0x3FFFFE00, s1;
	v16 =	vadd.f32 v16, v20  }
0x19a: {  	s2 =	sadd.s32 $0xC880, s1;
	s6 =	sadd.s32 $0xC900, s1;
	s20 =	sadd.s32 $0xC980, s1  }
0x19b: {  	s1 =	sadd.s32 $0xCA00, s1;
	s15 =	sor.u32 s0, s2;
	s24 =	sor.u32 s0, s6;
	[tilespmem:s23+$0x0] =	vst v16  }
0x19c: {  	s23 =	sor.u32 s0, s1;
	v16 =	vld [tilespmem:s15+$0x0];
	s15 =	sor.u32 s0, s20  }
0x19d: {  	v17 =	vld [tilespmem:s24+$0x0]  }
0x19e: {  	v18 =	vld [tilespmem:s15+$0x0]  }
0x19f: {  	v19 =	vld [tilespmem:s23+$0x0];
	_ =	sdelay $0x1  }
0x1a0: {  	s12 =	sshll.u32 s12, $0x7;
	v16 =	vmul.f32 v16, v12  }
0x1a1: {  	s12 =	sand.u32 $0x3FFFFF00, s12  }
0x1a2: {  	s23 =	sadd.s32 $0x10880, s12;
	v18 =	vmul.f32 v18, v14  }
0x1a3: {  	s12 =	sor.u32 s0, s23;
	v17 =	vmul.f32 v17, v13;
	v19 =	vmul.f32 v19, v15  }
0x1a4: {  	v16 =	vadd.f32 v18, v16;
	v18 =	vld [tilespmem:s12+$0x0]  }
0x1a5: {  	v17 =	vadd.f32 v19, v17;
	_ =	sdelay $0x1  }
0x1a6: {  	v16 =	vadd.f32 v17, v16;
	_ =	sdelay $0x1  }
0x1a7: {  	v16 =	vadd.f32 v16, v18  }
0x1a8: {  	s15 =	sor.u32 $0x10, s0  }
0x1a9: {  	s24 =	sor.u32 s15, s6;
	s25 =	sor.u32 s15, s20;
	[tilespmem:s12+$0x0] =	vst v16;
	s12 =	sor.u32 s15, s2  }
0x1aa: {  	v16 =	vld [tilespmem:s12+$0x0];
	s12 =	sor.u32 s15, s1  }
0x1ab: {  	v17 =	vld [tilespmem:s25+$0x0]  }
0x1ac: {  	v18 =	vld [tilespmem:s12+$0x0]  }
0x1ad: {  	v19 =	vld [tilespmem:s24+$0x0];
	_ =	sdelay $0x3  }
0x1ae: {  	v16 =	vmul.f32 v16, v12;
	v17 =	vmul.f32 v17, v14  }
0x1af: {  	s12 =	sor.u32 s15, s23;
	v18 =	vmul.f32 v18, v15;
	v19 =	vmul.f32 v19, v13  }
0x1b0: {  	v16 =	vadd.f32 v17, v16;
	v17 =	vld [tilespmem:s12+$0x0]  }
0x1b1: {  	v18 =	vadd.f32 v18, v19;
	_ =	sdelay $0x1  }
0x1b2: {  	v16 =	vadd.f32 v18, v16;
	_ =	sdelay $0x1  }
0x1b3: {  	v16 =	vadd.f32 v16, v17  }
0x1b4: {  	s15 =	sor.u32 $0x20, s0  }
0x1b5: {  	s24 =	sor.u32 s15, s20;
	s25 =	sor.u32 s15, s1;
	[tilespmem:s12+$0x0] =	vst v16;
	s12 =	sor.u32 s15, s6  }
0x1b6: {  	s26 =	sor.u32 s15, s2;
	v16 =	vld [tilespmem:s25+$0x0]  }
0x1b7: {  	v17 =	vld [tilespmem:s24+$0x0]  }
0x1b8: {  	v18 =	vld [tilespmem:s12+$0x0]  }
0x1b9: {  	v19 =	vld [tilespmem:s26+$0x0];
	_ =	sdelay $0x3  }
0x1ba: {  	v16 =	vmul.f32 v16, v15;
	v17 =	vmul.f32 v17, v14  }
0x1bb: {  	s12 =	sor.u32 s15, s23;
	v18 =	vmul.f32 v18, v13;
	v19 =	vmul.f32 v19, v12  }
0x1bc: {  	v20 =	vld [tilespmem:s12+$0x0]  }
0x1bd: {  	v16 =	vadd.f32 v16, v18;
	v17 =	vadd.f32 v17, v19;
	_ =	sdelay $0x1  }
0x1be: {  	v16 =	vadd.f32 v16, v17;
	_ =	sdelay $0x1  }
0x1bf: {  	v16 =	vadd.f32 v16, v20  }
0x1c0: {  	s0 =	sor.u32 $0x30, s0  }
.Ltmp3:
0x1c1: {  	s2 =	sor.u32 s0, s2;
	s1 =	sor.u32 s0, s1;
	[tilespmem:s12+$0x0] =	vst v16;
	(pc) =	sbr.rel @p1 .LBB2_9-.Ltmp3, $4  }
0x1c2: {  	v16 =	vld [tilespmem:s2+$0x0];
	s2 =	sor.u32 s0, s6;
	s6 =	sor.u32 s0, s20  }
0x1c3: {  	v17 =	vld [tilespmem:s1+$0x0]  }
0x1c4: {  	v18 =	vld [tilespmem:s2+$0x0]  }
0x1c5: {  	s23 =	sor.u32 s0, s23;
	v19 =	vld [tilespmem:s6+$0x0]  }
0x1c6: {  	_ =	sdelay $0x2  }
0x1c7: {  	v16 =	vmul.f32 v16, v12;
	v17 =	vmul.f32 v17, v15  }
0x1c8: {  	v18 =	vmul.f32 v18, v13;
	v19 =	vmul.f32 v19, v14  }
0x1c9: {  	v20 =	vld [tilespmem:s23+$0x0]  }
0x1ca: {  	v17 =	vadd.f32 v17, v18;
	v16 =	vadd.f32 v19, v16;
	_ =	sdelay $0x1  }
0x1cb: {  	v16 =	vadd.f32 v17, v16;
	_ =	sdelay $0x1  }
0x1cc: {  	v16 =	vadd.f32 v16, v20;
	_ =	sdelay $0x1  }
0x1cd: {  	s0 =	sadd.s32 s10, s13;
	s1 =	simm.s32 $0xC880;
	s25 =	sshll.u32 s3, $0x8;
	[tilespmem:s23+$0x0] =	vst v16  }
0x1ce: {  	[tilespmem:s1], [sflag:$0x4] =	stream.strided.gather [hbm4b:s0+s21], $0x4000, s22, s21, $0x38;
	[tilespmem:$0x12880] =	vst v63  }
0x1cf: {  	s26 =	sshll.u32 s3, $0xD;
	s0 =	sand.u32 $0x300, s25  }
0x1d0: {  	s10 =	sand.u32 $0x8000, s26;
	s0 =	sor.u32 s0, s8  }
0x1d1: {  	s0 =	sor.u32 s10, s0  }
0x1d2: {  	s0 =	sshrl.u32 s0, $0x3  }
0x1d3: {  	s2 =	simm.s32 $0x80;
	s0 =	sadd.s32 s5, s0  }
0x1d4: {  	s6 =	simm.s32 $0x10980;
	s1 =	simm.s32 $0x10880;
	s11 =	sadd.s32 $0x0, s0  }
.LBB2_11:
0x1d5: {  	[hbm4b:s11+s4] =	stream.linear.scatter [tilespmem:s1], [sflag:$0x5], $0x80, $0x38;
	[tilespmem:$0x12880] =	vst v63  }
0x1d6: {  	s11 =	smov.u32 s2;
	s1 =	smov.u32 s6;
	p1 =	sne.s32 s2, $0xF80  }
.Ltmp4:
0x1d7: {  	s2 =	sadd.s32 $0x80, s2;
	(pc) =	sbr.rel @p1 .LBB2_11-.Ltmp4, $2  }
0x1d8: {  	_ =	sdelay $0x2  }
0x1d9: {  	s6 =	sadd.s32 $0x100, s6;
	s11 =	sadd.s32 s11, s0  }
0x1da: {  	[hbm4b:s11+s4] =	stream.linear.scatter [tilespmem:s1], [sflag:$0x5], $0x80, $0x38;
	[tilespmem:$0x12880] =	vst v63  }
0x1db: {  	s0 =	simm.s32 @!p0 $0x5  }
0x1dc: {  	_ =	swait.ge @!p0 [sflag:s0], $0x1000  }
0x1dd: {  	[sflag:s0] =	ssyncset.done @!p0 $0x0  }
0x1de: {  	s15 =	simm.s32 $0x0;
	[sflag:s0] =	ssyncadd.s32 @!p0 $0xFFFFF000  }
0x1df: {  	s11 =	simm.s32 $0x0;
	s0 =	sand.u32 $0x3FFFFE00, s15;
	_ =	swait.ge [sflag:s28], $0x4000  }
0x1e0: {  	s16 =	sand.u32 $0x40, s11;
	s0 =	sadd.s32 $0x880, s0;
	[sflag:s28] =	ssyncset.done $0x0  }
0x1e1: {  	s2 =	sor.u32 s16, s0;
	[sflag:s28] =	ssyncadd.s32 $0xFFFFC000  }
0x1e2: {  	v16 =	vld [tilespmem:s2+$0x180]  }
0x1e3: {  	v17 =	vld [tilespmem:s2+$0x100]  }
0x1e4: {  	v18 =	vld [tilespmem:s2+$0x0]  }
0x1e5: {  	v19 =	vld [tilespmem:s2+$0x80];
	_ =	sdelay $0x3  }
0x1e6: {  	v16 =	vmul.f32 v16, v3;
	v17 =	vmul.f32 v17, v2  }
0x1e7: {  	v18 =	vmul.f32 v18, v0;
	v19 =	vmul.f32 v19, v1;
	_ =	sdelay $0x1  }
0x1e8: {  	s19 =	simm.s32 $0x0;
	v17 =	vadd.f32 v17, v18;
	v16 =	vadd.f32 v16, v19  }
0x1e9: {  	s2 =	sand.u32 $0x3FFFFF00, s19  }
0x1ea: {  	s2 =	sadd.s32 $0x10880, s2;
	v16 =	vadd.f32 v16, v17  }
0x1eb: {  	s12 =	sor.u32 $0x10, s16;
	s6 =	sor.u32 s16, s2  }
0x1ec: {  	s20 =	sor.u32 s12, s0;
	[tilespmem:s6+$0x80] =	vst v16  }
0x1ed: {  	v16 =	vld [tilespmem:s20+$0x0]  }
0x1ee: {  	v17 =	vld [tilespmem:s20+$0x80]  }
0x1ef: {  	v18 =	vld [tilespmem:s20+$0x100]  }
0x1f0: {  	v19 =	vld [tilespmem:s20+$0x180];
	_ =	sdelay $0x3  }
0x1f1: {  	v17 =	vmul.f32 v17, v1;
	v18 =	vmul.f32 v18, v2  }
0x1f2: {  	v16 =	vmul.f32 v16, v0;
	v19 =	vmul.f32 v19, v3;
	_ =	sdelay $0x1  }
0x1f3: {  	v16 =	vadd.f32 v18, v16;
	v17 =	vadd.f32 v19, v17;
	_ =	sdelay $0x1  }
0x1f4: {  	v16 =	vadd.f32 v17, v16  }
0x1f5: {  	s23 =	sor.u32 $0x20, s16;
	s12 =	sor.u32 s12, s2  }
0x1f6: {  	s24 =	sor.u32 s23, s0;
	[tilespmem:s12+$0x80] =	vst v16  }
0x1f7: {  	v16 =	vld [tilespmem:s24+$0x180]  }
0x1f8: {  	v17 =	vld [tilespmem:s24+$0x100]  }
0x1f9: {  	v18 =	vld [tilespmem:s24+$0x80]  }
0x1fa: {  	v19 =	vld [tilespmem:s24+$0x0];
	_ =	sdelay $0x3  }
0x1fb: {  	v16 =	vmul.f32 v16, v3;
	v17 =	vmul.f32 v17, v2  }
0x1fc: {  	v18 =	vmul.f32 v18, v1;
	v19 =	vmul.f32 v19, v0;
	_ =	sdelay $0x1  }
0x1fd: {  	v16 =	vadd.f32 v16, v18;
	v17 =	vadd.f32 v17, v19;
	_ =	sdelay $0x1  }
0x1fe: {  	v16 =	vadd.f32 v16, v17  }
0x1ff: {  	s25 =	sor.u32 $0x30, s16;
	s26 =	sor.u32 s23, s2  }
0x200: {  	s1 =	sor.u32 s25, s0;
	[tilespmem:s26+$0x80] =	vst v16  }
0x201: {  	v16 =	vld [tilespmem:s1+$0x0]  }
0x202: {  	s0 =	sor.u32 s25, s2;
	s6 =	simm.s32 $0x1;
	v17 =	vld [tilespmem:s1+$0x180]  }
.LBB2_13:
0x203: {  	p0 =	sne.s32 s6, $0x3F  }
0x204: {  	v18 =	vld [tilespmem:s1+$0x80];
	s11 =	sadd.s32 $0x40, s11;
	s12 =	smov.u32 s6;
	s6 =	sadd.s32 $0x1, s6  }
0x205: {  	v19 =	vld [tilespmem:s1+$0x100];
	_ =	sdelay $0x2  }
0x206: {  	v16 =	vmul.f32 v16, v0;
	v17 =	vmul.f32 v17, v3  }
0x207: {  	v18 =	vmul.f32 v18, v1  }
0x208: {  	v19 =	vmul.f32 v19, v2  }
0x209: {  	v17 =	vadd.f32 v17, v18  }
0x20a: {  	v16 =	vadd.f32 v19, v16  }
0x20b: {  	s1 =	sshll.u32 s12, $0x8  }
0x20c: {  	s1 =	sand.u32 $0x3FFFFE00, s1;
	v16 =	vadd.f32 v17, v16  }
0x20d: {  	s15 =	sand.u32 $0x40, s11;
	s1 =	sadd.s32 $0x880, s1  }
0x20e: {  	s19 =	sor.u32 $0x20, s15;
	s2 =	sor.u32 $0x30, s15;
	s20 =	sor.u32 s15, s1;
	[tilespmem:s0+$0x80] =	vst v16  }
0x20f: {  	v16 =	vld [tilespmem:s20+$0x180]  }
0x210: {  	v17 =	vld [tilespmem:s20+$0x100]  }
0x211: {  	v18 =	vld [tilespmem:s20+$0x0]  }
0x212: {  	v19 =	vld [tilespmem:s20+$0x80];
	_ =	sdelay $0x1  }
0x213: {  	v16 =	vmul.f32 v16, v3  }
0x214: {  	v17 =	vmul.f32 v17, v2  }
0x215: {  	v18 =	vmul.f32 v18, v0  }
0x216: {  	v19 =	vmul.f32 v19, v1  }
0x217: {  	v17 =	vadd.f32 v17, v18  }
0x218: {  	s0 =	sshll.u32 s12, $0x7;
	v16 =	vadd.f32 v16, v19  }
0x219: {  	s0 =	sand.u32 $0x3FFFFF00, s0  }
0x21a: {  	s0 =	sadd.s32 $0x10880, s0;
	v16 =	vadd.f32 v16, v17  }
0x21b: {  	s12 =	sor.u32 s15, s0;
	s15 =	sor.u32 $0x10, s15;
	s20 =	sor.u32 s19, s0  }
0x21c: {  	[tilespmem:s12+$0x80] =	vst v16;
	s12 =	sor.u32 s15, s1;
	s15 =	sor.u32 s15, s0;
	s0 =	sor.u32 s2, s0  }
0x21d: {  	v16 =	vld [tilespmem:s12+$0x0]  }
0x21e: {  	v17 =	vld [tilespmem:s12+$0x80]  }
0x21f: {  	v18 =	vld [tilespmem:s12+$0x100]  }
0x220: {  	v19 =	vld [tilespmem:s12+$0x180];
	_ =	sdelay $0x3  }
0x221: {  	v17 =	vmul.f32 v17, v1;
	v18 =	vmul.f32 v18, v2  }
0x222: {  	v16 =	vmul.f32 v16, v0;
	v19 =	vmul.f32 v19, v3;
	_ =	sdelay $0x1  }
0x223: {  	v16 =	vadd.f32 v18, v16;
	v17 =	vadd.f32 v19, v17;
	_ =	sdelay $0x1  }
0x224: {  	v16 =	vadd.f32 v17, v16;
	_ =	sdelay $0x1  }
0x225: {  	s12 =	sor.u32 s19, s1;
	[tilespmem:s15+$0x80] =	vst v16  }
0x226: {  	v16 =	vld [tilespmem:s12+$0x180]  }
0x227: {  	v17 =	vld [tilespmem:s12+$0x100]  }
0x228: {  	v18 =	vld [tilespmem:s12+$0x80]  }
0x229: {  	v19 =	vld [tilespmem:s12+$0x0];
	_ =	sdelay $0x1  }
0x22a: {  	v16 =	vmul.f32 v16, v3  }
0x22b: {  	v17 =	vmul.f32 v17, v2  }
0x22c: {  	v18 =	vmul.f32 v18, v1  }
0x22d: {  	v19 =	vmul.f32 v19, v0  }
0x22e: {  	v16 =	vadd.f32 v16, v18  }
0x22f: {  	v17 =	vadd.f32 v17, v19;
	_ =	sdelay $0x1  }
.Ltmp5:
0x230: {  	v16 =	vadd.f32 v16, v17;
	(pc) =	sbr.rel @p0 .LBB2_13-.Ltmp5, $4  }
0x231: {  	_ = 	snop  }
0x232: {  	s1 =	sor.u32 s2, s1;
	[tilespmem:s20+$0x80] =	vst v16  }
0x233: {  	v16 =	vld [tilespmem:s1+$0x0]  }
0x234: {  	v17 =	vld [tilespmem:s1+$0x180]  }
0x235: {  	v18 =	vld [tilespmem:s1+$0x80]  }
0x236: {  	v19 =	vld [tilespmem:s1+$0x100];
	_ =	sdelay $0x3  }
0x237: {  	v16 =	vmul.f32 v16, v0;
	v17 =	vmul.f32 v17, v3  }
0x238: {  	v18 =	vmul.f32 v18, v1;
	v19 =	vmul.f32 v19, v2;
	_ =	sdelay $0x1  }
0x239: {  	v17 =	vadd.f32 v17, v18;
	v16 =	vadd.f32 v19, v16;
	_ =	sdelay $0x1  }
0x23a: {  	s11 =	sshll.u32 s3, $0x15;
	p0 =	seq.s32 s3, $0x7;
	s1 =	rddreg [dreg:$0x8];
	v16 =	vadd.f32 v17, v16  }
0x23b: {  	s20 =	simm.s32 $0x0;
	s1 =	sadd.s32 @!p0 s11, s1  }
0x23c: {  	s2 =	simm.s32 @!p0 $0x400;
	s6 =	simm.s32 @!p0 $0x880;
	[tilespmem:s0+$0x80] =	vst v16;
	s0 =	simm.s32 @!p0 $0x200  }
0x23d: {  	[tilespmem:s6], [sflag:$0x1] =	stream.strided.gather @!p0 [hbm4b:s1+s0], $0x4000, s2, s0, $0x38;
	[tilespmem:$0x12880] =	vst v63  }
0x23e: {  	s19 =	simm.s32 $0x0;
	s12 =	sand.u32 $0x3FFFFE00, s20;
	_ =	swait.ge [sflag:s29], $0x4000  }
0x23f: {  	s6 =	sand.u32 $0x40, s19;
	s2 =	sadd.s32 $0x4880, s12;
	[sflag:s29] =	ssyncset.done $0x0  }
0x240: {  	s0 =	sadd.s32 $0x4900, s12;
	s15 =	sor.u32 s6, s2;
	[sflag:s29] =	ssyncadd.s32 $0xFFFFC000  }
0x241: {  	s1 =	sadd.s32 $0x4980, s12;
	s20 =	sor.u32 s6, s0;
	v16 =	vld [tilespmem:s15+$0x0]  }
0x242: {  	s12 =	sadd.s32 $0x4A00, s12;
	s23 =	sor.u32 s6, s1;
	v17 =	vld [tilespmem:s20+$0x0]  }
0x243: {  	s24 =	sor.u32 s6, s12;
	v18 =	vld [tilespmem:s23+$0x0]  }
0x244: {  	v19 =	vld [tilespmem:s24+$0x0];
	_ =	sdelay $0x1  }
0x245: {  	s25 =	simm.s32 $0x0  }
0x246: {  	s15 =	sand.u32 $0x3FFFFF00, s25  }
0x247: {  	s15 =	sadd.s32 $0x10880, s15;
	v16 =	vmul.f32 v16, v4;
	v18 =	vmul.f32 v18, v6  }
0x248: {  	s26 =	sor.u32 s6, s15;
	v17 =	vmul.f32 v17, v5;
	v19 =	vmul.f32 v19, v7  }
0x249: {  	v20 =	vld [tilespmem:s26+$0x80]  }
0x24a: {  	v16 =	vadd.f32 v18, v16;
	v17 =	vadd.f32 v19, v17;
	_ =	sdelay $0x1  }
0x24b: {  	v16 =	vadd.f32 v17, v16;
	_ =	sdelay $0x1  }
0x24c: {  	v16 =	vadd.f32 v16, v20  }
0x24d: {  	s23 =	sor.u32 $0x10, s6  }
0x24e: {  	s16 =	sor.u32 s23, s2;
	[tilespmem:s26+$0x80] =	vst v16  }
0x24f: {  	s24 =	sor.u32 s23, s1;
	v16 =	vld [tilespmem:s16+$0x0]  }
0x250: {  	s25 =	sor.u32 s23, s12;
	v17 =	vld [tilespmem:s24+$0x0]  }
0x251: {  	s26 =	sor.u32 s23, s0;
	v18 =	vld [tilespmem:s25+$0x0]  }
0x252: {  	v19 =	vld [tilespmem:s26+$0x0];
	_ =	sdelay $0x3  }
0x253: {  	v16 =	vmul.f32 v16, v4;
	v17 =	vmul.f32 v17, v6  }
0x254: {  	s16 =	sor.u32 s23, s15;
	v19 =	vmul.f32 v19, v5;
	v18 =	vmul.f32 v18, v7  }
0x255: {  	v20 =	vld [tilespmem:s16+$0x80]  }
0x256: {  	v16 =	vadd.f32 v17, v16;
	v17 =	vadd.f32 v18, v19;
	_ =	sdelay $0x1  }
0x257: {  	v16 =	vadd.f32 v17, v16;
	_ =	sdelay $0x1  }
0x258: {  	v16 =	vadd.f32 v16, v20  }
0x259: {  	s23 =	sor.u32 $0x20, s6  }
0x25a: {  	s24 =	sor.u32 s23, s12;
	[tilespmem:s16+$0x80] =	vst v16  }
0x25b: {  	s25 =	sor.u32 s23, s1;
	v16 =	vld [tilespmem:s24+$0x0]  }
0x25c: {  	s26 =	sor.u32 s23, s0;
	v17 =	vld [tilespmem:s25+$0x0]  }
0x25d: {  	s16 =	sor.u32 s23, s2;
	v18 =	vld [tilespmem:s26+$0x0]  }
0x25e: {  	v19 =	vld [tilespmem:s16+$0x0];
	_ =	sdelay $0x3  }
0x25f: {  	v17 =	vmul.f32 v17, v6;
	v16 =	vmul.f32 v16, v7  }
0x260: {  	s25 =	sor.u32 s23, s15;
	v19 =	vmul.f32 v19, v4;
	v18 =	vmul.f32 v18, v5  }
0x261: {  	v20 =	vld [tilespmem:s25+$0x80]  }
0x262: {  	v17 =	vadd.f32 v17, v19;
	v16 =	vadd.f32 v16, v18;
	_ =	sdelay $0x1  }
0x263: {  	v16 =	vadd.f32 v16, v17;
	_ =	sdelay $0x1  }
0x264: {  	v16 =	vadd.f32 v16, v20  }
0x265: {  	s26 =	sor.u32 $0x30, s6  }
0x266: {  	s2 =	sor.u32 s26, s2;
	[tilespmem:s25+$0x80] =	vst v16  }
0x267: {  	s6 =	sor.u32 s26, s12;
	v16 =	vld [tilespmem:s2+$0x0]  }
0x268: {  	s0 =	sor.u32 s26, s0;
	v17 =	vld [tilespmem:s6+$0x0]  }
0x269: {  	s1 =	sor.u32 s26, s1;
	v18 =	vld [tilespmem:s0+$0x0]  }
0x26a: {  	s24 =	sor.u32 s26, s15;
	s6 =	simm.s32 $0x1;
	v19 =	vld [tilespmem:s1+$0x0]  }
.LBB2_15:
0x26b: {  	p1 =	sne.s32 s6, $0x3F  }
0x26c: {  	v20 =	vld [tilespmem:s24+$0x80];
	s19 =	sadd.s32 $0x40, s19;
	s12 =	smov.u32 s6;
	s6 =	sadd.s32 $0x1, s6  }
0x26d: {  	_ = 	snop  }
0x26e: {  	v16 =	vmul.f32 v16, v4;
	v17 =	vmul.f32 v17, v7  }
0x26f: {  	v18 =	vmul.f32 v18, v5  }
0x270: {  	v19 =	vmul.f32 v19, v6  }
0x271: {  	v17 =	vadd.f32 v17, v18  }
0x272: {  	v16 =	vadd.f32 v19, v16;
	_ =	sdelay $0x1  }
0x273: {  	v16 =	vadd.f32 v17, v16  }
0x274: {  	s0 =	sshll.u32 s12, $0x8  }
0x275: {  	s2 =	sand.u32 $0x40, s19;
	s15 =	sand.u32 $0x3FFFFE00, s0;
	v16 =	vadd.f32 v16, v20  }
0x276: {  	s1 =	sadd.s32 $0x4880, s15;
	s20 =	sadd.s32 $0x4900, s15;
	s0 =	sadd.s32 $0x4980, s15  }
0x277: {  	s23 =	sadd.s32 $0x4A00, s15;
	s25 =	sor.u32 s2, s1;
	s26 =	sor.u32 s2, s20;
	[tilespmem:s24+$0x80] =	vst v16  }
0x278: {  	s15 =	sor.u32 s2, s0;
	s24 =	sor.u32 s2, s23;
	v16 =	vld [tilespmem:s25+$0x0]  }
0x279: {  	v17 =	vld [tilespmem:s26+$0x0]  }
0x27a: {  	v18 =	vld [tilespmem:s15+$0x0]  }
0x27b: {  	v19 =	vld [tilespmem:s24+$0x0];
	_ =	sdelay $0x1  }
0x27c: {  	s12 =	sshll.u32 s12, $0x7;
	v16 =	vmul.f32 v16, v4  }
0x27d: {  	s12 =	sand.u32 $0x3FFFFF00, s12  }
0x27e: {  	s24 =	sadd.s32 $0x10880, s12;
	v18 =	vmul.f32 v18, v6  }
0x27f: {  	s12 =	sor.u32 s2, s24;
	v17 =	vmul.f32 v17, v5;
	v19 =	vmul.f32 v19, v7  }
0x280: {  	v16 =	vadd.f32 v18, v16;
	v18 =	vld [tilespmem:s12+$0x80]  }
0x281: {  	v17 =	vadd.f32 v19, v17;
	_ =	sdelay $0x1  }
0x282: {  	v16 =	vadd.f32 v17, v16;
	_ =	sdelay $0x1  }
0x283: {  	v16 =	vadd.f32 v16, v18  }
0x284: {  	s15 =	sor.u32 $0x10, s2  }
0x285: {  	s25 =	sor.u32 s15, s20;
	s26 =	sor.u32 s15, s0;
	[tilespmem:s12+$0x80] =	vst v16;
	s12 =	sor.u32 s15, s1  }
0x286: {  	v16 =	vld [tilespmem:s12+$0x0];
	s12 =	sor.u32 s15, s23  }
0x287: {  	v17 =	vld [tilespmem:s26+$0x0]  }
0x288: {  	v18 =	vld [tilespmem:s12+$0x0]  }
0x289: {  	v19 =	vld [tilespmem:s25+$0x0];
	_ =	sdelay $0x3  }
0x28a: {  	v16 =	vmul.f32 v16, v4;
	v17 =	vmul.f32 v17, v6  }
0x28b: {  	s12 =	sor.u32 s15, s24;
	v18 =	vmul.f32 v18, v7;
	v19 =	vmul.f32 v19, v5  }
0x28c: {  	v16 =	vadd.f32 v17, v16;
	v17 =	vld [tilespmem:s12+$0x80]  }
0x28d: {  	v18 =	vadd.f32 v18, v19;
	_ =	sdelay $0x1  }
0x28e: {  	v16 =	vadd.f32 v18, v16;
	_ =	sdelay $0x1  }
0x28f: {  	v16 =	vadd.f32 v16, v17  }
0x290: {  	s15 =	sor.u32 $0x20, s2  }
0x291: {  	s25 =	sor.u32 s15, s0;
	s26 =	sor.u32 s15, s23;
	[tilespmem:s12+$0x80] =	vst v16;
	s12 =	sor.u32 s15, s20  }
0x292: {  	s16 =	sor.u32 s15, s1;
	v16 =	vld [tilespmem:s26+$0x0]  }
0x293: {  	v17 =	vld [tilespmem:s25+$0x0]  }
0x294: {  	v18 =	vld [tilespmem:s12+$0x0]  }
0x295: {  	v19 =	vld [tilespmem:s16+$0x0];
	_ =	sdelay $0x3  }
0x296: {  	v16 =	vmul.f32 v16, v7;
	v17 =	vmul.f32 v17, v6  }
0x297: {  	s12 =	sor.u32 s15, s24;
	v18 =	vmul.f32 v18, v5;
	v19 =	vmul.f32 v19, v4  }
0x298: {  	v20 =	vld [tilespmem:s12+$0x80]  }
0x299: {  	v16 =	vadd.f32 v16, v18;
	v17 =	vadd.f32 v17, v19;
	_ =	sdelay $0x1  }
0x29a: {  	v16 =	vadd.f32 v16, v17;
	_ =	sdelay $0x1  }
0x29b: {  	v16 =	vadd.f32 v16, v20  }
0x29c: {  	s2 =	sor.u32 $0x30, s2  }
.Ltmp6:
0x29d: {  	s1 =	sor.u32 s2, s1;
	[tilespmem:s12+$0x80] =	vst v16;
	s12 =	sor.u32 s2, s23;
	(pc) =	sbr.rel @p1 .LBB2_15-.Ltmp6, $4  }
0x29e: {  	s0 =	sor.u32 s2, s0;
	v16 =	vld [tilespmem:s1+$0x0];
	s1 =	sor.u32 s2, s20  }
0x29f: {  	v17 =	vld [tilespmem:s12+$0x0]  }
0x2a0: {  	v18 =	vld [tilespmem:s1+$0x0]  }
0x2a1: {  	s24 =	sor.u32 s2, s24;
	v19 =	vld [tilespmem:s0+$0x0]  }
0x2a2: {  	_ =	sdelay $0x2  }
0x2a3: {  	v16 =	vmul.f32 v16, v4;
	v17 =	vmul.f32 v17, v7  }
0x2a4: {  	v18 =	vmul.f32 v18, v5;
	v19 =	vmul.f32 v19, v6  }
0x2a5: {  	v20 =	vld [tilespmem:s24+$0x80]  }
0x2a6: {  	v17 =	vadd.f32 v17, v18;
	v16 =	vadd.f32 v19, v16;
	_ =	sdelay $0x1  }
0x2a7: {  	v16 =	vadd.f32 v17, v16;
	_ =	sdelay $0x1  }
0x2a8: {  	v16 =	vadd.f32 v16, v20  }
0x2a9: {  	s0 =	rddreg [dreg:$0x9];
	s1 =	simm.s32 @!p0 $0x200;
	s2 =	simm.s32 @!p0 $0x400  }
0x2aa: {  	s6 =	simm.s32 @!p0 $0x4880;
	s0 =	sadd.s32 @!p0 s11, s0;
	[tilespmem:s24+$0x80] =	vst v16;
	s24 =	simm.s32 $0x0  }
0x2ab: {  	[tilespmem:s6], [sflag:$0x2] =	stream.strided.gather @!p0 [hbm4b:s0+s1], $0x4000, s2, s1, $0x38;
	[tilespmem:$0x12880] =	vst v63  }
0x2ac: {  	s19 =	simm.s32 $0x0;
	s12 =	sand.u32 $0x3FFFFE00, s24;
	_ =	swait.ge [sflag:s30], $0x4000  }
0x2ad: {  	s6 =	sand.u32 $0x40, s19;
	s2 =	sadd.s32 $0x8880, s12;
	[sflag:s30] =	ssyncset.done $0x0  }
0x2ae: {  	s0 =	sadd.s32 $0x8900, s12;
	s15 =	sor.u32 s6, s2;
	[sflag:s30] =	ssyncadd.s32 $0xFFFFC000  }
0x2af: {  	s1 =	sadd.s32 $0x8980, s12;
	s16 =	sor.u32 s6, s0;
	v16 =	vld [tilespmem:s15+$0x0]  }
0x2b0: {  	s12 =	sadd.s32 $0x8A00, s12;
	s25 =	sor.u32 s6, s1;
	v17 =	vld [tilespmem:s16+$0x0]  }
0x2b1: {  	s26 =	sor.u32 s6, s12;
	v18 =	vld [tilespmem:s25+$0x0]  }
0x2b2: {  	v19 =	vld [tilespmem:s26+$0x0];
	_ =	sdelay $0x1  }
0x2b3: {  	s20 =	simm.s32 $0x0  }
0x2b4: {  	s15 =	sand.u32 $0x3FFFFF00, s20  }
0x2b5: {  	s15 =	sadd.s32 $0x10880, s15;
	v16 =	vmul.f32 v16, v8;
	v18 =	vmul.f32 v18, v10  }
0x2b6: {  	s23 =	sor.u32 s6, s15;
	v17 =	vmul.f32 v17, v9;
	v19 =	vmul.f32 v19, v11  }
0x2b7: {  	v20 =	vld [tilespmem:s23+$0x80]  }
0x2b8: {  	v16 =	vadd.f32 v18, v16;
	v17 =	vadd.f32 v19, v17;
	_ =	sdelay $0x1  }
0x2b9: {  	v16 =	vadd.f32 v17, v16;
	_ =	sdelay $0x1  }
0x2ba: {  	v16 =	vadd.f32 v16, v20  }
0x2bb: {  	s20 =	sor.u32 $0x10, s6  }
0x2bc: {  	s24 =	sor.u32 s20, s2;
	[tilespmem:s23+$0x80] =	vst v16  }
0x2bd: {  	s23 =	sor.u32 s20, s1;
	v16 =	vld [tilespmem:s24+$0x0]  }
0x2be: {  	s25 =	sor.u32 s20, s12;
	v17 =	vld [tilespmem:s23+$0x0]  }
0x2bf: {  	s26 =	sor.u32 s20, s0;
	v18 =	vld [tilespmem:s25+$0x0]  }
0x2c0: {  	v19 =	vld [tilespmem:s26+$0x0];
	_ =	sdelay $0x3  }
0x2c1: {  	v16 =	vmul.f32 v16, v8;
	v17 =	vmul.f32 v17, v10  }
0x2c2: {  	s23 =	sor.u32 s20, s15;
	v19 =	vmul.f32 v19, v9;
	v18 =	vmul.f32 v18, v11  }
0x2c3: {  	v20 =	vld [tilespmem:s23+$0x80]  }
0x2c4: {  	v16 =	vadd.f32 v17, v16;
	v17 =	vadd.f32 v18, v19;
	_ =	sdelay $0x1  }
0x2c5: {  	v16 =	vadd.f32 v17, v16;
	_ =	sdelay $0x1  }
0x2c6: {  	v16 =	vadd.f32 v16, v20  }
0x2c7: {  	s20 =	sor.u32 $0x20, s6  }
0x2c8: {  	s24 =	sor.u32 s20, s12;
	[tilespmem:s23+$0x80] =	vst v16  }
0x2c9: {  	s25 =	sor.u32 s20, s1;
	v16 =	vld [tilespmem:s24+$0x0]  }
0x2ca: {  	s26 =	sor.u32 s20, s0;
	v17 =	vld [tilespmem:s25+$0x0]  }
0x2cb: {  	s24 =	sor.u32 s20, s2;
	v18 =	vld [tilespmem:s26+$0x0]  }
0x2cc: {  	v19 =	vld [tilespmem:s24+$0x0];
	_ =	sdelay $0x3  }
0x2cd: {  	v17 =	vmul.f32 v17, v10;
	v16 =	vmul.f32 v16, v11  }
0x2ce: {  	s25 =	sor.u32 s20, s15;
	v18 =	vmul.f32 v18, v9;
	v19 =	vmul.f32 v19, v8  }
0x2cf: {  	v20 =	vld [tilespmem:s25+$0x80]  }
0x2d0: {  	v16 =	vadd.f32 v16, v18;
	v17 =	vadd.f32 v17, v19;
	_ =	sdelay $0x1  }
0x2d1: {  	v16 =	vadd.f32 v16, v17;
	_ =	sdelay $0x1  }
0x2d2: {  	v16 =	vadd.f32 v16, v20  }
0x2d3: {  	s26 =	sor.u32 $0x30, s6  }
0x2d4: {  	s2 =	sor.u32 s26, s2;
	[tilespmem:s25+$0x80] =	vst v16  }
0x2d5: {  	s6 =	sor.u32 s26, s12;
	v16 =	vld [tilespmem:s2+$0x0]  }
0x2d6: {  	s0 =	sor.u32 s26, s0;
	v17 =	vld [tilespmem:s6+$0x0]  }
0x2d7: {  	s1 =	sor.u32 s26, s1;
	v18 =	vld [tilespmem:s0+$0x0]  }
0x2d8: {  	s24 =	sor.u32 s26, s15;
	s6 =	simm.s32 $0x1;
	v19 =	vld [tilespmem:s1+$0x0]  }
.LBB2_17:
0x2d9: {  	p1 =	sne.s32 s6, $0x3F  }
0x2da: {  	v20 =	vld [tilespmem:s24+$0x80];
	s19 =	sadd.s32 $0x40, s19;
	s12 =	smov.u32 s6;
	s6 =	sadd.s32 $0x1, s6  }
0x2db: {  	_ = 	snop  }
0x2dc: {  	v16 =	vmul.f32 v16, v8;
	v17 =	vmul.f32 v17, v11  }
0x2dd: {  	v18 =	vmul.f32 v18, v9  }
0x2de: {  	v19 =	vmul.f32 v19, v10  }
0x2df: {  	v17 =	vadd.f32 v17, v18  }
0x2e0: {  	v16 =	vadd.f32 v19, v16;
	_ =	sdelay $0x1  }
0x2e1: {  	v16 =	vadd.f32 v17, v16  }
0x2e2: {  	s0 =	sshll.u32 s12, $0x8  }
0x2e3: {  	s2 =	sand.u32 $0x40, s19;
	s15 =	sand.u32 $0x3FFFFE00, s0;
	v16 =	vadd.f32 v16, v20  }
0x2e4: {  	s1 =	sadd.s32 $0x8880, s15;
	s0 =	sadd.s32 $0x8900, s15;
	s20 =	sadd.s32 $0x8980, s15  }
0x2e5: {  	s23 =	sadd.s32 $0x8A00, s15;
	s16 =	sor.u32 s2, s1;
	s25 =	sor.u32 s2, s0;
	[tilespmem:s24+$0x80] =	vst v16  }
0x2e6: {  	s15 =	sor.u32 s2, s20;
	v16 =	vld [tilespmem:s16+$0x0];
	s16 =	sor.u32 s2, s23  }
0x2e7: {  	v17 =	vld [tilespmem:s25+$0x0]  }
0x2e8: {  	v18 =	vld [tilespmem:s15+$0x0]  }
0x2e9: {  	v19 =	vld [tilespmem:s16+$0x0];
	_ =	sdelay $0x1  }
0x2ea: {  	s12 =	sshll.u32 s12, $0x7;
	v16 =	vmul.f32 v16, v8  }
0x2eb: {  	s12 =	sand.u32 $0x3FFFFF00, s12  }
0x2ec: {  	s24 =	sadd.s32 $0x10880, s12;
	v18 =	vmul.f32 v18, v10  }
0x2ed: {  	s12 =	sor.u32 s2, s24;
	v17 =	vmul.f32 v17, v9;
	v19 =	vmul.f32 v19, v11  }
0x2ee: {  	v16 =	vadd.f32 v18, v16;
	v18 =	vld [tilespmem:s12+$0x80]  }
0x2ef: {  	v17 =	vadd.f32 v19, v17;
	_ =	sdelay $0x1  }
0x2f0: {  	v16 =	vadd.f32 v17, v16;
	_ =	sdelay $0x1  }
0x2f1: {  	v16 =	vadd.f32 v16, v18  }
0x2f2: {  	s15 =	sor.u32 $0x10, s2  }
0x2f3: {  	s16 =	sor.u32 s15, s0;
	s25 =	sor.u32 s15, s20;
	[tilespmem:s12+$0x80] =	vst v16;
	s12 =	sor.u32 s15, s1  }
0x2f4: {  	v16 =	vld [tilespmem:s12+$0x0];
	s12 =	sor.u32 s15, s23  }
0x2f5: {  	v17 =	vld [tilespmem:s25+$0x0]  }
0x2f6: {  	v18 =	vld [tilespmem:s12+$0x0]  }
0x2f7: {  	v19 =	vld [tilespmem:s16+$0x0];
	_ =	sdelay $0x3  }
0x2f8: {  	v16 =	vmul.f32 v16, v8;
	v17 =	vmul.f32 v17, v10  }
0x2f9: {  	s12 =	sor.u32 s15, s24;
	v18 =	vmul.f32 v18, v11;
	v19 =	vmul.f32 v19, v9  }
0x2fa: {  	v16 =	vadd.f32 v17, v16;
	v17 =	vld [tilespmem:s12+$0x80]  }
0x2fb: {  	v18 =	vadd.f32 v18, v19;
	_ =	sdelay $0x1  }
0x2fc: {  	v16 =	vadd.f32 v18, v16;
	_ =	sdelay $0x1  }
0x2fd: {  	v16 =	vadd.f32 v16, v17  }
0x2fe: {  	s15 =	sor.u32 $0x20, s2  }
0x2ff: {  	s16 =	sor.u32 s15, s20;
	s25 =	sor.u32 s15, s23;
	[tilespmem:s12+$0x80] =	vst v16;
	s12 =	sor.u32 s15, s0  }
0x300: {  	s26 =	sor.u32 s15, s1;
	v16 =	vld [tilespmem:s25+$0x0]  }
0x301: {  	v17 =	vld [tilespmem:s16+$0x0]  }
0x302: {  	v18 =	vld [tilespmem:s12+$0x0]  }
0x303: {  	v19 =	vld [tilespmem:s26+$0x0];
	_ =	sdelay $0x3  }
0x304: {  	v16 =	vmul.f32 v16, v11;
	v17 =	vmul.f32 v17, v10  }
0x305: {  	s12 =	sor.u32 s15, s24;
	v18 =	vmul.f32 v18, v9;
	v19 =	vmul.f32 v19, v8  }
0x306: {  	v20 =	vld [tilespmem:s12+$0x80]  }
0x307: {  	v16 =	vadd.f32 v16, v18;
	v17 =	vadd.f32 v17, v19;
	_ =	sdelay $0x1  }
0x308: {  	v16 =	vadd.f32 v16, v17;
	_ =	sdelay $0x1  }
0x309: {  	v16 =	vadd.f32 v16, v20  }
0x30a: {  	s2 =	sor.u32 $0x30, s2  }
.Ltmp7:
0x30b: {  	s1 =	sor.u32 s2, s1;
	[tilespmem:s12+$0x80] =	vst v16;
	s12 =	sor.u32 s2, s23;
	(pc) =	sbr.rel @p1 .LBB2_17-.Ltmp7, $4  }
0x30c: {  	s0 =	sor.u32 s2, s0;
	v16 =	vld [tilespmem:s1+$0x0];
	s1 =	sor.u32 s2, s20  }
0x30d: {  	v17 =	vld [tilespmem:s12+$0x0]  }
0x30e: {  	v18 =	vld [tilespmem:s0+$0x0]  }
0x30f: {  	s24 =	sor.u32 s2, s24;
	v19 =	vld [tilespmem:s1+$0x0]  }
0x310: {  	_ =	sdelay $0x2  }
0x311: {  	v16 =	vmul.f32 v16, v8;
	v17 =	vmul.f32 v17, v11  }
0x312: {  	v18 =	vmul.f32 v18, v9;
	v19 =	vmul.f32 v19, v10  }
0x313: {  	v20 =	vld [tilespmem:s24+$0x80]  }
0x314: {  	v17 =	vadd.f32 v17, v18;
	v16 =	vadd.f32 v19, v16;
	_ =	sdelay $0x1  }
0x315: {  	v16 =	vadd.f32 v17, v16;
	_ =	sdelay $0x1  }
0x316: {  	v16 =	vadd.f32 v16, v20  }
0x317: {  	s0 =	rddreg [dreg:$0xa];
	s1 =	simm.s32 @!p0 $0x200;
	s2 =	simm.s32 @!p0 $0x400  }
0x318: {  	s6 =	simm.s32 @!p0 $0x8880;
	s0 =	sadd.s32 @!p0 s11, s0;
	[tilespmem:s24+$0x80] =	vst v16;
	s24 =	simm.s32 $0x0  }
0x319: {  	[tilespmem:s6], [sflag:$0x3] =	stream.strided.gather @!p0 [hbm4b:s0+s1], $0x4000, s2, s1, $0x38;
	[tilespmem:$0x12880] =	vst v63  }
0x31a: {  	s19 =	simm.s32 $0x0;
	s12 =	sand.u32 $0x3FFFFE00, s24;
	_ =	swait.ge [sflag:s31], $0x4000  }
0x31b: {  	s6 =	sand.u32 $0x40, s19;
	s2 =	sadd.s32 $0xC880, s12;
	[sflag:s31] =	ssyncset.done $0x0  }
0x31c: {  	s0 =	sadd.s32 $0xC900, s12;
	s15 =	sor.u32 s6, s2;
	[sflag:s31] =	ssyncadd.s32 $0xFFFFC000  }
0x31d: {  	s1 =	sadd.s32 $0xC980, s12;
	s16 =	sor.u32 s6, s0;
	v16 =	vld [tilespmem:s15+$0x0]  }
0x31e: {  	s12 =	sadd.s32 $0xCA00, s12;
	s25 =	sor.u32 s6, s1;
	v17 =	vld [tilespmem:s16+$0x0]  }
0x31f: {  	s26 =	sor.u32 s6, s12;
	v18 =	vld [tilespmem:s25+$0x0]  }
0x320: {  	v19 =	vld [tilespmem:s26+$0x0];
	_ =	sdelay $0x1  }
0x321: {  	s20 =	simm.s32 $0x0  }
0x322: {  	s15 =	sand.u32 $0x3FFFFF00, s20  }
0x323: {  	s15 =	sadd.s32 $0x10880, s15;
	v16 =	vmul.f32 v16, v12;
	v18 =	vmul.f32 v18, v14  }
0x324: {  	s23 =	sor.u32 s6, s15;
	v17 =	vmul.f32 v17, v13;
	v19 =	vmul.f32 v19, v15  }
0x325: {  	v20 =	vld [tilespmem:s23+$0x80]  }
0x326: {  	v16 =	vadd.f32 v18, v16;
	v17 =	vadd.f32 v19, v17;
	_ =	sdelay $0x1  }
0x327: {  	v16 =	vadd.f32 v17, v16;
	_ =	sdelay $0x1  }
0x328: {  	v16 =	vadd.f32 v16, v20  }
0x329: {  	s20 =	sor.u32 $0x10, s6  }
0x32a: {  	s24 =	sor.u32 s20, s2;
	[tilespmem:s23+$0x80] =	vst v16  }
0x32b: {  	s23 =	sor.u32 s20, s1;
	v16 =	vld [tilespmem:s24+$0x0]  }
0x32c: {  	s25 =	sor.u32 s20, s12;
	v17 =	vld [tilespmem:s23+$0x0]  }
0x32d: {  	s26 =	sor.u32 s20, s0;
	v18 =	vld [tilespmem:s25+$0x0]  }
0x32e: {  	v19 =	vld [tilespmem:s26+$0x0];
	_ =	sdelay $0x3  }
0x32f: {  	v16 =	vmul.f32 v16, v12;
	v17 =	vmul.f32 v17, v14  }
0x330: {  	s23 =	sor.u32 s20, s15;
	v19 =	vmul.f32 v19, v13;
	v18 =	vmul.f32 v18, v15  }
0x331: {  	v20 =	vld [tilespmem:s23+$0x80]  }
0x332: {  	v16 =	vadd.f32 v17, v16;
	v17 =	vadd.f32 v18, v19;
	_ =	sdelay $0x1  }
0x333: {  	v16 =	vadd.f32 v17, v16;
	_ =	sdelay $0x1  }
0x334: {  	v16 =	vadd.f32 v16, v20  }
0x335: {  	s20 =	sor.u32 $0x20, s6  }
0x336: {  	s24 =	sor.u32 s20, s12;
	[tilespmem:s23+$0x80] =	vst v16  }
0x337: {  	s25 =	sor.u32 s20, s1;
	v16 =	vld [tilespmem:s24+$0x0]  }
0x338: {  	s26 =	sor.u32 s20, s0;
	v17 =	vld [tilespmem:s25+$0x0]  }
0x339: {  	s24 =	sor.u32 s20, s2;
	v18 =	vld [tilespmem:s26+$0x0]  }
0x33a: {  	v19 =	vld [tilespmem:s24+$0x0];
	_ =	sdelay $0x3  }
0x33b: {  	v17 =	vmul.f32 v17, v14;
	v16 =	vmul.f32 v16, v15  }
0x33c: {  	s25 =	sor.u32 s20, s15;
	v18 =	vmul.f32 v18, v13;
	v19 =	vmul.f32 v19, v12  }
0x33d: {  	v20 =	vld [tilespmem:s25+$0x80]  }
0x33e: {  	v16 =	vadd.f32 v16, v18;
	v17 =	vadd.f32 v17, v19;
	_ =	sdelay $0x1  }
0x33f: {  	v16 =	vadd.f32 v16, v17;
	_ =	sdelay $0x1  }
0x340: {  	v16 =	vadd.f32 v16, v20  }
0x341: {  	s26 =	sor.u32 $0x30, s6  }
0x342: {  	s2 =	sor.u32 s26, s2;
	[tilespmem:s25+$0x80] =	vst v16  }
0x343: {  	s6 =	sor.u32 s26, s12;
	v16 =	vld [tilespmem:s2+$0x0]  }
0x344: {  	s0 =	sor.u32 s26, s0;
	v17 =	vld [tilespmem:s6+$0x0]  }
0x345: {  	s1 =	sor.u32 s26, s1;
	v18 =	vld [tilespmem:s0+$0x0]  }
0x346: {  	s24 =	sor.u32 s26, s15;
	s6 =	simm.s32 $0x1;
	v19 =	vld [tilespmem:s1+$0x0]  }
.LBB2_19:
0x347: {  	p1 =	sne.s32 s6, $0x3F  }
0x348: {  	v20 =	vld [tilespmem:s24+$0x80];
	s19 =	sadd.s32 $0x40, s19;
	s12 =	smov.u32 s6;
	s6 =	sadd.s32 $0x1, s6  }
0x349: {  	_ = 	snop  }
0x34a: {  	v16 =	vmul.f32 v16, v12;
	v17 =	vmul.f32 v17, v15  }
0x34b: {  	v18 =	vmul.f32 v18, v13  }
0x34c: {  	v19 =	vmul.f32 v19, v14  }
0x34d: {  	v17 =	vadd.f32 v17, v18  }
0x34e: {  	v16 =	vadd.f32 v19, v16;
	_ =	sdelay $0x1  }
0x34f: {  	v16 =	vadd.f32 v17, v16  }
0x350: {  	s0 =	sshll.u32 s12, $0x8  }
0x351: {  	s2 =	sand.u32 $0x40, s19;
	s15 =	sand.u32 $0x3FFFFE00, s0;
	v16 =	vadd.f32 v16, v20  }
0x352: {  	s1 =	sadd.s32 $0xC880, s15;
	s0 =	sadd.s32 $0xC900, s15;
	s20 =	sadd.s32 $0xC980, s15  }
0x353: {  	s23 =	sadd.s32 $0xCA00, s15;
	s16 =	sor.u32 s2, s1;
	s25 =	sor.u32 s2, s0;
	[tilespmem:s24+$0x80] =	vst v16  }
0x354: {  	s15 =	sor.u32 s2, s20;
	v16 =	vld [tilespmem:s16+$0x0];
	s16 =	sor.u32 s2, s23  }
0x355: {  	v17 =	vld [tilespmem:s25+$0x0]  }
0x356: {  	v18 =	vld [tilespmem:s15+$0x0]  }
0x357: {  	v19 =	vld [tilespmem:s16+$0x0];
	_ =	sdelay $0x1  }
0x358: {  	s12 =	sshll.u32 s12, $0x7;
	v16 =	vmul.f32 v16, v12  }
0x359: {  	s12 =	sand.u32 $0x3FFFFF00, s12  }
0x35a: {  	s24 =	sadd.s32 $0x10880, s12;
	v18 =	vmul.f32 v18, v14  }
0x35b: {  	s12 =	sor.u32 s2, s24;
	v17 =	vmul.f32 v17, v13;
	v19 =	vmul.f32 v19, v15  }
0x35c: {  	v16 =	vadd.f32 v18, v16;
	v18 =	vld [tilespmem:s12+$0x80]  }
0x35d: {  	v17 =	vadd.f32 v19, v17;
	_ =	sdelay $0x1  }
0x35e: {  	v16 =	vadd.f32 v17, v16;
	_ =	sdelay $0x1  }
0x35f: {  	v16 =	vadd.f32 v16, v18  }
0x360: {  	s15 =	sor.u32 $0x10, s2  }
0x361: {  	s16 =	sor.u32 s15, s0;
	s25 =	sor.u32 s15, s20;
	[tilespmem:s12+$0x80] =	vst v16;
	s12 =	sor.u32 s15, s1  }
0x362: {  	v16 =	vld [tilespmem:s12+$0x0];
	s12 =	sor.u32 s15, s23  }
0x363: {  	v17 =	vld [tilespmem:s25+$0x0]  }
0x364: {  	v18 =	vld [tilespmem:s12+$0x0]  }
0x365: {  	v19 =	vld [tilespmem:s16+$0x0];
	_ =	sdelay $0x3  }
0x366: {  	v16 =	vmul.f32 v16, v12;
	v17 =	vmul.f32 v17, v14  }
0x367: {  	s12 =	sor.u32 s15, s24;
	v18 =	vmul.f32 v18, v15;
	v19 =	vmul.f32 v19, v13  }
0x368: {  	v16 =	vadd.f32 v17, v16;
	v17 =	vld [tilespmem:s12+$0x80]  }
0x369: {  	v18 =	vadd.f32 v18, v19;
	_ =	sdelay $0x1  }
0x36a: {  	v16 =	vadd.f32 v18, v16;
	_ =	sdelay $0x1  }
0x36b: {  	v16 =	vadd.f32 v16, v17  }
0x36c: {  	s15 =	sor.u32 $0x20, s2  }
0x36d: {  	s16 =	sor.u32 s15, s20;
	s25 =	sor.u32 s15, s23;
	[tilespmem:s12+$0x80] =	vst v16;
	s12 =	sor.u32 s15, s0  }
0x36e: {  	s26 =	sor.u32 s15, s1;
	v16 =	vld [tilespmem:s25+$0x0]  }
0x36f: {  	v17 =	vld [tilespmem:s16+$0x0]  }
0x370: {  	v18 =	vld [tilespmem:s12+$0x0]  }
0x371: {  	v19 =	vld [tilespmem:s26+$0x0];
	_ =	sdelay $0x3  }
0x372: {  	v16 =	vmul.f32 v16, v15;
	v17 =	vmul.f32 v17, v14  }
0x373: {  	s12 =	sor.u32 s15, s24;
	v18 =	vmul.f32 v18, v13;
	v19 =	vmul.f32 v19, v12  }
0x374: {  	v20 =	vld [tilespmem:s12+$0x80]  }
0x375: {  	v16 =	vadd.f32 v16, v18;
	v17 =	vadd.f32 v17, v19;
	_ =	sdelay $0x1  }
0x376: {  	v16 =	vadd.f32 v16, v17;
	_ =	sdelay $0x1  }
0x377: {  	v16 =	vadd.f32 v16, v20  }
0x378: {  	s2 =	sor.u32 $0x30, s2  }
.Ltmp8:
0x379: {  	s1 =	sor.u32 s2, s1;
	[tilespmem:s12+$0x80] =	vst v16;
	s12 =	sor.u32 s2, s23;
	(pc) =	sbr.rel @p1 .LBB2_19-.Ltmp8, $4  }
0x37a: {  	s0 =	sor.u32 s2, s0;
	v16 =	vld [tilespmem:s1+$0x0];
	s1 =	sor.u32 s2, s20  }
0x37b: {  	v17 =	vld [tilespmem:s12+$0x0]  }
0x37c: {  	v18 =	vld [tilespmem:s0+$0x0]  }
0x37d: {  	s24 =	sor.u32 s2, s24;
	v19 =	vld [tilespmem:s1+$0x0]  }
0x37e: {  	_ =	sdelay $0x2  }
0x37f: {  	v16 =	vmul.f32 v16, v12;
	v17 =	vmul.f32 v17, v15  }
0x380: {  	v18 =	vmul.f32 v18, v13;
	v19 =	vmul.f32 v19, v14  }
0x381: {  	v20 =	vld [tilespmem:s24+$0x80]  }
0x382: {  	v17 =	vadd.f32 v17, v18;
	v16 =	vadd.f32 v19, v16;
	_ =	sdelay $0x1  }
0x383: {  	v16 =	vadd.f32 v17, v16;
	_ =	sdelay $0x1  }
0x384: {  	v16 =	vadd.f32 v16, v20  }
0x385: {  	s0 =	sadd.s32 @!p0 s11, s18;
	s1 =	simm.s32 @!p0 $0x200  }
0x386: {  	s2 =	simm.s32 @!p0 $0x400;
	s6 =	simm.s32 @!p0 $0xC880;
	s26 =	sshll.u32 s9, $0x7;
	[tilespmem:s24+$0x80] =	vst v16  }
0x387: {  	[tilespmem:s6], [sflag:$0x4] =	stream.strided.gather @!p0 [hbm4b:s0+s1], $0x4000, s2, s1, $0x38;
	[tilespmem:$0x12880] =	vst v63  }
0x388: {  	s0 =	sand.u32 $0x380, s26  }
0x389: {  	s0 =	sor.u32 s0, s8  }
0x38a: {  	s0 =	sor.u32 s10, s0  }
0x38b: {  	s0 =	sshrl.u32 s0, $0x3  }
0x38c: {  	s1 =	simm.s32 $0x10900;
	s0 =	sadd.s32 s5, s0  }
0x38d: {  	s2 =	simm.s32 $0x80;
	s6 =	simm.s32 $0x10A00;
	s9 =	sadd.s32 $0x0, s0  }
.LBB2_21:
0x38e: {  	[hbm4b:s9+s4] =	stream.linear.scatter [tilespmem:s1], [sflag:$0x5], $0x80, $0x38;
	[tilespmem:$0x12880] =	vst v63  }
0x38f: {  	s9 =	smov.u32 s2;
	s1 =	smov.u32 s6;
	p0 =	sne.s32 s2, $0xF80  }
.Ltmp9:
0x390: {  	s2 =	sadd.s32 $0x80, s2;
	(pc) =	sbr.rel @p0 .LBB2_21-.Ltmp9, $2  }
0x391: {  	_ =	sdelay $0x2  }
0x392: {  	s6 =	sadd.s32 $0x100, s6;
	s9 =	sadd.s32 s9, s0  }
0x393: {  	s3 =	sadd.s32 $0x1, s3  }
0x394: {  	p0 =	sne.s32 s3, $0x8  }
.Ltmp10:
0x395: {  	_ = 	snop;
	(pc) =	sbr.rel @p0 .LBB2_2-.Ltmp10, $2  }
0x396: {  	_ =	sdelay $0x2  }
0x397: {  	[hbm4b:s9+s4] =	stream.linear.scatter [tilespmem:s1], [sflag:$0x5], $0x80, $0x38;
	[tilespmem:$0x12880] =	vst v63  }
0x398: {  	s1 =	simm.s32 $0x5  }
0x399: {  	_ =	swait.ge [sflag:s1], $0x1000  }
0x39a: {  	[sflag:s1] =	ssyncset.done $0x0  }
0x39b: {  	[sflag:s1] =	ssyncadd.s32 $0xFFFFF000  }
0x39c: {  	_ =	swait.ge [sflag:s1], $0x1000  }
0x39d: {  	s2 =	rddreg [dreg:$0xc]  }
0x39e: {  	s0 =	rddreg [dreg:$0xb];
	s2 =	sadd.s32 $0x1, s2  }
0x39f: {  	p0 =	sne.s32 s2, s0  }
.Ltmp11:
0x3a0: {  	_ = 	snop;
	(pc) =	sbr.rel @p0 .LBB2_1-.Ltmp11, $3  }
0x3a1: {  	_ =	sdelay $0x1  }
0x3a2: {  	[sflag:s1] =	ssyncset.done $0x0  }
0x3a3: {  	[sflag:s1] =	ssyncadd.s32 $0xFFFFF000  }
0x3a4: {  	_ =	sfence.sel $0x180000  }
0x3a5: {  	[bflag:$0x0] =	sbarrier.arrive $0xFFFF  }
0x3a6: {  	_ =	strace $0x90000047  }
0x3a7: {  	s0 =	stileid.u32;
	[bflag:$0x2] =	sbarrier.arrive $0xFFFF  }
0x3a8: {  	p0 =	sne.s32 s0, $0x0;
	s0 =	rddreg [dreg:$0x3]  }
0x3a9: {  	s0 =	sadd.s32 @!p0 $0x100000, s0  }
0x3aa: {  	[sflag:s0] =	ssyncadd.tile.s32 @!p0 $0x1;
	_ =	shalt  }
.Lfunc_end2:
_tile_overlayer_lowered:
.L_overlay_start_2:
0x3ab: {  	(tag) =	ssettag $0x2  }
0x3ac: {  	s0 =	rddreg [dreg:$0x0];
	s2 =	stileid.u32  }
0x3ad: {  	s1 =	rddreg [dreg:$0x1];
	p0 =	sne.s32 s2, $0x0  }
0x3ae: {  	s3 =	rddreg [dreg:$0x2];
	[bflag:$0x3] =	sbarrier.arrive $0xFFFF;
	s2 =	simm.s32 @!p0 $0x1C06  }
0x3af: {  	[timem:s3], [sflag:s2] =	dma.local @!p0 [hbm:s0], s1  }
0x3b0: {  	s0 =	simm.s32 @!p0 $0x6  }
0x3b1: {  	_ =	swait.ge @!p0 [sflag:s0], s1  }
0x3b2: {  	s1 =	ssub.s32 @!p0 $0x0, s1;
	[sflag:s0] =	ssyncset.done @!p0 $0x0  }
0x3b3: {  	[sflag:s0] =	ssyncadd.s32 @!p0 s1  }
0x3b4: {  	[bflag:$0x3] =	sbarrier.arrive $0xFFFF  }
0x3b5: {  	_ =	shalt  }

</sc_bundles>
